<compile_context>
chip_gen: v7x
topology: tpu7x:2x2x1
jax: 0.10.2.dev20260603
libtpu: 0.0.44.dev20260713+nightly
codegen_flags: <defaults>
</compile_context>

<pallas_src>
import functools
import math

import jax
import jax.numpy as jnp
from jax import lax
from jax.experimental import pallas as pl
from jax.experimental.pallas import tpu as pltpu
from jax.experimental.pallas import tpu_sc as plsc

NC = 2
NS = 16
LANES = 16
CHUNK = 48
NBUF = 3


def _lane_splat(vv, t):
    return lax.gather(
        vv, jnp.full((LANES, 1), t, jnp.int32),
        lax.GatherDimensionNumbers(
            offset_dims=(), collapsed_slice_dims=(0,), start_index_map=(0,)),
        slice_sizes=(1,),
        mode=lax.GatherScatterMode.PROMISE_IN_BOUNDS)


def _sc_aggregate(x, src, dst, vals):
    n, d = x.shape
    e = src.shape[0]
    nw = NC * NS
    step = nw * CHUNK * NBUF
    e_pad = ((e + step - 1) // step) * step
    if e_pad != e:
        pad = e_pad - e
        src = jnp.pad(src, (0, pad))
        dst = jnp.pad(dst, (0, pad))
        vals = jnp.pad(vals, (0, pad))
    ep = e_pad // nw
    nch = ep // CHUNK
    kout = nch // NBUF
    zeros = jnp.zeros((n, d), jnp.float32)
    rows_a = ((n + NS - 1) // NS + 7) // 8 * 8
    rows_last = n - (NS - 1) * rows_a

    mesh = plsc.VectorSubcoreMesh(
        core_axis_name="c", subcore_axis_name="s",
        num_cores=NC, num_subcores=NS)

    @functools.partial(
        pl.kernel,
        out_type=jax.ShapeDtypeStruct((NC, n, d), jnp.float32),
        mesh=mesh,
        scratch_types=(
            [pltpu.VMEM((ep,), jnp.int32),
             pltpu.VMEM((ep,), jnp.int32),
             pltpu.VMEM((ep,), jnp.float32)]
            + [pltpu.VMEM((CHUNK,), jnp.int32) for _ in range(NBUF)]
            + [pltpu.VMEM((CHUNK, d), jnp.float32) for _ in range(NBUF)]
            + [pltpu.VMEM_SHARED((n, d), jnp.float32)]
            + [pltpu.SemaphoreType.DMA for _ in range(2 * NBUF)]
        ),
    )
    def agg(x_hbm, src_hbm, dst_hbm, val_hbm, z_hbm, out_hbm,
            src_v, dst_v, val_v, *rest):
        didx = rest[:NBUF]
        rows = rest[NBUF:2 * NBUF]
        acc = rest[2 * NBUF]
        gsem = rest[2 * NBUF + 1:2 * NBUF + 1 + NBUF]
        ssem = rest[2 * NBUF + 1 + NBUF:]

        cid = lax.axis_index("c")
        sid = lax.axis_index("s")
        wid = cid * NS + sid

        @pl.when(sid == 0)
        def _init():
            pltpu.sync_copy(z_hbm, acc)

        base0 = wid * ep
        pltpu.sync_copy(src_hbm.at[pl.ds(base0, ep)], src_v)
        pltpu.sync_copy(dst_hbm.at[pl.ds(base0, ep)], dst_v)
        pltpu.sync_copy(val_hbm.at[pl.ds(base0, ep)], val_v)
        plsc.subcore_barrier()

        def start_gather(off, p):
            pltpu.async_copy(
                x_hbm.at[src_v.at[pl.ds(off, CHUNK)]], rows[p], gsem[p])

        def wait_gather(p):
            pltpu.make_async_copy(
                x_hbm.at[pl.ds(0, CHUNK)], rows[p], gsem[p]).wait()

        def wait_scatter(p):
            pltpu.make_async_copy(
                x_hbm.at[pl.ds(0, CHUNK)], rows[p], ssem[p]).wait()

        for p in range(NBUF - 1):
            start_gather(p * CHUNK, p)

        def outer(k, carry):
            i0 = k * NBUF
            for p in range(NBUF):
                off = (i0 + p) * CHUNK
                wait_gather(p)
                def scale_body(g, c2):
                    vv = val_v[pl.ds(off + g * LANES, LANES)]
                    for t in range(LANES):
                        v16 = _lane_splat(vv, t)
                        c = g * LANES + t
                        for j in range(d // LANES):
                            sl = pl.ds(j * LANES, LANES)
                            rows[p][c, sl] = rows[p][c, sl] * v16
                    return c2
                lax.fori_loop(0, CHUNK // LANES, scale_body, 0)
                for g in range(CHUNK // LANES):
                    sl = pl.ds(g * LANES, LANES)
                    didx[p][sl] = dst_v[pl.ds(off + g * LANES, LANES)]
                pltpu.async_copy(rows[p], acc.at[didx[p]], ssem[p], add=True)
                q = (p + NBUF - 1) % NBUF
                nxt = off + (NBUF - 1) * CHUNK

                def advance():
                    wait_scatter(q)
                    start_gather(nxt, q)

                if p == 0:
                    @pl.when(k > 0)
                    def _():
                        advance()

                    @pl.when(k == 0)
                    def _():
                        start_gather(nxt, q)
                else:
                    @pl.when(k < kout - 1)
                    def _():
                        advance()
            return carry

        lax.fori_loop(0, kout, outer, 0)
        for p in range(NBUF):
            wait_scatter(p)
        plsc.subcore_barrier()

        r0 = sid * rows_a

        @pl.when(sid < NS - 1)
        def _copy_main():
            pltpu.sync_copy(acc.at[pl.ds(r0, rows_a)],
                            out_hbm.at[cid, pl.ds(r0, rows_a)])

        @pl.when(sid == NS - 1)
        def _copy_last():
            pltpu.sync_copy(acc.at[pl.ds((NS - 1) * rows_a, rows_last)],
                            out_hbm.at[cid, pl.ds((NS - 1) * rows_a, rows_last)])

    return agg(x, src, dst, vals, zeros)


def _tc_epilogue(hi, h0, W, params):
    n, d = h0.shape
    bn = 2000

    def body(p_ref, a_ref, b_ref, h_ref, w_ref, o_ref):
        alpha = p_ref[0]
        theta = p_ref[1]
        support = (1.0 - alpha) * (a_ref[0] + b_ref[0]) + alpha * h_ref[...]
        mm = jnp.dot(support, w_ref[...], preferred_element_type=jnp.float32)
        o_ref[...] = theta * mm + (1.0 - theta) * support

    return pl.pallas_call(
        body,
        grid=(n // bn,),
        in_specs=[
            pl.BlockSpec(memory_space=pltpu.SMEM),
            pl.BlockSpec((1, bn, d), lambda i: (0, i, 0)),
            pl.BlockSpec((1, bn, d), lambda i: (1, i, 0)),
            pl.BlockSpec((bn, d), lambda i: (i, 0)),
            pl.BlockSpec((d, d), lambda i: (0, 0)),
        ],
        out_specs=pl.BlockSpec((bn, d), lambda i: (i, 0)),
        out_shape=jax.ShapeDtypeStruct((n, d), jnp.float32),
    )(params, hi, hi, h0, W)


def kernel(input, edge_index, adj_values, h0, W, lamda, alpha, l):
    theta = jnp.log(lamda / l + 1.0)
    src = edge_index[0].astype(jnp.int32)
    dst = edge_index[1].astype(jnp.int32)
    vals = adj_values.astype(jnp.float32)
    hi = _sc_aggregate(input, src, dst, vals)
    params = jnp.stack([jnp.asarray(alpha, jnp.float32),
                        jnp.asarray(theta, jnp.float32)])
    return _tc_epilogue(hi, h0, W, params)

# --- scband reference (transcript-rebuilt; emitter-appended) ---
"""Pipeline reference for scband-graph-convolution-g-85916525789263 (READ-ONLY COPY).

The authoritative reference and input builder live on the scoring server;
editing this copy changes nothing except your own understanding.
"""

import jax, jax.numpy as jnp
import numpy as np
import math

N = 10000
E = 320000
D = 128

def setup_inputs(seed: int = 0) -> dict:
    key = jax.random.key(seed)
    k1, k2, k3, k4, k5 = jax.random.split(key, 5)
    x = jax.random.normal(k1, (N, D), dtype=jnp.float32)
    edge_index = jax.random.randint(k2, (2, E), 0, N, dtype=jnp.int64)
    adj_values = jax.random.uniform(k3, (E,), dtype=jnp.float32)
    h0 = jax.random.normal(k4, (N, D), dtype=jnp.float32)
    stdv = 1.0 / math.sqrt(D)
    W = jax.random.uniform(k5, (D, D), dtype=jnp.float32, minval=-stdv, maxval=stdv)
    return {"input": x, "edge_index": edge_index, "adj_values": adj_values, "h0": h0, "W": W, "lamda": 0.5, "alpha": 0.1, "l": 4}

def reference(input, edge_index, adj_values, h0, W, lamda, alpha, l):
    # GraphConvolution_G forward, mode='GCNII', support=1, residual=False
    theta = jnp.log(lamda / l + 1.0)
    src = edge_index[0]
    dst = edge_index[1]
    # hi = sparse.mm(adj, input): gather src features, weight by edge value, scatter-add to dst
    gathered = adj_values[:, None] * jnp.take(input, src, axis=0)
    hi = jax.ops.segment_sum(gathered, dst, num_segments=input.shape[0])
    support = (1.0 - alpha) * hi + alpha * h0
    r = support
    output = theta * (support @ W) + (1.0 - theta) * r
    return output

if __name__ == "__main__":
    import jax
    _d = setup_inputs()
    print(jax.jit(kernel)(*tuple(_d.values())))

</pallas_src>

<mosaic_0001>
#map = affine_map<(d0, d1) -> (0, 0)>
#map1 = affine_map<(d0, d1) -> (0)>
#map2 = affine_map<(d0, d1) -> (0, 0, 0)>
module attributes {stable_mosaic.version = 14 : i64} {
  func.func @agg(%arg0: i32, %arg1: i32, %arg2: memref<10000x128xf32, #tpu.memory_space<hbm>>, %arg3: memref<322560xi32, #tpu.memory_space<hbm>>, %arg4: memref<322560xi32, #tpu.memory_space<hbm>>, %arg5: memref<322560xf32, #tpu.memory_space<hbm>>, %arg6: memref<10000x128xf32, #tpu.memory_space<hbm>>, %arg7: memref<2x10000x128xf32, #tpu.memory_space<hbm>>, %arg8: memref<10080xi32, #tpu.memory_space<vmem>>, %arg9: memref<10080xi32, #tpu.memory_space<vmem>>, %arg10: memref<10080xf32, #tpu.memory_space<vmem>>, %arg11: memref<48xi32, #tpu.memory_space<vmem>>, %arg12: memref<48xi32, #tpu.memory_space<vmem>>, %arg13: memref<48xi32, #tpu.memory_space<vmem>>, %arg14: memref<48x128xf32, #tpu.memory_space<vmem>>, %arg15: memref<48x128xf32, #tpu.memory_space<vmem>>, %arg16: memref<48x128xf32, #tpu.memory_space<vmem>>, %arg17: memref<10000x128xf32, #tpu.memory_space<vmem_shared>>, %arg18: memref<!tpu.dma_semaphore, #tpu.memory_space<semaphore_mem>>, %arg19: memref<!tpu.dma_semaphore, #tpu.memory_space<semaphore_mem>>, %arg20: memref<!tpu.dma_semaphore, #tpu.memory_space<semaphore_mem>>, %arg21: memref<!tpu.dma_semaphore, #tpu.memory_space<semaphore_mem>>, %arg22: memref<!tpu.dma_semaphore, #tpu.memory_space<semaphore_mem>>, %arg23: memref<!tpu.dma_semaphore, #tpu.memory_space<semaphore_mem>>) attributes {dimension_semantics = [#tpu.dimension_semantics<core_parallel>, #tpu.dimension_semantics<subcore_parallel>], iteration_bounds = array<i64: 2, 16>, scalar_prefetch = 0 : i64, scratch_operands = 16 : i64, tpu.core_type = #tpu.core_type<sc_vector_subcore>, window_params = [{transform_indices = #map}, {transform_indices = #map1}, {transform_indices = #map1}, {transform_indices = #map1}, {transform_indices = #map}, {transform_indices = #map2}]} {
    %mul3A = arith.constant 16 : i32
    %mul3A_0 = arith.muli %arg0, %mul3A : i32
    %add3A = arith.addi %mul3A_0, %arg1 : i32
    %eq3A = arith.constant 0 : i32
    %eq3A_1 = arith.cmpi eq, %arg1, %eq3A : i32
    %convert_element_type3A = arith.extui %eq3A_1 : i1 to i32
    %cond3A = arith.constant 0 : i32
    %cond3A_2 = arith.cmpi ne, %convert_element_type3A, %cond3A : i32
    scf.if %cond3A_2 {
      "tpu.region"() ({
        %run_scoped3A = tpu.sem_alloc : memref<!tpu.dma_semaphore, #tpu.memory_space<semaphore_mem>>
        tpu.enqueue_dma source(%arg6 : memref<10000x128xf32, #tpu.memory_space<hbm>>) target(%arg17 : memref<10000x128xf32, #tpu.memory_space<vmem_shared>>) target_semaphore(%run_scoped3A : memref<!tpu.dma_semaphore, #tpu.memory_space<semaphore_mem>>)
        tpu.wait_dma2 semaphore(%run_scoped3A : memref<!tpu.dma_semaphore, #tpu.memory_space<semaphore_mem>>) src(%arg6 : memref<10000x128xf32, #tpu.memory_space<hbm>>) dst(%arg17 : memref<10000x128xf32, #tpu.memory_space<vmem_shared>>)
        tpu.yield
      }) : () -> ()
    } else {
    }
    %mul3A_3 = arith.constant 10080 : i32
    %mul3A_4 = arith.muli %add3A, %mul3A_3 : i32
    "tpu.region"() ({
      %run_scoped3A = tpu.sem_alloc : memref<!tpu.dma_semaphore, #tpu.memory_space<semaphore_mem>>
      %dma_start3A_48 = tpu.memref_slice %arg3[%mul3A_4] : memref<322560xi32, #tpu.memory_space<hbm>> -> memref<10080xi32, #tpu.memory_space<hbm>>
      %dma_start3A_49 = tpu.memref_slice %arg3[%mul3A_4] : memref<322560xi32, #tpu.memory_space<hbm>> -> memref<10080xi32, #tpu.memory_space<hbm>>
      tpu.enqueue_dma source(%dma_start3A_49 : memref<10080xi32, #tpu.memory_space<hbm>>) target(%arg8 : memref<10080xi32, #tpu.memory_space<vmem>>) target_semaphore(%run_scoped3A : memref<!tpu.dma_semaphore, #tpu.memory_space<semaphore_mem>>)
      %dma_wait3A_50 = tpu.memref_slice %arg3[%mul3A_4] : memref<322560xi32, #tpu.memory_space<hbm>> -> memref<10080xi32, #tpu.memory_space<hbm>>
      %dma_wait3A_51 = tpu.memref_slice %arg3[%mul3A_4] : memref<322560xi32, #tpu.memory_space<hbm>> -> memref<10080xi32, #tpu.memory_space<hbm>>
      tpu.wait_dma2 semaphore(%run_scoped3A : memref<!tpu.dma_semaphore, #tpu.memory_space<semaphore_mem>>) src(%dma_wait3A_51 : memref<10080xi32, #tpu.memory_space<hbm>>) dst(%arg8 : memref<10080xi32, #tpu.memory_space<vmem>>)
      tpu.yield
    }) : () -> ()
    "tpu.region"() ({
      %run_scoped3A = tpu.sem_alloc : memref<!tpu.dma_semaphore, #tpu.memory_space<semaphore_mem>>
      %dma_start3A_48 = tpu.memref_slice %arg4[%mul3A_4] : memref<322560xi32, #tpu.memory_space<hbm>> -> memref<10080xi32, #tpu.memory_space<hbm>>
      %dma_start3A_49 = tpu.memref_slice %arg4[%mul3A_4] : memref<322560xi32, #tpu.memory_space<hbm>> -> memref<10080xi32, #tpu.memory_space<hbm>>
      tpu.enqueue_dma source(%dma_start3A_49 : memref<10080xi32, #tpu.memory_space<hbm>>) target(%arg9 : memref<10080xi32, #tpu.memory_space<vmem>>) target_semaphore(%run_scoped3A : memref<!tpu.dma_semaphore, #tpu.memory_space<semaphore_mem>>)
      %dma_wait3A_50 = tpu.memref_slice %arg4[%mul3A_4] : memref<322560xi32, #tpu.memory_space<hbm>> -> memref<10080xi32, #tpu.memory_space<hbm>>
      %dma_wait3A_51 = tpu.memref_slice %arg4[%mul3A_4] : memref<322560xi32, #tpu.memory_space<hbm>> -> memref<10080xi32, #tpu.memory_space<hbm>>
      tpu.wait_dma2 semaphore(%run_scoped3A : memref<!tpu.dma_semaphore, #tpu.memory_space<semaphore_mem>>) src(%dma_wait3A_51 : memref<10080xi32, #tpu.memory_space<hbm>>) dst(%arg9 : memref<10080xi32, #tpu.memory_space<vmem>>)
      tpu.yield
    }) : () -> ()
    "tpu.region"() ({
      %run_scoped3A = tpu.sem_alloc : memref<!tpu.dma_semaphore, #tpu.memory_space<semaphore_mem>>
      %dma_start3A_48 = tpu.memref_slice %arg5[%mul3A_4] : memref<322560xf32, #tpu.memory_space<hbm>> -> memref<10080xf32, #tpu.memory_space<hbm>>
      %dma_start3A_49 = tpu.memref_slice %arg5[%mul3A_4] : memref<322560xf32, #tpu.memory_space<hbm>> -> memref<10080xf32, #tpu.memory_space<hbm>>
      tpu.enqueue_dma source(%dma_start3A_49 : memref<10080xf32, #tpu.memory_space<hbm>>) target(%arg10 : memref<10080xf32, #tpu.memory_space<vmem>>) target_semaphore(%run_scoped3A : memref<!tpu.dma_semaphore, #tpu.memory_space<semaphore_mem>>)
      %dma_wait3A_50 = tpu.memref_slice %arg5[%mul3A_4] : memref<322560xf32, #tpu.memory_space<hbm>> -> memref<10080xf32, #tpu.memory_space<hbm>>
      %dma_wait3A_51 = tpu.memref_slice %arg5[%mul3A_4] : memref<322560xf32, #tpu.memory_space<hbm>> -> memref<10080xf32, #tpu.memory_space<hbm>>
      tpu.wait_dma2 semaphore(%run_scoped3A : memref<!tpu.dma_semaphore, #tpu.memory_space<semaphore_mem>>) src(%dma_wait3A_51 : memref<10080xf32, #tpu.memory_space<hbm>>) dst(%arg10 : memref<10080xf32, #tpu.memory_space<vmem>>)
      tpu.yield
    }) : () -> ()
    %barrier3A = arith.constant 0 : index
    tpu.barrier barrier_id(%barrier3A)
    %dma_start3A = arith.constant 0 : i32
    %dma_start3A_5 = tpu.memref_slice %arg8[%dma_start3A] : memref<10080xi32, #tpu.memory_space<vmem>> -> memref<48xi32, #tpu.memory_space<vmem>>
    %dma_start3A_6 = arith.constant 0 : i32
    %dma_start3A_7 = arith.constant 0 : i32
    %dma_start3A_8 = tpu.memref_slice %arg2[%dma_start3A_6, %dma_start3A_7] : memref<10000x128xf32, #tpu.memory_space<hbm>> -> memref<10000x128xf32, #tpu.memory_space<hbm>>
    tpu.enqueue_indirect_dma source(%dma_start3A_8 : memref<10000x128xf32, #tpu.memory_space<hbm>>) target(%arg14 : memref<48x128xf32, #tpu.memory_space<vmem>>) offsets(%dma_start3A_5 : memref<48xi32, #tpu.memory_space<vmem>>) semaphore(%arg18 : memref<!tpu.dma_semaphore, #tpu.memory_space<semaphore_mem>>)
    %dma_start3A_9 = arith.constant 48 : i32
    %dma_start3A_10 = tpu.memref_slice %arg8[%dma_start3A_9] : memref<10080xi32, #tpu.memory_space<vmem>> -> memref<48xi32, #tpu.memory_space<vmem>>
    %dma_start3A_11 = arith.constant 0 : i32
    %dma_start3A_12 = arith.constant 0 : i32
    %dma_start3A_13 = tpu.memref_slice %arg2[%dma_start3A_11, %dma_start3A_12] : memref<10000x128xf32, #tpu.memory_space<hbm>> -> memref<10000x128xf32, #tpu.memory_space<hbm>>
    tpu.enqueue_indirect_dma source(%dma_start3A_13 : memref<10000x128xf32, #tpu.memory_space<hbm>>) target(%arg15 : memref<48x128xf32, #tpu.memory_space<vmem>>) offsets(%dma_start3A_10 : memref<48xi32, #tpu.memory_space<vmem>>) semaphore(%arg19 : memref<!tpu.dma_semaphore, #tpu.memory_space<semaphore_mem>>)
    %scan3A = arith.constant 0 : i32
    %scan3A_14 = arith.constant 0 : i32
    %scan3A_15 = arith.constant 70 : i32
    %scan3A_16 = arith.addi %scan3A_14, %scan3A_15 : i32
    %scan3A_17 = arith.constant 1 : i32
    scf.for %scan3A_48 = %scan3A_14 to %scan3A_16 step %scan3A_17  : i32 {
      %mul3A_49 = arith.constant 3 : i32
      %mul3A_50 = arith.muli %scan3A_48, %mul3A_49 : i32
      %add3A_51 = arith.constant 0 : i32
      %add3A_52 = arith.addi %mul3A_50, %add3A_51 : i32
      %mul3A_53 = arith.constant 48 : i32
      %mul3A_54 = arith.muli %add3A_52, %mul3A_53 : i32
      %dma_wait3A_55 = arith.constant 0 : i32
      %dma_wait3A_56 = arith.constant 0 : i32
      %dma_wait3A_57 = tpu.memref_slice %arg2[%dma_wait3A_55, %dma_wait3A_56] : memref<10000x128xf32, #tpu.memory_space<hbm>> -> memref<48x128xf32, #tpu.memory_space<hbm>>
      %dma_wait3A_58 = arith.constant 0 : i32
      %dma_wait3A_59 = arith.constant 0 : i32
      %dma_wait3A_60 = tpu.memref_slice %arg2[%dma_wait3A_58, %dma_wait3A_59] : memref<10000x128xf32, #tpu.memory_space<hbm>> -> memref<48x128xf32, #tpu.memory_space<hbm>>
      tpu.wait_dma2 semaphore(%arg18 : memref<!tpu.dma_semaphore, #tpu.memory_space<semaphore_mem>>) src(%dma_wait3A_60 : memref<48x128xf32, #tpu.memory_space<hbm>>) dst(%arg14 : memref<48x128xf32, #tpu.memory_space<vmem>>)
      %scan3A_61 = arith.constant 0 : i32
      %scan3A_62 = arith.constant 0 : i32
      %scan3A_63 = arith.constant 3 : i32
      %scan3A_64 = arith.addi %scan3A_62, %scan3A_63 : i32
      %scan3A_65 = arith.constant 1 : i32
      scf.for %scan3A_212 = %scan3A_62 to %scan3A_64 step %scan3A_65  : i32 {
        %mul3A_213 = arith.constant 16 : i32
        %mul3A_214 = arith.muli %scan3A_212, %mul3A_213 : i32
        %add3A_215 = arith.addi %mul3A_54, %mul3A_214 : i32
        %get3A_216 = arith.index_cast %add3A_215 : i32 to index
        %get3A_217 = tpu.vector_load %arg10[%get3A_216] {strides = array<i32>} : memref<10080xf32, #tpu.memory_space<vmem>>, vector<16xf32>,
        %get3A_218 = vector.shape_cast %get3A_217 : vector<16xf32> to vector<16xf32>
        %broadcast_in_dim3A = arith.constant 0 : i32
        %broadcast_in_dim3A_219 = vector.broadcast %broadcast_in_dim3A : i32 to vector<16x1xi32>
        %gather3A = vector.shape_cast %broadcast_in_dim3A_219 : vector<16x1xi32> to vector<16xi32>
        %gather3A_220 = tpu.dynamic_gather %get3A_218[%gather3A] in [0] : vector<16xf32>, vector<16xi32> -> vector<16xf32>
        %mul3A_221 = arith.constant 16 : i32
        %mul3A_222 = arith.muli %scan3A_212, %mul3A_221 : i32
        %add3A_223 = arith.constant 0 : i32
        %add3A_224 = arith.addi %mul3A_222, %add3A_223 : i32
        %get3A_225 = arith.index_cast %add3A_224 : i32 to index
        %get3A_226 = arith.constant 0 : index
        %get3A_227 = tpu.vector_load %arg14[%get3A_225, %get3A_226] {strides = array<i32>} : memref<48x128xf32, #tpu.memory_space<vmem>>, vector<1x16xf32>,
        %get3A_228 = vector.shape_cast %get3A_227 : vector<1x16xf32> to vector<16xf32>
        %mul3A_229 = arith.mulf %get3A_228, %gather3A_220 : vector<16xf32>
        %swap3A_230 = arith.index_cast %add3A_224 : i32 to index
        %swap3A_231 = arith.constant 0 : index
        %swap3A_232 = tpu.vector_load %arg14[%swap3A_230, %swap3A_231] {strides = array<i32>} : memref<48x128xf32, #tpu.memory_space<vmem>>, vector<1x16xf32>,
        %swap3A_233 = vector.shape_cast %swap3A_232 : vector<1x16xf32> to vector<16xf32>
        %swap3A_234 = vector.shape_cast %mul3A_229 : vector<16xf32> to vector<1x16xf32>
        tpu.vector_store %arg14[%swap3A_230, %swap3A_231], %swap3A_234 {strides = array<i32>} : memref<48x128xf32, #tpu.memory_space<vmem>>, vector<1x16xf32>,
        %get3A_235 = arith.index_cast %add3A_224 : i32 to index
        %get3A_236 = arith.constant 16 : index
        %get3A_237 = tpu.vector_load %arg14[%get3A_235, %get3A_236] {strides = array<i32>} : memref<48x128xf32, #tpu.memory_space<vmem>>, vector<1x16xf32>,
        %get3A_238 = vector.shape_cast %get3A_237 : vector<1x16xf32> to vector<16xf32>
        %mul3A_239 = arith.mulf %get3A_238, %gather3A_220 : vector<16xf32>
        %swap3A_240 = arith.index_cast %add3A_224 : i32 to index
        %swap3A_241 = arith.constant 16 : index
        %swap3A_242 = tpu.vector_load %arg14[%swap3A_240, %swap3A_241] {strides = array<i32>} : memref<48x128xf32, #tpu.memory_space<vmem>>, vector<1x16xf32>,
        %swap3A_243 = vector.shape_cast %swap3A_242 : vector<1x16xf32> to vector<16xf32>
        %swap3A_244 = vector.shape_cast %mul3A_239 : vector<16xf32> to vector<1x16xf32>
        tpu.vector_store %arg14[%swap3A_240, %swap3A_241], %swap3A_244 {strides = array<i32>} : memref<48x128xf32, #tpu.memory_space<vmem>>, vector<1x16xf32>,
        %get3A_245 = arith.index_cast %add3A_224 : i32 to index
        %get3A_246 = arith.constant 32 : index
        %get3A_247 = tpu.vector_load %arg14[%get3A_245, %get3A_246] {strides = array<i32>} : memref<48x128xf32, #tpu.memory_space<vmem>>, vector<1x16xf32>,
        %get3A_248 = vector.shape_cast %get3A_247 : vector<1x16xf32> to vector<16xf32>
        %mul3A_249 = arith.mulf %get3A_248, %gather3A_220 : vector<16xf32>
        %swap3A_250 = arith.index_cast %add3A_224 : i32 to index
        %swap3A_251 = arith.constant 32 : index
        %swap3A_252 = tpu.vector_load %arg14[%swap3A_250, %swap3A_251] {strides = array<i32>} : memref<48x128xf32, #tpu.memory_space<vmem>>, vector<1x16xf32>,
        %swap3A_253 = vector.shape_cast %swap3A_252 : vector<1x16xf32> to vector<16xf32>
        %swap3A_254 = vector.shape_cast %mul3A_249 : vector<16xf32> to vector<1x16xf32>
        tpu.vector_store %arg14[%swap3A_250, %swap3A_251], %swap3A_254 {strides = array<i32>} : memref<48x128xf32, #tpu.memory_space<vmem>>, vector<1x16xf32>,
        %get3A_255 = arith.index_cast %add3A_224 : i32 to index
        %get3A_256 = arith.constant 48 : index
        %get3A_257 = tpu.vector_load %arg14[%get3A_255, %get3A_256] {strides = array<i32>} : memref<48x128xf32, #tpu.memory_space<vmem>>, vector<1x16xf32>,
        %get3A_258 = vector.shape_cast %get3A_257 : vector<1x16xf32> to vector<16xf32>
        %mul3A_259 = arith.mulf %get3A_258, %gather3A_220 : vector<16xf32>
        %swap3A_260 = arith.index_cast %add3A_224 : i32 to index
        %swap3A_261 = arith.constant 48 : index
        %swap3A_262 = tpu.vector_load %arg14[%swap3A_260, %swap3A_261] {strides = array<i32>} : memref<48x128xf32, #tpu.memory_space<vmem>>, vector<1x16xf32>,
        %swap3A_263 = vector.shape_cast %swap3A_262 : vector<1x16xf32> to vector<16xf32>
        %swap3A_264 = vector.shape_cast %mul3A_259 : vector<16xf32> to vector<1x16xf32>
        tpu.vector_store %arg14[%swap3A_260, %swap3A_261], %swap3A_264 {strides = array<i32>} : memref<48x128xf32, #tpu.memory_space<vmem>>, vector<1x16xf32>,
        %get3A_265 = arith.index_cast %add3A_224 : i32 to index
        %get3A_266 = arith.constant 64 : index
        %get3A_267 = tpu.vector_load %arg14[%get3A_265, %get3A_266] {strides = array<i32>} : memref<48x128xf32, #tpu.memory_space<vmem>>, vector<1x16xf32>,
        %get3A_268 = vector.shape_cast %get3A_267 : vector<1x16xf32> to vector<16xf32>
        %mul3A_269 = arith.mulf %get3A_268, %gather3A_220 : vector<16xf32>
        %swap3A_270 = arith.index_cast %add3A_224 : i32 to index
        %swap3A_271 = arith.constant 64 : index
        %swap3A_272 = tpu.vector_load %arg14[%swap3A_270, %swap3A_271] {strides = array<i32>} : memref<48x128xf32, #tpu.memory_space<vmem>>, vector<1x16xf32>,
        %swap3A_273 = vector.shape_cast %swap3A_272 : vector<1x16xf32> to vector<16xf32>
        %swap3A_274 = vector.shape_cast %mul3A_269 : vector<16xf32> to vector<1x16xf32>
        tpu.vector_store %arg14[%swap3A_270, %swap3A_271], %swap3A_274 {strides = array<i32>} : memref<48x128xf32, #tpu.memory_space<vmem>>, vector<1x16xf32>,
        %get3A_275 = arith.index_cast %add3A_224 : i32 to index
        %get3A_276 = arith.constant 80 : index
        %get3A_277 = tpu.vector_load %arg14[%get3A_275, %get3A_276] {strides = array<i32>} : memref<48x128xf32, #tpu.memory_space<vmem>>, vector<1x16xf32>,
        %get3A_278 = vector.shape_cast %get3A_277 : vector<1x16xf32> to vector<16xf32>
        %mul3A_279 = arith.mulf %get3A_278, %gather3A_220 : vector<16xf32>
        %swap3A_280 = arith.index_cast %add3A_224 : i32 to index
        %swap3A_281 = arith.constant 80 : index
        %swap3A_282 = tpu.vector_load %arg14[%swap3A_280, %swap3A_281] {strides = array<i32>} : memref<48x128xf32, #tpu.memory_space<vmem>>, vector<1x16xf32>,
        %swap3A_283 = vector.shape_cast %swap3A_282 : vector<1x16xf32> to vector<16xf32>
        %swap3A_284 = vector.shape_cast %mul3A_279 : vector<16xf32> to vector<1x16xf32>
        tpu.vector_store %arg14[%swap3A_280, %swap3A_281], %swap3A_284 {strides = array<i32>} : memref<48x128xf32, #tpu.memory_space<vmem>>, vector<1x16xf32>,
        %get3A_285 = arith.index_cast %add3A_224 : i32 to index
        %get3A_286 = arith.constant 96 : index
        %get3A_287 = tpu.vector_load %arg14[%get3A_285, %get3A_286] {strides = array<i32>} : memref<48x128xf32, #tpu.memory_space<vmem>>, vector<1x16xf32>,
        %get3A_288 = vector.shape_cast %get3A_287 : vector<1x16xf32> to vector<16xf32>
        %mul3A_289 = arith.mulf %get3A_288, %gather3A_220 : vector<16xf32>
        %swap3A_290 = arith.index_cast %add3A_224 : i32 to index
        %swap3A_291 = arith.constant 96 : index
        %swap3A_292 = tpu.vector_load %arg14[%swap3A_290, %swap3A_291] {strides = array<i32>} : memref<48x128xf32, #tpu.memory_space<vmem>>, vector<1x16xf32>,
        %swap3A_293 = vector.shape_cast %swap3A_292 : vector<1x16xf32> to vector<16xf32>
        %swap3A_294 = vector.shape_cast %mul3A_289 : vector<16xf32> to vector<1x16xf32>
        tpu.vector_store %arg14[%swap3A_290, %swap3A_291], %swap3A_294 {strides = array<i32>} : memref<48x128xf32, #tpu.memory_space<vmem>>, vector<1x16xf32>,
        %get3A_295 = arith.index_cast %add3A_224 : i32 to index
        %get3A_296 = arith.constant 112 : index
        %get3A_297 = tpu.vector_load %arg14[%get3A_295, %get3A_296] {strides = array<i32>} : memref<48x128xf32, #tpu.memory_space<vmem>>, vector<1x16xf32>,
        %get3A_298 = vector.shape_cast %get3A_297 : vector<1x16xf32> to vector<16xf32>
        %mul3A_299 = arith.mulf %get3A_298, %gather3A_220 : vector<16xf32>
        %swap3A_300 = arith.index_cast %add3A_224 : i32 to index
        %swap3A_301 = arith.constant 112 : index
        %swap3A_302 = tpu.vector_load %arg14[%swap3A_300, %swap3A_301] {strides = array<i32>} : memref<48x128xf32, #tpu.memory_space<vmem>>, vector<1x16xf32>,
        %swap3A_303 = vector.shape_cast %swap3A_302 : vector<1x16xf32> to vector<16xf32>
        %swap3A_304 = vector.shape_cast %mul3A_299 : vector<16xf32> to vector<1x16xf32>
        tpu.vector_store %arg14[%swap3A_300, %swap3A_301], %swap3A_304 {strides = array<i32>} : memref<48x128xf32, #tpu.memory_space<vmem>>, vector<1x16xf32>,
        %broadcast_in_dim3A_305 = arith.constant 1 : i32
        %broadcast_in_dim3A_306 = vector.broadcast %broadcast_in_dim3A_305 : i32 to vector<16x1xi32>
        %gather3A_307 = vector.shape_cast %broadcast_in_dim3A_306 : vector<16x1xi32> to vector<16xi32>
        %gather3A_308 = tpu.dynamic_gather %get3A_218[%gather3A_307] in [0] : vector<16xf32>, vector<16xi32> -> vector<16xf32>
        %mul3A_309 = arith.constant 16 : i32
        %mul3A_310 = arith.muli %scan3A_212, %mul3A_309 : i32
        %add3A_311 = arith.constant 1 : i32
        %add3A_312 = arith.addi %mul3A_310, %add3A_311 : i32
        %get3A_313 = arith.index_cast %add3A_312 : i32 to index
        %get3A_314 = arith.constant 0 : index
        %get3A_315 = tpu.vector_load %arg14[%get3A_313, %get3A_314] {strides = array<i32>} : memref<48x128xf32, #tpu.memory_space<vmem>>, vector<1x16xf32>,
        %get3A_316 = vector.shape_cast %get3A_315 : vector<1x16xf32> to vector<16xf32>
        %mul3A_317 = arith.mulf %get3A_316, %gather3A_308 : vector<16xf32>
        %swap3A_318 = arith.index_cast %add3A_312 : i32 to index
        %swap3A_319 = arith.constant 0 : index
        %swap3A_320 = tpu.vector_load %arg14[%swap3A_318, %swap3A_319] {strides = array<i32>} : memref<48x128xf32, #tpu.memory_space<vmem>>, vector<1x16xf32>,
        %swap3A_321 = vector.shape_cast %swap3A_320 : vector<1x16xf32> to vector<16xf32>
        %swap3A_322 = vector.shape_cast %mul3A_317 : vector<16xf32> to vector<1x16xf32>
        tpu.vector_store %arg14[%swap3A_318, %swap3A_319], %swap3A_322 {strides = array<i32>} : memref<48x128xf32, #tpu.memory_space<vmem>>, vector<1x16xf32>,
        %get3A_323 = arith.index_cast %add3A_312 : i32 to index
        %get3A_324 = arith.constant 16 : index
        %get3A_325 = tpu.vector_load %arg14[%get3A_323, %get3A_324] {strides = array<i32>} : memref<48x128xf32, #tpu.memory_space<vmem>>, vector<1x16xf32>,
        %get3A_326 = vector.shape_cast %get3A_325 : vector<1x16xf32> to vector<16xf32>
        %mul3A_327 = arith.mulf %get3A_326, %gather3A_308 : vector<16xf32>
        %swap3A_328 = arith.index_cast %add3A_312 : i32 to index
        %swap3A_329 = arith.constant 16 : index
        %swap3A_330 = tpu.vector_load %arg14[%swap3A_328, %swap3A_329] {strides = array<i32>} : memref<48x128xf32, #tpu.memory_space<vmem>>, vector<1x16xf32>,
        %swap3A_331 = vector.shape_cast %swap3A_330 : vector<1x16xf32> to vector<16xf32>
        %swap3A_332 = vector.shape_cast %mul3A_327 : vector<16xf32> to vector<1x16xf32>
        tpu.vector_store %arg14[%swap3A_328, %swap3A_329], %swap3A_332 {strides = array<i32>} : memref<48x128xf32, #tpu.memory_space<vmem>>, vector<1x16xf32>,
        %get3A_333 = arith.index_cast %add3A_312 : i32 to index
        %get3A_334 = arith.constant 32 : index
        %get3A_335 = tpu.vector_load %arg14[%get3A_333, %get3A_334] {strides = array<i32>} : memref<48x128xf32, #tpu.memory_space<vmem>>, vector<1x16xf32>,
        %get3A_336 = vector.shape_cast %get3A_335 : vector<1x16xf32> to vector<16xf32>
        %mul3A_337 = arith.mulf %get3A_336, %gather3A_308 : vector<16xf32>
        %swap3A_338 = arith.index_cast %add3A_312 : i32 to index
        %swap3A_339 = arith.constant 32 : index
        %swap3A_340 = tpu.vector_load %arg14[%swap3A_338, %swap3A_339] {strides = array<i32>} : memref<48x128xf32, #tpu.memory_space<vmem>>, vector<1x16xf32>,
        %swap3A_341 = vector.shape_cast %swap3A_340 : vector<1x16xf32> to vector<16xf32>
        %swap3A_342 = vector.shape_cast %mul3A_337 : vector<16xf32> to vector<1x16xf32>
        tpu.vector_store %arg14[%swap3A_338, %swap3A_339], %swap3A_342 {strides = array<i32>} : memref<48x128xf32, #tpu.memory_space<vmem>>, vector<1x16xf32>,
        %get3A_343 = arith.index_cast %add3A_312 : i32 to index
        %get3A_344 = arith.constant 48 : index
        %get3A_345 = tpu.vector_load %arg14[%get3A_343, %get3A_344] {strides = array<i32>} : memref<48x128xf32, #tpu.memory_space<vmem>>, vector<1x16xf32>,
        %get3A_346 = vector.shape_cast %get3A_345 : vector<1x16xf32> to vector<16xf32>
        %mul3A_347 = arith.mulf %get3A_346, %gather3A_308 : vector<16xf32>
        %swap3A_348 = arith.index_cast %add3A_312 : i32 to index
        %swap3A_349 = arith.constant 48 : index
        %swap3A_350 = tpu.vector_load %arg14[%swap3A_348, %swap3A_349] {strides = array<i32>} : memref<48x128xf32, #tpu.memory_space<vmem>>, vector<1x16xf32>,
        %swap3A_351 = vector.shape_cast %swap3A_350 : vector<1x16xf32> to vector<16xf32>
        %swap3A_352 = vector.shape_cast %mul3A_347 : vector<16xf32> to vector<1x16xf32>
        tpu.vector_store %arg14[%swap3A_348, %swap3A_349], %swap3A_352 {strides = array<i32>} : memref<48x128xf32, #tpu.memory_space<vmem>>, vector<1x16xf32>,
        %get3A_353 = arith.index_cast %add3A_312 : i32 to index
        %get3A_354 = arith.constant 64 : index
        %get3A_355 = tpu.vector_load %arg14[%get3A_353, %get3A_354] {strides = array<i32>} : memref<48x128xf32, #tpu.memory_space<vmem>>, vector<1x16xf32>,
        %get3A_356 = vector.shape_cast %get3A_355 : vector<1x16xf32> to vector<16xf32>
        %mul3A_357 = arith.mulf %get3A_356, %gather3A_308 : vector<16xf32>
        %swap3A_358 = arith.index_cast %add3A_312 : i32 to index
        %swap3A_359 = arith.constant 64 : index
        %swap3A_360 = tpu.vector_load %arg14[%swap3A_358, %swap3A_359] {strides = array<i32>} : memref<48x128xf32, #tpu.memory_space<vmem>>, vector<1x16xf32>,
        %swap3A_361 = vector.shape_cast %swap3A_360 : vector<1x16xf32> to vector<16xf32>
        %swap3A_362 = vector.shape_cast %mul3A_357 : vector<16xf32> to vector<1x16xf32>
        tpu.vector_store %arg14[%swap3A_358, %swap3A_359], %swap3A_362 {strides = array<i32>} : memref<48x128xf32, #tpu.memory_space<vmem>>, vector<1x16xf32>,
        %get3A_363 = arith.index_cast %add3A_312 : i32 to index
        %get3A_364 = arith.constant 80 : index
        %get3A_365 = tpu.vector_load %arg14[%get3A_363, %get3A_364] {strides = array<i32>} : memref<48x128xf32, #tpu.memory_space<vmem>>, vector<1x16xf32>,
        %get3A_366 = vector.shape_cast %get3A_365 : vector<1x16xf32> to vector<16xf32>
        %mul3A_367 = arith.mulf %get3A_366, %gather3A_308 : vector<16xf32>
        %swap3A_368 = arith.index_cast %add3A_312 : i32 to index
        %swap3A_369 = arith.constant 80 : index
        %swap3A_370 = tpu.vector_load %arg14[%swap3A_368, %swap3A_369] {strides = array<i32>} : memref<48x128xf32, #tpu.memory_space<vmem>>, vector<1x16xf32>,
        %swap3A_371 = vector.shape_cast %swap3A_370 : vector<1x16xf32> to vector<16xf32>
        %swap3A_372 = vector.shape_cast %mul3A_367 : vector<16xf32> to vector<1x16xf32>
        tpu.vector_store %arg14[%swap3A_368, %swap3A_369], %swap3A_372 {strides = array<i32>} : memref<48x128xf32, #tpu.memory_space<vmem>>, vector<1x16xf32>,
        %get3A_373 = arith.index_cast %add3A_312 : i32 to index
        %get3A_374 = arith.constant 96 : index
        %get3A_375 = tpu.vector_load %arg14[%get3A_373, %get3A_374] {strides = array<i32>} : memref<48x128xf32, #tpu.memory_space<vmem>>, vector<1x16xf32>,
        %get3A_376 = vector.shape_cast %get3A_375 : vector<1x16xf32> to vector<16xf32>
        %mul3A_377 = arith.mulf %get3A_376, %gather3A_308 : vector<16xf32>
        %swap3A_378 = arith.index_cast %add3A_312 : i32 to index
        %swap3A_379 = arith.constant 96 : index
        %swap3A_380 = tpu.vector_load %arg14[%swap3A_378, %swap3A_379] {strides = array<i32>} : memref<48x128xf32, #tpu.memory_space<vmem>>, vector<1x16xf32>,
        %swap3A_381 = vector.shape_cast %swap3A_380 : vector<1x16xf32> to vector<16xf32>
        %swap3A_382 = vector.shape_cast %mul3A_377 : vector<16xf32> to vector<1x16xf32>
        tpu.vector_store %arg14[%swap3A_378, %swap3A_379], %swap3A_382 {strides = array<i32>} : memref<48x128xf32, #tpu.memory_space<vmem>>, vector<1x16xf32>,
        %get3A_383 = arith.index_cast %add3A_312 : i32 to index
        %get3A_384 = arith.constant 112 : index
        %get3A_385 = tpu.vector_load %arg14[%get3A_383, %get3A_384] {strides = array<i32>} : memref<48x128xf32, #tpu.memory_space<vmem>>, vector<1x16xf32>,
        %get3A_386 = vector.shape_cast %get3A_385 : vector<1x16xf32> to vector<16xf32>
        %mul3A_387 = arith.mulf %get3A_386, %gather3A_308 : vector<16xf32>
        %swap3A_388 = arith.index_cast %add3A_312 : i32 to index
        %swap3A_389 = arith.constant 112 : index
        %swap3A_390 = tpu.vector_load %arg14[%swap3A_388, %swap3A_389] {strides = array<i32>} : memref<48x128xf32, #tpu.memory_space<vmem>>, vector<1x16xf32>,
        %swap3A_391 = vector.shape_cast %swap3A_390 : vector<1x16xf32> to vector<16xf32>
        %swap3A_392 = vector.shape_cast %mul3A_387 : vector<16xf32> to vector<1x16xf32>
        tpu.vector_store %arg14[%swap3A_388, %swap3A_389], %swap3A_392 {strides = array<i32>} : memref<48x128xf32, #tpu.memory_space<vmem>>, vector<1x16xf32>,
        %broadcast_in_dim3A_393 = arith.constant 2 : i32
        %broadcast_in_dim3A_394 = vector.broadcast %broadcast_in_dim3A_393 : i32 to vector<16x1xi32>
        %gather3A_395 = vector.shape_cast %broadcast_in_dim3A_394 : vector<16x1xi32> to vector<16xi32>
        %gather3A_396 = tpu.dynamic_gather %get3A_218[%gather3A_395] in [0] : vector<16xf32>, vector<16xi32> -> vector<16xf32>
        %mul3A_397 = arith.constant 16 : i32
        %mul3A_398 = arith.muli %scan3A_212, %mul3A_397 : i32
        %add3A_399 = arith.constant 2 : i32
        %add3A_400 = arith.addi %mul3A_398, %add3A_399 : i32
        %get3A_401 = arith.index_cast %add3A_400 : i32 to index
        %get3A_402 = arith.constant 0 : index
        %get3A_403 = tpu.vector_load %arg14[%get3A_401, %get3A_402] {strides = array<i32>} : memref<48x128xf32, #tpu.memory_space<vmem>>, vector<1x16xf32>,
        %get3A_404 = vector.shape_cast %get3A_403 : vector<1x16xf32> to vector<16xf32>
        %mul3A_405 = arith.mulf %get3A_404, %gather3A_396 : vector<16xf32>
        %swap3A_406 = arith.index_cast %add3A_400 : i32 to index
        %swap3A_407 = arith.constant 0 : index
        %swap3A_408 = tpu.vector_load %arg14[%swap3A_406, %swap3A_407] {strides = array<i32>} : memref<48x128xf32, #tpu.memory_space<vmem>>, vector<1x16xf32>,
        %swap3A_409 = vector.shape_cast %swap3A_408 : vector<1x16xf32> to vector<16xf32>
        %swap3A_410 = vector.shape_cast %mul3A_405 : vector<16xf32> to vector<1x16xf32>
        tpu.vector_store %arg14[%swap3A_406, %swap3A_407], %swap3A_410 {strides = array<i32>} : memref<48x128xf32, #tpu.memory_space<vmem>>, vector<1x16xf32>,
        %get3A_411 = arith.index_cast %add3A_400 : i32 to index
        %get3A_412 = arith.constant 16 : index
        %get3A_413 = tpu.vector_load %arg14[%get3A_411, %get3A_412] {strides = array<i32>} : memref<48x128xf32, #tpu.memory_space<vmem>>, vector<1x16xf32>,
        %get3A_414 = vector.shape_cast %get3A_413 : vector<1x16xf32> to vector<16xf32>
        %mul3A_415 = arith.mulf %get3A_414, %gather3A_396 : vector<16xf32>
        %swap3A_416 = arith.index_cast %add3A_400 : i32 to index
        %swap3A_417 = arith.constant 16 : index
        %swap3A_418 = tpu.vector_load %arg14[%swap3A_416, %swap3A_417] {strides = array<i32>} : memref<48x128xf32, #tpu.memory_space<vmem>>, vector<1x16xf32>,
        %swap3A_419 = vector.shape_cast %swap3A_418 : vector<1x16xf32> to vector<16xf32>
        %swap3A_420 = vector.shape_cast %mul3A_415 : vector<16xf32> to vector<1x16xf32>
        tpu.vector_store %arg14[%swap3A_416, %swap3A_417], %swap3A_420 {strides = array<i32>} : memref<48x128xf32, #tpu.memory_space<vmem>>, vector<1x16xf32>,
        %get3A_421 = arith.index_cast %add3A_400 : i32 to index
        %get3A_422 = arith.constant 32 : index
        %get3A_423 = tpu.vector_load %arg14[%get3A_421, %get3A_422] {strides = array<i32>} : memref<48x128xf32, #tpu.memory_space<vmem>>, vector<1x16xf32>,
        %get3A_424 = vector.shape_cast %get3A_423 : vector<1x16xf32> to vector<16xf32>
        %mul3A_425 = arith.mulf %get3A_424, %gather3A_396 : vector<16xf32>
        %swap3A_426 = arith.index_cast %add3A_400 : i32 to index
        %swap3A_427 = arith.constant 32 : index
        %swap3A_428 = tpu.vector_load %arg14[%swap3A_426, %swap3A_427] {strides = array<i32>} : memref<48x128xf32, #tpu.memory_space<vmem>>, vector<1x16xf32>,
        %swap3A_429 = vector.shape_cast %swap3A_428 : vector<1x16xf32> to vector<16xf32>
        %swap3A_430 = vector.shape_cast %mul3A_425 : vector<16xf32> to vector<1x16xf32>
        tpu.vector_store %arg14[%swap3A_426, %swap3A_427], %swap3A_430 {strides = array<i32>} : memref<48x128xf32, #tpu.memory_space<vmem>>, vector<1x16xf32>,
        %get3A_431 = arith.index_cast %add3A_400 : i32 to index
        %get3A_432 = arith.constant 48 : index
        %get3A_433 = tpu.vector_load %arg14[%get3A_431, %get3A_432] {strides = array<i32>} : memref<48x128xf32, #tpu.memory_space<vmem>>, vector<1x16xf32>,
        %get3A_434 = vector.shape_cast %get3A_433 : vector<1x16xf32> to vector<16xf32>
        %mul3A_435 = arith.mulf %get3A_434, %gather3A_396 : vector<16xf32>
        %swap3A_436 = arith.index_cast %add3A_400 : i32 to index
        %swap3A_437 = arith.constant 48 : index
        %swap3A_438 = tpu.vector_load %arg14[%swap3A_436, %swap3A_437] {strides = array<i32>} : memref<48x128xf32, #tpu.memory_space<vmem>>, vector<1x16xf32>,
        %swap3A_439 = vector.shape_cast %swap3A_438 : vector<1x16xf32> to vector<16xf32>
        %swap3A_440 = vector.shape_cast %mul3A_435 : vector<16xf32> to vector<1x16xf32>
        tpu.vector_store %arg14[%swap3A_436, %swap3A_437], %swap3A_440 {strides = array<i32>} : memref<48x128xf32, #tpu.memory_space<vmem>>, vector<1x16xf32>,
        %get3A_441 = arith.index_cast %add3A_400 : i32 to index
        %get3A_442 = arith.constant 64 : index
        %get3A_443 = tpu.vector_load %arg14[%get3A_441, %get3A_442] {strides = array<i32>} : memref<48x128xf32, #tpu.memory_space<vmem>>, vector<1x16xf32>,
        %get3A_444 = vector.shape_cast %get3A_443 : vector<1x16xf32> to vector<16xf32>
        %mul3A_445 = arith.mulf %get3A_444, %gather3A_396 : vector<16xf32>
        %swap3A_446 = arith.index_cast %add3A_400 : i32 to index
        %swap3A_447 = arith.constant 64 : index
        %swap3A_448 = tpu.vector_load %arg14[%swap3A_446, %swap3A_447] {strides = array<i32>} : memref<48x128xf32, #tpu.memory_space<vmem>>, vector<1x16xf32>,
        %swap3A_449 = vector.shape_cast %swap3A_448 : vector<1x16xf32> to vector<16xf32>
        %swap3A_450 = vector.shape_cast %mul3A_445 : vector<16xf32> to vector<1x16xf32>
        tpu.vector_store %arg14[%swap3A_446, %swap3A_447], %swap3A_450 {strides = array<i32>} : memref<48x128xf32, #tpu.memory_space<vmem>>, vector<1x16xf32>,
        %get3A_451 = arith.index_cast %add3A_400 : i32 to index
        %get3A_452 = arith.constant 80 : index
        %get3A_453 = tpu.vector_load %arg14[%get3A_451, %get3A_452] {strides = array<i32>} : memref<48x128xf32, #tpu.memory_space<vmem>>, vector<1x16xf32>,
        %get3A_454 = vector.shape_cast %get3A_453 : vector<1x16xf32> to vector<16xf32>
        %mul3A_455 = arith.mulf %get3A_454, %gather3A_396 : vector<16xf32>
        %swap3A_456 = arith.index_cast %add3A_400 : i32 to index
        %swap3A_457 = arith.constant 80 : index
        %swap3A_458 = tpu.vector_load %arg14[%swap3A_456, %swap3A_457] {strides = array<i32>} : memref<48x128xf32, #tpu.memory_space<vmem>>, vector<1x16xf32>,
        %swap3A_459 = vector.shape_cast %swap3A_458 : vector<1x16xf32> to vector<16xf32>
        %swap3A_460 = vector.shape_cast %mul3A_455 : vector<16xf32> to vector<1x16xf32>
        tpu.vector_store %arg14[%swap3A_456, %swap3A_457], %swap3A_460 {strides = array<i32>} : memref<48x128xf32, #tpu.memory_space<vmem>>, vector<1x16xf32>,
        %get3A_461 = arith.index_cast %add3A_400 : i32 to index
        %get3A_462 = arith.constant 96 : index
        %get3A_463 = tpu.vector_load %arg14[%get3A_461, %get3A_462] {strides = array<i32>} : memref<48x128xf32, #tpu.memory_space<vmem>>, vector<1x16xf32>,
        %get3A_464 = vector.shape_cast %get3A_463 : vector<1x16xf32> to vector<16xf32>
        %mul3A_465 = arith.mulf %get3A_464, %gather3A_396 : vector<16xf32>
        %swap3A_466 = arith.index_cast %add3A_400 : i32 to index
        %swap3A_467 = arith.constant 96 : index
        %swap3A_468 = tpu.vector_load %arg14[%swap3A_466, %swap3A_467] {strides = array<i32>} : memref<48x128xf32, #tpu.memory_space<vmem>>, vector<1x16xf32>,
        %swap3A_469 = vector.shape_cast %swap3A_468 : vector<1x16xf32> to vector<16xf32>
        %swap3A_470 = vector.shape_cast %mul3A_465 : vector<16xf32> to vector<1x16xf32>
        tpu.vector_store %arg14[%swap3A_466, %swap3A_467], %swap3A_470 {strides = array<i32>} : memref<48x128xf32, #tpu.memory_space<vmem>>, vector<1x16xf32>,
        %get3A_471 = arith.index_cast %add3A_400 : i32 to index
        %get3A_472 = arith.constant 112 : index
        %get3A_473 = tpu.vector_load %arg14[%get3A_471, %get3A_472] {strides = array<i32>} : memref<48x128xf32, #tpu.memory_space<vmem>>, vector<1x16xf32>,
        %get3A_474 = vector.shape_cast %get3A_473 : vector<1x16xf32> to vector<16xf32>
        %mul3A_475 = arith.mulf %get3A_474, %gather3A_396 : vector<16xf32>
        %swap3A_476 = arith.index_cast %add3A_400 : i32 to index
        %swap3A_477 = arith.constant 112 : index
        %swap3A_478 = tpu.vector_load %arg14[%swap3A_476, %swap3A_477] {strides = array<i32>} : memref<48x128xf32, #tpu.memory_space<vmem>>, vector<1x16xf32>,
        %swap3A_479 = vector.shape_cast %swap3A_478 : vector<1x16xf32> to vector<16xf32>
        %swap3A_480 = vector.shape_cast %mul3A_475 : vector<16xf32> to vector<1x16xf32>
        tpu.vector_store %arg14[%swap3A_476, %swap3A_477], %swap3A_480 {strides = array<i32>} : memref<48x128xf32, #tpu.memory_space<vmem>>, vector<1x16xf32>,
        %broadcast_in_dim3A_481 = arith.constant 3 : i32
        %broadcast_in_dim3A_482 = vector.broadcast %broadcast_in_dim3A_481 : i32 to vector<16x1xi32>
        %gather3A_483 = vector.shape_cast %broadcast_in_dim3A_482 : vector<16x1xi32> to vector<16xi32>
        %gather3A_484 = tpu.dynamic_gather %get3A_218[%gather3A_483] in [0] : vector<16xf32>, vector<16xi32> -> vector<16xf32>
        %mul3A_485 = arith.constant 16 : i32
        %mul3A_486 = arith.muli %scan3A_212, %mul3A_485 : i32
        %add3A_487 = arith.constant 3 : i32
        %add3A_488 = arith.addi %mul3A_486, %add3A_487 : i32
        %get3A_489 = arith.index_cast %add3A_488 : i32 to index
        %get3A_490 = arith.constant 0 : index
        %get3A_491 = tpu.vector_load %arg14[%get3A_489, %get3A_490] {strides = array<i32>} : memref<48x128xf32, #tpu.memory_space<vmem>>, vector<1x16xf32>,
        %get3A_492 = vector.shape_cast %get3A_491 : vector<1x16xf32> to vector<16xf32>
        %mul3A_493 = arith.mulf %get3A_492, %gather3A_484 : vector<16xf32>
        %swap3A_494 = arith.index_cast %add3A_488 : i32 to index
        %swap3A_495 = arith.constant 0 : index
        %swap3A_496 = tpu.vector_load %arg14[%swap3A_494, %swap3A_495] {strides = array<i32>} : memref<48x128xf32, #tpu.memory_space<vmem>>, vector<1x16xf32>,
        %swap3A_497 = vector.shape_cast %swap3A_496 : vector<1x16xf32> to vector<16xf32>
        %swap3A_498 = vector.shape_cast %mul3A_493 : vector<16xf32> to vector<1x16xf32>
        tpu.vector_store %arg14[%swap3A_494, %swap3A_495], %swap3A_498 {strides = array<i32>} : memref<48x128xf32, #tpu.memory_space<vmem>>, vector<1x16xf32>,
        %get3A_499 = arith.index_cast %add3A_488 : i32 to index
        %get3A_500 = arith.constant 16 : index
        %get3A_501 = tpu.vector_load %arg14[%get3A_499, %get3A_500] {strides = array<i32>} : memref<48x128xf32, #tpu.memory_space<vmem>>, vector<1x16xf32>,
        %get3A_502 = vector.shape_cast %get3A_501 : vector<1x16xf32> to vector<16xf32>
        %mul3A_503 = arith.mulf %get3A_502, %gather3A_484 : vector<16xf32>
        %swap3A_504 = arith.index_cast %add3A_488 : i32 to index
        %swap3A_505 = arith.constant 16 : index
        %swap3A_506 = tpu.vector_load %arg14[%swap3A_504, %swap3A_505] {strides = array<i32>} : memref<48x128xf32, #tpu.memory_space<vmem>>, vector<1x16xf32>,
        %swap3A_507 = vector.shape_cast %swap3A_506 : vector<1x16xf32> to vector<16xf32>
        %swap3A_508 = vector.shape_cast %mul3A_503 : vector<16xf32> to vector<1x16xf32>
        tpu.vector_store %arg14[%swap3A_504, %swap3A_505], %swap3A_508 {strides = array<i32>} : memref<48x128xf32, #tpu.memory_space<vmem>>, vector<1x16xf32>,
        %get3A_509 = arith.index_cast %add3A_488 : i32 to index
        %get3A_510 = arith.constant 32 : index
        %get3A_511 = tpu.vector_load %arg14[%get3A_509, %get3A_510] {strides = array<i32>} : memref<48x128xf32, #tpu.memory_space<vmem>>, vector<1x16xf32>,
        %get3A_512 = vector.shape_cast %get3A_511 : vector<1x16xf32> to vector<16xf32>
        %mul3A_513 = arith.mulf %get3A_512, %gather3A_484 : vector<16xf32>
        %swap3A_514 = arith.index_cast %add3A_488 : i32 to index
        %swap3A_515 = arith.constant 32 : index
        %swap3A_516 = tpu.vector_load %arg14[%swap3A_514, %swap3A_515] {strides = array<i32>} : memref<48x128xf32, #tpu.memory_space<vmem>>, vector<1x16xf32>,
        %swap3A_517 = vector.shape_cast %swap3A_516 : vector<1x16xf32> to vector<16xf32>
        %swap3A_518 = vector.shape_cast %mul3A_513 : vector<16xf32> to vector<1x16xf32>
        tpu.vector_store %arg14[%swap3A_514, %swap3A_515], %swap3A_518 {strides = array<i32>} : memref<48x128xf32, #tpu.memory_space<vmem>>, vector<1x16xf32>,
        %get3A_519 = arith.index_cast %add3A_488 : i32 to index
        %get3A_520 = arith.constant 48 : index
        %get3A_521 = tpu.vector_load %arg14[%get3A_519, %get3A_520] {strides = array<i32>} : memref<48x128xf32, #tpu.memory_space<vmem>>, vector<1x16xf32>,
        %get3A_522 = vector.shape_cast %get3A_521 : vector<1x16xf32> to vector<16xf32>
        %mul3A_523 = arith.mulf %get3A_522, %gather3A_484 : vector<16xf32>
        %swap3A_524 = arith.index_cast %add3A_488 : i32 to index
        %swap3A_525 = arith.constant 48 : index
        %swap3A_526 = tpu.vector_load %arg14[%swap3A_524, %swap3A_525] {strides = array<i32>} : memref<48x128xf32, #tpu.memory_space<vmem>>, vector<1x16xf32>,
        %swap3A_527 = vector.shape_cast %swap3A_526 : vector<1x16xf32> to vector<16xf32>
        %swap3A_528 = vector.shape_cast %mul3A_523 : vector<16xf32> to vector<1x16xf32>
        tpu.vector_store %arg14[%swap3A_524, %swap3A_525], %swap3A_528 {strides = array<i32>} : memref<48x128xf32, #tpu.memory_space<vmem>>, vector<1x16xf32>,
        %get3A_529 = arith.index_cast %add3A_488 : i32 to index
        %get3A_530 = arith.constant 64 : index
        %get3A_531 = tpu.vector_load %arg14[%get3A_529, %get3A_530] {strides = array<i32>} : memref<48x128xf32, #tpu.memory_space<vmem>>, vector<1x16xf32>,
        %get3A_532 = vector.shape_cast %get3A_531 : vector<1x16xf32> to vector<16xf32>
        %mul3A_533 = arith.mulf %get3A_532, %gather3A_484 : vector<16xf32>
        %swap3A_534 = arith.index_cast %add3A_488 : i32 to index
        %swap3A_535 = arith.constant 64 : index
        %swap3A_536 = tpu.vector_load %arg14[%swap3A_534, %swap3A_535] {strides = array<i32>} : memref<48x128xf32, #tpu.memory_space<vmem>>, vector<1x16xf32>,
        %swap3A_537 = vector.shape_cast %swap3A_536 : vector<1x16xf32> to vector<16xf32>
        %swap3A_538 = vector.shape_cast %mul3A_533 : vector<16xf32> to vector<1x16xf32>
        tpu.vector_store %arg14[%swap3A_534, %swap3A_535], %swap3A_538 {strides = array<i32>} : memref<48x128xf32, #tpu.memory_space<vmem>>, vector<1x16xf32>,
        %get3A_539 = arith.index_cast %add3A_488 : i32 to index
        %get3A_540 = arith.constant 80 : index
        %get3A_541 = tpu.vector_load %arg14[%get3A_539, %get3A_540] {strides = array<i32>} : memref<48x128xf32, #tpu.memory_space<vmem>>, vector<1x16xf32>,
        %get3A_542 = vector.shape_cast %get3A_541 : vector<1x16xf32> to vector<16xf32>
        %mul3A_543 = arith.mulf %get3A_542, %gather3A_484 : vector<16xf32>
        %swap3A_544 = arith.index_cast %add3A_488 : i32 to index
        %swap3A_545 = arith.constant 80 : index
        %swap3A_546 = tpu.vector_load %arg14[%swap3A_544, %swap3A_545] {strides = array<i32>} : memref<48x128xf32, #tpu.memory_space<vmem>>, vector<1x16xf32>,
        %swap3A_547 = vector.shape_cast %swap3A_546 : vector<1x16xf32> to vector<16xf32>
        %swap3A_548 = vector.shape_cast %mul3A_543 : vector<16xf32> to vector<1x16xf32>
        tpu.vector_store %arg14[%swap3A_544, %swap3A_545], %swap3A_548 {strides = array<i32>} : memref<48x128xf32, #tpu.memory_space<vmem>>, vector<1x16xf32>,
        %get3A_549 = arith.index_cast %add3A_488 : i32 to index
        %get3A_550 = arith.constant 96 : index
        %get3A_551 = tpu.vector_load %arg14[%get3A_549, %get3A_550] {strides = array<i32>} : memref<48x128xf32, #tpu.memory_space<vmem>>, vector<1x16xf32>,
        %get3A_552 = vector.shape_cast %get3A_551 : vector<1x16xf32> to vector<16xf32>
        %mul3A_553 = arith.mulf %get3A_552, %gather3A_484 : vector<16xf32>
        %swap3A_554 = arith.index_cast %add3A_488 : i32 to index
        %swap3A_555 = arith.constant 96 : index
        %swap3A_556 = tpu.vector_load %arg14[%swap3A_554, %swap3A_555] {strides = array<i32>} : memref<48x128xf32, #tpu.memory_space<vmem>>, vector<1x16xf32>,
        %swap3A_557 = vector.shape_cast %swap3A_556 : vector<1x16xf32> to vector<16xf32>
        %swap3A_558 = vector.shape_cast %mul3A_553 : vector<16xf32> to vector<1x16xf32>
        tpu.vector_store %arg14[%swap3A_554, %swap3A_555], %swap3A_558 {strides = array<i32>} : memref<48x128xf32, #tpu.memory_space<vmem>>, vector<1x16xf32>,
        %get3A_559 = arith.index_cast %add3A_488 : i32 to index
        %get3A_560 = arith.constant 112 : index
        %get3A_561 = tpu.vector_load %arg14[%get3A_559, %get3A_560] {strides = array<i32>} : memref<48x128xf32, #tpu.memory_space<vmem>>, vector<1x16xf32>,
        %get3A_562 = vector.shape_cast %get3A_561 : vector<1x16xf32> to vector<16xf32>
        %mul3A_563 = arith.mulf %get3A_562, %gather3A_484 : vector<16xf32>
        %swap3A_564 = arith.index_cast %add3A_488 : i32 to index
        %swap3A_565 = arith.constant 112 : index
        %swap3A_566 = tpu.vector_load %arg14[%swap3A_564, %swap3A_565] {strides = array<i32>} : memref<48x128xf32, #tpu.memory_space<vmem>>, vector<1x16xf32>,
        %swap3A_567 = vector.shape_cast %swap3A_566 : vector<1x16xf32> to vector<16xf32>
        %swap3A_568 = vector.shape_cast %mul3A_563 : vector<16xf32> to vector<1x16xf32>
        tpu.vector_store %arg14[%swap3A_564, %swap3A_565], %swap3A_568 {strides = array<i32>} : memref<48x128xf32, #tpu.memory_space<vmem>>, vector<1x16xf32>,
        %broadcast_in_dim3A_569 = arith.constant 4 : i32
        %broadcast_in_dim3A_570 = vector.broadcast %broadcast_in_dim3A_569 : i32 to vector<16x1xi32>
        %gather3A_571 = vector.shape_cast %broadcast_in_dim3A_570 : vector<16x1xi32> to vector<16xi32>
        %gather3A_572 = tpu.dynamic_gather %get3A_218[%gather3A_571] in [0] : vector<16xf32>, vector<16xi32> -> vector<16xf32>
        %mul3A_573 = arith.constant 16 : i32
        %mul3A_574 = arith.muli %scan3A_212, %mul3A_573 : i32
        %add3A_575 = arith.constant 4 : i32
        %add3A_576 = arith.addi %mul3A_574, %add3A_575 : i32
        %get3A_577 = arith.index_cast %add3A_576 : i32 to index
        %get3A_578 = arith.constant 0 : index
        %get3A_579 = tpu.vector_load %arg14[%get3A_577, %get3A_578] {strides = array<i32>} : memref<48x128xf32, #tpu.memory_space<vmem>>, vector<1x16xf32>,
        %get3A_580 = vector.shape_cast %get3A_579 : vector<1x16xf32> to vector<16xf32>
        %mul3A_581 = arith.mulf %get3A_580, %gather3A_572 : vector<16xf32>
        %swap3A_582 = arith.index_cast %add3A_576 : i32 to index
        %swap3A_583 = arith.constant 0 : index
        %swap3A_584 = tpu.vector_load %arg14[%swap3A_582, %swap3A_583] {strides = array<i32>} : memref<48x128xf32, #tpu.memory_space<vmem>>, vector<1x16xf32>,
        %swap3A_585 = vector.shape_cast %swap3A_584 : vector<1x16xf32> to vector<16xf32>
        %swap3A_586 = vector.shape_cast %mul3A_581 : vector<16xf32> to vector<1x16xf32>
        tpu.vector_store %arg14[%swap3A_582, %swap3A_583], %swap3A_586 {strides = array<i32>} : memref<48x128xf32, #tpu.memory_space<vmem>>, vector<1x16xf32>,
        %get3A_587 = arith.index_cast %add3A_576 : i32 to index
        %get3A_588 = arith.constant 16 : index
        %get3A_589 = tpu.vector_load %arg14[%get3A_587, %get3A_588] {strides = array<i32>} : memref<48x128xf32, #tpu.memory_space<vmem>>, vector<1x16xf32>,
        %get3A_590 = vector.shape_cast %get3A_589 : vector<1x16xf32> to vector<16xf32>
        %mul3A_591 = arith.mulf %get3A_590, %gather3A_572 : vector<16xf32>
        %swap3A_592 = arith.index_cast %add3A_576 : i32 to index
        %swap3A_593 = arith.constant 16 : index
        %swap3A_594 = tpu.vector_load %arg14[%swap3A_592, %swap3A_593] {strides = array<i32>} : memref<48x128xf32, #tpu.memory_space<vmem>>, vector<1x16xf32>,
        %swap3A_595 = vector.shape_cast %swap3A_594 : vector<1x16xf32> to vector<16xf32>
        %swap3A_596 = vector.shape_cast %mul3A_591 : vector<16xf32> to vector<1x16xf32>
        tpu.vector_store %arg14[%swap3A_592, %swap3A_593], %swap3A_596 {strides = array<i32>} : memref<48x128xf32, #tpu.memory_space<vmem>>, vector<1x16xf32>,
        %get3A_597 = arith.index_cast %add3A_576 : i32 to index
        %get3A_598 = arith.constant 32 : index
        %get3A_599 = tpu.vector_load %arg14[%get3A_597, %get3A_598] {strides = array<i32>} : memref<48x128xf32, #tpu.memory_space<vmem>>, vector<1x16xf32>,
        %get3A_600 = vector.shape_cast %get3A_599 : vector<1x16xf32> to vector<16xf32>
        %mul3A_601 = arith.mulf %get3A_600, %gather3A_572 : vector<16xf32>
        %swap3A_602 = arith.index_cast %add3A_576 : i32 to index
        %swap3A_603 = arith.constant 32 : index
        %swap3A_604 = tpu.vector_load %arg14[%swap3A_602, %swap3A_603] {strides = array<i32>} : memref<48x128xf32, #tpu.memory_space<vmem>>, vector<1x16xf32>,
        %swap3A_605 = vector.shape_cast %swap3A_604 : vector<1x16xf32> to vector<16xf32>
        %swap3A_606 = vector.shape_cast %mul3A_601 : vector<16xf32> to vector<1x16xf32>
        tpu.vector_store %arg14[%swap3A_602, %swap3A_603], %swap3A_606 {strides = array<i32>} : memref<48x128xf32, #tpu.memory_space<vmem>>, vector<1x16xf32>,
        %get3A_607 = arith.index_cast %add3A_576 : i32 to index
        %get3A_608 = arith.constant 48 : index
        %get3A_609 = tpu.vector_load %arg14[%get3A_607, %get3A_608] {strides = array<i32>} : memref<48x128xf32, #tpu.memory_space<vmem>>, vector<1x16xf32>,
        %get3A_610 = vector.shape_cast %get3A_609 : vector<1x16xf32> to vector<16xf32>
        %mul3A_611 = arith.mulf %get3A_610, %gather3A_572 : vector<16xf32>
        %swap3A_612 = arith.index_cast %add3A_576 : i32 to index
        %swap3A_613 = arith.constant 48 : index
        %swap3A_614 = tpu.vector_load %arg14[%swap3A_612, %swap3A_613] {strides = array<i32>} : memref<48x128xf32, #tpu.memory_space<vmem>>, vector<1x16xf32>,
        %swap3A_615 = vector.shape_cast %swap3A_614 : vector<1x16xf32> to vector<16xf32>
        %swap3A_616 = vector.shape_cast %mul3A_611 : vector<16xf32> to vector<1x16xf32>
        tpu.vector_store %arg14[%swap3A_612, %swap3A_613], %swap3A_616 {strides = array<i32>} : memref<48x128xf32, #tpu.memory_space<vmem>>, vector<1x16xf32>,
        %get3A_617 = arith.index_cast %add3A_576 : i32 to index
        %get3A_618 = arith.constant 64 : index
        %get3A_619 = tpu.vector_load %arg14[%get3A_617, %get3A_618] {strides = array<i32>} : memref<48x128xf32, #tpu.memory_space<vmem>>, vector<1x16xf32>,
        %get3A_620 = vector.shape_cast %get3A_619 : vector<1x16xf32> to vector<16xf32>
        %mul3A_621 = arith.mulf %get3A_620, %gather3A_572 : vector<16xf32>
        %swap3A_622 = arith.index_cast %add3A_576 : i32 to index
        %swap3A_623 = arith.constant 64 : index
        %swap3A_624 = tpu.vector_load %arg14[%swap3A_622, %swap3A_623] {strides = array<i32>} : memref<48x128xf32, #tpu.memory_space<vmem>>, vector<1x16xf32>,
        %swap3A_625 = vector.shape_cast %swap3A_624 : vector<1x16xf32> to vector<16xf32>
        %swap3A_626 = vector.shape_cast %mul3A_621 : vector<16xf32> to vector<1x16xf32>
        tpu.vector_store %arg14[%swap3A_622, %swap3A_623], %swap3A_626 {strides = array<i32>} : memref<48x128xf32, #tpu.memory_space<vmem>>, vector<1x16xf32>,
        %get3A_627 = arith.index_cast %add3A_576 : i32 to index
        %get3A_628 = arith.constant 80 : index
        %get3A_629 = tpu.vector_load %arg14[%get3A_627, %get3A_628] {strides = array<i32>} : memref<48x128xf32, #tpu.memory_space<vmem>>, vector<1x16xf32>,
        %get3A_630 = vector.shape_cast %get3A_629 : vector<1x16xf32> to vector<16xf32>
        %mul3A_631 = arith.mulf %get3A_630, %gather3A_572 : vector<16xf32>
        %swap3A_632 = arith.index_cast %add3A_576 : i32 to index
        %swap3A_633 = arith.constant 80 : index
        %swap3A_634 = tpu.vector_load %arg14[%swap3A_632, %swap3A_633] {strides = array<i32>} : memref<48x128xf32, #tpu.memory_space<vmem>>, vector<1x16xf32>,
        %swap3A_635 = vector.shape_cast %swap3A_634 : vector<1x16xf32> to vector<16xf32>
        %swap3A_636 = vector.shape_cast %mul3A_631 : vector<16xf32> to vector<1x16xf32>
        tpu.vector_store %arg14[%swap3A_632, %swap3A_633], %swap3A_636 {strides = array<i32>} : memref<48x128xf32, #tpu.memory_space<vmem>>, vector<1x16xf32>,
        %get3A_637 = arith.index_cast %add3A_576 : i32 to index
        %get3A_638 = arith.constant 96 : index
        %get3A_639 = tpu.vector_load %arg14[%get3A_637, %get3A_638] {strides = array<i32>} : memref<48x128xf32, #tpu.memory_space<vmem>>, vector<1x16xf32>,
        %get3A_640 = vector.shape_cast %get3A_639 : vector<1x16xf32> to vector<16xf32>
        %mul3A_641 = arith.mulf %get3A_640, %gather3A_572 : vector<16xf32>
        %swap3A_642 = arith.index_cast %add3A_576 : i32 to index
        %swap3A_643 = arith.constant 96 : index
        %swap3A_644 = tpu.vector_load %arg14[%swap3A_642, %swap3A_643] {strides = array<i32>} : memref<48x128xf32, #tpu.memory_space<vmem>>, vector<1x16xf32>,
        %swap3A_645 = vector.shape_cast %swap3A_644 : vector<1x16xf32> to vector<16xf32>
        %swap3A_646 = vector.shape_cast %mul3A_641 : vector<16xf32> to vector<1x16xf32>
        tpu.vector_store %arg14[%swap3A_642, %swap3A_643], %swap3A_646 {strides = array<i32>} : memref<48x128xf32, #tpu.memory_space<vmem>>, vector<1x16xf32>,
        %get3A_647 = arith.index_cast %add3A_576 : i32 to index
        %get3A_648 = arith.constant 112 : index
        %get3A_649 = tpu.vector_load %arg14[%get3A_647, %get3A_648] {strides = array<i32>} : memref<48x128xf32, #tpu.memory_space<vmem>>, vector<1x16xf32>,
        %get3A_650 = vector.shape_cast %get3A_649 : vector<1x16xf32> to vector<16xf32>
        %mul3A_651 = arith.mulf %get3A_650, %gather3A_572 : vector<16xf32>
        %swap3A_652 = arith.index_cast %add3A_576 : i32 to index
        %swap3A_653 = arith.constant 112 : index
        %swap3A_654 = tpu.vector_load %arg14[%swap3A_652, %swap3A_653] {strides = array<i32>} : memref<48x128xf32, #tpu.memory_space<vmem>>, vector<1x16xf32>,
        %swap3A_655 = vector.shape_cast %swap3A_654 : vector<1x16xf32> to vector<16xf32>
        %swap3A_656 = vector.shape_cast %mul3A_651 : vector<16xf32> to vector<1x16xf32>
        tpu.vector_store %arg14[%swap3A_652, %swap3A_653], %swap3A_656 {strides = array<i32>} : memref<48x128xf32, #tpu.memory_space<vmem>>, vector<1x16xf32>,
        %broadcast_in_dim3A_657 = arith.constant 5 : i32
        %broadcast_in_dim3A_658 = vector.broadcast %broadcast_in_dim3A_657 : i32 to vector<16x1xi32>
        %gather3A_659 = vector.shape_cast %broadcast_in_dim3A_658 : vector<16x1xi32> to vector<16xi32>
        %gather3A_660 = tpu.dynamic_gather %get3A_218[%gather3A_659] in [0] : vector<16xf32>, vector<16xi32> -> vector<16xf32>
        %mul3A_661 = arith.constant 16 : i32
        %mul3A_662 = arith.muli %scan3A_212, %mul3A_661 : i32
        %add3A_663 = arith.constant 5 : i32
        %add3A_664 = arith.addi %mul3A_662, %add3A_663 : i32
        %get3A_665 = arith.index_cast %add3A_664 : i32 to index
        %get3A_666 = arith.constant 0 : index
        %get3A_667 = tpu.vector_load %arg14[%get3A_665, %get3A_666] {strides = array<i32>} : memref<48x128xf32, #tpu.memory_space<vmem>>, vector<1x16xf32>,
        %get3A_668 = vector.shape_cast %get3A_667 : vector<1x16xf32> to vector<16xf32>
        %mul3A_669 = arith.mulf %get3A_668, %gather3A_660 : vector<16xf32>
        %swap3A_670 = arith.index_cast %add3A_664 : i32 to index
        %swap3A_671 = arith.constant 0 : index
        %swap3A_672 = tpu.vector_load %arg14[%swap3A_670, %swap3A_671] {strides = array<i32>} : memref<48x128xf32, #tpu.memory_space<vmem>>, vector<1x16xf32>,
        %swap3A_673 = vector.shape_cast %swap3A_672 : vector<1x16xf32> to vector<16xf32>
        %swap3A_674 = vector.shape_cast %mul3A_669 : vector<16xf32> to vector<1x16xf32>
        tpu.vector_store %arg14[%swap3A_670, %swap3A_671], %swap3A_674 {strides = array<i32>} : memref<48x128xf32, #tpu.memory_space<vmem>>, vector<1x16xf32>,
        %get3A_675 = arith.index_cast %add3A_664 : i32 to index
        %get3A_676 = arith.constant 16 : index
        %get3A_677 = tpu.vector_load %arg14[%get3A_675, %get3A_676] {strides = array<i32>} : memref<48x128xf32, #tpu.memory_space<vmem>>, vector<1x16xf32>,
        %get3A_678 = vector.shape_cast %get3A_677 : vector<1x16xf32> to vector<16xf32>
        %mul3A_679 = arith.mulf %get3A_678, %gather3A_660 : vector<16xf32>
        %swap3A_680 = arith.index_cast %add3A_664 : i32 to index
        %swap3A_681 = arith.constant 16 : index
        %swap3A_682 = tpu.vector_load %arg14[%swap3A_680, %swap3A_681] {strides = array<i32>} : memref<48x128xf32, #tpu.memory_space<vmem>>, vector<1x16xf32>,
        %swap3A_683 = vector.shape_cast %swap3A_682 : vector<1x16xf32> to vector<16xf32>
        %swap3A_684 = vector.shape_cast %mul3A_679 : vector<16xf32> to vector<1x16xf32>
        tpu.vector_store %arg14[%swap3A_680, %swap3A_681], %swap3A_684 {strides = array<i32>} : memref<48x128xf32, #tpu.memory_space<vmem>>, vector<1x16xf32>,
        %get3A_685 = arith.index_cast %add3A_664 : i32 to index
        %get3A_686 = arith.constant 32 : index
        %get3A_687 = tpu.vector_load %arg14[%get3A_685, %get3A_686] {strides = array<i32>} : memref<48x128xf32, #tpu.memory_space<vmem>>, vector<1x16xf32>,
        %get3A_688 = vector.shape_cast %get3A_687 : vector<1x16xf32> to vector<16xf32>
        %mul3A_689 = arith.mulf %get3A_688, %gather3A_660 : vector<16xf32>
        %swap3A_690 = arith.index_cast %add3A_664 : i32 to index
        %swap3A_691 = arith.constant 32 : index
        %swap3A_692 = tpu.vector_load %arg14[%swap3A_690, %swap3A_691] {strides = array<i32>} : memref<48x128xf32, #tpu.memory_space<vmem>>, vector<1x16xf32>,
        %swap3A_693 = vector.shape_cast %swap3A_692 : vector<1x16xf32> to vector<16xf32>
        %swap3A_694 = vector.shape_cast %mul3A_689 : vector<16xf32> to vector<1x16xf32>
        tpu.vector_store %arg14[%swap3A_690, %swap3A_691], %swap3A_694 {strides = array<i32>} : memref<48x128xf32, #tpu.memory_space<vmem>>, vector<1x16xf32>,
        %get3A_695 = arith.index_cast %add3A_664 : i32 to index
        %get3A_696 = arith.constant 48 : index
        %get3A_697 = tpu.vector_load %arg14[%get3A_695, %get3A_696] {strides = array<i32>} : memref<48x128xf32, #tpu.memory_space<vmem>>, vector<1x16xf32>,
        %get3A_698 = vector.shape_cast %get3A_697 : vector<1x16xf32> to vector<16xf32>
        %mul3A_699 = arith.mulf %get3A_698, %gather3A_660 : vector<16xf32>
        %swap3A_700 = arith.index_cast %add3A_664 : i32 to index
        %swap3A_701 = arith.constant 48 : index
        %swap3A_702 = tpu.vector_load %arg14[%swap3A_700, %swap3A_701] {strides = array<i32>} : memref<48x128xf32, #tpu.memory_space<vmem>>, vector<1x16xf32>,
        %swap3A_703 = vector.shape_cast %swap3A_702 : vector<1x16xf32> to vector<16xf32>
        %swap3A_704 = vector.shape_cast %mul3A_699 : vector<16xf32> to vector<1x16xf32>
        tpu.vector_store %arg14[%swap3A_700, %swap3A_701], %swap3A_704 {strides = array<i32>} : memref<48x128xf32, #tpu.memory_space<vmem>>, vector<1x16xf32>,
        %get3A_705 = arith.index_cast %add3A_664 : i32 to index
        %get3A_706 = arith.constant 64 : index
        %get3A_707 = tpu.vector_load %arg14[%get3A_705, %get3A_706] {strides = array<i32>} : memref<48x128xf32, #tpu.memory_space<vmem>>, vector<1x16xf32>,
        %get3A_708 = vector.shape_cast %get3A_707 : vector<1x16xf32> to vector<16xf32>
        %mul3A_709 = arith.mulf %get3A_708, %gather3A_660 : vector<16xf32>
        %swap3A_710 = arith.index_cast %add3A_664 : i32 to index
        %swap3A_711 = arith.constant 64 : index
        %swap3A_712 = tpu.vector_load %arg14[%swap3A_710, %swap3A_711] {strides = array<i32>} : memref<48x128xf32, #tpu.memory_space<vmem>>, vector<1x16xf32>,
        %swap3A_713 = vector.shape_cast %swap3A_712 : vector<1x16xf32> to vector<16xf32>
        %swap3A_714 = vector.shape_cast %mul3A_709 : vector<16xf32> to vector<1x16xf32>
        tpu.vector_store %arg14[%swap3A_710, %swap3A_711], %swap3A_714 {strides = array<i32>} : memref<48x128xf32, #tpu.memory_space<vmem>>, vector<1x16xf32>,
        %get3A_715 = arith.index_cast %add3A_664 : i32 to index
        %get3A_716 = arith.constant 80 : index
        %get3A_717 = tpu.vector_load %arg14[%get3A_715, %get3A_716] {strides = array<i32>} : memref<48x128xf32, #tpu.memory_space<vmem>>, vector<1x16xf32>,
        %get3A_718 = vector.shape_cast %get3A_717 : vector<1x16xf32> to vector<16xf32>
        %mul3A_719 = arith.mulf %get3A_718, %gather3A_660 : vector<16xf32>
        %swap3A_720 = arith.index_cast %add3A_664 : i32 to index
        %swap3A_721 = arith.constant 80 : index
        %swap3A_722 = tpu.vector_load %arg14[%swap3A_720, %swap3A_721] {strides = array<i32>} : memref<48x128xf32, #tpu.memory_space<vmem>>, vector<1x16xf32>,
        %swap3A_723 = vector.shape_cast %swap3A_722 : vector<1x16xf32> to vector<16xf32>
        %swap3A_724 = vector.shape_cast %mul3A_719 : vector<16xf32> to vector<1x16xf32>
        tpu.vector_store %arg14[%swap3A_720, %swap3A_721], %swap3A_724 {strides = array<i32>} : memref<48x128xf32, #tpu.memory_space<vmem>>, vector<1x16xf32>,
        %get3A_725 = arith.index_cast %add3A_664 : i32 to index
        %get3A_726 = arith.constant 96 : index
        %get3A_727 = tpu.vector_load %arg14[%get3A_725, %get3A_726] {strides = array<i32>} : memref<48x128xf32, #tpu.memory_space<vmem>>, vector<1x16xf32>,
        %get3A_728 = vector.shape_cast %get3A_727 : vector<1x16xf32> to vector<16xf32>
        %mul3A_729 = arith.mulf %get3A_728, %gather3A_660 : vector<16xf32>
        %swap3A_730 = arith.index_cast %add3A_664 : i32 to index
        %swap3A_731 = arith.constant 96 : index
        %swap3A_732 = tpu.vector_load %arg14[%swap3A_730, %swap3A_731] {strides = array<i32>} : memref<48x128xf32, #tpu.memory_space<vmem>>, vector<1x16xf32>,
        %swap3A_733 = vector.shape_cast %swap3A_732 : vector<1x16xf32> to vector<16xf32>
        %swap3A_734 = vector.shape_cast %mul3A_729 : vector<16xf32> to vector<1x16xf32>
        tpu.vector_store %arg14[%swap3A_730, %swap3A_731], %swap3A_734 {strides = array<i32>} : memref<48x128xf32, #tpu.memory_space<vmem>>, vector<1x16xf32>,
        %get3A_735 = arith.index_cast %add3A_664 : i32 to index
        %get3A_736 = arith.constant 112 : index
        %get3A_737 = tpu.vector_load %arg14[%get3A_735, %get3A_736] {strides = array<i32>} : memref<48x128xf32, #tpu.memory_space<vmem>>, vector<1x16xf32>,
        %get3A_738 = vector.shape_cast %get3A_737 : vector<1x16xf32> to vector<16xf32>
        %mul3A_739 = arith.mulf %get3A_738, %gather3A_660 : vector<16xf32>
        %swap3A_740 = arith.index_cast %add3A_664 : i32 to index
        %swap3A_741 = arith.constant 112 : index
        %swap3A_742 = tpu.vector_load %arg14[%swap3A_740, %swap3A_741] {strides = array<i32>} : memref<48x128xf32, #tpu.memory_space<vmem>>, vector<1x16xf32>,
        %swap3A_743 = vector.shape_cast %swap3A_742 : vector<1x16xf32> to vector<16xf32>
        %swap3A_744 = vector.shape_cast %mul3A_739 : vector<16xf32> to vector<1x16xf32>
        tpu.vector_store %arg14[%swap3A_740, %swap3A_741], %swap3A_744 {strides = array<i32>} : memref<48x128xf32, #tpu.memory_space<vmem>>, vector<1x16xf32>,
        %broadcast_in_dim3A_745 = arith.constant 6 : i32
        %broadcast_in_dim3A_746 = vector.broadcast %broadcast_in_dim3A_745 : i32 to vector<16x1xi32>
        %gather3A_747 = vector.shape_cast %broadcast_in_dim3A_746 : vector<16x1xi32> to vector<16xi32>
        %gather3A_748 = tpu.dynamic_gather %get3A_218[%gather3A_747] in [0] : vector<16xf32>, vector<16xi32> -> vector<16xf32>
        %mul3A_749 = arith.constant 16 : i32
        %mul3A_750 = arith.muli %scan3A_212, %mul3A_749 : i32
        %add3A_751 = arith.constant 6 : i32
        %add3A_752 = arith.addi %mul3A_750, %add3A_751 : i32
        %get3A_753 = arith.index_cast %add3A_752 : i32 to index
        %get3A_754 = arith.constant 0 : index
        %get3A_755 = tpu.vector_load %arg14[%get3A_753, %get3A_754] {strides = array<i32>} : memref<48x128xf32, #tpu.memory_space<vmem>>, vector<1x16xf32>,
        %get3A_756 = vector.shape_cast %get3A_755 : vector<1x16xf32> to vector<16xf32>
        %mul3A_757 = arith.mulf %get3A_756, %gather3A_748 : vector<16xf32>
        %swap3A_758 = arith.index_cast %add3A_752 : i32 to index
        %swap3A_759 = arith.constant 0 : index
        %swap3A_760 = tpu.vector_load %arg14[%swap3A_758, %swap3A_759] {strides = array<i32>} : memref<48x128xf32, #tpu.memory_space<vmem>>, vector<1x16xf32>,
        %swap3A_761 = vector.shape_cast %swap3A_760 : vector<1x16xf32> to vector<16xf32>
        %swap3A_762 = vector.shape_cast %mul3A_757 : vector<16xf32> to vector<1x16xf32>
        tpu.vector_store %arg14[%swap3A_758, %swap3A_759], %swap3A_762 {strides = array<i32>} : memref<48x128xf32, #tpu.memory_space<vmem>>, vector<1x16xf32>,
        %get3A_763 = arith.index_cast %add3A_752 : i32 to index
        %get3A_764 = arith.constant 16 : index
        %get3A_765 = tpu.vector_load %arg14[%get3A_763, %get3A_764] {strides = array<i32>} : memref<48x128xf32, #tpu.memory_space<vmem>>, vector<1x16xf32>,
        %get3A_766 = vector.shape_cast %get3A_765 : vector<1x16xf32> to vector<16xf32>
        %mul3A_767 = arith.mulf %get3A_766, %gather3A_748 : vector<16xf32>
        %swap3A_768 = arith.index_cast %add3A_752 : i32 to index
        %swap3A_769 = arith.constant 16 : index
        %swap3A_770 = tpu.vector_load %arg14[%swap3A_768, %swap3A_769] {strides = array<i32>} : memref<48x128xf32, #tpu.memory_space<vmem>>, vector<1x16xf32>,
        %swap3A_771 = vector.shape_cast %swap3A_770 : vector<1x16xf32> to vector<16xf32>
        %swap3A_772 = vector.shape_cast %mul3A_767 : vector<16xf32> to vector<1x16xf32>
        tpu.vector_store %arg14[%swap3A_768, %swap3A_769], %swap3A_772 {strides = array<i32>} : memref<48x128xf32, #tpu.memory_space<vmem>>, vector<1x16xf32>,
        %get3A_773 = arith.index_cast %add3A_752 : i32 to index
        %get3A_774 = arith.constant 32 : index
        %get3A_775 = tpu.vector_load %arg14[%get3A_773, %get3A_774] {strides = array<i32>} : memref<48x128xf32, #tpu.memory_space<vmem>>, vector<1x16xf32>,
        %get3A_776 = vector.shape_cast %get3A_775 : vector<1x16xf32> to vector<16xf32>
        %mul3A_777 = arith.mulf %get3A_776, %gather3A_748 : vector<16xf32>
        %swap3A_778 = arith.index_cast %add3A_752 : i32 to index
        %swap3A_779 = arith.constant 32 : index
        %swap3A_780 = tpu.vector_load %arg14[%swap3A_778, %swap3A_779] {strides = array<i32>} : memref<48x128xf32, #tpu.memory_space<vmem>>, vector<1x16xf32>,
        %swap3A_781 = vector.shape_cast %swap3A_780 : vector<1x16xf32> to vector<16xf32>
        %swap3A_782 = vector.shape_cast %mul3A_777 : vector<16xf32> to vector<1x16xf32>
        tpu.vector_store %arg14[%swap3A_778, %swap3A_779], %swap3A_782 {strides = array<i32>} : memref<48x128xf32, #tpu.memory_space<vmem>>, vector<1x16xf32>,
        %get3A_783 = arith.index_cast %add3A_752 : i32 to index
        %get3A_784 = arith.constant 48 : index
        %get3A_785 = tpu.vector_load %arg14[%get3A_783, %get3A_784] {strides = array<i32>} : memref<48x128xf32, #tpu.memory_space<vmem>>, vector<1x16xf32>,
        %get3A_786 = vector.shape_cast %get3A_785 : vector<1x16xf32> to vector<16xf32>
        %mul3A_787 = arith.mulf %get3A_786, %gather3A_748 : vector<16xf32>
        %swap3A_788 = arith.index_cast %add3A_752 : i32 to index
        %swap3A_789 = arith.constant 48 : index
        %swap3A_790 = tpu.vector_load %arg14[%swap3A_788, %swap3A_789] {strides = array<i32>} : memref<48x128xf32, #tpu.memory_space<vmem>>, vector<1x16xf32>,
        %swap3A_791 = vector.shape_cast %swap3A_790 : vector<1x16xf32> to vector<16xf32>
        %swap3A_792 = vector.shape_cast %mul3A_787 : vector<16xf32> to vector<1x16xf32>
        tpu.vector_store %arg14[%swap3A_788, %swap3A_789], %swap3A_792 {strides = array<i32>} : memref<48x128xf32, #tpu.memory_space<vmem>>, vector<1x16xf32>,
        %get3A_793 = arith.index_cast %add3A_752 : i32 to index
        %get3A_794 = arith.constant 64 : index
        %get3A_795 = tpu.vector_load %arg14[%get3A_793, %get3A_794] {strides = array<i32>} : memref<48x128xf32, #tpu.memory_space<vmem>>, vector<1x16xf32>,
        %get3A_796 = vector.shape_cast %get3A_795 : vector<1x16xf32> to vector<16xf32>
        %mul3A_797 = arith.mulf %get3A_796, %gather3A_748 : vector<16xf32>
        %swap3A_798 = arith.index_cast %add3A_752 : i32 to index
        %swap3A_799 = arith.constant 64 : index
        %swap3A_800 = tpu.vector_load %arg14[%swap3A_798, %swap3A_799] {strides = array<i32>} : memref<48x128xf32, #tpu.memory_space<vmem>>, vector<1x16xf32>,
        %swap3A_801 = vector.shape_cast %swap3A_800 : vector<1x16xf32> to vector<16xf32>
        %swap3A_802 = vector.shape_cast %mul3A_797 : vector<16xf32> to vector<1x16xf32>
        tpu.vector_store %arg14[%swap3A_798, %swap3A_799], %swap3A_802 {strides = array<i32>} : memref<48x128xf32, #tpu.memory_space<vmem>>, vector<1x16xf32>,
        %get3A_803 = arith.index_cast %add3A_752 : i32 to index
        %get3A_804 = arith.constant 80 : index
        %get3A_805 = tpu.vector_load %arg14[%get3A_803, %get3A_804] {strides = array<i32>} : memref<48x128xf32, #tpu.memory_space<vmem>>, vector<1x16xf32>,
        %get3A_806 = vector.shape_cast %get3A_805 : vector<1x16xf32> to vector<16xf32>
        %mul3A_807 = arith.mulf %get3A_806, %gather3A_748 : vector<16xf32>
        %swap3A_808 = arith.index_cast %add3A_752 : i32 to index
        %swap3A_809 = arith.constant 80 : index
        %swap3A_810 = tpu.vector_load %arg14[%swap3A_808, %swap3A_809] {strides = array<i32>} : memref<48x128xf32, #tpu.memory_space<vmem>>, vector<1x16xf32>,
        %swap3A_811 = vector.shape_cast %swap3A_810 : vector<1x16xf32> to vector<16xf32>
        %swap3A_812 = vector.shape_cast %mul3A_807 : vector<16xf32> to vector<1x16xf32>
        tpu.vector_store %arg14[%swap3A_808, %swap3A_809], %swap3A_812 {strides = array<i32>} : memref<48x128xf32, #tpu.memory_space<vmem>>, vector<1x16xf32>,
        %get3A_813 = arith.index_cast %add3A_752 : i32 to index
        %get3A_814 = arith.constant 96 : index
        %get3A_815 = tpu.vector_load %arg14[%get3A_813, %get3A_814] {strides = array<i32>} : memref<48x128xf32, #tpu.memory_space<vmem>>, vector<1x16xf32>,
        %get3A_816 = vector.shape_cast %get3A_815 : vector<1x16xf32> to vector<16xf32>
        %mul3A_817 = arith.mulf %get3A_816, %gather3A_748 : vector<16xf32>
        %swap3A_818 = arith.index_cast %add3A_752 : i32 to index
        %swap3A_819 = arith.constant 96 : index
        %swap3A_820 = tpu.vector_load %arg14[%swap3A_818, %swap3A_819] {strides = array<i32>} : memref<48x128xf32, #tpu.memory_space<vmem>>, vector<1x16xf32>,
        %swap3A_821 = vector.shape_cast %swap3A_820 : vector<1x16xf32> to vector<16xf32>
        %swap3A_822 = vector.shape_cast %mul3A_817 : vector<16xf32> to vector<1x16xf32>
        tpu.vector_store %arg14[%swap3A_818, %swap3A_819], %swap3A_822 {strides = array<i32>} : memref<48x128xf32, #tpu.memory_space<vmem>>, vector<1x16xf32>,
        %get3A_823 = arith.index_cast %add3A_752 : i32 to index
        %get3A_824 = arith.constant 112 : index
        %get3A_825 = tpu.vector_load %arg14[%get3A_823, %get3A_824] {strides = array<i32>} : memref<48x128xf32, #tpu.memory_space<vmem>>, vector<1x16xf32>,
        %get3A_826 = vector.shape_cast %get3A_825 : vector<1x16xf32> to vector<16xf32>
        %mul3A_827 = arith.mulf %get3A_826, %gather3A_748 : vector<16xf32>
        %swap3A_828 = arith.index_cast %add3A_752 : i32 to index
        %swap3A_829 = arith.constant 112 : index
        %swap3A_830 = tpu.vector_load %arg14[%swap3A_828, %swap3A_829] {strides = array<i32>} : memref<48x128xf32, #tpu.memory_space<vmem>>, vector<1x16xf32>,
        %swap3A_831 = vector.shape_cast %swap3A_830 : vector<1x16xf32> to vector<16xf32>
        %swap3A_832 = vector.shape_cast %mul3A_827 : vector<16xf32> to vector<1x16xf32>
        tpu.vector_store %arg14[%swap3A_828, %swap3A_829], %swap3A_832 {strides = array<i32>} : memref<48x128xf32, #tpu.memory_space<vmem>>, vector<1x16xf32>,
        %broadcast_in_dim3A_833 = arith.constant 7 : i32
        %broadcast_in_dim3A_834 = vector.broadcast %broadcast_in_dim3A_833 : i32 to vector<16x1xi32>
        %gather3A_835 = vector.shape_cast %broadcast_in_dim3A_834 : vector<16x1xi32> to vector<16xi32>
        %gather3A_836 = tpu.dynamic_gather %get3A_218[%gather3A_835] in [0] : vector<16xf32>, vector<16xi32> -> vector<16xf32>
        %mul3A_837 = arith.constant 16 : i32
        %mul3A_838 = arith.muli %scan3A_212, %mul3A_837 : i32
        %add3A_839 = arith.constant 7 : i32
        %add3A_840 = arith.addi %mul3A_838, %add3A_839 : i32
        %get3A_841 = arith.index_cast %add3A_840 : i32 to index
        %get3A_842 = arith.constant 0 : index
        %get3A_843 = tpu.vector_load %arg14[%get3A_841, %get3A_842] {strides = array<i32>} : memref<48x128xf32, #tpu.memory_space<vmem>>, vector<1x16xf32>,
        %get3A_844 = vector.shape_cast %get3A_843 : vector<1x16xf32> to vector<16xf32>
        %mul3A_845 = arith.mulf %get3A_844, %gather3A_836 : vector<16xf32>
        %swap3A_846 = arith.index_cast %add3A_840 : i32 to index
        %swap3A_847 = arith.constant 0 : index
        %swap3A_848 = tpu.vector_load %arg14[%swap3A_846, %swap3A_847] {strides = array<i32>} : memref<48x128xf32, #tpu.memory_space<vmem>>, vector<1x16xf32>,
        %swap3A_849 = vector.shape_cast %swap3A_848 : vector<1x16xf32> to vector<16xf32>
        %swap3A_850 = vector.shape_cast %mul3A_845 : vector<16xf32> to vector<1x16xf32>
        tpu.vector_store %arg14[%swap3A_846, %swap3A_847], %swap3A_850 {strides = array<i32>} : memref<48x128xf32, #tpu.memory_space<vmem>>, vector<1x16xf32>,
        %get3A_851 = arith.index_cast %add3A_840 : i32 to index
        %get3A_852 = arith.constant 16 : index
        %get3A_853 = tpu.vector_load %arg14[%get3A_851, %get3A_852] {strides = array<i32>} : memref<48x128xf32, #tpu.memory_space<vmem>>, vector<1x16xf32>,
        %get3A_854 = vector.shape_cast %get3A_853 : vector<1x16xf32> to vector<16xf32>
        %mul3A_855 = arith.mulf %get3A_854, %gather3A_836 : vector<16xf32>
        %swap3A_856 = arith.index_cast %add3A_840 : i32 to index
        %swap3A_857 = arith.constant 16 : index
        %swap3A_858 = tpu.vector_load %arg14[%swap3A_856, %swap3A_857] {strides = array<i32>} : memref<48x128xf32, #tpu.memory_space<vmem>>, vector<1x16xf32>,
        %swap3A_859 = vector.shape_cast %swap3A_858 : vector<1x16xf32> to vector<16xf32>
        %swap3A_860 = vector.shape_cast %mul3A_855 : vector<16xf32> to vector<1x16xf32>
        tpu.vector_store %arg14[%swap3A_856, %swap3A_857], %swap3A_860 {strides = array<i32>} : memref<48x128xf32, #tpu.memory_space<vmem>>, vector<1x16xf32>,
        %get3A_861 = arith.index_cast %add3A_840 : i32 to index
        %get3A_862 = arith.constant 32 : index
        %get3A_863 = tpu.vector_load %arg14[%get3A_861, %get3A_862] {strides = array<i32>} : memref<48x128xf32, #tpu.memory_space<vmem>>, vector<1x16xf32>,
        %get3A_864 = vector.shape_cast %get3A_863 : vector<1x16xf32> to vector<16xf32>
        %mul3A_865 = arith.mulf %get3A_864, %gather3A_836 : vector<16xf32>
        %swap3A_866 = arith.index_cast %add3A_840 : i32 to index
        %swap3A_867 = arith.constant 32 : index
        %swap3A_868 = tpu.vector_load %arg14[%swap3A_866, %swap3A_867] {strides = array<i32>} : memref<48x128xf32, #tpu.memory_space<vmem>>, vector<1x16xf32>,
        %swap3A_869 = vector.shape_cast %swap3A_868 : vector<1x16xf32> to vector<16xf32>
        %swap3A_870 = vector.shape_cast %mul3A_865 : vector<16xf32> to vector<1x16xf32>
        tpu.vector_store %arg14[%swap3A_866, %swap3A_867], %swap3A_870 {strides = array<i32>} : memref<48x128xf32, #tpu.memory_space<vmem>>, vector<1x16xf32>,
        %get3A_871 = arith.index_cast %add3A_840 : i32 to index
        %get3A_872 = arith.constant 48 : index
        %get3A_873 = tpu.vector_load %arg14[%get3A_871, %get3A_872] {strides = array<i32>} : memref<48x128xf32, #tpu.memory_space<vmem>>, vector<1x16xf32>,
        %get3A_874 = vector.shape_cast %get3A_873 : vector<1x16xf32> to vector<16xf32>
        %mul3A_875 = arith.mulf %get3A_874, %gather3A_836 : vector<16xf32>
        %swap3A_876 = arith.index_cast %add3A_840 : i32 to index
        %swap3A_877 = arith.constant 48 : index
        %swap3A_878 = tpu.vector_load %arg14[%swap3A_876, %swap3A_877] {strides = array<i32>} : memref<48x128xf32, #tpu.memory_space<vmem>>, vector<1x16xf32>,
        %swap3A_879 = vector.shape_cast %swap3A_878 : vector<1x16xf32> to vector<16xf32>
        %swap3A_880 = vector.shape_cast %mul3A_875 : vector<16xf32> to vector<1x16xf32>
        tpu.vector_store %arg14[%swap3A_876, %swap3A_877], %swap3A_880 {strides = array<i32>} : memref<48x128xf32, #tpu.memory_space<vmem>>, vector<1x16xf32>,
        %get3A_881 = arith.index_cast %add3A_840 : i32 to index
        %get3A_882 = arith.constant 64 : index
        %get3A_883 = tpu.vector_load %arg14[%get3A_881, %get3A_882] {strides = array<i32>} : memref<48x128xf32, #tpu.memory_space<vmem>>, vector<1x16xf32>,
        %get3A_884 = vector.shape_cast %get3A_883 : vector<1x16xf32> to vector<16xf32>
        %mul3A_885 = arith.mulf %get3A_884, %gather3A_836 : vector<16xf32>
        %swap3A_886 = arith.index_cast %add3A_840 : i32 to index
        %swap3A_887 = arith.constant 64 : index
        %swap3A_888 = tpu.vector_load %arg14[%swap3A_886, %swap3A_887] {strides = array<i32>} : memref<48x128xf32, #tpu.memory_space<vmem>>, vector<1x16xf32>,
        %swap3A_889 = vector.shape_cast %swap3A_888 : vector<1x16xf32> to vector<16xf32>
        %swap3A_890 = vector.shape_cast %mul3A_885 : vector<16xf32> to vector<1x16xf32>
        tpu.vector_store %arg14[%swap3A_886, %swap3A_887], %swap3A_890 {strides = array<i32>} : memref<48x128xf32, #tpu.memory_space<vmem>>, vector<1x16xf32>,
        %get3A_891 = arith.index_cast %add3A_840 : i32 to index
        %get3A_892 = arith.constant 80 : index
        %get3A_893 = tpu.vector_load %arg14[%get3A_891, %get3A_892] {strides = array<i32>} : memref<48x128xf32, #tpu.memory_space<vmem>>, vector<1x16xf32>,
        %get3A_894 = vector.shape_cast %get3A_893 : vector<1x16xf32> to vector<16xf32>
        %mul3A_895 = arith.mulf %get3A_894, %gather3A_836 : vector<16xf32>
        %swap3A_896 = arith.index_cast %add3A_840 : i32 to index
        %swap3A_897 = arith.constant 80 : index
        %swap3A_898 = tpu.vector_load %arg14[%swap3A_896, %swap3A_897] {strides = array<i32>} : memref<48x128xf32, #tpu.memory_space<vmem>>, vector<1x16xf32>,
        %swap3A_899 = vector.shape_cast %swap3A_898 : vector<1x16xf32> to vector<16xf32>
        %swap3A_900 = vector.shape_cast %mul3A_895 : vector<16xf32> to vector<1x16xf32>
        tpu.vector_store %arg14[%swap3A_896, %swap3A_897], %swap3A_900 {strides = array<i32>} : memref<48x128xf32, #tpu.memory_space<vmem>>, vector<1x16xf32>,
        %get3A_901 = arith.index_cast %add3A_840 : i32 to index
        %get3A_902 = arith.constant 96 : index
        %get3A_903 = tpu.vector_load %arg14[%get3A_901, %get3A_902] {strides = array<i32>} : memref<48x128xf32, #tpu.memory_space<vmem>>, vector<1x16xf32>,
        %get3A_904 = vector.shape_cast %get3A_903 : vector<1x16xf32> to vector<16xf32>
        %mul3A_905 = arith.mulf %get3A_904, %gather3A_836 : vector<16xf32>
        %swap3A_906 = arith.index_cast %add3A_840 : i32 to index
        %swap3A_907 = arith.constant 96 : index
        %swap3A_908 = tpu.vector_load %arg14[%swap3A_906, %swap3A_907] {strides = array<i32>} : memref<48x128xf32, #tpu.memory_space<vmem>>, vector<1x16xf32>,
        %swap3A_909 = vector.shape_cast %swap3A_908 : vector<1x16xf32> to vector<16xf32>
        %swap3A_910 = vector.shape_cast %mul3A_905 : vector<16xf32> to vector<1x16xf32>
        tpu.vector_store %arg14[%swap3A_906, %swap3A_907], %swap3A_910 {strides = array<i32>} : memref<48x128xf32, #tpu.memory_space<vmem>>, vector<1x16xf32>,
        %get3A_911 = arith.index_cast %add3A_840 : i32 to index
        %get3A_912 = arith.constant 112 : index
        %get3A_913 = tpu.vector_load %arg14[%get3A_911, %get3A_912] {strides = array<i32>} : memref<48x128xf32, #tpu.memory_space<vmem>>, vector<1x16xf32>,
        %get3A_914 = vector.shape_cast %get3A_913 : vector<1x16xf32> to vector<16xf32>
        %mul3A_915 = arith.mulf %get3A_914, %gather3A_836 : vector<16xf32>
        %swap3A_916 = arith.index_cast %add3A_840 : i32 to index
        %swap3A_917 = arith.constant 112 : index
        %swap3A_918 = tpu.vector_load %arg14[%swap3A_916, %swap3A_917] {strides = array<i32>} : memref<48x128xf32, #tpu.memory_space<vmem>>, vector<1x16xf32>,
        %swap3A_919 = vector.shape_cast %swap3A_918 : vector<1x16xf32> to vector<16xf32>
        %swap3A_920 = vector.shape_cast %mul3A_915 : vector<16xf32> to vector<1x16xf32>
        tpu.vector_store %arg14[%swap3A_916, %swap3A_917], %swap3A_920 {strides = array<i32>} : memref<48x128xf32, #tpu.memory_space<vmem>>, vector<1x16xf32>,
        %broadcast_in_dim3A_921 = arith.constant 8 : i32
        %broadcast_in_dim3A_922 = vector.broadcast %broadcast_in_dim3A_921 : i32 to vector<16x1xi32>
        %gather3A_923 = vector.shape_cast %broadcast_in_dim3A_922 : vector<16x1xi32> to vector<16xi32>
        %gather3A_924 = tpu.dynamic_gather %get3A_218[%gather3A_923] in [0] : vector<16xf32>, vector<16xi32> -> vector<16xf32>
        %mul3A_925 = arith.constant 16 : i32
        %mul3A_926 = arith.muli %scan3A_212, %mul3A_925 : i32
        %add3A_927 = arith.constant 8 : i32
        %add3A_928 = arith.addi %mul3A_926, %add3A_927 : i32
        %get3A_929 = arith.index_cast %add3A_928 : i32 to index
        %get3A_930 = arith.constant 0 : index
        %get3A_931 = tpu.vector_load %arg14[%get3A_929, %get3A_930] {strides = array<i32>} : memref<48x128xf32, #tpu.memory_space<vmem>>, vector<1x16xf32>,
        %get3A_932 = vector.shape_cast %get3A_931 : vector<1x16xf32> to vector<16xf32>
        %mul3A_933 = arith.mulf %get3A_932, %gather3A_924 : vector<16xf32>
        %swap3A_934 = arith.index_cast %add3A_928 : i32 to index
        %swap3A_935 = arith.constant 0 : index
        %swap3A_936 = tpu.vector_load %arg14[%swap3A_934, %swap3A_935] {strides = array<i32>} : memref<48x128xf32, #tpu.memory_space<vmem>>, vector<1x16xf32>,
        %swap3A_937 = vector.shape_cast %swap3A_936 : vector<1x16xf32> to vector<16xf32>
        %swap3A_938 = vector.shape_cast %mul3A_933 : vector<16xf32> to vector<1x16xf32>
        tpu.vector_store %arg14[%swap3A_934, %swap3A_935], %swap3A_938 {strides = array<i32>} : memref<48x128xf32, #tpu.memory_space<vmem>>, vector<1x16xf32>,
        %get3A_939 = arith.index_cast %add3A_928 : i32 to index
        %get3A_940 = arith.constant 16 : index
        %get3A_941 = tpu.vector_load %arg14[%get3A_939, %get3A_940] {strides = array<i32>} : memref<48x128xf32, #tpu.memory_space<vmem>>, vector<1x16xf32>,
        %get3A_942 = vector.shape_cast %get3A_941 : vector<1x16xf32> to vector<16xf32>
        %mul3A_943 = arith.mulf %get3A_942, %gather3A_924 : vector<16xf32>
        %swap3A_944 = arith.index_cast %add3A_928 : i32 to index
        %swap3A_945 = arith.constant 16 : index
        %swap3A_946 = tpu.vector_load %arg14[%swap3A_944, %swap3A_945] {strides = array<i32>} : memref<48x128xf32, #tpu.memory_space<vmem>>, vector<1x16xf32>,
        %swap3A_947 = vector.shape_cast %swap3A_946 : vector<1x16xf32> to vector<16xf32>
        %swap3A_948 = vector.shape_cast %mul3A_943 : vector<16xf32> to vector<1x16xf32>
        tpu.vector_store %arg14[%swap3A_944, %swap3A_945], %swap3A_948 {strides = array<i32>} : memref<48x128xf32, #tpu.memory_space<vmem>>, vector<1x16xf32>,
        %get3A_949 = arith.index_cast %add3A_928 : i32 to index
        %get3A_950 = arith.constant 32 : index
        %get3A_951 = tpu.vector_load %arg14[%get3A_949, %get3A_950] {strides = array<i32>} : memref<48x128xf32, #tpu.memory_space<vmem>>, vector<1x16xf32>,
        %get3A_952 = vector.shape_cast %get3A_951 : vector<1x16xf32> to vector<16xf32>
        %mul3A_953 = arith.mulf %get3A_952, %gather3A_924 : vector<16xf32>
        %swap3A_954 = arith.index_cast %add3A_928 : i32 to index
        %swap3A_955 = arith.constant 32 : index
        %swap3A_956 = tpu.vector_load %arg14[%swap3A_954, %swap3A_955] {strides = array<i32>} : memref<48x128xf32, #tpu.memory_space<vmem>>, vector<1x16xf32>,
        %swap3A_957 = vector.shape_cast %swap3A_956 : vector<1x16xf32> to vector<16xf32>
        %swap3A_958 = vector.shape_cast %mul3A_953 : vector<16xf32> to vector<1x16xf32>
        tpu.vector_store %arg14[%swap3A_954, %swap3A_955], %swap3A_958 {strides = array<i32>} : memref<48x128xf32, #tpu.memory_space<vmem>>, vector<1x16xf32>,
        %get3A_959 = arith.index_cast %add3A_928 : i32 to index
        %get3A_960 = arith.constant 48 : index
        %get3A_961 = tpu.vector_load %arg14[%get3A_959, %get3A_960] {strides = array<i32>} : memref<48x128xf32, #tpu.memory_space<vmem>>, vector<1x16xf32>,
        %get3A_962 = vector.shape_cast %get3A_961 : vector<1x16xf32> to vector<16xf32>
        %mul3A_963 = arith.mulf %get3A_962, %gather3A_924 : vector<16xf32>
        %swap3A_964 = arith.index_cast %add3A_928 : i32 to index
        %swap3A_965 = arith.constant 48 : index
        %swap3A_966 = tpu.vector_load %arg14[%swap3A_964, %swap3A_965] {strides = array<i32>} : memref<48x128xf32, #tpu.memory_space<vmem>>, vector<1x16xf32>,
        %swap3A_967 = vector.shape_cast %swap3A_966 : vector<1x16xf32> to vector<16xf32>
        %swap3A_968 = vector.shape_cast %mul3A_963 : vector<16xf32> to vector<1x16xf32>
        tpu.vector_store %arg14[%swap3A_964, %swap3A_965], %swap3A_968 {strides = array<i32>} : memref<48x128xf32, #tpu.memory_space<vmem>>, vector<1x16xf32>,
        %get3A_969 = arith.index_cast %add3A_928 : i32 to index
        %get3A_970 = arith.constant 64 : index
        %get3A_971 = tpu.vector_load %arg14[%get3A_969, %get3A_970] {strides = array<i32>} : memref<48x128xf32, #tpu.memory_space<vmem>>, vector<1x16xf32>,
        %get3A_972 = vector.shape_cast %get3A_971 : vector<1x16xf32> to vector<16xf32>
        %mul3A_973 = arith.mulf %get3A_972, %gather3A_924 : vector<16xf32>
        %swap3A_974 = arith.index_cast %add3A_928 : i32 to index
        %swap3A_975 = arith.constant 64 : index
        %swap3A_976 = tpu.vector_load %arg14[%swap3A_974, %swap3A_975] {strides = array<i32>} : memref<48x128xf32, #tpu.memory_space<vmem>>, vector<1x16xf32>,
        %swap3A_977 = vector.shape_cast %swap3A_976 : vector<1x16xf32> to vector<16xf32>
        %swap3A_978 = vector.shape_cast %mul3A_973 : vector<16xf32> to vector<1x16xf32>
        tpu.vector_store %arg14[%swap3A_974, %swap3A_975], %swap3A_978 {strides = array<i32>} : memref<48x128xf32, #tpu.memory_space<vmem>>, vector<1x16xf32>,
        %get3A_979 = arith.index_cast %add3A_928 : i32 to index
        %get3A_980 = arith.constant 80 : index
        %get3A_981 = tpu.vector_load %arg14[%get3A_979, %get3A_980] {strides = array<i32>} : memref<48x128xf32, #tpu.memory_space<vmem>>, vector<1x16xf32>,
        %get3A_982 = vector.shape_cast %get3A_981 : vector<1x16xf32> to vector<16xf32>
        %mul3A_983 = arith.mulf %get3A_982, %gather3A_924 : vector<16xf32>
        %swap3A_984 = arith.index_cast %add3A_928 : i32 to index
        %swap3A_985 = arith.constant 80 : index
        %swap3A_986 = tpu.vector_load %arg14[%swap3A_984, %swap3A_985] {strides = array<i32>} : memref<48x128xf32, #tpu.memory_space<vmem>>, vector<1x16xf32>,
        %swap3A_987 = vector.shape_cast %swap3A_986 : vector<1x16xf32> to vector<16xf32>
        %swap3A_988 = vector.shape_cast %mul3A_983 : vector<16xf32> to vector<1x16xf32>
        tpu.vector_store %arg14[%swap3A_984, %swap3A_985], %swap3A_988 {strides = array<i32>} : memref<48x128xf32, #tpu.memory_space<vmem>>, vector<1x16xf32>,
        %get3A_989 = arith.index_cast %add3A_928 : i32 to index
        %get3A_990 = arith.constant 96 : index
        %get3A_991 = tpu.vector_load %arg14[%get3A_989, %get3A_990] {strides = array<i32>} : memref<48x128xf32, #tpu.memory_space<vmem>>, vector<1x16xf32>,
        %get3A_992 = vector.shape_cast %get3A_991 : vector<1x16xf32> to vector<16xf32>
        %mul3A_993 = arith.mulf %get3A_992, %gather3A_924 : vector<16xf32>
        %swap3A_994 = arith.index_cast %add3A_928 : i32 to index
        %swap3A_995 = arith.constant 96 : index
        %swap3A_996 = tpu.vector_load %arg14[%swap3A_994, %swap3A_995] {strides = array<i32>} : memref<48x128xf32, #tpu.memory_space<vmem>>, vector<1x16xf32>,
        %swap3A_997 = vector.shape_cast %swap3A_996 : vector<1x16xf32> to vector<16xf32>
        %swap3A_998 = vector.shape_cast %mul3A_993 : vector<16xf32> to vector<1x16xf32>
        tpu.vector_store %arg14[%swap3A_994, %swap3A_995], %swap3A_998 {strides = array<i32>} : memref<48x128xf32, #tpu.memory_space<vmem>>, vector<1x16xf32>,
        %get3A_999 = arith.index_cast %add3A_928 : i32 to index
        %get3A_1000 = arith.constant 112 : index
        %get3A_1001 = tpu.vector_load %arg14[%get3A_999, %get3A_1000] {strides = array<i32>} : memref<48x128xf32, #tpu.memory_space<vmem>>, vector<1x16xf32>,
        %get3A_1002 = vector.shape_cast %get3A_1001 : vector<1x16xf32> to vector<16xf32>
        %mul3A_1003 = arith.mulf %get3A_1002, %gather3A_924 : vector<16xf32>
        %swap3A_1004 = arith.index_cast %add3A_928 : i32 to index
        %swap3A_1005 = arith.constant 112 : index
        %swap3A_1006 = tpu.vector_load %arg14[%swap3A_1004, %swap3A_1005] {strides = array<i32>} : memref<48x128xf32, #tpu.memory_space<vmem>>, vector<1x16xf32>,
        %swap3A_1007 = vector.shape_cast %swap3A_1006 : vector<1x16xf32> to vector<16xf32>
        %swap3A_1008 = vector.shape_cast %mul3A_1003 : vector<16xf32> to vector<1x16xf32>
        tpu.vector_store %arg14[%swap3A_1004, %swap3A_1005], %swap3A_1008 {strides = array<i32>} : memref<48x128xf32, #tpu.memory_space<vmem>>, vector<1x16xf32>,
        %broadcast_in_dim3A_1009 = arith.constant 9 : i32
        %broadcast_in_dim3A_1010 = vector.broadcast %broadcast_in_dim3A_1009 : i32 to vector<16x1xi32>
        %gather3A_1011 = vector.shape_cast %broadcast_in_dim3A_1010 : vector<16x1xi32> to vector<16xi32>
        %gather3A_1012 = tpu.dynamic_gather %get3A_218[%gather3A_1011] in [0] : vector<16xf32>, vector<16xi32> -> vector<16xf32>
        %mul3A_1013 = arith.constant 16 : i32
        %mul3A_1014 = arith.muli %scan3A_212, %mul3A_1013 : i32
        %add3A_1015 = arith.constant 9 : i32
        %add3A_1016 = arith.addi %mul3A_1014, %add3A_1015 : i32
        %get3A_1017 = arith.index_cast %add3A_1016 : i32 to index
        %get3A_1018 = arith.constant 0 : index
        %get3A_1019 = tpu.vector_load %arg14[%get3A_1017, %get3A_1018] {strides = array<i32>} : memref<48x128xf32, #tpu.memory_space<vmem>>, vector<1x16xf32>,
        %get3A_1020 = vector.shape_cast %get3A_1019 : vector<1x16xf32> to vector<16xf32>
        %mul3A_1021 = arith.mulf %get3A_1020, %gather3A_1012 : vector<16xf32>
        %swap3A_1022 = arith.index_cast %add3A_1016 : i32 to index
        %swap3A_1023 = arith.constant 0 : index
        %swap3A_1024 = tpu.vector_load %arg14[%swap3A_1022, %swap3A_1023] {strides = array<i32>} : memref<48x128xf32, #tpu.memory_space<vmem>>, vector<1x16xf32>,
        %swap3A_1025 = vector.shape_cast %swap3A_1024 : vector<1x16xf32> to vector<16xf32>
        %swap3A_1026 = vector.shape_cast %mul3A_1021 : vector<16xf32> to vector<1x16xf32>
        tpu.vector_store %arg14[%swap3A_1022, %swap3A_1023], %swap3A_1026 {strides = array<i32>} : memref<48x128xf32, #tpu.memory_space<vmem>>, vector<1x16xf32>,
        %get3A_1027 = arith.index_cast %add3A_1016 : i32 to index
        %get3A_1028 = arith.constant 16 : index
        %get3A_1029 = tpu.vector_load %arg14[%get3A_1027, %get3A_1028] {strides = array<i32>} : memref<48x128xf32, #tpu.memory_space<vmem>>, vector<1x16xf32>,
        %get3A_1030 = vector.shape_cast %get3A_1029 : vector<1x16xf32> to vector<16xf32>
        %mul3A_1031 = arith.mulf %get3A_1030, %gather3A_1012 : vector<16xf32>
        %swap3A_1032 = arith.index_cast %add3A_1016 : i32 to index
        %swap3A_1033 = arith.constant 16 : index
        %swap3A_1034 = tpu.vector_load %arg14[%swap3A_1032, %swap3A_1033] {strides = array<i32>} : memref<48x128xf32, #tpu.memory_space<vmem>>, vector<1x16xf32>,
        %swap3A_1035 = vector.shape_cast %swap3A_1034 : vector<1x16xf32> to vector<16xf32>
        %swap3A_1036 = vector.shape_cast %mul3A_1031 : vector<16xf32> to vector<1x16xf32>
        tpu.vector_store %arg14[%swap3A_1032, %swap3A_1033], %swap3A_1036 {strides = array<i32>} : memref<48x128xf32, #tpu.memory_space<vmem>>, vector<1x16xf32>,
        %get3A_1037 = arith.index_cast %add3A_1016 : i32 to index
        %get3A_1038 = arith.constant 32 : index
        %get3A_1039 = tpu.vector_load %arg14[%get3A_1037, %get3A_1038] {strides = array<i32>} : memref<48x128xf32, #tpu.memory_space<vmem>>, vector<1x16xf32>,
        %get3A_1040 = vector.shape_cast %get3A_1039 : vector<1x16xf32> to vector<16xf32>
        %mul3A_1041 = arith.mulf %get3A_1040, %gather3A_1012 : vector<16xf32>
        %swap3A_1042 = arith.index_cast %add3A_1016 : i32 to index
        %swap3A_1043 = arith.constant 32 : index
        %swap3A_1044 = tpu.vector_load %arg14[%swap3A_1042, %swap3A_1043] {strides = array<i32>} : memref<48x128xf32, #tpu.memory_space<vmem>>, vector<1x16xf32>,
        %swap3A_1045 = vector.shape_cast %swap3A_1044 : vector<1x16xf32> to vector<16xf32>
        %swap3A_1046 = vector.shape_cast %mul3A_1041 : vector<16xf32> to vector<1x16xf32>
        tpu.vector_store %arg14[%swap3A_1042, %swap3A_1043], %swap3A_1046 {strides = array<i32>} : memref<48x128xf32, #tpu.memory_space<vmem>>, vector<1x16xf32>,
        %get3A_1047 = arith.index_cast %add3A_1016 : i32 to index
        %get3A_1048 = arith.constant 48 : index
        %get3A_1049 = tpu.vector_load %arg14[%get3A_1047, %get3A_1048] {strides = array<i32>} : memref<48x128xf32, #tpu.memory_space<vmem>>, vector<1x16xf32>,
        %get3A_1050 = vector.shape_cast %get3A_1049 : vector<1x16xf32> to vector<16xf32>
        %mul3A_1051 = arith.mulf %get3A_1050, %gather3A_1012 : vector<16xf32>
        %swap3A_1052 = arith.index_cast %add3A_1016 : i32 to index
        %swap3A_1053 = arith.constant 48 : index
        %swap3A_1054 = tpu.vector_load %arg14[%swap3A_1052, %swap3A_1053] {strides = array<i32>} : memref<48x128xf32, #tpu.memory_space<vmem>>, vector<1x16xf32>,
        %swap3A_1055 = vector.shape_cast %swap3A_1054 : vector<1x16xf32> to vector<16xf32>
        %swap3A_1056 = vector.shape_cast %mul3A_1051 : vector<16xf32> to vector<1x16xf32>
        tpu.vector_store %arg14[%swap3A_1052, %swap3A_1053], %swap3A_1056 {strides = array<i32>} : memref<48x128xf32, #tpu.memory_space<vmem>>, vector<1x16xf32>,
        %get3A_1057 = arith.index_cast %add3A_1016 : i32 to index
        %get3A_1058 = arith.constant 64 : index
        %get3A_1059 = tpu.vector_load %arg14[%get3A_1057, %get3A_1058] {strides = array<i32>} : memref<48x128xf32, #tpu.memory_space<vmem>>, vector<1x16xf32>,
        %get3A_1060 = vector.shape_cast %get3A_1059 : vector<1x16xf32> to vector<16xf32>
        %mul3A_1061 = arith.mulf %get3A_1060, %gather3A_1012 : vector<16xf32>
        %swap3A_1062 = arith.index_cast %add3A_1016 : i32 to index
        %swap3A_1063 = arith.constant 64 : index
        %swap3A_1064 = tpu.vector_load %arg14[%swap3A_1062, %swap3A_1063] {strides = array<i32>} : memref<48x128xf32, #tpu.memory_space<vmem>>, vector<1x16xf32>,
        %swap3A_1065 = vector.shape_cast %swap3A_1064 : vector<1x16xf32> to vector<16xf32>
        %swap3A_1066 = vector.shape_cast %mul3A_1061 : vector<16xf32> to vector<1x16xf32>
        tpu.vector_store %arg14[%swap3A_1062, %swap3A_1063], %swap3A_1066 {strides = array<i32>} : memref<48x128xf32, #tpu.memory_space<vmem>>, vector<1x16xf32>,
        %get3A_1067 = arith.index_cast %add3A_1016 : i32 to index
        %get3A_1068 = arith.constant 80 : index
        %get3A_1069 = tpu.vector_load %arg14[%get3A_1067, %get3A_1068] {strides = array<i32>} : memref<48x128xf32, #tpu.memory_space<vmem>>, vector<1x16xf32>,
        %get3A_1070 = vector.shape_cast %get3A_1069 : vector<1x16xf32> to vector<16xf32>
        %mul3A_1071 = arith.mulf %get3A_1070, %gather3A_1012 : vector<16xf32>
        %swap3A_1072 = arith.index_cast %add3A_1016 : i32 to index
        %swap3A_1073 = arith.constant 80 : index
        %swap3A_1074 = tpu.vector_load %arg14[%swap3A_1072, %swap3A_1073] {strides = array<i32>} : memref<48x128xf32, #tpu.memory_space<vmem>>, vector<1x16xf32>,
        %swap3A_1075 = vector.shape_cast %swap3A_1074 : vector<1x16xf32> to vector<16xf32>
        %swap3A_1076 = vector.shape_cast %mul3A_1071 : vector<16xf32> to vector<1x16xf32>
        tpu.vector_store %arg14[%swap3A_1072, %swap3A_1073], %swap3A_1076 {strides = array<i32>} : memref<48x128xf32, #tpu.memory_space<vmem>>, vector<1x16xf32>,
        %get3A_1077 = arith.index_cast %add3A_1016 : i32 to index
        %get3A_1078 = arith.constant 96 : index
        %get3A_1079 = tpu.vector_load %arg14[%get3A_1077, %get3A_1078] {strides = array<i32>} : memref<48x128xf32, #tpu.memory_space<vmem>>, vector<1x16xf32>,
        %get3A_1080 = vector.shape_cast %get3A_1079 : vector<1x16xf32> to vector<16xf32>
        %mul3A_1081 = arith.mulf %get3A_1080, %gather3A_1012 : vector<16xf32>
        %swap3A_1082 = arith.index_cast %add3A_1016 : i32 to index
        %swap3A_1083 = arith.constant 96 : index
        %swap3A_1084 = tpu.vector_load %arg14[%swap3A_1082, %swap3A_1083] {strides = array<i32>} : memref<48x128xf32, #tpu.memory_space<vmem>>, vector<1x16xf32>,
        %swap3A_1085 = vector.shape_cast %swap3A_1084 : vector<1x16xf32> to vector<16xf32>
        %swap3A_1086 = vector.shape_cast %mul3A_1081 : vector<16xf32> to vector<1x16xf32>
        tpu.vector_store %arg14[%swap3A_1082, %swap3A_1083], %swap3A_1086 {strides = array<i32>} : memref<48x128xf32, #tpu.memory_space<vmem>>, vector<1x16xf32>,
        %get3A_1087 = arith.index_cast %add3A_1016 : i32 to index
        %get3A_1088 = arith.constant 112 : index
        %get3A_1089 = tpu.vector_load %arg14[%get3A_1087, %get3A_1088] {strides = array<i32>} : memref<48x128xf32, #tpu.memory_space<vmem>>, vector<1x16xf32>,
        %get3A_1090 = vector.shape_cast %get3A_1089 : vector<1x16xf32> to vector<16xf32>
        %mul3A_1091 = arith.mulf %get3A_1090, %gather3A_1012 : vector<16xf32>
        %swap3A_1092 = arith.index_cast %add3A_1016 : i32 to index
        %swap3A_1093 = arith.constant 112 : index
        %swap3A_1094 = tpu.vector_load %arg14[%swap3A_1092, %swap3A_1093] {strides = array<i32>} : memref<48x128xf32, #tpu.memory_space<vmem>>, vector<1x16xf32>,
        %swap3A_1095 = vector.shape_cast %swap3A_1094 : vector<1x16xf32> to vector<16xf32>
        %swap3A_1096 = vector.shape_cast %mul3A_1091 : vector<16xf32> to vector<1x16xf32>
        tpu.vector_store %arg14[%swap3A_1092, %swap3A_1093], %swap3A_1096 {strides = array<i32>} : memref<48x128xf32, #tpu.memory_space<vmem>>, vector<1x16xf32>,
        %broadcast_in_dim3A_1097 = arith.constant 10 : i32
        %broadcast_in_dim3A_1098 = vector.broadcast %broadcast_in_dim3A_1097 : i32 to vector<16x1xi32>
        %gather3A_1099 = vector.shape_cast %broadcast_in_dim3A_1098 : vector<16x1xi32> to vector<16xi32>
        %gather3A_1100 = tpu.dynamic_gather %get3A_218[%gather3A_1099] in [0] : vector<16xf32>, vector<16xi32> -> vector<16xf32>
        %mul3A_1101 = arith.constant 16 : i32
        %mul3A_1102 = arith.muli %scan3A_212, %mul3A_1101 : i32
        %add3A_1103 = arith.constant 10 : i32
        %add3A_1104 = arith.addi %mul3A_1102, %add3A_1103 : i32
        %get3A_1105 = arith.index_cast %add3A_1104 : i32 to index
        %get3A_1106 = arith.constant 0 : index
        %get3A_1107 = tpu.vector_load %arg14[%get3A_1105, %get3A_1106] {strides = array<i32>} : memref<48x128xf32, #tpu.memory_space<vmem>>, vector<1x16xf32>,
        %get3A_1108 = vector.shape_cast %get3A_1107 : vector<1x16xf32> to vector<16xf32>
        %mul3A_1109 = arith.mulf %get3A_1108, %gather3A_1100 : vector<16xf32>
        %swap3A_1110 = arith.index_cast %add3A_1104 : i32 to index
        %swap3A_1111 = arith.constant 0 : index
        %swap3A_1112 = tpu.vector_load %arg14[%swap3A_1110, %swap3A_1111] {strides = array<i32>} : memref<48x128xf32, #tpu.memory_space<vmem>>, vector<1x16xf32>,
        %swap3A_1113 = vector.shape_cast %swap3A_1112 : vector<1x16xf32> to vector<16xf32>
        %swap3A_1114 = vector.shape_cast %mul3A_1109 : vector<16xf32> to vector<1x16xf32>
        tpu.vector_store %arg14[%swap3A_1110, %swap3A_1111], %swap3A_1114 {strides = array<i32>} : memref<48x128xf32, #tpu.memory_space<vmem>>, vector<1x16xf32>,
        %get3A_1115 = arith.index_cast %add3A_1104 : i32 to index
        %get3A_1116 = arith.constant 16 : index
        %get3A_1117 = tpu.vector_load %arg14[%get3A_1115, %get3A_1116] {strides = array<i32>} : memref<48x128xf32, #tpu.memory_space<vmem>>, vector<1x16xf32>,
        %get3A_1118 = vector.shape_cast %get3A_1117 : vector<1x16xf32> to vector<16xf32>
        %mul3A_1119 = arith.mulf %get3A_1118, %gather3A_1100 : vector<16xf32>
        %swap3A_1120 = arith.index_cast %add3A_1104 : i32 to index
        %swap3A_1121 = arith.constant 16 : index
        %swap3A_1122 = tpu.vector_load %arg14[%swap3A_1120, %swap3A_1121] {strides = array<i32>} : memref<48x128xf32, #tpu.memory_space<vmem>>, vector<1x16xf32>,
        %swap3A_1123 = vector.shape_cast %swap3A_1122 : vector<1x16xf32> to vector<16xf32>
        %swap3A_1124 = vector.shape_cast %mul3A_1119 : vector<16xf32> to vector<1x16xf32>
        tpu.vector_store %arg14[%swap3A_1120, %swap3A_1121], %swap3A_1124 {strides = array<i32>} : memref<48x128xf32, #tpu.memory_space<vmem>>, vector<1x16xf32>,
        %get3A_1125 = arith.index_cast %add3A_1104 : i32 to index
        %get3A_1126 = arith.constant 32 : index
        %get3A_1127 = tpu.vector_load %arg14[%get3A_1125, %get3A_1126] {strides = array<i32>} : memref<48x128xf32, #tpu.memory_space<vmem>>, vector<1x16xf32>,
        %get3A_1128 = vector.shape_cast %get3A_1127 : vector<1x16xf32> to vector<16xf32>
        %mul3A_1129 = arith.mulf %get3A_1128, %gather3A_1100 : vector<16xf32>
        %swap3A_1130 = arith.index_cast %add3A_1104 : i32 to index
        %swap3A_1131 = arith.constant 32 : index
        %swap3A_1132 = tpu.vector_load %arg14[%swap3A_1130, %swap3A_1131] {strides = array<i32>} : memref<48x128xf32, #tpu.memory_space<vmem>>, vector<1x16xf32>,
        %swap3A_1133 = vector.shape_cast %swap3A_1132 : vector<1x16xf32> to vector<16xf32>
        %swap3A_1134 = vector.shape_cast %mul3A_1129 : vector<16xf32> to vector<1x16xf32>
        tpu.vector_store %arg14[%swap3A_1130, %swap3A_1131], %swap3A_1134 {strides = array<i32>} : memref<48x128xf32, #tpu.memory_space<vmem>>, vector<1x16xf32>,
        %get3A_1135 = arith.index_cast %add3A_1104 : i32 to index
        %get3A_1136 = arith.constant 48 : index
        %get3A_1137 = tpu.vector_load %arg14[%get3A_1135, %get3A_1136] {strides = array<i32>} : memref<48x128xf32, #tpu.memory_space<vmem>>, vector<1x16xf32>,
        %get3A_1138 = vector.shape_cast %get3A_1137 : vector<1x16xf32> to vector<16xf32>
        %mul3A_1139 = arith.mulf %get3A_1138, %gather3A_1100 : vector<16xf32>
        %swap3A_1140 = arith.index_cast %add3A_1104 : i32 to index
        %swap3A_1141 = arith.constant 48 : index
        %swap3A_1142 = tpu.vector_load %arg14[%swap3A_1140, %swap3A_1141] {strides = array<i32>} : memref<48x128xf32, #tpu.memory_space<vmem>>, vector<1x16xf32>,
        %swap3A_1143 = vector.shape_cast %swap3A_1142 : vector<1x16xf32> to vector<16xf32>
        %swap3A_1144 = vector.shape_cast %mul3A_1139 : vector<16xf32> to vector<1x16xf32>
        tpu.vector_store %arg14[%swap3A_1140, %swap3A_1141], %swap3A_1144 {strides = array<i32>} : memref<48x128xf32, #tpu.memory_space<vmem>>, vector<1x16xf32>,
        %get3A_1145 = arith.index_cast %add3A_1104 : i32 to index
        %get3A_1146 = arith.constant 64 : index
        %get3A_1147 = tpu.vector_load %arg14[%get3A_1145, %get3A_1146] {strides = array<i32>} : memref<48x128xf32, #tpu.memory_space<vmem>>, vector<1x16xf32>,
        %get3A_1148 = vector.shape_cast %get3A_1147 : vector<1x16xf32> to vector<16xf32>
        %mul3A_1149 = arith.mulf %get3A_1148, %gather3A_1100 : vector<16xf32>
        %swap3A_1150 = arith.index_cast %add3A_1104 : i32 to index
        %swap3A_1151 = arith.constant 64 : index
        %swap3A_1152 = tpu.vector_load %arg14[%swap3A_1150, %swap3A_1151] {strides = array<i32>} : memref<48x128xf32, #tpu.memory_space<vmem>>, vector<1x16xf32>,
        %swap3A_1153 = vector.shape_cast %swap3A_1152 : vector<1x16xf32> to vector<16xf32>
        %swap3A_1154 = vector.shape_cast %mul3A_1149 : vector<16xf32> to vector<1x16xf32>
        tpu.vector_store %arg14[%swap3A_1150, %swap3A_1151], %swap3A_1154 {strides = array<i32>} : memref<48x128xf32, #tpu.memory_space<vmem>>, vector<1x16xf32>,
        %get3A_1155 = arith.index_cast %add3A_1104 : i32 to index
        %get3A_1156 = arith.constant 80 : index
        %get3A_1157 = tpu.vector_load %arg14[%get3A_1155, %get3A_1156] {strides = array<i32>} : memref<48x128xf32, #tpu.memory_space<vmem>>, vector<1x16xf32>,
        %get3A_1158 = vector.shape_cast %get3A_1157 : vector<1x16xf32> to vector<16xf32>
        %mul3A_1159 = arith.mulf %get3A_1158, %gather3A_1100 : vector<16xf32>
        %swap3A_1160 = arith.index_cast %add3A_1104 : i32 to index
        %swap3A_1161 = arith.constant 80 : index
        %swap3A_1162 = tpu.vector_load %arg14[%swap3A_1160, %swap3A_1161] {strides = array<i32>} : memref<48x128xf32, #tpu.memory_space<vmem>>, vector<1x16xf32>,
        %swap3A_1163 = vector.shape_cast %swap3A_1162 : vector<1x16xf32> to vector<16xf32>
        %swap3A_1164 = vector.shape_cast %mul3A_1159 : vector<16xf32> to vector<1x16xf32>
        tpu.vector_store %arg14[%swap3A_1160, %swap3A_1161], %swap3A_1164 {strides = array<i32>} : memref<48x128xf32, #tpu.memory_space<vmem>>, vector<1x16xf32>,
        %get3A_1165 = arith.index_cast %add3A_1104 : i32 to index
        %get3A_1166 = arith.constant 96 : index
        %get3A_1167 = tpu.vector_load %arg14[%get3A_1165, %get3A_1166] {strides = array<i32>} : memref<48x128xf32, #tpu.memory_space<vmem>>, vector<1x16xf32>,
        %get3A_1168 = vector.shape_cast %get3A_1167 : vector<1x16xf32> to vector<16xf32>
        %mul3A_1169 = arith.mulf %get3A_1168, %gather3A_1100 : vector<16xf32>
        %swap3A_1170 = arith.index_cast %add3A_1104 : i32 to index
        %swap3A_1171 = arith.constant 96 : index
        %swap3A_1172 = tpu.vector_load %arg14[%swap3A_1170, %swap3A_1171] {strides = array<i32>} : memref<48x128xf32, #tpu.memory_space<vmem>>, vector<1x16xf32>,
        %swap3A_1173 = vector.shape_cast %swap3A_1172 : vector<1x16xf32> to vector<16xf32>
        %swap3A_1174 = vector.shape_cast %mul3A_1169 : vector<16xf32> to vector<1x16xf32>
        tpu.vector_store %arg14[%swap3A_1170, %swap3A_1171], %swap3A_1174 {strides = array<i32>} : memref<48x128xf32, #tpu.memory_space<vmem>>, vector<1x16xf32>,
        %get3A_1175 = arith.index_cast %add3A_1104 : i32 to index
        %get3A_1176 = arith.constant 112 : index
        %get3A_1177 = tpu.vector_load %arg14[%get3A_1175, %get3A_1176] {strides = array<i32>} : memref<48x128xf32, #tpu.memory_space<vmem>>, vector<1x16xf32>,
        %get3A_1178 = vector.shape_cast %get3A_1177 : vector<1x16xf32> to vector<16xf32>
        %mul3A_1179 = arith.mulf %get3A_1178, %gather3A_1100 : vector<16xf32>
        %swap3A_1180 = arith.index_cast %add3A_1104 : i32 to index
        %swap3A_1181 = arith.constant 112 : index
        %swap3A_1182 = tpu.vector_load %arg14[%swap3A_1180, %swap3A_1181] {strides = array<i32>} : memref<48x128xf32, #tpu.memory_space<vmem>>, vector<1x16xf32>,
        %swap3A_1183 = vector.shape_cast %swap3A_1182 : vector<1x16xf32> to vector<16xf32>
        %swap3A_1184 = vector.shape_cast %mul3A_1179 : vector<16xf32> to vector<1x16xf32>
        tpu.vector_store %arg14[%swap3A_1180, %swap3A_1181], %swap3A_1184 {strides = array<i32>} : memref<48x128xf32, #tpu.memory_space<vmem>>, vector<1x16xf32>,
        %broadcast_in_dim3A_1185 = arith.constant 11 : i32
        %broadcast_in_dim3A_1186 = vector.broadcast %broadcast_in_dim3A_1185 : i32 to vector<16x1xi32>
        %gather3A_1187 = vector.shape_cast %broadcast_in_dim3A_1186 : vector<16x1xi32> to vector<16xi32>
        %gather3A_1188 = tpu.dynamic_gather %get3A_218[%gather3A_1187] in [0] : vector<16xf32>, vector<16xi32> -> vector<16xf32>
        %mul3A_1189 = arith.constant 16 : i32
        %mul3A_1190 = arith.muli %scan3A_212, %mul3A_1189 : i32
        %add3A_1191 = arith.constant 11 : i32
        %add3A_1192 = arith.addi %mul3A_1190, %add3A_1191 : i32
        %get3A_1193 = arith.index_cast %add3A_1192 : i32 to index
        %get3A_1194 = arith.constant 0 : index
        %get3A_1195 = tpu.vector_load %arg14[%get3A_1193, %get3A_1194] {strides = array<i32>} : memref<48x128xf32, #tpu.memory_space<vmem>>, vector<1x16xf32>,
        %get3A_1196 = vector.shape_cast %get3A_1195 : vector<1x16xf32> to vector<16xf32>
        %mul3A_1197 = arith.mulf %get3A_1196, %gather3A_1188 : vector<16xf32>
        %swap3A_1198 = arith.index_cast %add3A_1192 : i32 to index
        %swap3A_1199 = arith.constant 0 : index
        %swap3A_1200 = tpu.vector_load %arg14[%swap3A_1198, %swap3A_1199] {strides = array<i32>} : memref<48x128xf32, #tpu.memory_space<vmem>>, vector<1x16xf32>,
        %swap3A_1201 = vector.shape_cast %swap3A_1200 : vector<1x16xf32> to vector<16xf32>
        %swap3A_1202 = vector.shape_cast %mul3A_1197 : vector<16xf32> to vector<1x16xf32>
        tpu.vector_store %arg14[%swap3A_1198, %swap3A_1199], %swap3A_1202 {strides = array<i32>} : memref<48x128xf32, #tpu.memory_space<vmem>>, vector<1x16xf32>,
        %get3A_1203 = arith.index_cast %add3A_1192 : i32 to index
        %get3A_1204 = arith.constant 16 : index
        %get3A_1205 = tpu.vector_load %arg14[%get3A_1203, %get3A_1204] {strides = array<i32>} : memref<48x128xf32, #tpu.memory_space<vmem>>, vector<1x16xf32>,
        %get3A_1206 = vector.shape_cast %get3A_1205 : vector<1x16xf32> to vector<16xf32>
        %mul3A_1207 = arith.mulf %get3A_1206, %gather3A_1188 : vector<16xf32>
        %swap3A_1208 = arith.index_cast %add3A_1192 : i32 to index
        %swap3A_1209 = arith.constant 16 : index
        %swap3A_1210 = tpu.vector_load %arg14[%swap3A_1208, %swap3A_1209] {strides = array<i32>} : memref<48x128xf32, #tpu.memory_space<vmem>>, vector<1x16xf32>,
        %swap3A_1211 = vector.shape_cast %swap3A_1210 : vector<1x16xf32> to vector<16xf32>
        %swap3A_1212 = vector.shape_cast %mul3A_1207 : vector<16xf32> to vector<1x16xf32>
        tpu.vector_store %arg14[%swap3A_1208, %swap3A_1209], %swap3A_1212 {strides = array<i32>} : memref<48x128xf32, #tpu.memory_space<vmem>>, vector<1x16xf32>,
        %get3A_1213 = arith.index_cast %add3A_1192 : i32 to index
        %get3A_1214 = arith.constant 32 : index
        %get3A_1215 = tpu.vector_load %arg14[%get3A_1213, %get3A_1214] {strides = array<i32>} : memref<48x128xf32, #tpu.memory_space<vmem>>, vector<1x16xf32>,
        %get3A_1216 = vector.shape_cast %get3A_1215 : vector<1x16xf32> to vector<16xf32>
        %mul3A_1217 = arith.mulf %get3A_1216, %gather3A_1188 : vector<16xf32>
        %swap3A_1218 = arith.index_cast %add3A_1192 : i32 to index
        %swap3A_1219 = arith.constant 32 : index
        %swap3A_1220 = tpu.vector_load %arg14[%swap3A_1218, %swap3A_1219] {strides = array<i32>} : memref<48x128xf32, #tpu.memory_space<vmem>>, vector<1x16xf32>,
        %swap3A_1221 = vector.shape_cast %swap3A_1220 : vector<1x16xf32> to vector<16xf32>
        %swap3A_1222 = vector.shape_cast %mul3A_1217 : vector<16xf32> to vector<1x16xf32>
        tpu.vector_store %arg14[%swap3A_1218, %swap3A_1219], %swap3A_1222 {strides = array<i32>} : memref<48x128xf32, #tpu.memory_space<vmem>>, vector<1x16xf32>,
        %get3A_1223 = arith.index_cast %add3A_1192 : i32 to index
        %get3A_1224 = arith.constant 48 : index
        %get3A_1225 = tpu.vector_load %arg14[%get3A_1223, %get3A_1224] {strides = array<i32>} : memref<48x128xf32, #tpu.memory_space<vmem>>, vector<1x16xf32>,
        %get3A_1226 = vector.shape_cast %get3A_1225 : vector<1x16xf32> to vector<16xf32>
        %mul3A_1227 = arith.mulf %get3A_1226, %gather3A_1188 : vector<16xf32>
        %swap3A_1228 = arith.index_cast %add3A_1192 : i32 to index
        %swap3A_1229 = arith.constant 48 : index
        %swap3A_1230 = tpu.vector_load %arg14[%swap3A_1228, %swap3A_1229] {strides = array<i32>} : memref<48x128xf32, #tpu.memory_space<vmem>>, vector<1x16xf32>,
        %swap3A_1231 = vector.shape_cast %swap3A_1230 : vector<1x16xf32> to vector<16xf32>
        %swap3A_1232 = vector.shape_cast %mul3A_1227 : vector<16xf32> to vector<1x16xf32>
        tpu.vector_store %arg14[%swap3A_1228, %swap3A_1229], %swap3A_1232 {strides = array<i32>} : memref<48x128xf32, #tpu.memory_space<vmem>>, vector<1x16xf32>,
        %get3A_1233 = arith.index_cast %add3A_1192 : i32 to index
        %get3A_1234 = arith.constant 64 : index
        %get3A_1235 = tpu.vector_load %arg14[%get3A_1233, %get3A_1234] {strides = array<i32>} : memref<48x128xf32, #tpu.memory_space<vmem>>, vector<1x16xf32>,
        %get3A_1236 = vector.shape_cast %get3A_1235 : vector<1x16xf32> to vector<16xf32>
        %mul3A_1237 = arith.mulf %get3A_1236, %gather3A_1188 : vector<16xf32>
        %swap3A_1238 = arith.index_cast %add3A_1192 : i32 to index
        %swap3A_1239 = arith.constant 64 : index
        %swap3A_1240 = tpu.vector_load %arg14[%swap3A_1238, %swap3A_1239] {strides = array<i32>} : memref<48x128xf32, #tpu.memory_space<vmem>>, vector<1x16xf32>,
        %swap3A_1241 = vector.shape_cast %swap3A_1240 : vector<1x16xf32> to vector<16xf32>
        %swap3A_1242 = vector.shape_cast %mul3A_1237 : vector<16xf32> to vector<1x16xf32>
        tpu.vector_store %arg14[%swap3A_1238, %swap3A_1239], %swap3A_1242 {strides = array<i32>} : memref<48x128xf32, #tpu.memory_space<vmem>>, vector<1x16xf32>,
        %get3A_1243 = arith.index_cast %add3A_1192 : i32 to index
        %get3A_1244 = arith.constant 80 : index
        %get3A_1245 = tpu.vector_load %arg14[%get3A_1243, %get3A_1244] {strides = array<i32>} : memref<48x128xf32, #tpu.memory_space<vmem>>, vector<1x16xf32>,
        %get3A_1246 = vector.shape_cast %get3A_1245 : vector<1x16xf32> to vector<16xf32>
        %mul3A_1247 = arith.mulf %get3A_1246, %gather3A_1188 : vector<16xf32>
        %swap3A_1248 = arith.index_cast %add3A_1192 : i32 to index
        %swap3A_1249 = arith.constant 80 : index
        %swap3A_1250 = tpu.vector_load %arg14[%swap3A_1248, %swap3A_1249] {strides = array<i32>} : memref<48x128xf32, #tpu.memory_space<vmem>>, vector<1x16xf32>,
        %swap3A_1251 = vector.shape_cast %swap3A_1250 : vector<1x16xf32> to vector<16xf32>
        %swap3A_1252 = vector.shape_cast %mul3A_1247 : vector<16xf32> to vector<1x16xf32>
        tpu.vector_store %arg14[%swap3A_1248, %swap3A_1249], %swap3A_1252 {strides = array<i32>} : memref<48x128xf32, #tpu.memory_space<vmem>>, vector<1x16xf32>,
        %get3A_1253 = arith.index_cast %add3A_1192 : i32 to index
        %get3A_1254 = arith.constant 96 : index
        %get3A_1255 = tpu.vector_load %arg14[%get3A_1253, %get3A_1254] {strides = array<i32>} : memref<48x128xf32, #tpu.memory_space<vmem>>, vector<1x16xf32>,
        %get3A_1256 = vector.shape_cast %get3A_1255 : vector<1x16xf32> to vector<16xf32>
        %mul3A_1257 = arith.mulf %get3A_1256, %gather3A_1188 : vector<16xf32>
        %swap3A_1258 = arith.index_cast %add3A_1192 : i32 to index
        %swap3A_1259 = arith.constant 96 : index
        %swap3A_1260 = tpu.vector_load %arg14[%swap3A_1258, %swap3A_1259] {strides = array<i32>} : memref<48x128xf32, #tpu.memory_space<vmem>>, vector<1x16xf32>,
        %swap3A_1261 = vector.shape_cast %swap3A_1260 : vector<1x16xf32> to vector<16xf32>
        %swap3A_1262 = vector.shape_cast %mul3A_1257 : vector<16xf32> to vector<1x16xf32>
        tpu.vector_store %arg14[%swap3A_1258, %swap3A_1259], %swap3A_1262 {strides = array<i32>} : memref<48x128xf32, #tpu.memory_space<vmem>>, vector<1x16xf32>,
        %get3A_1263 = arith.index_cast %add3A_1192 : i32 to index
        %get3A_1264 = arith.constant 112 : index
        %get3A_1265 = tpu.vector_load %arg14[%get3A_1263, %get3A_1264] {strides = array<i32>} : memref<48x128xf32, #tpu.memory_space<vmem>>, vector<1x16xf32>,
        %get3A_1266 = vector.shape_cast %get3A_1265 : vector<1x16xf32> to vector<16xf32>
        %mul3A_1267 = arith.mulf %get3A_1266, %gather3A_1188 : vector<16xf32>
        %swap3A_1268 = arith.index_cast %add3A_1192 : i32 to index
        %swap3A_1269 = arith.constant 112 : index
        %swap3A_1270 = tpu.vector_load %arg14[%swap3A_1268, %swap3A_1269] {strides = array<i32>} : memref<48x128xf32, #tpu.memory_space<vmem>>, vector<1x16xf32>,
        %swap3A_1271 = vector.shape_cast %swap3A_1270 : vector<1x16xf32> to vector<16xf32>
        %swap3A_1272 = vector.shape_cast %mul3A_1267 : vector<16xf32> to vector<1x16xf32>
        tpu.vector_store %arg14[%swap3A_1268, %swap3A_1269], %swap3A_1272 {strides = array<i32>} : memref<48x128xf32, #tpu.memory_space<vmem>>, vector<1x16xf32>,
        %broadcast_in_dim3A_1273 = arith.constant 12 : i32
        %broadcast_in_dim3A_1274 = vector.broadcast %broadcast_in_dim3A_1273 : i32 to vector<16x1xi32>
        %gather3A_1275 = vector.shape_cast %broadcast_in_dim3A_1274 : vector<16x1xi32> to vector<16xi32>
        %gather3A_1276 = tpu.dynamic_gather %get3A_218[%gather3A_1275] in [0] : vector<16xf32>, vector<16xi32> -> vector<16xf32>
        %mul3A_1277 = arith.constant 16 : i32
        %mul3A_1278 = arith.muli %scan3A_212, %mul3A_1277 : i32
        %add3A_1279 = arith.constant 12 : i32
        %add3A_1280 = arith.addi %mul3A_1278, %add3A_1279 : i32
        %get3A_1281 = arith.index_cast %add3A_1280 : i32 to index
        %get3A_1282 = arith.constant 0 : index
        %get3A_1283 = tpu.vector_load %arg14[%get3A_1281, %get3A_1282] {strides = array<i32>} : memref<48x128xf32, #tpu.memory_space<vmem>>, vector<1x16xf32>,
        %get3A_1284 = vector.shape_cast %get3A_1283 : vector<1x16xf32> to vector<16xf32>
        %mul3A_1285 = arith.mulf %get3A_1284, %gather3A_1276 : vector<16xf32>
        %swap3A_1286 = arith.index_cast %add3A_1280 : i32 to index
        %swap3A_1287 = arith.constant 0 : index
        %swap3A_1288 = tpu.vector_load %arg14[%swap3A_1286, %swap3A_1287] {strides = array<i32>} : memref<48x128xf32, #tpu.memory_space<vmem>>, vector<1x16xf32>,
        %swap3A_1289 = vector.shape_cast %swap3A_1288 : vector<1x16xf32> to vector<16xf32>
        %swap3A_1290 = vector.shape_cast %mul3A_1285 : vector<16xf32> to vector<1x16xf32>
        tpu.vector_store %arg14[%swap3A_1286, %swap3A_1287], %swap3A_1290 {strides = array<i32>} : memref<48x128xf32, #tpu.memory_space<vmem>>, vector<1x16xf32>,
        %get3A_1291 = arith.index_cast %add3A_1280 : i32 to index
        %get3A_1292 = arith.constant 16 : index
        %get3A_1293 = tpu.vector_load %arg14[%get3A_1291, %get3A_1292] {strides = array<i32>} : memref<48x128xf32, #tpu.memory_space<vmem>>, vector<1x16xf32>,
        %get3A_1294 = vector.shape_cast %get3A_1293 : vector<1x16xf32> to vector<16xf32>
        %mul3A_1295 = arith.mulf %get3A_1294, %gather3A_1276 : vector<16xf32>
        %swap3A_1296 = arith.index_cast %add3A_1280 : i32 to index
        %swap3A_1297 = arith.constant 16 : index
        %swap3A_1298 = tpu.vector_load %arg14[%swap3A_1296, %swap3A_1297] {strides = array<i32>} : memref<48x128xf32, #tpu.memory_space<vmem>>, vector<1x16xf32>,
        %swap3A_1299 = vector.shape_cast %swap3A_1298 : vector<1x16xf32> to vector<16xf32>
        %swap3A_1300 = vector.shape_cast %mul3A_1295 : vector<16xf32> to vector<1x16xf32>
        tpu.vector_store %arg14[%swap3A_1296, %swap3A_1297], %swap3A_1300 {strides = array<i32>} : memref<48x128xf32, #tpu.memory_space<vmem>>, vector<1x16xf32>,
        %get3A_1301 = arith.index_cast %add3A_1280 : i32 to index
        %get3A_1302 = arith.constant 32 : index
        %get3A_1303 = tpu.vector_load %arg14[%get3A_1301, %get3A_1302] {strides = array<i32>} : memref<48x128xf32, #tpu.memory_space<vmem>>, vector<1x16xf32>,
        %get3A_1304 = vector.shape_cast %get3A_1303 : vector<1x16xf32> to vector<16xf32>
        %mul3A_1305 = arith.mulf %get3A_1304, %gather3A_1276 : vector<16xf32>
        %swap3A_1306 = arith.index_cast %add3A_1280 : i32 to index
        %swap3A_1307 = arith.constant 32 : index
        %swap3A_1308 = tpu.vector_load %arg14[%swap3A_1306, %swap3A_1307] {strides = array<i32>} : memref<48x128xf32, #tpu.memory_space<vmem>>, vector<1x16xf32>,
        %swap3A_1309 = vector.shape_cast %swap3A_1308 : vector<1x16xf32> to vector<16xf32>
        %swap3A_1310 = vector.shape_cast %mul3A_1305 : vector<16xf32> to vector<1x16xf32>
        tpu.vector_store %arg14[%swap3A_1306, %swap3A_1307], %swap3A_1310 {strides = array<i32>} : memref<48x128xf32, #tpu.memory_space<vmem>>, vector<1x16xf32>,
        %get3A_1311 = arith.index_cast %add3A_1280 : i32 to index
        %get3A_1312 = arith.constant 48 : index
        %get3A_1313 = tpu.vector_load %arg14[%get3A_1311, %get3A_1312] {strides = array<i32>} : memref<48x128xf32, #tpu.memory_space<vmem>>, vector<1x16xf32>,
        %get3A_1314 = vector.shape_cast %get3A_1313 : vector<1x16xf32> to vector<16xf32>
        %mul3A_1315 = arith.mulf %get3A_1314, %gather3A_1276 : vector<16xf32>
        %swap3A_1316 = arith.index_cast %add3A_1280 : i32 to index
        %swap3A_1317 = arith.constant 48 : index
        %swap3A_1318 = tpu.vector_load %arg14[%swap3A_1316, %swap3A_1317] {strides = array<i32>} : memref<48x128xf32, #tpu.memory_space<vmem>>, vector<1x16xf32>,
        %swap3A_1319 = vector.shape_cast %swap3A_1318 : vector<1x16xf32> to vector<16xf32>
        %swap3A_1320 = vector.shape_cast %mul3A_1315 : vector<16xf32> to vector<1x16xf32>
        tpu.vector_store %arg14[%swap3A_1316, %swap3A_1317], %swap3A_1320 {strides = array<i32>} : memref<48x128xf32, #tpu.memory_space<vmem>>, vector<1x16xf32>,
        %get3A_1321 = arith.index_cast %add3A_1280 : i32 to index
        %get3A_1322 = arith.constant 64 : index
        %get3A_1323 = tpu.vector_load %arg14[%get3A_1321, %get3A_1322] {strides = array<i32>} : memref<48x128xf32, #tpu.memory_space<vmem>>, vector<1x16xf32>,
        %get3A_1324 = vector.shape_cast %get3A_1323 : vector<1x16xf32> to vector<16xf32>
        %mul3A_1325 = arith.mulf %get3A_1324, %gather3A_1276 : vector<16xf32>
        %swap3A_1326 = arith.index_cast %add3A_1280 : i32 to index
        %swap3A_1327 = arith.constant 64 : index
        %swap3A_1328 = tpu.vector_load %arg14[%swap3A_1326, %swap3A_1327] {strides = array<i32>} : memref<48x128xf32, #tpu.memory_space<vmem>>, vector<1x16xf32>,
        %swap3A_1329 = vector.shape_cast %swap3A_1328 : vector<1x16xf32> to vector<16xf32>
        %swap3A_1330 = vector.shape_cast %mul3A_1325 : vector<16xf32> to vector<1x16xf32>
        tpu.vector_store %arg14[%swap3A_1326, %swap3A_1327], %swap3A_1330 {strides = array<i32>} : memref<48x128xf32, #tpu.memory_space<vmem>>, vector<1x16xf32>,
        %get3A_1331 = arith.index_cast %add3A_1280 : i32 to index
        %get3A_1332 = arith.constant 80 : index
        %get3A_1333 = tpu.vector_load %arg14[%get3A_1331, %get3A_1332] {strides = array<i32>} : memref<48x128xf32, #tpu.memory_space<vmem>>, vector<1x16xf32>,
        %get3A_1334 = vector.shape_cast %get3A_1333 : vector<1x16xf32> to vector<16xf32>
        %mul3A_1335 = arith.mulf %get3A_1334, %gather3A_1276 : vector<16xf32>
        %swap3A_1336 = arith.index_cast %add3A_1280 : i32 to index
        %swap3A_1337 = arith.constant 80 : index
        %swap3A_1338 = tpu.vector_load %arg14[%swap3A_1336, %swap3A_1337] {strides = array<i32>} : memref<48x128xf32, #tpu.memory_space<vmem>>, vector<1x16xf32>,
        %swap3A_1339 = vector.shape_cast %swap3A_1338 : vector<1x16xf32> to vector<16xf32>
        %swap3A_1340 = vector.shape_cast %mul3A_1335 : vector<16xf32> to vector<1x16xf32>
        tpu.vector_store %arg14[%swap3A_1336, %swap3A_1337], %swap3A_1340 {strides = array<i32>} : memref<48x128xf32, #tpu.memory_space<vmem>>, vector<1x16xf32>,
        %get3A_1341 = arith.index_cast %add3A_1280 : i32 to index
        %get3A_1342 = arith.constant 96 : index
        %get3A_1343 = tpu.vector_load %arg14[%get3A_1341, %get3A_1342] {strides = array<i32>} : memref<48x128xf32, #tpu.memory_space<vmem>>, vector<1x16xf32>,
        %get3A_1344 = vector.shape_cast %get3A_1343 : vector<1x16xf32> to vector<16xf32>
        %mul3A_1345 = arith.mulf %get3A_1344, %gather3A_1276 : vector<16xf32>
        %swap3A_1346 = arith.index_cast %add3A_1280 : i32 to index
        %swap3A_1347 = arith.constant 96 : index
        %swap3A_1348 = tpu.vector_load %arg14[%swap3A_1346, %swap3A_1347] {strides = array<i32>} : memref<48x128xf32, #tpu.memory_space<vmem>>, vector<1x16xf32>,
        %swap3A_1349 = vector.shape_cast %swap3A_1348 : vector<1x16xf32> to vector<16xf32>
        %swap3A_1350 = vector.shape_cast %mul3A_1345 : vector<16xf32> to vector<1x16xf32>
        tpu.vector_store %arg14[%swap3A_1346, %swap3A_1347], %swap3A_1350 {strides = array<i32>} : memref<48x128xf32, #tpu.memory_space<vmem>>, vector<1x16xf32>,
        %get3A_1351 = arith.index_cast %add3A_1280 : i32 to index
        %get3A_1352 = arith.constant 112 : index
        %get3A_1353 = tpu.vector_load %arg14[%get3A_1351, %get3A_1352] {strides = array<i32>} : memref<48x128xf32, #tpu.memory_space<vmem>>, vector<1x16xf32>,
        %get3A_1354 = vector.shape_cast %get3A_1353 : vector<1x16xf32> to vector<16xf32>
        %mul3A_1355 = arith.mulf %get3A_1354, %gather3A_1276 : vector<16xf32>
        %swap3A_1356 = arith.index_cast %add3A_1280 : i32 to index
        %swap3A_1357 = arith.constant 112 : index
        %swap3A_1358 = tpu.vector_load %arg14[%swap3A_1356, %swap3A_1357] {strides = array<i32>} : memref<48x128xf32, #tpu.memory_space<vmem>>, vector<1x16xf32>,
        %swap3A_1359 = vector.shape_cast %swap3A_1358 : vector<1x16xf32> to vector<16xf32>
        %swap3A_1360 = vector.shape_cast %mul3A_1355 : vector<16xf32> to vector<1x16xf32>
        tpu.vector_store %arg14[%swap3A_1356, %swap3A_1357], %swap3A_1360 {strides = array<i32>} : memref<48x128xf32, #tpu.memory_space<vmem>>, vector<1x16xf32>,
        %broadcast_in_dim3A_1361 = arith.constant 13 : i32
        %broadcast_in_dim3A_1362 = vector.broadcast %broadcast_in_dim3A_1361 : i32 to vector<16x1xi32>
        %gather3A_1363 = vector.shape_cast %broadcast_in_dim3A_1362 : vector<16x1xi32> to vector<16xi32>
        %gather3A_1364 = tpu.dynamic_gather %get3A_218[%gather3A_1363] in [0] : vector<16xf32>, vector<16xi32> -> vector<16xf32>
        %mul3A_1365 = arith.constant 16 : i32
        %mul3A_1366 = arith.muli %scan3A_212, %mul3A_1365 : i32
        %add3A_1367 = arith.constant 13 : i32
        %add3A_1368 = arith.addi %mul3A_1366, %add3A_1367 : i32
        %get3A_1369 = arith.index_cast %add3A_1368 : i32 to index
        %get3A_1370 = arith.constant 0 : index
        %get3A_1371 = tpu.vector_load %arg14[%get3A_1369, %get3A_1370] {strides = array<i32>} : memref<48x128xf32, #tpu.memory_space<vmem>>, vector<1x16xf32>,
        %get3A_1372 = vector.shape_cast %get3A_1371 : vector<1x16xf32> to vector<16xf32>
        %mul3A_1373 = arith.mulf %get3A_1372, %gather3A_1364 : vector<16xf32>
        %swap3A_1374 = arith.index_cast %add3A_1368 : i32 to index
        %swap3A_1375 = arith.constant 0 : index
        %swap3A_1376 = tpu.vector_load %arg14[%swap3A_1374, %swap3A_1375] {strides = array<i32>} : memref<48x128xf32, #tpu.memory_space<vmem>>, vector<1x16xf32>,
        %swap3A_1377 = vector.shape_cast %swap3A_1376 : vector<1x16xf32> to vector<16xf32>
        %swap3A_1378 = vector.shape_cast %mul3A_1373 : vector<16xf32> to vector<1x16xf32>
        tpu.vector_store %arg14[%swap3A_1374, %swap3A_1375], %swap3A_1378 {strides = array<i32>} : memref<48x128xf32, #tpu.memory_space<vmem>>, vector<1x16xf32>,
        %get3A_1379 = arith.index_cast %add3A_1368 : i32 to index
        %get3A_1380 = arith.constant 16 : index
        %get3A_1381 = tpu.vector_load %arg14[%get3A_1379, %get3A_1380] {strides = array<i32>} : memref<48x128xf32, #tpu.memory_space<vmem>>, vector<1x16xf32>,
        %get3A_1382 = vector.shape_cast %get3A_1381 : vector<1x16xf32> to vector<16xf32>
        %mul3A_1383 = arith.mulf %get3A_1382, %gather3A_1364 : vector<16xf32>
        %swap3A_1384 = arith.index_cast %add3A_1368 : i32 to index
        %swap3A_1385 = arith.constant 16 : index
        %swap3A_1386 = tpu.vector_load %arg14[%swap3A_1384, %swap3A_1385] {strides = array<i32>} : memref<48x128xf32, #tpu.memory_space<vmem>>, vector<1x16xf32>,
        %swap3A_1387 = vector.shape_cast %swap3A_1386 : vector<1x16xf32> to vector<16xf32>
        %swap3A_1388 = vector.shape_cast %mul3A_1383 : vector<16xf32> to vector<1x16xf32>
        tpu.vector_store %arg14[%swap3A_1384, %swap3A_1385], %swap3A_1388 {strides = array<i32>} : memref<48x128xf32, #tpu.memory_space<vmem>>, vector<1x16xf32>,
        %get3A_1389 = arith.index_cast %add3A_1368 : i32 to index
        %get3A_1390 = arith.constant 32 : index
        %get3A_1391 = tpu.vector_load %arg14[%get3A_1389, %get3A_1390] {strides = array<i32>} : memref<48x128xf32, #tpu.memory_space<vmem>>, vector<1x16xf32>,
        %get3A_1392 = vector.shape_cast %get3A_1391 : vector<1x16xf32> to vector<16xf32>
        %mul3A_1393 = arith.mulf %get3A_1392, %gather3A_1364 : vector<16xf32>
        %swap3A_1394 = arith.index_cast %add3A_1368 : i32 to index
        %swap3A_1395 = arith.constant 32 : index
        %swap3A_1396 = tpu.vector_load %arg14[%swap3A_1394, %swap3A_1395] {strides = array<i32>} : memref<48x128xf32, #tpu.memory_space<vmem>>, vector<1x16xf32>,
        %swap3A_1397 = vector.shape_cast %swap3A_1396 : vector<1x16xf32> to vector<16xf32>
        %swap3A_1398 = vector.shape_cast %mul3A_1393 : vector<16xf32> to vector<1x16xf32>
        tpu.vector_store %arg14[%swap3A_1394, %swap3A_1395], %swap3A_1398 {strides = array<i32>} : memref<48x128xf32, #tpu.memory_space<vmem>>, vector<1x16xf32>,
        %get3A_1399 = arith.index_cast %add3A_1368 : i32 to index
        %get3A_1400 = arith.constant 48 : index
        %get3A_1401 = tpu.vector_load %arg14[%get3A_1399, %get3A_1400] {strides = array<i32>} : memref<48x128xf32, #tpu.memory_space<vmem>>, vector<1x16xf32>,
        %get3A_1402 = vector.shape_cast %get3A_1401 : vector<1x16xf32> to vector<16xf32>
        %mul3A_1403 = arith.mulf %get3A_1402, %gather3A_1364 : vector<16xf32>
        %swap3A_1404 = arith.index_cast %add3A_1368 : i32 to index
        %swap3A_1405 = arith.constant 48 : index
        %swap3A_1406 = tpu.vector_load %arg14[%swap3A_1404, %swap3A_1405] {strides = array<i32>} : memref<48x128xf32, #tpu.memory_space<vmem>>, vector<1x16xf32>,
        %swap3A_1407 = vector.shape_cast %swap3A_1406 : vector<1x16xf32> to vector<16xf32>
        %swap3A_1408 = vector.shape_cast %mul3A_1403 : vector<16xf32> to vector<1x16xf32>
        tpu.vector_store %arg14[%swap3A_1404, %swap3A_1405], %swap3A_1408 {strides = array<i32>} : memref<48x128xf32, #tpu.memory_space<vmem>>, vector<1x16xf32>,
        %get3A_1409 = arith.index_cast %add3A_1368 : i32 to index
        %get3A_1410 = arith.constant 64 : index
        %get3A_1411 = tpu.vector_load %arg14[%get3A_1409, %get3A_1410] {strides = array<i32>} : memref<48x128xf32, #tpu.memory_space<vmem>>, vector<1x16xf32>,
        %get3A_1412 = vector.shape_cast %get3A_1411 : vector<1x16xf32> to vector<16xf32>
        %mul3A_1413 = arith.mulf %get3A_1412, %gather3A_1364 : vector<16xf32>
        %swap3A_1414 = arith.index_cast %add3A_1368 : i32 to index
        %swap3A_1415 = arith.constant 64 : index
        %swap3A_1416 = tpu.vector_load %arg14[%swap3A_1414, %swap3A_1415] {strides = array<i32>} : memref<48x128xf32, #tpu.memory_space<vmem>>, vector<1x16xf32>,
        %swap3A_1417 = vector.shape_cast %swap3A_1416 : vector<1x16xf32> to vector<16xf32>
        %swap3A_1418 = vector.shape_cast %mul3A_1413 : vector<16xf32> to vector<1x16xf32>
        tpu.vector_store %arg14[%swap3A_1414, %swap3A_1415], %swap3A_1418 {strides = array<i32>} : memref<48x128xf32, #tpu.memory_space<vmem>>, vector<1x16xf32>,
        %get3A_1419 = arith.index_cast %add3A_1368 : i32 to index
        %get3A_1420 = arith.constant 80 : index
        %get3A_1421 = tpu.vector_load %arg14[%get3A_1419, %get3A_1420] {strides = array<i32>} : memref<48x128xf32, #tpu.memory_space<vmem>>, vector<1x16xf32>,
        %get3A_1422 = vector.shape_cast %get3A_1421 : vector<1x16xf32> to vector<16xf32>
        %mul3A_1423 = arith.mulf %get3A_1422, %gather3A_1364 : vector<16xf32>
        %swap3A_1424 = arith.index_cast %add3A_1368 : i32 to index
        %swap3A_1425 = arith.constant 80 : index
        %swap3A_1426 = tpu.vector_load %arg14[%swap3A_1424, %swap3A_1425] {strides = array<i32>} : memref<48x128xf32, #tpu.memory_space<vmem>>, vector<1x16xf32>,
        %swap3A_1427 = vector.shape_cast %swap3A_1426 : vector<1x16xf32> to vector<16xf32>
        %swap3A_1428 = vector.shape_cast %mul3A_1423 : vector<16xf32> to vector<1x16xf32>
        tpu.vector_store %arg14[%swap3A_1424, %swap3A_1425], %swap3A_1428 {strides = array<i32>} : memref<48x128xf32, #tpu.memory_space<vmem>>, vector<1x16xf32>,
        %get3A_1429 = arith.index_cast %add3A_1368 : i32 to index
        %get3A_1430 = arith.constant 96 : index
        %get3A_1431 = tpu.vector_load %arg14[%get3A_1429, %get3A_1430] {strides = array<i32>} : memref<48x128xf32, #tpu.memory_space<vmem>>, vector<1x16xf32>,
        %get3A_1432 = vector.shape_cast %get3A_1431 : vector<1x16xf32> to vector<16xf32>
        %mul3A_1433 = arith.mulf %get3A_1432, %gather3A_1364 : vector<16xf32>
        %swap3A_1434 = arith.index_cast %add3A_1368 : i32 to index
        %swap3A_1435 = arith.constant 96 : index
        %swap3A_1436 = tpu.vector_load %arg14[%swap3A_1434, %swap3A_1435] {strides = array<i32>} : memref<48x128xf32, #tpu.memory_space<vmem>>, vector<1x16xf32>,
        %swap3A_1437 = vector.shape_cast %swap3A_1436 : vector<1x16xf32> to vector<16xf32>
        %swap3A_1438 = vector.shape_cast %mul3A_1433 : vector<16xf32> to vector<1x16xf32>
        tpu.vector_store %arg14[%swap3A_1434, %swap3A_1435], %swap3A_1438 {strides = array<i32>} : memref<48x128xf32, #tpu.memory_space<vmem>>, vector<1x16xf32>,
        %get3A_1439 = arith.index_cast %add3A_1368 : i32 to index
        %get3A_1440 = arith.constant 112 : index
        %get3A_1441 = tpu.vector_load %arg14[%get3A_1439, %get3A_1440] {strides = array<i32>} : memref<48x128xf32, #tpu.memory_space<vmem>>, vector<1x16xf32>,
        %get3A_1442 = vector.shape_cast %get3A_1441 : vector<1x16xf32> to vector<16xf32>
        %mul3A_1443 = arith.mulf %get3A_1442, %gather3A_1364 : vector<16xf32>
        %swap3A_1444 = arith.index_cast %add3A_1368 : i32 to index
        %swap3A_1445 = arith.constant 112 : index
        %swap3A_1446 = tpu.vector_load %arg14[%swap3A_1444, %swap3A_1445] {strides = array<i32>} : memref<48x128xf32, #tpu.memory_space<vmem>>, vector<1x16xf32>,
        %swap3A_1447 = vector.shape_cast %swap3A_1446 : vector<1x16xf32> to vector<16xf32>
        %swap3A_1448 = vector.shape_cast %mul3A_1443 : vector<16xf32> to vector<1x16xf32>
        tpu.vector_store %arg14[%swap3A_1444, %swap3A_1445], %swap3A_1448 {strides = array<i32>} : memref<48x128xf32, #tpu.memory_space<vmem>>, vector<1x16xf32>,
        %broadcast_in_dim3A_1449 = arith.constant 14 : i32
        %broadcast_in_dim3A_1450 = vector.broadcast %broadcast_in_dim3A_1449 : i32 to vector<16x1xi32>
        %gather3A_1451 = vector.shape_cast %broadcast_in_dim3A_1450 : vector<16x1xi32> to vector<16xi32>
        %gather3A_1452 = tpu.dynamic_gather %get3A_218[%gather3A_1451] in [0] : vector<16xf32>, vector<16xi32> -> vector<16xf32>
        %mul3A_1453 = arith.constant 16 : i32
        %mul3A_1454 = arith.muli %scan3A_212, %mul3A_1453 : i32
        %add3A_1455 = arith.constant 14 : i32
        %add3A_1456 = arith.addi %mul3A_1454, %add3A_1455 : i32
        %get3A_1457 = arith.index_cast %add3A_1456 : i32 to index
        %get3A_1458 = arith.constant 0 : index
        %get3A_1459 = tpu.vector_load %arg14[%get3A_1457, %get3A_1458] {strides = array<i32>} : memref<48x128xf32, #tpu.memory_space<vmem>>, vector<1x16xf32>,
        %get3A_1460 = vector.shape_cast %get3A_1459 : vector<1x16xf32> to vector<16xf32>
        %mul3A_1461 = arith.mulf %get3A_1460, %gather3A_1452 : vector<16xf32>
        %swap3A_1462 = arith.index_cast %add3A_1456 : i32 to index
        %swap3A_1463 = arith.constant 0 : index
        %swap3A_1464 = tpu.vector_load %arg14[%swap3A_1462, %swap3A_1463] {strides = array<i32>} : memref<48x128xf32, #tpu.memory_space<vmem>>, vector<1x16xf32>,
        %swap3A_1465 = vector.shape_cast %swap3A_1464 : vector<1x16xf32> to vector<16xf32>
        %swap3A_1466 = vector.shape_cast %mul3A_1461 : vector<16xf32> to vector<1x16xf32>
        tpu.vector_store %arg14[%swap3A_1462, %swap3A_1463], %swap3A_1466 {strides = array<i32>} : memref<48x128xf32, #tpu.memory_space<vmem>>, vector<1x16xf32>,
        %get3A_1467 = arith.index_cast %add3A_1456 : i32 to index
        %get3A_1468 = arith.constant 16 : index
        %get3A_1469 = tpu.vector_load %arg14[%get3A_1467, %get3A_1468] {strides = array<i32>} : memref<48x128xf32, #tpu.memory_space<vmem>>, vector<1x16xf32>,
        %get3A_1470 = vector.shape_cast %get3A_1469 : vector<1x16xf32> to vector<16xf32>
        %mul3A_1471 = arith.mulf %get3A_1470, %gather3A_1452 : vector<16xf32>
        %swap3A_1472 = arith.index_cast %add3A_1456 : i32 to index
        %swap3A_1473 = arith.constant 16 : index
        %swap3A_1474 = tpu.vector_load %arg14[%swap3A_1472, %swap3A_1473] {strides = array<i32>} : memref<48x128xf32, #tpu.memory_space<vmem>>, vector<1x16xf32>,
        %swap3A_1475 = vector.shape_cast %swap3A_1474 : vector<1x16xf32> to vector<16xf32>
        %swap3A_1476 = vector.shape_cast %mul3A_1471 : vector<16xf32> to vector<1x16xf32>
        tpu.vector_store %arg14[%swap3A_1472, %swap3A_1473], %swap3A_1476 {strides = array<i32>} : memref<48x128xf32, #tpu.memory_space<vmem>>, vector<1x16xf32>,
        %get3A_1477 = arith.index_cast %add3A_1456 : i32 to index
        %get3A_1478 = arith.constant 32 : index
        %get3A_1479 = tpu.vector_load %arg14[%get3A_1477, %get3A_1478] {strides = array<i32>} : memref<48x128xf32, #tpu.memory_space<vmem>>, vector<1x16xf32>,
        %get3A_1480 = vector.shape_cast %get3A_1479 : vector<1x16xf32> to vector<16xf32>
        %mul3A_1481 = arith.mulf %get3A_1480, %gather3A_1452 : vector<16xf32>
        %swap3A_1482 = arith.index_cast %add3A_1456 : i32 to index
        %swap3A_1483 = arith.constant 32 : index
        %swap3A_1484 = tpu.vector_load %arg14[%swap3A_1482, %swap3A_1483] {strides = array<i32>} : memref<48x128xf32, #tpu.memory_space<vmem>>, vector<1x16xf32>,
        %swap3A_1485 = vector.shape_cast %swap3A_1484 : vector<1x16xf32> to vector<16xf32>
        %swap3A_1486 = vector.shape_cast %mul3A_1481 : vector<16xf32> to vector<1x16xf32>
        tpu.vector_store %arg14[%swap3A_1482, %swap3A_1483], %swap3A_1486 {strides = array<i32>} : memref<48x128xf32, #tpu.memory_space<vmem>>, vector<1x16xf32>,
        %get3A_1487 = arith.index_cast %add3A_1456 : i32 to index
        %get3A_1488 = arith.constant 48 : index
        %get3A_1489 = tpu.vector_load %arg14[%get3A_1487, %get3A_1488] {strides = array<i32>} : memref<48x128xf32, #tpu.memory_space<vmem>>, vector<1x16xf32>,
        %get3A_1490 = vector.shape_cast %get3A_1489 : vector<1x16xf32> to vector<16xf32>
        %mul3A_1491 = arith.mulf %get3A_1490, %gather3A_1452 : vector<16xf32>
        %swap3A_1492 = arith.index_cast %add3A_1456 : i32 to index
        %swap3A_1493 = arith.constant 48 : index
        %swap3A_1494 = tpu.vector_load %arg14[%swap3A_1492, %swap3A_1493] {strides = array<i32>} : memref<48x128xf32, #tpu.memory_space<vmem>>, vector<1x16xf32>,
        %swap3A_1495 = vector.shape_cast %swap3A_1494 : vector<1x16xf32> to vector<16xf32>
        %swap3A_1496 = vector.shape_cast %mul3A_1491 : vector<16xf32> to vector<1x16xf32>
        tpu.vector_store %arg14[%swap3A_1492, %swap3A_1493], %swap3A_1496 {strides = array<i32>} : memref<48x128xf32, #tpu.memory_space<vmem>>, vector<1x16xf32>,
        %get3A_1497 = arith.index_cast %add3A_1456 : i32 to index
        %get3A_1498 = arith.constant 64 : index
        %get3A_1499 = tpu.vector_load %arg14[%get3A_1497, %get3A_1498] {strides = array<i32>} : memref<48x128xf32, #tpu.memory_space<vmem>>, vector<1x16xf32>,
        %get3A_1500 = vector.shape_cast %get3A_1499 : vector<1x16xf32> to vector<16xf32>
        %mul3A_1501 = arith.mulf %get3A_1500, %gather3A_1452 : vector<16xf32>
        %swap3A_1502 = arith.index_cast %add3A_1456 : i32 to index
        %swap3A_1503 = arith.constant 64 : index
        %swap3A_1504 = tpu.vector_load %arg14[%swap3A_1502, %swap3A_1503] {strides = array<i32>} : memref<48x128xf32, #tpu.memory_space<vmem>>, vector<1x16xf32>,
        %swap3A_1505 = vector.shape_cast %swap3A_1504 : vector<1x16xf32> to vector<16xf32>
        %swap3A_1506 = vector.shape_cast %mul3A_1501 : vector<16xf32> to vector<1x16xf32>
        tpu.vector_store %arg14[%swap3A_1502, %swap3A_1503], %swap3A_1506 {strides = array<i32>} : memref<48x128xf32, #tpu.memory_space<vmem>>, vector<1x16xf32>,
        %get3A_1507 = arith.index_cast %add3A_1456 : i32 to index
        %get3A_1508 = arith.constant 80 : index
        %get3A_1509 = tpu.vector_load %arg14[%get3A_1507, %get3A_1508] {strides = array<i32>} : memref<48x128xf32, #tpu.memory_space<vmem>>, vector<1x16xf32>,
        %get3A_1510 = vector.shape_cast %get3A_1509 : vector<1x16xf32> to vector<16xf32>
        %mul3A_1511 = arith.mulf %get3A_1510, %gather3A_1452 : vector<16xf32>
        %swap3A_1512 = arith.index_cast %add3A_1456 : i32 to index
        %swap3A_1513 = arith.constant 80 : index
        %swap3A_1514 = tpu.vector_load %arg14[%swap3A_1512, %swap3A_1513] {strides = array<i32>} : memref<48x128xf32, #tpu.memory_space<vmem>>, vector<1x16xf32>,
        %swap3A_1515 = vector.shape_cast %swap3A_1514 : vector<1x16xf32> to vector<16xf32>
        %swap3A_1516 = vector.shape_cast %mul3A_1511 : vector<16xf32> to vector<1x16xf32>
        tpu.vector_store %arg14[%swap3A_1512, %swap3A_1513], %swap3A_1516 {strides = array<i32>} : memref<48x128xf32, #tpu.memory_space<vmem>>, vector<1x16xf32>,
        %get3A_1517 = arith.index_cast %add3A_1456 : i32 to index
        %get3A_1518 = arith.constant 96 : index
        %get3A_1519 = tpu.vector_load %arg14[%get3A_1517, %get3A_1518] {strides = array<i32>} : memref<48x128xf32, #tpu.memory_space<vmem>>, vector<1x16xf32>,
        %get3A_1520 = vector.shape_cast %get3A_1519 : vector<1x16xf32> to vector<16xf32>
        %mul3A_1521 = arith.mulf %get3A_1520, %gather3A_1452 : vector<16xf32>
        %swap3A_1522 = arith.index_cast %add3A_1456 : i32 to index
        %swap3A_1523 = arith.constant 96 : index
        %swap3A_1524 = tpu.vector_load %arg14[%swap3A_1522, %swap3A_1523] {strides = array<i32>} : memref<48x128xf32, #tpu.memory_space<vmem>>, vector<1x16xf32>,
        %swap3A_1525 = vector.shape_cast %swap3A_1524 : vector<1x16xf32> to vector<16xf32>
        %swap3A_1526 = vector.shape_cast %mul3A_1521 : vector<16xf32> to vector<1x16xf32>
        tpu.vector_store %arg14[%swap3A_1522, %swap3A_1523], %swap3A_1526 {strides = array<i32>} : memref<48x128xf32, #tpu.memory_space<vmem>>, vector<1x16xf32>,
        %get3A_1527 = arith.index_cast %add3A_1456 : i32 to index
        %get3A_1528 = arith.constant 112 : index
        %get3A_1529 = tpu.vector_load %arg14[%get3A_1527, %get3A_1528] {strides = array<i32>} : memref<48x128xf32, #tpu.memory_space<vmem>>, vector<1x16xf32>,
        %get3A_1530 = vector.shape_cast %get3A_1529 : vector<1x16xf32> to vector<16xf32>
        %mul3A_1531 = arith.mulf %get3A_1530, %gather3A_1452 : vector<16xf32>
        %swap3A_1532 = arith.index_cast %add3A_1456 : i32 to index
        %swap3A_1533 = arith.constant 112 : index
        %swap3A_1534 = tpu.vector_load %arg14[%swap3A_1532, %swap3A_1533] {strides = array<i32>} : memref<48x128xf32, #tpu.memory_space<vmem>>, vector<1x16xf32>,
        %swap3A_1535 = vector.shape_cast %swap3A_1534 : vector<1x16xf32> to vector<16xf32>
        %swap3A_1536 = vector.shape_cast %mul3A_1531 : vector<16xf32> to vector<1x16xf32>
        tpu.vector_store %arg14[%swap3A_1532, %swap3A_1533], %swap3A_1536 {strides = array<i32>} : memref<48x128xf32, #tpu.memory_space<vmem>>, vector<1x16xf32>,
        %broadcast_in_dim3A_1537 = arith.constant 15 : i32
        %broadcast_in_dim3A_1538 = vector.broadcast %broadcast_in_dim3A_1537 : i32 to vector<16x1xi32>
        %gather3A_1539 = vector.shape_cast %broadcast_in_dim3A_1538 : vector<16x1xi32> to vector<16xi32>
        %gather3A_1540 = tpu.dynamic_gather %get3A_218[%gather3A_1539] in [0] : vector<16xf32>, vector<16xi32> -> vector<16xf32>
        %mul3A_1541 = arith.constant 16 : i32
        %mul3A_1542 = arith.muli %scan3A_212, %mul3A_1541 : i32
        %add3A_1543 = arith.constant 15 : i32
        %add3A_1544 = arith.addi %mul3A_1542, %add3A_1543 : i32
        %get3A_1545 = arith.index_cast %add3A_1544 : i32 to index
        %get3A_1546 = arith.constant 0 : index
        %get3A_1547 = tpu.vector_load %arg14[%get3A_1545, %get3A_1546] {strides = array<i32>} : memref<48x128xf32, #tpu.memory_space<vmem>>, vector<1x16xf32>,
        %get3A_1548 = vector.shape_cast %get3A_1547 : vector<1x16xf32> to vector<16xf32>
        %mul3A_1549 = arith.mulf %get3A_1548, %gather3A_1540 : vector<16xf32>
        %swap3A_1550 = arith.index_cast %add3A_1544 : i32 to index
        %swap3A_1551 = arith.constant 0 : index
        %swap3A_1552 = tpu.vector_load %arg14[%swap3A_1550, %swap3A_1551] {strides = array<i32>} : memref<48x128xf32, #tpu.memory_space<vmem>>, vector<1x16xf32>,
        %swap3A_1553 = vector.shape_cast %swap3A_1552 : vector<1x16xf32> to vector<16xf32>
        %swap3A_1554 = vector.shape_cast %mul3A_1549 : vector<16xf32> to vector<1x16xf32>
        tpu.vector_store %arg14[%swap3A_1550, %swap3A_1551], %swap3A_1554 {strides = array<i32>} : memref<48x128xf32, #tpu.memory_space<vmem>>, vector<1x16xf32>,
        %get3A_1555 = arith.index_cast %add3A_1544 : i32 to index
        %get3A_1556 = arith.constant 16 : index
        %get3A_1557 = tpu.vector_load %arg14[%get3A_1555, %get3A_1556] {strides = array<i32>} : memref<48x128xf32, #tpu.memory_space<vmem>>, vector<1x16xf32>,
        %get3A_1558 = vector.shape_cast %get3A_1557 : vector<1x16xf32> to vector<16xf32>
        %mul3A_1559 = arith.mulf %get3A_1558, %gather3A_1540 : vector<16xf32>
        %swap3A_1560 = arith.index_cast %add3A_1544 : i32 to index
        %swap3A_1561 = arith.constant 16 : index
        %swap3A_1562 = tpu.vector_load %arg14[%swap3A_1560, %swap3A_1561] {strides = array<i32>} : memref<48x128xf32, #tpu.memory_space<vmem>>, vector<1x16xf32>,
        %swap3A_1563 = vector.shape_cast %swap3A_1562 : vector<1x16xf32> to vector<16xf32>
        %swap3A_1564 = vector.shape_cast %mul3A_1559 : vector<16xf32> to vector<1x16xf32>
        tpu.vector_store %arg14[%swap3A_1560, %swap3A_1561], %swap3A_1564 {strides = array<i32>} : memref<48x128xf32, #tpu.memory_space<vmem>>, vector<1x16xf32>,
        %get3A_1565 = arith.index_cast %add3A_1544 : i32 to index
        %get3A_1566 = arith.constant 32 : index
        %get3A_1567 = tpu.vector_load %arg14[%get3A_1565, %get3A_1566] {strides = array<i32>} : memref<48x128xf32, #tpu.memory_space<vmem>>, vector<1x16xf32>,
        %get3A_1568 = vector.shape_cast %get3A_1567 : vector<1x16xf32> to vector<16xf32>
        %mul3A_1569 = arith.mulf %get3A_1568, %gather3A_1540 : vector<16xf32>
        %swap3A_1570 = arith.index_cast %add3A_1544 : i32 to index
        %swap3A_1571 = arith.constant 32 : index
        %swap3A_1572 = tpu.vector_load %arg14[%swap3A_1570, %swap3A_1571] {strides = array<i32>} : memref<48x128xf32, #tpu.memory_space<vmem>>, vector<1x16xf32>,
        %swap3A_1573 = vector.shape_cast %swap3A_1572 : vector<1x16xf32> to vector<16xf32>
        %swap3A_1574 = vector.shape_cast %mul3A_1569 : vector<16xf32> to vector<1x16xf32>
        tpu.vector_store %arg14[%swap3A_1570, %swap3A_1571], %swap3A_1574 {strides = array<i32>} : memref<48x128xf32, #tpu.memory_space<vmem>>, vector<1x16xf32>,
        %get3A_1575 = arith.index_cast %add3A_1544 : i32 to index
        %get3A_1576 = arith.constant 48 : index
        %get3A_1577 = tpu.vector_load %arg14[%get3A_1575, %get3A_1576] {strides = array<i32>} : memref<48x128xf32, #tpu.memory_space<vmem>>, vector<1x16xf32>,
        %get3A_1578 = vector.shape_cast %get3A_1577 : vector<1x16xf32> to vector<16xf32>
        %mul3A_1579 = arith.mulf %get3A_1578, %gather3A_1540 : vector<16xf32>
        %swap3A_1580 = arith.index_cast %add3A_1544 : i32 to index
        %swap3A_1581 = arith.constant 48 : index
        %swap3A_1582 = tpu.vector_load %arg14[%swap3A_1580, %swap3A_1581] {strides = array<i32>} : memref<48x128xf32, #tpu.memory_space<vmem>>, vector<1x16xf32>,
        %swap3A_1583 = vector.shape_cast %swap3A_1582 : vector<1x16xf32> to vector<16xf32>
        %swap3A_1584 = vector.shape_cast %mul3A_1579 : vector<16xf32> to vector<1x16xf32>
        tpu.vector_store %arg14[%swap3A_1580, %swap3A_1581], %swap3A_1584 {strides = array<i32>} : memref<48x128xf32, #tpu.memory_space<vmem>>, vector<1x16xf32>,
        %get3A_1585 = arith.index_cast %add3A_1544 : i32 to index
        %get3A_1586 = arith.constant 64 : index
        %get3A_1587 = tpu.vector_load %arg14[%get3A_1585, %get3A_1586] {strides = array<i32>} : memref<48x128xf32, #tpu.memory_space<vmem>>, vector<1x16xf32>,
        %get3A_1588 = vector.shape_cast %get3A_1587 : vector<1x16xf32> to vector<16xf32>
        %mul3A_1589 = arith.mulf %get3A_1588, %gather3A_1540 : vector<16xf32>
        %swap3A_1590 = arith.index_cast %add3A_1544 : i32 to index
        %swap3A_1591 = arith.constant 64 : index
        %swap3A_1592 = tpu.vector_load %arg14[%swap3A_1590, %swap3A_1591] {strides = array<i32>} : memref<48x128xf32, #tpu.memory_space<vmem>>, vector<1x16xf32>,
        %swap3A_1593 = vector.shape_cast %swap3A_1592 : vector<1x16xf32> to vector<16xf32>
        %swap3A_1594 = vector.shape_cast %mul3A_1589 : vector<16xf32> to vector<1x16xf32>
        tpu.vector_store %arg14[%swap3A_1590, %swap3A_1591], %swap3A_1594 {strides = array<i32>} : memref<48x128xf32, #tpu.memory_space<vmem>>, vector<1x16xf32>,
        %get3A_1595 = arith.index_cast %add3A_1544 : i32 to index
        %get3A_1596 = arith.constant 80 : index
        %get3A_1597 = tpu.vector_load %arg14[%get3A_1595, %get3A_1596] {strides = array<i32>} : memref<48x128xf32, #tpu.memory_space<vmem>>, vector<1x16xf32>,
        %get3A_1598 = vector.shape_cast %get3A_1597 : vector<1x16xf32> to vector<16xf32>
        %mul3A_1599 = arith.mulf %get3A_1598, %gather3A_1540 : vector<16xf32>
        %swap3A_1600 = arith.index_cast %add3A_1544 : i32 to index
        %swap3A_1601 = arith.constant 80 : index
        %swap3A_1602 = tpu.vector_load %arg14[%swap3A_1600, %swap3A_1601] {strides = array<i32>} : memref<48x128xf32, #tpu.memory_space<vmem>>, vector<1x16xf32>,
        %swap3A_1603 = vector.shape_cast %swap3A_1602 : vector<1x16xf32> to vector<16xf32>
        %swap3A_1604 = vector.shape_cast %mul3A_1599 : vector<16xf32> to vector<1x16xf32>
        tpu.vector_store %arg14[%swap3A_1600, %swap3A_1601], %swap3A_1604 {strides = array<i32>} : memref<48x128xf32, #tpu.memory_space<vmem>>, vector<1x16xf32>,
        %get3A_1605 = arith.index_cast %add3A_1544 : i32 to index
        %get3A_1606 = arith.constant 96 : index
        %get3A_1607 = tpu.vector_load %arg14[%get3A_1605, %get3A_1606] {strides = array<i32>} : memref<48x128xf32, #tpu.memory_space<vmem>>, vector<1x16xf32>,
        %get3A_1608 = vector.shape_cast %get3A_1607 : vector<1x16xf32> to vector<16xf32>
        %mul3A_1609 = arith.mulf %get3A_1608, %gather3A_1540 : vector<16xf32>
        %swap3A_1610 = arith.index_cast %add3A_1544 : i32 to index
        %swap3A_1611 = arith.constant 96 : index
        %swap3A_1612 = tpu.vector_load %arg14[%swap3A_1610, %swap3A_1611] {strides = array<i32>} : memref<48x128xf32, #tpu.memory_space<vmem>>, vector<1x16xf32>,
        %swap3A_1613 = vector.shape_cast %swap3A_1612 : vector<1x16xf32> to vector<16xf32>
        %swap3A_1614 = vector.shape_cast %mul3A_1609 : vector<16xf32> to vector<1x16xf32>
        tpu.vector_store %arg14[%swap3A_1610, %swap3A_1611], %swap3A_1614 {strides = array<i32>} : memref<48x128xf32, #tpu.memory_space<vmem>>, vector<1x16xf32>,
        %get3A_1615 = arith.index_cast %add3A_1544 : i32 to index
        %get3A_1616 = arith.constant 112 : index
        %get3A_1617 = tpu.vector_load %arg14[%get3A_1615, %get3A_1616] {strides = array<i32>} : memref<48x128xf32, #tpu.memory_space<vmem>>, vector<1x16xf32>,
        %get3A_1618 = vector.shape_cast %get3A_1617 : vector<1x16xf32> to vector<16xf32>
        %mul3A_1619 = arith.mulf %get3A_1618, %gather3A_1540 : vector<16xf32>
        %swap3A_1620 = arith.index_cast %add3A_1544 : i32 to index
        %swap3A_1621 = arith.constant 112 : index
        %swap3A_1622 = tpu.vector_load %arg14[%swap3A_1620, %swap3A_1621] {strides = array<i32>} : memref<48x128xf32, #tpu.memory_space<vmem>>, vector<1x16xf32>,
        %swap3A_1623 = vector.shape_cast %swap3A_1622 : vector<1x16xf32> to vector<16xf32>
        %swap3A_1624 = vector.shape_cast %mul3A_1619 : vector<16xf32> to vector<1x16xf32>
        tpu.vector_store %arg14[%swap3A_1620, %swap3A_1621], %swap3A_1624 {strides = array<i32>} : memref<48x128xf32, #tpu.memory_space<vmem>>, vector<1x16xf32>,
      }
      %scan3A_66 = arith.constant 3 : i32
      %add3A_67 = arith.constant 0 : i32
      %add3A_68 = arith.addi %mul3A_54, %add3A_67 : i32
      %get3A = arith.index_cast %add3A_68 : i32 to index
      %get3A_69 = tpu.vector_load %arg9[%get3A] {strides = array<i32>} : memref<10080xi32, #tpu.memory_space<vmem>>, vector<16xi32>,
      %get3A_70 = vector.shape_cast %get3A_69 : vector<16xi32> to vector<16xi32>
      %swap3A = arith.constant 0 : index
      %swap3A_71 = tpu.vector_load %arg11[%swap3A] {strides = array<i32>} : memref<48xi32, #tpu.memory_space<vmem>>, vector<16xi32>,
      %swap3A_72 = vector.shape_cast %swap3A_71 : vector<16xi32> to vector<16xi32>
      %swap3A_73 = vector.shape_cast %get3A_70 : vector<16xi32> to vector<16xi32>
      tpu.vector_store %arg11[%swap3A], %swap3A_73 {strides = array<i32>} : memref<48xi32, #tpu.memory_space<vmem>>, vector<16xi32>,
      %add3A_74 = arith.constant 16 : i32
      %add3A_75 = arith.addi %mul3A_54, %add3A_74 : i32
      %get3A_76 = arith.index_cast %add3A_75 : i32 to index
      %get3A_77 = tpu.vector_load %arg9[%get3A_76] {strides = array<i32>} : memref<10080xi32, #tpu.memory_space<vmem>>, vector<16xi32>,
      %get3A_78 = vector.shape_cast %get3A_77 : vector<16xi32> to vector<16xi32>
      %swap3A_79 = arith.constant 16 : index
      %swap3A_80 = tpu.vector_load %arg11[%swap3A_79] {strides = array<i32>} : memref<48xi32, #tpu.memory_space<vmem>>, vector<16xi32>,
      %swap3A_81 = vector.shape_cast %swap3A_80 : vector<16xi32> to vector<16xi32>
      %swap3A_82 = vector.shape_cast %get3A_78 : vector<16xi32> to vector<16xi32>
      tpu.vector_store %arg11[%swap3A_79], %swap3A_82 {strides = array<i32>} : memref<48xi32, #tpu.memory_space<vmem>>, vector<16xi32>,
      %add3A_83 = arith.constant 32 : i32
      %add3A_84 = arith.addi %mul3A_54, %add3A_83 : i32
      %get3A_85 = arith.index_cast %add3A_84 : i32 to index
      %get3A_86 = tpu.vector_load %arg9[%get3A_85] {strides = array<i32>} : memref<10080xi32, #tpu.memory_space<vmem>>, vector<16xi32>,
      %get3A_87 = vector.shape_cast %get3A_86 : vector<16xi32> to vector<16xi32>
      %swap3A_88 = arith.constant 32 : index
      %swap3A_89 = tpu.vector_load %arg11[%swap3A_88] {strides = array<i32>} : memref<48xi32, #tpu.memory_space<vmem>>, vector<16xi32>,
      %swap3A_90 = vector.shape_cast %swap3A_89 : vector<16xi32> to vector<16xi32>
      %swap3A_91 = vector.shape_cast %get3A_87 : vector<16xi32> to vector<16xi32>
      tpu.vector_store %arg11[%swap3A_88], %swap3A_91 {strides = array<i32>} : memref<48xi32, #tpu.memory_space<vmem>>, vector<16xi32>,
      %dma_start3A_92 = arith.constant 0 : i32
      %dma_start3A_93 = arith.constant 0 : i32
      %dma_start3A_94 = tpu.memref_slice %arg17[%dma_start3A_92, %dma_start3A_93] : memref<10000x128xf32, #tpu.memory_space<vmem_shared>> -> memref<10000x128xf32, #tpu.memory_space<vmem_shared>>
      tpu.enqueue_indirect_dma source(%arg14 : memref<48x128xf32, #tpu.memory_space<vmem>>) target(%dma_start3A_94 : memref<10000x128xf32, #tpu.memory_space<vmem_shared>>) offsets(%arg11 : memref<48xi32, #tpu.memory_space<vmem>>) semaphore(%arg21 : memref<!tpu.dma_semaphore, #tpu.memory_space<semaphore_mem>>) {add = true}
      %add3A_95 = arith.constant 96 : i32
      %add3A_96 = arith.addi %mul3A_54, %add3A_95 : i32
      %gt3A = arith.constant 0 : i32
      %gt3A_97 = arith.cmpi sgt, %scan3A_48, %gt3A : i32
      %convert_element_type3A_98 = arith.extui %gt3A_97 : i1 to i32
      %cond3A_99 = arith.constant 0 : i32
      %cond3A_100 = arith.cmpi ne, %convert_element_type3A_98, %cond3A_99 : i32
      scf.if %cond3A_100 {
        %dma_wait3A_212 = arith.constant 0 : i32
        %dma_wait3A_213 = arith.constant 0 : i32
        %dma_wait3A_214 = tpu.memref_slice %arg2[%dma_wait3A_212, %dma_wait3A_213] : memref<10000x128xf32, #tpu.memory_space<hbm>> -> memref<48x128xf32, #tpu.memory_space<hbm>>
        %dma_wait3A_215 = arith.constant 0 : i32
        %dma_wait3A_216 = arith.constant 0 : i32
        %dma_wait3A_217 = tpu.memref_slice %arg2[%dma_wait3A_215, %dma_wait3A_216] : memref<10000x128xf32, #tpu.memory_space<hbm>> -> memref<48x128xf32, #tpu.memory_space<hbm>>
        tpu.wait_dma2 semaphore(%arg23 : memref<!tpu.dma_semaphore, #tpu.memory_space<semaphore_mem>>) src(%dma_wait3A_217 : memref<48x128xf32, #tpu.memory_space<hbm>>) dst(%arg16 : memref<48x128xf32, #tpu.memory_space<vmem>>)
        %dma_start3A_218 = tpu.memref_slice %arg8[%add3A_96] : memref<10080xi32, #tpu.memory_space<vmem>> -> memref<48xi32, #tpu.memory_space<vmem>>
        %dma_start3A_219 = arith.constant 0 : i32
        %dma_start3A_220 = arith.constant 0 : i32
        %dma_start3A_221 = tpu.memref_slice %arg2[%dma_start3A_219, %dma_start3A_220] : memref<10000x128xf32, #tpu.memory_space<hbm>> -> memref<10000x128xf32, #tpu.memory_space<hbm>>
        tpu.enqueue_indirect_dma source(%dma_start3A_221 : memref<10000x128xf32, #tpu.memory_space<hbm>>) target(%arg16 : memref<48x128xf32, #tpu.memory_space<vmem>>) offsets(%dma_start3A_218 : memref<48xi32, #tpu.memory_space<vmem>>) semaphore(%arg20 : memref<!tpu.dma_semaphore, #tpu.memory_space<semaphore_mem>>)
      } else {
      }
      %eq3A_101 = arith.constant 0 : i32
      %eq3A_102 = arith.cmpi eq, %scan3A_48, %eq3A_101 : i32
      %convert_element_type3A_103 = arith.extui %eq3A_102 : i1 to i32
      %cond3A_104 = arith.constant 0 : i32
      %cond3A_105 = arith.cmpi ne, %convert_element_type3A_103, %cond3A_104 : i32
      scf.if %cond3A_105 {
        %dma_start3A_212 = tpu.memref_slice %arg8[%add3A_96] : memref<10080xi32, #tpu.memory_space<vmem>> -> memref<48xi32, #tpu.memory_space<vmem>>
        %dma_start3A_213 = arith.constant 0 : i32
        %dma_start3A_214 = arith.constant 0 : i32
        %dma_start3A_215 = tpu.memref_slice %arg2[%dma_start3A_213, %dma_start3A_214] : memref<10000x128xf32, #tpu.memory_space<hbm>> -> memref<10000x128xf32, #tpu.memory_space<hbm>>
        tpu.enqueue_indirect_dma source(%dma_start3A_215 : memref<10000x128xf32, #tpu.memory_space<hbm>>) target(%arg16 : memref<48x128xf32, #tpu.memory_space<vmem>>) offsets(%dma_start3A_212 : memref<48xi32, #tpu.memory_space<vmem>>) semaphore(%arg20 : memref<!tpu.dma_semaphore, #tpu.memory_space<semaphore_mem>>)
      } else {
      }
      %add3A_106 = arith.constant 1 : i32
      %add3A_107 = arith.addi %mul3A_50, %add3A_106 : i32
      %mul3A_108 = arith.constant 48 : i32
      %mul3A_109 = arith.muli %add3A_107, %mul3A_108 : i32
      %dma_wait3A_110 = arith.constant 0 : i32
      %dma_wait3A_111 = arith.constant 0 : i32
      %dma_wait3A_112 = tpu.memref_slice %arg2[%dma_wait3A_110, %dma_wait3A_111] : memref<10000x128xf32, #tpu.memory_space<hbm>> -> memref<48x128xf32, #tpu.memory_space<hbm>>
      %dma_wait3A_113 = arith.constant 0 : i32
      %dma_wait3A_114 = arith.constant 0 : i32
      %dma_wait3A_115 = tpu.memref_slice %arg2[%dma_wait3A_113, %dma_wait3A_114] : memref<10000x128xf32, #tpu.memory_space<hbm>> -> memref<48x128xf32, #tpu.memory_space<hbm>>
      tpu.wait_dma2 semaphore(%arg19 : memref<!tpu.dma_semaphore, #tpu.memory_space<semaphore_mem>>) src(%dma_wait3A_115 : memref<48x128xf32, #tpu.memory_space<hbm>>) dst(%arg15 : memref<48x128xf32, #tpu.memory_space<vmem>>)
      %scan3A_116 = arith.constant 0 : i32
      %scan3A_117 = arith.constant 0 : i32
      %scan3A_118 = arith.constant 3 : i32
      %scan3A_119 = arith.addi %scan3A_117, %scan3A_118 : i32
      %scan3A_120 = arith.constant 1 : i32
      scf.for %scan3A_212 = %scan3A_117 to %scan3A_119 step %scan3A_120  : i32 {
        %mul3A_213 = arith.constant 16 : i32
        %mul3A_214 = arith.muli %scan3A_212, %mul3A_213 : i32
        %add3A_215 = arith.addi %mul3A_109, %mul3A_214 : i32
        %get3A_216 = arith.index_cast %add3A_215 : i32 to index
        %get3A_217 = tpu.vector_load %arg10[%get3A_216] {strides = array<i32>} : memref<10080xf32, #tpu.memory_space<vmem>>, vector<16xf32>,
        %get3A_218 = vector.shape_cast %get3A_217 : vector<16xf32> to vector<16xf32>
        %broadcast_in_dim3A = arith.constant 0 : i32
        %broadcast_in_dim3A_219 = vector.broadcast %broadcast_in_dim3A : i32 to vector<16x1xi32>
        %gather3A = vector.shape_cast %broadcast_in_dim3A_219 : vector<16x1xi32> to vector<16xi32>
        %gather3A_220 = tpu.dynamic_gather %get3A_218[%gather3A] in [0] : vector<16xf32>, vector<16xi32> -> vector<16xf32>
        %mul3A_221 = arith.constant 16 : i32
        %mul3A_222 = arith.muli %scan3A_212, %mul3A_221 : i32
        %add3A_223 = arith.constant 0 : i32
        %add3A_224 = arith.addi %mul3A_222, %add3A_223 : i32
        %get3A_225 = arith.index_cast %add3A_224 : i32 to index
        %get3A_226 = arith.constant 0 : index
        %get3A_227 = tpu.vector_load %arg15[%get3A_225, %get3A_226] {strides = array<i32>} : memref<48x128xf32, #tpu.memory_space<vmem>>, vector<1x16xf32>,
        %get3A_228 = vector.shape_cast %get3A_227 : vector<1x16xf32> to vector<16xf32>
        %mul3A_229 = arith.mulf %get3A_228, %gather3A_220 : vector<16xf32>
        %swap3A_230 = arith.index_cast %add3A_224 : i32 to index
        %swap3A_231 = arith.constant 0 : index
        %swap3A_232 = tpu.vector_load %arg15[%swap3A_230, %swap3A_231] {strides = array<i32>} : memref<48x128xf32, #tpu.memory_space<vmem>>, vector<1x16xf32>,
        %swap3A_233 = vector.shape_cast %swap3A_232 : vector<1x16xf32> to vector<16xf32>
        %swap3A_234 = vector.shape_cast %mul3A_229 : vector<16xf32> to vector<1x16xf32>
        tpu.vector_store %arg15[%swap3A_230, %swap3A_231], %swap3A_234 {strides = array<i32>} : memref<48x128xf32, #tpu.memory_space<vmem>>, vector<1x16xf32>,
        %get3A_235 = arith.index_cast %add3A_224 : i32 to index
        %get3A_236 = arith.constant 16 : index
        %get3A_237 = tpu.vector_load %arg15[%get3A_235, %get3A_236] {strides = array<i32>} : memref<48x128xf32, #tpu.memory_space<vmem>>, vector<1x16xf32>,
        %get3A_238 = vector.shape_cast %get3A_237 : vector<1x16xf32> to vector<16xf32>
        %mul3A_239 = arith.mulf %get3A_238, %gather3A_220 : vector<16xf32>
        %swap3A_240 = arith.index_cast %add3A_224 : i32 to index
        %swap3A_241 = arith.constant 16 : index
        %swap3A_242 = tpu.vector_load %arg15[%swap3A_240, %swap3A_241] {strides = array<i32>} : memref<48x128xf32, #tpu.memory_space<vmem>>, vector<1x16xf32>,
        %swap3A_243 = vector.shape_cast %swap3A_242 : vector<1x16xf32> to vector<16xf32>
        %swap3A_244 = vector.shape_cast %mul3A_239 : vector<16xf32> to vector<1x16xf32>
        tpu.vector_store %arg15[%swap3A_240, %swap3A_241], %swap3A_244 {strides = array<i32>} : memref<48x128xf32, #tpu.memory_space<vmem>>, vector<1x16xf32>,
        %get3A_245 = arith.index_cast %add3A_224 : i32 to index
        %get3A_246 = arith.constant 32 : index
        %get3A_247 = tpu.vector_load %arg15[%get3A_245, %get3A_246] {strides = array<i32>} : memref<48x128xf32, #tpu.memory_space<vmem>>, vector<1x16xf32>,
        %get3A_248 = vector.shape_cast %get3A_247 : vector<1x16xf32> to vector<16xf32>
        %mul3A_249 = arith.mulf %get3A_248, %gather3A_220 : vector<16xf32>
        %swap3A_250 = arith.index_cast %add3A_224 : i32 to index
        %swap3A_251 = arith.constant 32 : index
        %swap3A_252 = tpu.vector_load %arg15[%swap3A_250, %swap3A_251] {strides = array<i32>} : memref<48x128xf32, #tpu.memory_space<vmem>>, vector<1x16xf32>,
        %swap3A_253 = vector.shape_cast %swap3A_252 : vector<1x16xf32> to vector<16xf32>
        %swap3A_254 = vector.shape_cast %mul3A_249 : vector<16xf32> to vector<1x16xf32>
        tpu.vector_store %arg15[%swap3A_250, %swap3A_251], %swap3A_254 {strides = array<i32>} : memref<48x128xf32, #tpu.memory_space<vmem>>, vector<1x16xf32>,
        %get3A_255 = arith.index_cast %add3A_224 : i32 to index
        %get3A_256 = arith.constant 48 : index
        %get3A_257 = tpu.vector_load %arg15[%get3A_255, %get3A_256] {strides = array<i32>} : memref<48x128xf32, #tpu.memory_space<vmem>>, vector<1x16xf32>,
        %get3A_258 = vector.shape_cast %get3A_257 : vector<1x16xf32> to vector<16xf32>
        %mul3A_259 = arith.mulf %get3A_258, %gather3A_220 : vector<16xf32>
        %swap3A_260 = arith.index_cast %add3A_224 : i32 to index
        %swap3A_261 = arith.constant 48 : index
        %swap3A_262 = tpu.vector_load %arg15[%swap3A_260, %swap3A_261] {strides = array<i32>} : memref<48x128xf32, #tpu.memory_space<vmem>>, vector<1x16xf32>,
        %swap3A_263 = vector.shape_cast %swap3A_262 : vector<1x16xf32> to vector<16xf32>
        %swap3A_264 = vector.shape_cast %mul3A_259 : vector<16xf32> to vector<1x16xf32>
        tpu.vector_store %arg15[%swap3A_260, %swap3A_261], %swap3A_264 {strides = array<i32>} : memref<48x128xf32, #tpu.memory_space<vmem>>, vector<1x16xf32>,
        %get3A_265 = arith.index_cast %add3A_224 : i32 to index
        %get3A_266 = arith.constant 64 : index
        %get3A_267 = tpu.vector_load %arg15[%get3A_265, %get3A_266] {strides = array<i32>} : memref<48x128xf32, #tpu.memory_space<vmem>>, vector<1x16xf32>,
        %get3A_268 = vector.shape_cast %get3A_267 : vector<1x16xf32> to vector<16xf32>
        %mul3A_269 = arith.mulf %get3A_268, %gather3A_220 : vector<16xf32>
        %swap3A_270 = arith.index_cast %add3A_224 : i32 to index
        %swap3A_271 = arith.constant 64 : index
        %swap3A_272 = tpu.vector_load %arg15[%swap3A_270, %swap3A_271] {strides = array<i32>} : memref<48x128xf32, #tpu.memory_space<vmem>>, vector<1x16xf32>,
        %swap3A_273 = vector.shape_cast %swap3A_272 : vector<1x16xf32> to vector<16xf32>
        %swap3A_274 = vector.shape_cast %mul3A_269 : vector<16xf32> to vector<1x16xf32>
        tpu.vector_store %arg15[%swap3A_270, %swap3A_271], %swap3A_274 {strides = array<i32>} : memref<48x128xf32, #tpu.memory_space<vmem>>, vector<1x16xf32>,
        %get3A_275 = arith.index_cast %add3A_224 : i32 to index
        %get3A_276 = arith.constant 80 : index
        %get3A_277 = tpu.vector_load %arg15[%get3A_275, %get3A_276] {strides = array<i32>} : memref<48x128xf32, #tpu.memory_space<vmem>>, vector<1x16xf32>,
        %get3A_278 = vector.shape_cast %get3A_277 : vector<1x16xf32> to vector<16xf32>
        %mul3A_279 = arith.mulf %get3A_278, %gather3A_220 : vector<16xf32>
        %swap3A_280 = arith.index_cast %add3A_224 : i32 to index
        %swap3A_281 = arith.constant 80 : index
        %swap3A_282 = tpu.vector_load %arg15[%swap3A_280, %swap3A_281] {strides = array<i32>} : memref<48x128xf32, #tpu.memory_space<vmem>>, vector<1x16xf32>,
        %swap3A_283 = vector.shape_cast %swap3A_282 : vector<1x16xf32> to vector<16xf32>
        %swap3A_284 = vector.shape_cast %mul3A_279 : vector<16xf32> to vector<1x16xf32>
        tpu.vector_store %arg15[%swap3A_280, %swap3A_281], %swap3A_284 {strides = array<i32>} : memref<48x128xf32, #tpu.memory_space<vmem>>, vector<1x16xf32>,
        %get3A_285 = arith.index_cast %add3A_224 : i32 to index
        %get3A_286 = arith.constant 96 : index
        %get3A_287 = tpu.vector_load %arg15[%get3A_285, %get3A_286] {strides = array<i32>} : memref<48x128xf32, #tpu.memory_space<vmem>>, vector<1x16xf32>,
        %get3A_288 = vector.shape_cast %get3A_287 : vector<1x16xf32> to vector<16xf32>
        %mul3A_289 = arith.mulf %get3A_288, %gather3A_220 : vector<16xf32>
        %swap3A_290 = arith.index_cast %add3A_224 : i32 to index
        %swap3A_291 = arith.constant 96 : index
        %swap3A_292 = tpu.vector_load %arg15[%swap3A_290, %swap3A_291] {strides = array<i32>} : memref<48x128xf32, #tpu.memory_space<vmem>>, vector<1x16xf32>,
        %swap3A_293 = vector.shape_cast %swap3A_292 : vector<1x16xf32> to vector<16xf32>
        %swap3A_294 = vector.shape_cast %mul3A_289 : vector<16xf32> to vector<1x16xf32>
        tpu.vector_store %arg15[%swap3A_290, %swap3A_291], %swap3A_294 {strides = array<i32>} : memref<48x128xf32, #tpu.memory_space<vmem>>, vector<1x16xf32>,
        %get3A_295 = arith.index_cast %add3A_224 : i32 to index
        %get3A_296 = arith.constant 112 : index
        %get3A_297 = tpu.vector_load %arg15[%get3A_295, %get3A_296] {strides = array<i32>} : memref<48x128xf32, #tpu.memory_space<vmem>>, vector<1x16xf32>,
        %get3A_298 = vector.shape_cast %get3A_297 : vector<1x16xf32> to vector<16xf32>
        %mul3A_299 = arith.mulf %get3A_298, %gather3A_220 : vector<16xf32>
        %swap3A_300 = arith.index_cast %add3A_224 : i32 to index
        %swap3A_301 = arith.constant 112 : index
        %swap3A_302 = tpu.vector_load %arg15[%swap3A_300, %swap3A_301] {strides = array<i32>} : memref<48x128xf32, #tpu.memory_space<vmem>>, vector<1x16xf32>,
        %swap3A_303 = vector.shape_cast %swap3A_302 : vector<1x16xf32> to vector<16xf32>
        %swap3A_304 = vector.shape_cast %mul3A_299 : vector<16xf32> to vector<1x16xf32>
        tpu.vector_store %arg15[%swap3A_300, %swap3A_301], %swap3A_304 {strides = array<i32>} : memref<48x128xf32, #tpu.memory_space<vmem>>, vector<1x16xf32>,
        %broadcast_in_dim3A_305 = arith.constant 1 : i32
        %broadcast_in_dim3A_306 = vector.broadcast %broadcast_in_dim3A_305 : i32 to vector<16x1xi32>
        %gather3A_307 = vector.shape_cast %broadcast_in_dim3A_306 : vector<16x1xi32> to vector<16xi32>
        %gather3A_308 = tpu.dynamic_gather %get3A_218[%gather3A_307] in [0] : vector<16xf32>, vector<16xi32> -> vector<16xf32>
        %mul3A_309 = arith.constant 16 : i32
        %mul3A_310 = arith.muli %scan3A_212, %mul3A_309 : i32
        %add3A_311 = arith.constant 1 : i32
        %add3A_312 = arith.addi %mul3A_310, %add3A_311 : i32
        %get3A_313 = arith.index_cast %add3A_312 : i32 to index
        %get3A_314 = arith.constant 0 : index
        %get3A_315 = tpu.vector_load %arg15[%get3A_313, %get3A_314] {strides = array<i32>} : memref<48x128xf32, #tpu.memory_space<vmem>>, vector<1x16xf32>,
        %get3A_316 = vector.shape_cast %get3A_315 : vector<1x16xf32> to vector<16xf32>
        %mul3A_317 = arith.mulf %get3A_316, %gather3A_308 : vector<16xf32>
        %swap3A_318 = arith.index_cast %add3A_312 : i32 to index
        %swap3A_319 = arith.constant 0 : index
        %swap3A_320 = tpu.vector_load %arg15[%swap3A_318, %swap3A_319] {strides = array<i32>} : memref<48x128xf32, #tpu.memory_space<vmem>>, vector<1x16xf32>,
        %swap3A_321 = vector.shape_cast %swap3A_320 : vector<1x16xf32> to vector<16xf32>
        %swap3A_322 = vector.shape_cast %mul3A_317 : vector<16xf32> to vector<1x16xf32>
        tpu.vector_store %arg15[%swap3A_318, %swap3A_319], %swap3A_322 {strides = array<i32>} : memref<48x128xf32, #tpu.memory_space<vmem>>, vector<1x16xf32>,
        %get3A_323 = arith.index_cast %add3A_312 : i32 to index
        %get3A_324 = arith.constant 16 : index
        %get3A_325 = tpu.vector_load %arg15[%get3A_323, %get3A_324] {strides = array<i32>} : memref<48x128xf32, #tpu.memory_space<vmem>>, vector<1x16xf32>,
        %get3A_326 = vector.shape_cast %get3A_325 : vector<1x16xf32> to vector<16xf32>
        %mul3A_327 = arith.mulf %get3A_326, %gather3A_308 : vector<16xf32>
        %swap3A_328 = arith.index_cast %add3A_312 : i32 to index
        %swap3A_329 = arith.constant 16 : index
        %swap3A_330 = tpu.vector_load %arg15[%swap3A_328, %swap3A_329] {strides = array<i32>} : memref<48x128xf32, #tpu.memory_space<vmem>>, vector<1x16xf32>,
        %swap3A_331 = vector.shape_cast %swap3A_330 : vector<1x16xf32> to vector<16xf32>
        %swap3A_332 = vector.shape_cast %mul3A_327 : vector<16xf32> to vector<1x16xf32>
        tpu.vector_store %arg15[%swap3A_328, %swap3A_329], %swap3A_332 {strides = array<i32>} : memref<48x128xf32, #tpu.memory_space<vmem>>, vector<1x16xf32>,
        %get3A_333 = arith.index_cast %add3A_312 : i32 to index
        %get3A_334 = arith.constant 32 : index
        %get3A_335 = tpu.vector_load %arg15[%get3A_333, %get3A_334] {strides = array<i32>} : memref<48x128xf32, #tpu.memory_space<vmem>>, vector<1x16xf32>,
        %get3A_336 = vector.shape_cast %get3A_335 : vector<1x16xf32> to vector<16xf32>
        %mul3A_337 = arith.mulf %get3A_336, %gather3A_308 : vector<16xf32>
        %swap3A_338 = arith.index_cast %add3A_312 : i32 to index
        %swap3A_339 = arith.constant 32 : index
        %swap3A_340 = tpu.vector_load %arg15[%swap3A_338, %swap3A_339] {strides = array<i32>} : memref<48x128xf32, #tpu.memory_space<vmem>>, vector<1x16xf32>,
        %swap3A_341 = vector.shape_cast %swap3A_340 : vector<1x16xf32> to vector<16xf32>
        %swap3A_342 = vector.shape_cast %mul3A_337 : vector<16xf32> to vector<1x16xf32>
        tpu.vector_store %arg15[%swap3A_338, %swap3A_339], %swap3A_342 {strides = array<i32>} : memref<48x128xf32, #tpu.memory_space<vmem>>, vector<1x16xf32>,
        %get3A_343 = arith.index_cast %add3A_312 : i32 to index
        %get3A_344 = arith.constant 48 : index
        %get3A_345 = tpu.vector_load %arg15[%get3A_343, %get3A_344] {strides = array<i32>} : memref<48x128xf32, #tpu.memory_space<vmem>>, vector<1x16xf32>,
        %get3A_346 = vector.shape_cast %get3A_345 : vector<1x16xf32> to vector<16xf32>
        %mul3A_347 = arith.mulf %get3A_346, %gather3A_308 : vector<16xf32>
        %swap3A_348 = arith.index_cast %add3A_312 : i32 to index
        %swap3A_349 = arith.constant 48 : index
        %swap3A_350 = tpu.vector_load %arg15[%swap3A_348, %swap3A_349] {strides = array<i32>} : memref<48x128xf32, #tpu.memory_space<vmem>>, vector<1x16xf32>,
        %swap3A_351 = vector.shape_cast %swap3A_350 : vector<1x16xf32> to vector<16xf32>
        %swap3A_352 = vector.shape_cast %mul3A_347 : vector<16xf32> to vector<1x16xf32>
        tpu.vector_store %arg15[%swap3A_348, %swap3A_349], %swap3A_352 {strides = array<i32>} : memref<48x128xf32, #tpu.memory_space<vmem>>, vector<1x16xf32>,
        %get3A_353 = arith.index_cast %add3A_312 : i32 to index
        %get3A_354 = arith.constant 64 : index
        %get3A_355 = tpu.vector_load %arg15[%get3A_353, %get3A_354] {strides = array<i32>} : memref<48x128xf32, #tpu.memory_space<vmem>>, vector<1x16xf32>,
        %get3A_356 = vector.shape_cast %get3A_355 : vector<1x16xf32> to vector<16xf32>
        %mul3A_357 = arith.mulf %get3A_356, %gather3A_308 : vector<16xf32>
        %swap3A_358 = arith.index_cast %add3A_312 : i32 to index
        %swap3A_359 = arith.constant 64 : index
        %swap3A_360 = tpu.vector_load %arg15[%swap3A_358, %swap3A_359] {strides = array<i32>} : memref<48x128xf32, #tpu.memory_space<vmem>>, vector<1x16xf32>,
        %swap3A_361 = vector.shape_cast %swap3A_360 : vector<1x16xf32> to vector<16xf32>
        %swap3A_362 = vector.shape_cast %mul3A_357 : vector<16xf32> to vector<1x16xf32>
        tpu.vector_store %arg15[%swap3A_358, %swap3A_359], %swap3A_362 {strides = array<i32>} : memref<48x128xf32, #tpu.memory_space<vmem>>, vector<1x16xf32>,
        %get3A_363 = arith.index_cast %add3A_312 : i32 to index
        %get3A_364 = arith.constant 80 : index
        %get3A_365 = tpu.vector_load %arg15[%get3A_363, %get3A_364] {strides = array<i32>} : memref<48x128xf32, #tpu.memory_space<vmem>>, vector<1x16xf32>,
        %get3A_366 = vector.shape_cast %get3A_365 : vector<1x16xf32> to vector<16xf32>
        %mul3A_367 = arith.mulf %get3A_366, %gather3A_308 : vector<16xf32>
        %swap3A_368 = arith.index_cast %add3A_312 : i32 to index
        %swap3A_369 = arith.constant 80 : index
        %swap3A_370 = tpu.vector_load %arg15[%swap3A_368, %swap3A_369] {strides = array<i32>} : memref<48x128xf32, #tpu.memory_space<vmem>>, vector<1x16xf32>,
        %swap3A_371 = vector.shape_cast %swap3A_370 : vector<1x16xf32> to vector<16xf32>
        %swap3A_372 = vector.shape_cast %mul3A_367 : vector<16xf32> to vector<1x16xf32>
        tpu.vector_store %arg15[%swap3A_368, %swap3A_369], %swap3A_372 {strides = array<i32>} : memref<48x128xf32, #tpu.memory_space<vmem>>, vector<1x16xf32>,
        %get3A_373 = arith.index_cast %add3A_312 : i32 to index
        %get3A_374 = arith.constant 96 : index
        %get3A_375 = tpu.vector_load %arg15[%get3A_373, %get3A_374] {strides = array<i32>} : memref<48x128xf32, #tpu.memory_space<vmem>>, vector<1x16xf32>,
        %get3A_376 = vector.shape_cast %get3A_375 : vector<1x16xf32> to vector<16xf32>
        %mul3A_377 = arith.mulf %get3A_376, %gather3A_308 : vector<16xf32>
        %swap3A_378 = arith.index_cast %add3A_312 : i32 to index
        %swap3A_379 = arith.constant 96 : index
        %swap3A_380 = tpu.vector_load %arg15[%swap3A_378, %swap3A_379] {strides = array<i32>} : memref<48x128xf32, #tpu.memory_space<vmem>>, vector<1x16xf32>,
        %swap3A_381 = vector.shape_cast %swap3A_380 : vector<1x16xf32> to vector<16xf32>
        %swap3A_382 = vector.shape_cast %mul3A_377 : vector<16xf32> to vector<1x16xf32>
        tpu.vector_store %arg15[%swap3A_378, %swap3A_379], %swap3A_382 {strides = array<i32>} : memref<48x128xf32, #tpu.memory_space<vmem>>, vector<1x16xf32>,
        %get3A_383 = arith.index_cast %add3A_312 : i32 to index
        %get3A_384 = arith.constant 112 : index
        %get3A_385 = tpu.vector_load %arg15[%get3A_383, %get3A_384] {strides = array<i32>} : memref<48x128xf32, #tpu.memory_space<vmem>>, vector<1x16xf32>,
        %get3A_386 = vector.shape_cast %get3A_385 : vector<1x16xf32> to vector<16xf32>
        %mul3A_387 = arith.mulf %get3A_386, %gather3A_308 : vector<16xf32>
        %swap3A_388 = arith.index_cast %add3A_312 : i32 to index
        %swap3A_389 = arith.constant 112 : index
        %swap3A_390 = tpu.vector_load %arg15[%swap3A_388, %swap3A_389] {strides = array<i32>} : memref<48x128xf32, #tpu.memory_space<vmem>>, vector<1x16xf32>,
        %swap3A_391 = vector.shape_cast %swap3A_390 : vector<1x16xf32> to vector<16xf32>
        %swap3A_392 = vector.shape_cast %mul3A_387 : vector<16xf32> to vector<1x16xf32>
        tpu.vector_store %arg15[%swap3A_388, %swap3A_389], %swap3A_392 {strides = array<i32>} : memref<48x128xf32, #tpu.memory_space<vmem>>, vector<1x16xf32>,
        %broadcast_in_dim3A_393 = arith.constant 2 : i32
        %broadcast_in_dim3A_394 = vector.broadcast %broadcast_in_dim3A_393 : i32 to vector<16x1xi32>
        %gather3A_395 = vector.shape_cast %broadcast_in_dim3A_394 : vector<16x1xi32> to vector<16xi32>
        %gather3A_396 = tpu.dynamic_gather %get3A_218[%gather3A_395] in [0] : vector<16xf32>, vector<16xi32> -> vector<16xf32>
        %mul3A_397 = arith.constant 16 : i32
        %mul3A_398 = arith.muli %scan3A_212, %mul3A_397 : i32
        %add3A_399 = arith.constant 2 : i32
        %add3A_400 = arith.addi %mul3A_398, %add3A_399 : i32
        %get3A_401 = arith.index_cast %add3A_400 : i32 to index
        %get3A_402 = arith.constant 0 : index
        %get3A_403 = tpu.vector_load %arg15[%get3A_401, %get3A_402] {strides = array<i32>} : memref<48x128xf32, #tpu.memory_space<vmem>>, vector<1x16xf32>,
        %get3A_404 = vector.shape_cast %get3A_403 : vector<1x16xf32> to vector<16xf32>
        %mul3A_405 = arith.mulf %get3A_404, %gather3A_396 : vector<16xf32>
        %swap3A_406 = arith.index_cast %add3A_400 : i32 to index
        %swap3A_407 = arith.constant 0 : index
        %swap3A_408 = tpu.vector_load %arg15[%swap3A_406, %swap3A_407] {strides = array<i32>} : memref<48x128xf32, #tpu.memory_space<vmem>>, vector<1x16xf32>,
        %swap3A_409 = vector.shape_cast %swap3A_408 : vector<1x16xf32> to vector<16xf32>
        %swap3A_410 = vector.shape_cast %mul3A_405 : vector<16xf32> to vector<1x16xf32>
        tpu.vector_store %arg15[%swap3A_406, %swap3A_407], %swap3A_410 {strides = array<i32>} : memref<48x128xf32, #tpu.memory_space<vmem>>, vector<1x16xf32>,
        %get3A_411 = arith.index_cast %add3A_400 : i32 to index
        %get3A_412 = arith.constant 16 : index
        %get3A_413 = tpu.vector_load %arg15[%get3A_411, %get3A_412] {strides = array<i32>} : memref<48x128xf32, #tpu.memory_space<vmem>>, vector<1x16xf32>,
        %get3A_414 = vector.shape_cast %get3A_413 : vector<1x16xf32> to vector<16xf32>
        %mul3A_415 = arith.mulf %get3A_414, %gather3A_396 : vector<16xf32>
        %swap3A_416 = arith.index_cast %add3A_400 : i32 to index
        %swap3A_417 = arith.constant 16 : index
        %swap3A_418 = tpu.vector_load %arg15[%swap3A_416, %swap3A_417] {strides = array<i32>} : memref<48x128xf32, #tpu.memory_space<vmem>>, vector<1x16xf32>,
        %swap3A_419 = vector.shape_cast %swap3A_418 : vector<1x16xf32> to vector<16xf32>
        %swap3A_420 = vector.shape_cast %mul3A_415 : vector<16xf32> to vector<1x16xf32>
        tpu.vector_store %arg15[%swap3A_416, %swap3A_417], %swap3A_420 {strides = array<i32>} : memref<48x128xf32, #tpu.memory_space<vmem>>, vector<1x16xf32>,
        %get3A_421 = arith.index_cast %add3A_400 : i32 to index
        %get3A_422 = arith.constant 32 : index
        %get3A_423 = tpu.vector_load %arg15[%get3A_421, %get3A_422] {strides = array<i32>} : memref<48x128xf32, #tpu.memory_space<vmem>>, vector<1x16xf32>,
        %get3A_424 = vector.shape_cast %get3A_423 : vector<1x16xf32> to vector<16xf32>
        %mul3A_425 = arith.mulf %get3A_424, %gather3A_396 : vector<16xf32>
        %swap3A_426 = arith.index_cast %add3A_400 : i32 to index
        %swap3A_427 = arith.constant 32 : index
        %swap3A_428 = tpu.vector_load %arg15[%swap3A_426, %swap3A_427] {strides = array<i32>} : memref<48x128xf32, #tpu.memory_space<vmem>>, vector<1x16xf32>,
        %swap3A_429 = vector.shape_cast %swap3A_428 : vector<1x16xf32> to vector<16xf32>
        %swap3A_430 = vector.shape_cast %mul3A_425 : vector<16xf32> to vector<1x16xf32>
        tpu.vector_store %arg15[%swap3A_426, %swap3A_427], %swap3A_430 {strides = array<i32>} : memref<48x128xf32, #tpu.memory_space<vmem>>, vector<1x16xf32>,
        %get3A_431 = arith.index_cast %add3A_400 : i32 to index
        %get3A_432 = arith.constant 48 : index
        %get3A_433 = tpu.vector_load %arg15[%get3A_431, %get3A_432] {strides = array<i32>} : memref<48x128xf32, #tpu.memory_space<vmem>>, vector<1x16xf32>,
        %get3A_434 = vector.shape_cast %get3A_433 : vector<1x16xf32> to vector<16xf32>
        %mul3A_435 = arith.mulf %get3A_434, %gather3A_396 : vector<16xf32>
        %swap3A_436 = arith.index_cast %add3A_400 : i32 to index
        %swap3A_437 = arith.constant 48 : index
        %swap3A_438 = tpu.vector_load %arg15[%swap3A_436, %swap3A_437] {strides = array<i32>} : memref<48x128xf32, #tpu.memory_space<vmem>>, vector<1x16xf32>,
        %swap3A_439 = vector.shape_cast %swap3A_438 : vector<1x16xf32> to vector<16xf32>
        %swap3A_440 = vector.shape_cast %mul3A_435 : vector<16xf32> to vector<1x16xf32>
        tpu.vector_store %arg15[%swap3A_436, %swap3A_437], %swap3A_440 {strides = array<i32>} : memref<48x128xf32, #tpu.memory_space<vmem>>, vector<1x16xf32>,
        %get3A_441 = arith.index_cast %add3A_400 : i32 to index
        %get3A_442 = arith.constant 64 : index
        %get3A_443 = tpu.vector_load %arg15[%get3A_441, %get3A_442] {strides = array<i32>} : memref<48x128xf32, #tpu.memory_space<vmem>>, vector<1x16xf32>,
        %get3A_444 = vector.shape_cast %get3A_443 : vector<1x16xf32> to vector<16xf32>
        %mul3A_445 = arith.mulf %get3A_444, %gather3A_396 : vector<16xf32>
        %swap3A_446 = arith.index_cast %add3A_400 : i32 to index
        %swap3A_447 = arith.constant 64 : index
        %swap3A_448 = tpu.vector_load %arg15[%swap3A_446, %swap3A_447] {strides = array<i32>} : memref<48x128xf32, #tpu.memory_space<vmem>>, vector<1x16xf32>,
        %swap3A_449 = vector.shape_cast %swap3A_448 : vector<1x16xf32> to vector<16xf32>
        %swap3A_450 = vector.shape_cast %mul3A_445 : vector<16xf32> to vector<1x16xf32>
        tpu.vector_store %arg15[%swap3A_446, %swap3A_447], %swap3A_450 {strides = array<i32>} : memref<48x128xf32, #tpu.memory_space<vmem>>, vector<1x16xf32>,
        %get3A_451 = arith.index_cast %add3A_400 : i32 to index
        %get3A_452 = arith.constant 80 : index
        %get3A_453 = tpu.vector_load %arg15[%get3A_451, %get3A_452] {strides = array<i32>} : memref<48x128xf32, #tpu.memory_space<vmem>>, vector<1x16xf32>,
        %get3A_454 = vector.shape_cast %get3A_453 : vector<1x16xf32> to vector<16xf32>
        %mul3A_455 = arith.mulf %get3A_454, %gather3A_396 : vector<16xf32>
        %swap3A_456 = arith.index_cast %add3A_400 : i32 to index
        %swap3A_457 = arith.constant 80 : index
        %swap3A_458 = tpu.vector_load %arg15[%swap3A_456, %swap3A_457] {strides = array<i32>} : memref<48x128xf32, #tpu.memory_space<vmem>>, vector<1x16xf32>,
        %swap3A_459 = vector.shape_cast %swap3A_458 : vector<1x16xf32> to vector<16xf32>
        %swap3A_460 = vector.shape_cast %mul3A_455 : vector<16xf32> to vector<1x16xf32>
        tpu.vector_store %arg15[%swap3A_456, %swap3A_457], %swap3A_460 {strides = array<i32>} : memref<48x128xf32, #tpu.memory_space<vmem>>, vector<1x16xf32>,
        %get3A_461 = arith.index_cast %add3A_400 : i32 to index
        %get3A_462 = arith.constant 96 : index
        %get3A_463 = tpu.vector_load %arg15[%get3A_461, %get3A_462] {strides = array<i32>} : memref<48x128xf32, #tpu.memory_space<vmem>>, vector<1x16xf32>,
        %get3A_464 = vector.shape_cast %get3A_463 : vector<1x16xf32> to vector<16xf32>
        %mul3A_465 = arith.mulf %get3A_464, %gather3A_396 : vector<16xf32>
        %swap3A_466 = arith.index_cast %add3A_400 : i32 to index
        %swap3A_467 = arith.constant 96 : index
        %swap3A_468 = tpu.vector_load %arg15[%swap3A_466, %swap3A_467] {strides = array<i32>} : memref<48x128xf32, #tpu.memory_space<vmem>>, vector<1x16xf32>,
        %swap3A_469 = vector.shape_cast %swap3A_468 : vector<1x16xf32> to vector<16xf32>
        %swap3A_470 = vector.shape_cast %mul3A_465 : vector<16xf32> to vector<1x16xf32>
        tpu.vector_store %arg15[%swap3A_466, %swap3A_467], %swap3A_470 {strides = array<i32>} : memref<48x128xf32, #tpu.memory_space<vmem>>, vector<1x16xf32>,
        %get3A_471 = arith.index_cast %add3A_400 : i32 to index
        %get3A_472 = arith.constant 112 : index
        %get3A_473 = tpu.vector_load %arg15[%get3A_471, %get3A_472] {strides = array<i32>} : memref<48x128xf32, #tpu.memory_space<vmem>>, vector<1x16xf32>,
        %get3A_474 = vector.shape_cast %get3A_473 : vector<1x16xf32> to vector<16xf32>
        %mul3A_475 = arith.mulf %get3A_474, %gather3A_396 : vector<16xf32>
        %swap3A_476 = arith.index_cast %add3A_400 : i32 to index
        %swap3A_477 = arith.constant 112 : index
        %swap3A_478 = tpu.vector_load %arg15[%swap3A_476, %swap3A_477] {strides = array<i32>} : memref<48x128xf32, #tpu.memory_space<vmem>>, vector<1x16xf32>,
        %swap3A_479 = vector.shape_cast %swap3A_478 : vector<1x16xf32> to vector<16xf32>
        %swap3A_480 = vector.shape_cast %mul3A_475 : vector<16xf32> to vector<1x16xf32>
        tpu.vector_store %arg15[%swap3A_476, %swap3A_477], %swap3A_480 {strides = array<i32>} : memref<48x128xf32, #tpu.memory_space<vmem>>, vector<1x16xf32>,
        %broadcast_in_dim3A_481 = arith.constant 3 : i32
        %broadcast_in_dim3A_482 = vector.broadcast %broadcast_in_dim3A_481 : i32 to vector<16x1xi32>
        %gather3A_483 = vector.shape_cast %broadcast_in_dim3A_482 : vector<16x1xi32> to vector<16xi32>
        %gather3A_484 = tpu.dynamic_gather %get3A_218[%gather3A_483] in [0] : vector<16xf32>, vector<16xi32> -> vector<16xf32>
        %mul3A_485 = arith.constant 16 : i32
        %mul3A_486 = arith.muli %scan3A_212, %mul3A_485 : i32
        %add3A_487 = arith.constant 3 : i32
        %add3A_488 = arith.addi %mul3A_486, %add3A_487 : i32
        %get3A_489 = arith.index_cast %add3A_488 : i32 to index
        %get3A_490 = arith.constant 0 : index
        %get3A_491 = tpu.vector_load %arg15[%get3A_489, %get3A_490] {strides = array<i32>} : memref<48x128xf32, #tpu.memory_space<vmem>>, vector<1x16xf32>,
        %get3A_492 = vector.shape_cast %get3A_491 : vector<1x16xf32> to vector<16xf32>
        %mul3A_493 = arith.mulf %get3A_492, %gather3A_484 : vector<16xf32>
        %swap3A_494 = arith.index_cast %add3A_488 : i32 to index
        %swap3A_495 = arith.constant 0 : index
        %swap3A_496 = tpu.vector_load %arg15[%swap3A_494, %swap3A_495] {strides = array<i32>} : memref<48x128xf32, #tpu.memory_space<vmem>>, vector<1x16xf32>,
        %swap3A_497 = vector.shape_cast %swap3A_496 : vector<1x16xf32> to vector<16xf32>
        %swap3A_498 = vector.shape_cast %mul3A_493 : vector<16xf32> to vector<1x16xf32>
        tpu.vector_store %arg15[%swap3A_494, %swap3A_495], %swap3A_498 {strides = array<i32>} : memref<48x128xf32, #tpu.memory_space<vmem>>, vector<1x16xf32>,
        %get3A_499 = arith.index_cast %add3A_488 : i32 to index
        %get3A_500 = arith.constant 16 : index
        %get3A_501 = tpu.vector_load %arg15[%get3A_499, %get3A_500] {strides = array<i32>} : memref<48x128xf32, #tpu.memory_space<vmem>>, vector<1x16xf32>,
        %get3A_502 = vector.shape_cast %get3A_501 : vector<1x16xf32> to vector<16xf32>
        %mul3A_503 = arith.mulf %get3A_502, %gather3A_484 : vector<16xf32>
        %swap3A_504 = arith.index_cast %add3A_488 : i32 to index
        %swap3A_505 = arith.constant 16 : index
        %swap3A_506 = tpu.vector_load %arg15[%swap3A_504, %swap3A_505] {strides = array<i32>} : memref<48x128xf32, #tpu.memory_space<vmem>>, vector<1x16xf32>,
        %swap3A_507 = vector.shape_cast %swap3A_506 : vector<1x16xf32> to vector<16xf32>
        %swap3A_508 = vector.shape_cast %mul3A_503 : vector<16xf32> to vector<1x16xf32>
        tpu.vector_store %arg15[%swap3A_504, %swap3A_505], %swap3A_508 {strides = array<i32>} : memref<48x128xf32, #tpu.memory_space<vmem>>, vector<1x16xf32>,
        %get3A_509 = arith.index_cast %add3A_488 : i32 to index
        %get3A_510 = arith.constant 32 : index
        %get3A_511 = tpu.vector_load %arg15[%get3A_509, %get3A_510] {strides = array<i32>} : memref<48x128xf32, #tpu.memory_space<vmem>>, vector<1x16xf32>,
        %get3A_512 = vector.shape_cast %get3A_511 : vector<1x16xf32> to vector<16xf32>
        %mul3A_513 = arith.mulf %get3A_512, %gather3A_484 : vector<16xf32>
        %swap3A_514 = arith.index_cast %add3A_488 : i32 to index
        %swap3A_515 = arith.constant 32 : index
        %swap3A_516 = tpu.vector_load %arg15[%swap3A_514, %swap3A_515] {strides = array<i32>} : memref<48x128xf32, #tpu.memory_space<vmem>>, vector<1x16xf32>,
        %swap3A_517 = vector.shape_cast %swap3A_516 : vector<1x16xf32> to vector<16xf32>
        %swap3A_518 = vector.shape_cast %mul3A_513 : vector<16xf32> to vector<1x16xf32>
        tpu.vector_store %arg15[%swap3A_514, %swap3A_515], %swap3A_518 {strides = array<i32>} : memref<48x128xf32, #tpu.memory_space<vmem>>, vector<1x16xf32>,
        %get3A_519 = arith.index_cast %add3A_488 : i32 to index
        %get3A_520 = arith.constant 48 : index
        %get3A_521 = tpu.vector_load %arg15[%get3A_519, %get3A_520] {strides = array<i32>} : memref<48x128xf32, #tpu.memory_space<vmem>>, vector<1x16xf32>,
        %get3A_522 = vector.shape_cast %get3A_521 : vector<1x16xf32> to vector<16xf32>
        %mul3A_523 = arith.mulf %get3A_522, %gather3A_484 : vector<16xf32>
        %swap3A_524 = arith.index_cast %add3A_488 : i32 to index
        %swap3A_525 = arith.constant 48 : index
        %swap3A_526 = tpu.vector_load %arg15[%swap3A_524, %swap3A_525] {strides = array<i32>} : memref<48x128xf32, #tpu.memory_space<vmem>>, vector<1x16xf32>,
        %swap3A_527 = vector.shape_cast %swap3A_526 : vector<1x16xf32> to vector<16xf32>
        %swap3A_528 = vector.shape_cast %mul3A_523 : vector<16xf32> to vector<1x16xf32>
        tpu.vector_store %arg15[%swap3A_524, %swap3A_525], %swap3A_528 {strides = array<i32>} : memref<48x128xf32, #tpu.memory_space<vmem>>, vector<1x16xf32>,
        %get3A_529 = arith.index_cast %add3A_488 : i32 to index
        %get3A_530 = arith.constant 64 : index
        %get3A_531 = tpu.vector_load %arg15[%get3A_529, %get3A_530] {strides = array<i32>} : memref<48x128xf32, #tpu.memory_space<vmem>>, vector<1x16xf32>,
        %get3A_532 = vector.shape_cast %get3A_531 : vector<1x16xf32> to vector<16xf32>
        %mul3A_533 = arith.mulf %get3A_532, %gather3A_484 : vector<16xf32>
        %swap3A_534 = arith.index_cast %add3A_488 : i32 to index
        %swap3A_535 = arith.constant 64 : index
        %swap3A_536 = tpu.vector_load %arg15[%swap3A_534, %swap3A_535] {strides = array<i32>} : memref<48x128xf32, #tpu.memory_space<vmem>>, vector<1x16xf32>,
        %swap3A_537 = vector.shape_cast %swap3A_536 : vector<1x16xf32> to vector<16xf32>
        %swap3A_538 = vector.shape_cast %mul3A_533 : vector<16xf32> to vector<1x16xf32>
        tpu.vector_store %arg15[%swap3A_534, %swap3A_535], %swap3A_538 {strides = array<i32>} : memref<48x128xf32, #tpu.memory_space<vmem>>, vector<1x16xf32>,
        %get3A_539 = arith.index_cast %add3A_488 : i32 to index
        %get3A_540 = arith.constant 80 : index
        %get3A_541 = tpu.vector_load %arg15[%get3A_539, %get3A_540] {strides = array<i32>} : memref<48x128xf32, #tpu.memory_space<vmem>>, vector<1x16xf32>,
        %get3A_542 = vector.shape_cast %get3A_541 : vector<1x16xf32> to vector<16xf32>
        %mul3A_543 = arith.mulf %get3A_542, %gather3A_484 : vector<16xf32>
        %swap3A_544 = arith.index_cast %add3A_488 : i32 to index
        %swap3A_545 = arith.constant 80 : index
        %swap3A_546 = tpu.vector_load %arg15[%swap3A_544, %swap3A_545] {strides = array<i32>} : memref<48x128xf32, #tpu.memory_space<vmem>>, vector<1x16xf32>,
        %swap3A_547 = vector.shape_cast %swap3A_546 : vector<1x16xf32> to vector<16xf32>
        %swap3A_548 = vector.shape_cast %mul3A_543 : vector<16xf32> to vector<1x16xf32>
        tpu.vector_store %arg15[%swap3A_544, %swap3A_545], %swap3A_548 {strides = array<i32>} : memref<48x128xf32, #tpu.memory_space<vmem>>, vector<1x16xf32>,
        %get3A_549 = arith.index_cast %add3A_488 : i32 to index
        %get3A_550 = arith.constant 96 : index
        %get3A_551 = tpu.vector_load %arg15[%get3A_549, %get3A_550] {strides = array<i32>} : memref<48x128xf32, #tpu.memory_space<vmem>>, vector<1x16xf32>,
        %get3A_552 = vector.shape_cast %get3A_551 : vector<1x16xf32> to vector<16xf32>
        %mul3A_553 = arith.mulf %get3A_552, %gather3A_484 : vector<16xf32>
        %swap3A_554 = arith.index_cast %add3A_488 : i32 to index
        %swap3A_555 = arith.constant 96 : index
        %swap3A_556 = tpu.vector_load %arg15[%swap3A_554, %swap3A_555] {strides = array<i32>} : memref<48x128xf32, #tpu.memory_space<vmem>>, vector<1x16xf32>,
        %swap3A_557 = vector.shape_cast %swap3A_556 : vector<1x16xf32> to vector<16xf32>
        %swap3A_558 = vector.shape_cast %mul3A_553 : vector<16xf32> to vector<1x16xf32>
        tpu.vector_store %arg15[%swap3A_554, %swap3A_555], %swap3A_558 {strides = array<i32>} : memref<48x128xf32, #tpu.memory_space<vmem>>, vector<1x16xf32>,
        %get3A_559 = arith.index_cast %add3A_488 : i32 to index
        %get3A_560 = arith.constant 112 : index
        %get3A_561 = tpu.vector_load %arg15[%get3A_559, %get3A_560] {strides = array<i32>} : memref<48x128xf32, #tpu.memory_space<vmem>>, vector<1x16xf32>,
        %get3A_562 = vector.shape_cast %get3A_561 : vector<1x16xf32> to vector<16xf32>
        %mul3A_563 = arith.mulf %get3A_562, %gather3A_484 : vector<16xf32>
        %swap3A_564 = arith.index_cast %add3A_488 : i32 to index
        %swap3A_565 = arith.constant 112 : index
        %swap3A_566 = tpu.vector_load %arg15[%swap3A_564, %swap3A_565] {strides = array<i32>} : memref<48x128xf32, #tpu.memory_space<vmem>>, vector<1x16xf32>,
        %swap3A_567 = vector.shape_cast %swap3A_566 : vector<1x16xf32> to vector<16xf32>
        %swap3A_568 = vector.shape_cast %mul3A_563 : vector<16xf32> to vector<1x16xf32>
        tpu.vector_store %arg15[%swap3A_564, %swap3A_565], %swap3A_568 {strides = array<i32>} : memref<48x128xf32, #tpu.memory_space<vmem>>, vector<1x16xf32>,
        %broadcast_in_dim3A_569 = arith.constant 4 : i32
        %broadcast_in_dim3A_570 = vector.broadcast %broadcast_in_dim3A_569 : i32 to vector<16x1xi32>
        %gather3A_571 = vector.shape_cast %broadcast_in_dim3A_570 : vector<16x1xi32> to vector<16xi32>
        %gather3A_572 = tpu.dynamic_gather %get3A_218[%gather3A_571] in [0] : vector<16xf32>, vector<16xi32> -> vector<16xf32>
        %mul3A_573 = arith.constant 16 : i32
        %mul3A_574 = arith.muli %scan3A_212, %mul3A_573 : i32
        %add3A_575 = arith.constant 4 : i32
        %add3A_576 = arith.addi %mul3A_574, %add3A_575 : i32
        %get3A_577 = arith.index_cast %add3A_576 : i32 to index
        %get3A_578 = arith.constant 0 : index
        %get3A_579 = tpu.vector_load %arg15[%get3A_577, %get3A_578] {strides = array<i32>} : memref<48x128xf32, #tpu.memory_space<vmem>>, vector<1x16xf32>,
        %get3A_580 = vector.shape_cast %get3A_579 : vector<1x16xf32> to vector<16xf32>
        %mul3A_581 = arith.mulf %get3A_580, %gather3A_572 : vector<16xf32>
        %swap3A_582 = arith.index_cast %add3A_576 : i32 to index
        %swap3A_583 = arith.constant 0 : index
        %swap3A_584 = tpu.vector_load %arg15[%swap3A_582, %swap3A_583] {strides = array<i32>} : memref<48x128xf32, #tpu.memory_space<vmem>>, vector<1x16xf32>,
        %swap3A_585 = vector.shape_cast %swap3A_584 : vector<1x16xf32> to vector<16xf32>
        %swap3A_586 = vector.shape_cast %mul3A_581 : vector<16xf32> to vector<1x16xf32>
        tpu.vector_store %arg15[%swap3A_582, %swap3A_583], %swap3A_586 {strides = array<i32>} : memref<48x128xf32, #tpu.memory_space<vmem>>, vector<1x16xf32>,
        %get3A_587 = arith.index_cast %add3A_576 : i32 to index
        %get3A_588 = arith.constant 16 : index
        %get3A_589 = tpu.vector_load %arg15[%get3A_587, %get3A_588] {strides = array<i32>} : memref<48x128xf32, #tpu.memory_space<vmem>>, vector<1x16xf32>,
        %get3A_590 = vector.shape_cast %get3A_589 : vector<1x16xf32> to vector<16xf32>
        %mul3A_591 = arith.mulf %get3A_590, %gather3A_572 : vector<16xf32>
        %swap3A_592 = arith.index_cast %add3A_576 : i32 to index
        %swap3A_593 = arith.constant 16 : index
        %swap3A_594 = tpu.vector_load %arg15[%swap3A_592, %swap3A_593] {strides = array<i32>} : memref<48x128xf32, #tpu.memory_space<vmem>>, vector<1x16xf32>,
        %swap3A_595 = vector.shape_cast %swap3A_594 : vector<1x16xf32> to vector<16xf32>
        %swap3A_596 = vector.shape_cast %mul3A_591 : vector<16xf32> to vector<1x16xf32>
        tpu.vector_store %arg15[%swap3A_592, %swap3A_593], %swap3A_596 {strides = array<i32>} : memref<48x128xf32, #tpu.memory_space<vmem>>, vector<1x16xf32>,
        %get3A_597 = arith.index_cast %add3A_576 : i32 to index
        %get3A_598 = arith.constant 32 : index
        %get3A_599 = tpu.vector_load %arg15[%get3A_597, %get3A_598] {strides = array<i32>} : memref<48x128xf32, #tpu.memory_space<vmem>>, vector<1x16xf32>,
        %get3A_600 = vector.shape_cast %get3A_599 : vector<1x16xf32> to vector<16xf32>
        %mul3A_601 = arith.mulf %get3A_600, %gather3A_572 : vector<16xf32>
        %swap3A_602 = arith.index_cast %add3A_576 : i32 to index
        %swap3A_603 = arith.constant 32 : index
        %swap3A_604 = tpu.vector_load %arg15[%swap3A_602, %swap3A_603] {strides = array<i32>} : memref<48x128xf32, #tpu.memory_space<vmem>>, vector<1x16xf32>,
        %swap3A_605 = vector.shape_cast %swap3A_604 : vector<1x16xf32> to vector<16xf32>
        %swap3A_606 = vector.shape_cast %mul3A_601 : vector<16xf32> to vector<1x16xf32>
        tpu.vector_store %arg15[%swap3A_602, %swap3A_603], %swap3A_606 {strides = array<i32>} : memref<48x128xf32, #tpu.memory_space<vmem>>, vector<1x16xf32>,
        %get3A_607 = arith.index_cast %add3A_576 : i32 to index
        %get3A_608 = arith.constant 48 : index
        %get3A_609 = tpu.vector_load %arg15[%get3A_607, %get3A_608] {strides = array<i32>} : memref<48x128xf32, #tpu.memory_space<vmem>>, vector<1x16xf32>,
        %get3A_610 = vector.shape_cast %get3A_609 : vector<1x16xf32> to vector<16xf32>
        %mul3A_611 = arith.mulf %get3A_610, %gather3A_572 : vector<16xf32>
        %swap3A_612 = arith.index_cast %add3A_576 : i32 to index
        %swap3A_613 = arith.constant 48 : index
        %swap3A_614 = tpu.vector_load %arg15[%swap3A_612, %swap3A_613] {strides = array<i32>} : memref<48x128xf32, #tpu.memory_space<vmem>>, vector<1x16xf32>,
        %swap3A_615 = vector.shape_cast %swap3A_614 : vector<1x16xf32> to vector<16xf32>
        %swap3A_616 = vector.shape_cast %mul3A_611 : vector<16xf32> to vector<1x16xf32>
        tpu.vector_store %arg15[%swap3A_612, %swap3A_613], %swap3A_616 {strides = array<i32>} : memref<48x128xf32, #tpu.memory_space<vmem>>, vector<1x16xf32>,
        %get3A_617 = arith.index_cast %add3A_576 : i32 to index
        %get3A_618 = arith.constant 64 : index
        %get3A_619 = tpu.vector_load %arg15[%get3A_617, %get3A_618] {strides = array<i32>} : memref<48x128xf32, #tpu.memory_space<vmem>>, vector<1x16xf32>,
        %get3A_620 = vector.shape_cast %get3A_619 : vector<1x16xf32> to vector<16xf32>
        %mul3A_621 = arith.mulf %get3A_620, %gather3A_572 : vector<16xf32>
        %swap3A_622 = arith.index_cast %add3A_576 : i32 to index
        %swap3A_623 = arith.constant 64 : index
        %swap3A_624 = tpu.vector_load %arg15[%swap3A_622, %swap3A_623] {strides = array<i32>} : memref<48x128xf32, #tpu.memory_space<vmem>>, vector<1x16xf32>,
        %swap3A_625 = vector.shape_cast %swap3A_624 : vector<1x16xf32> to vector<16xf32>
        %swap3A_626 = vector.shape_cast %mul3A_621 : vector<16xf32> to vector<1x16xf32>
        tpu.vector_store %arg15[%swap3A_622, %swap3A_623], %swap3A_626 {strides = array<i32>} : memref<48x128xf32, #tpu.memory_space<vmem>>, vector<1x16xf32>,
        %get3A_627 = arith.index_cast %add3A_576 : i32 to index
        %get3A_628 = arith.constant 80 : index
        %get3A_629 = tpu.vector_load %arg15[%get3A_627, %get3A_628] {strides = array<i32>} : memref<48x128xf32, #tpu.memory_space<vmem>>, vector<1x16xf32>,
        %get3A_630 = vector.shape_cast %get3A_629 : vector<1x16xf32> to vector<16xf32>
        %mul3A_631 = arith.mulf %get3A_630, %gather3A_572 : vector<16xf32>
        %swap3A_632 = arith.index_cast %add3A_576 : i32 to index
        %swap3A_633 = arith.constant 80 : index
        %swap3A_634 = tpu.vector_load %arg15[%swap3A_632, %swap3A_633] {strides = array<i32>} : memref<48x128xf32, #tpu.memory_space<vmem>>, vector<1x16xf32>,
        %swap3A_635 = vector.shape_cast %swap3A_634 : vector<1x16xf32> to vector<16xf32>
        %swap3A_636 = vector.shape_cast %mul3A_631 : vector<16xf32> to vector<1x16xf32>
        tpu.vector_store %arg15[%swap3A_632, %swap3A_633], %swap3A_636 {strides = array<i32>} : memref<48x128xf32, #tpu.memory_space<vmem>>, vector<1x16xf32>,
        %get3A_637 = arith.index_cast %add3A_576 : i32 to index
        %get3A_638 = arith.constant 96 : index
        %get3A_639 = tpu.vector_load %arg15[%get3A_637, %get3A_638] {strides = array<i32>} : memref<48x128xf32, #tpu.memory_space<vmem>>, vector<1x16xf32>,
        %get3A_640 = vector.shape_cast %get3A_639 : vector<1x16xf32> to vector<16xf32>
        %mul3A_641 = arith.mulf %get3A_640, %gather3A_572 : vector<16xf32>
        %swap3A_642 = arith.index_cast %add3A_576 : i32 to index
        %swap3A_643 = arith.constant 96 : index
        %swap3A_644 = tpu.vector_load %arg15[%swap3A_642, %swap3A_643] {strides = array<i32>} : memref<48x128xf32, #tpu.memory_space<vmem>>, vector<1x16xf32>,
        %swap3A_645 = vector.shape_cast %swap3A_644 : vector<1x16xf32> to vector<16xf32>
        %swap3A_646 = vector.shape_cast %mul3A_641 : vector<16xf32> to vector<1x16xf32>
        tpu.vector_store %arg15[%swap3A_642, %swap3A_643], %swap3A_646 {strides = array<i32>} : memref<48x128xf32, #tpu.memory_space<vmem>>, vector<1x16xf32>,
        %get3A_647 = arith.index_cast %add3A_576 : i32 to index
        %get3A_648 = arith.constant 112 : index
        %get3A_649 = tpu.vector_load %arg15[%get3A_647, %get3A_648] {strides = array<i32>} : memref<48x128xf32, #tpu.memory_space<vmem>>, vector<1x16xf32>,
        %get3A_650 = vector.shape_cast %get3A_649 : vector<1x16xf32> to vector<16xf32>
        %mul3A_651 = arith.mulf %get3A_650, %gather3A_572 : vector<16xf32>
        %swap3A_652 = arith.index_cast %add3A_576 : i32 to index
        %swap3A_653 = arith.constant 112 : index
        %swap3A_654 = tpu.vector_load %arg15[%swap3A_652, %swap3A_653] {strides = array<i32>} : memref<48x128xf32, #tpu.memory_space<vmem>>, vector<1x16xf32>,
        %swap3A_655 = vector.shape_cast %swap3A_654 : vector<1x16xf32> to vector<16xf32>
        %swap3A_656 = vector.shape_cast %mul3A_651 : vector<16xf32> to vector<1x16xf32>
        tpu.vector_store %arg15[%swap3A_652, %swap3A_653], %swap3A_656 {strides = array<i32>} : memref<48x128xf32, #tpu.memory_space<vmem>>, vector<1x16xf32>,
        %broadcast_in_dim3A_657 = arith.constant 5 : i32
        %broadcast_in_dim3A_658 = vector.broadcast %broadcast_in_dim3A_657 : i32 to vector<16x1xi32>
        %gather3A_659 = vector.shape_cast %broadcast_in_dim3A_658 : vector<16x1xi32> to vector<16xi32>
        %gather3A_660 = tpu.dynamic_gather %get3A_218[%gather3A_659] in [0] : vector<16xf32>, vector<16xi32> -> vector<16xf32>
        %mul3A_661 = arith.constant 16 : i32
        %mul3A_662 = arith.muli %scan3A_212, %mul3A_661 : i32
        %add3A_663 = arith.constant 5 : i32
        %add3A_664 = arith.addi %mul3A_662, %add3A_663 : i32
        %get3A_665 = arith.index_cast %add3A_664 : i32 to index
        %get3A_666 = arith.constant 0 : index
        %get3A_667 = tpu.vector_load %arg15[%get3A_665, %get3A_666] {strides = array<i32>} : memref<48x128xf32, #tpu.memory_space<vmem>>, vector<1x16xf32>,
        %get3A_668 = vector.shape_cast %get3A_667 : vector<1x16xf32> to vector<16xf32>
        %mul3A_669 = arith.mulf %get3A_668, %gather3A_660 : vector<16xf32>
        %swap3A_670 = arith.index_cast %add3A_664 : i32 to index
        %swap3A_671 = arith.constant 0 : index
        %swap3A_672 = tpu.vector_load %arg15[%swap3A_670, %swap3A_671] {strides = array<i32>} : memref<48x128xf32, #tpu.memory_space<vmem>>, vector<1x16xf32>,
        %swap3A_673 = vector.shape_cast %swap3A_672 : vector<1x16xf32> to vector<16xf32>
        %swap3A_674 = vector.shape_cast %mul3A_669 : vector<16xf32> to vector<1x16xf32>
        tpu.vector_store %arg15[%swap3A_670, %swap3A_671], %swap3A_674 {strides = array<i32>} : memref<48x128xf32, #tpu.memory_space<vmem>>, vector<1x16xf32>,
        %get3A_675 = arith.index_cast %add3A_664 : i32 to index
        %get3A_676 = arith.constant 16 : index
        %get3A_677 = tpu.vector_load %arg15[%get3A_675, %get3A_676] {strides = array<i32>} : memref<48x128xf32, #tpu.memory_space<vmem>>, vector<1x16xf32>,
        %get3A_678 = vector.shape_cast %get3A_677 : vector<1x16xf32> to vector<16xf32>
        %mul3A_679 = arith.mulf %get3A_678, %gather3A_660 : vector<16xf32>
        %swap3A_680 = arith.index_cast %add3A_664 : i32 to index
        %swap3A_681 = arith.constant 16 : index
        %swap3A_682 = tpu.vector_load %arg15[%swap3A_680, %swap3A_681] {strides = array<i32>} : memref<48x128xf32, #tpu.memory_space<vmem>>, vector<1x16xf32>,
        %swap3A_683 = vector.shape_cast %swap3A_682 : vector<1x16xf32> to vector<16xf32>
        %swap3A_684 = vector.shape_cast %mul3A_679 : vector<16xf32> to vector<1x16xf32>
        tpu.vector_store %arg15[%swap3A_680, %swap3A_681], %swap3A_684 {strides = array<i32>} : memref<48x128xf32, #tpu.memory_space<vmem>>, vector<1x16xf32>,
        %get3A_685 = arith.index_cast %add3A_664 : i32 to index
        %get3A_686 = arith.constant 32 : index
        %get3A_687 = tpu.vector_load %arg15[%get3A_685, %get3A_686] {strides = array<i32>} : memref<48x128xf32, #tpu.memory_space<vmem>>, vector<1x16xf32>,
        %get3A_688 = vector.shape_cast %get3A_687 : vector<1x16xf32> to vector<16xf32>
        %mul3A_689 = arith.mulf %get3A_688, %gather3A_660 : vector<16xf32>
        %swap3A_690 = arith.index_cast %add3A_664 : i32 to index
        %swap3A_691 = arith.constant 32 : index
        %swap3A_692 = tpu.vector_load %arg15[%swap3A_690, %swap3A_691] {strides = array<i32>} : memref<48x128xf32, #tpu.memory_space<vmem>>, vector<1x16xf32>,
        %swap3A_693 = vector.shape_cast %swap3A_692 : vector<1x16xf32> to vector<16xf32>
        %swap3A_694 = vector.shape_cast %mul3A_689 : vector<16xf32> to vector<1x16xf32>
        tpu.vector_store %arg15[%swap3A_690, %swap3A_691], %swap3A_694 {strides = array<i32>} : memref<48x128xf32, #tpu.memory_space<vmem>>, vector<1x16xf32>,
        %get3A_695 = arith.index_cast %add3A_664 : i32 to index
        %get3A_696 = arith.constant 48 : index
        %get3A_697 = tpu.vector_load %arg15[%get3A_695, %get3A_696] {strides = array<i32>} : memref<48x128xf32, #tpu.memory_space<vmem>>, vector<1x16xf32>,
        %get3A_698 = vector.shape_cast %get3A_697 : vector<1x16xf32> to vector<16xf32>
        %mul3A_699 = arith.mulf %get3A_698, %gather3A_660 : vector<16xf32>
        %swap3A_700 = arith.index_cast %add3A_664 : i32 to index
        %swap3A_701 = arith.constant 48 : index
        %swap3A_702 = tpu.vector_load %arg15[%swap3A_700, %swap3A_701] {strides = array<i32>} : memref<48x128xf32, #tpu.memory_space<vmem>>, vector<1x16xf32>,
        %swap3A_703 = vector.shape_cast %swap3A_702 : vector<1x16xf32> to vector<16xf32>
        %swap3A_704 = vector.shape_cast %mul3A_699 : vector<16xf32> to vector<1x16xf32>
        tpu.vector_store %arg15[%swap3A_700, %swap3A_701], %swap3A_704 {strides = array<i32>} : memref<48x128xf32, #tpu.memory_space<vmem>>, vector<1x16xf32>,
        %get3A_705 = arith.index_cast %add3A_664 : i32 to index
        %get3A_706 = arith.constant 64 : index
        %get3A_707 = tpu.vector_load %arg15[%get3A_705, %get3A_706] {strides = array<i32>} : memref<48x128xf32, #tpu.memory_space<vmem>>, vector<1x16xf32>,
        %get3A_708 = vector.shape_cast %get3A_707 : vector<1x16xf32> to vector<16xf32>
        %mul3A_709 = arith.mulf %get3A_708, %gather3A_660 : vector<16xf32>
        %swap3A_710 = arith.index_cast %add3A_664 : i32 to index
        %swap3A_711 = arith.constant 64 : index
        %swap3A_712 = tpu.vector_load %arg15[%swap3A_710, %swap3A_711] {strides = array<i32>} : memref<48x128xf32, #tpu.memory_space<vmem>>, vector<1x16xf32>,
        %swap3A_713 = vector.shape_cast %swap3A_712 : vector<1x16xf32> to vector<16xf32>
        %swap3A_714 = vector.shape_cast %mul3A_709 : vector<16xf32> to vector<1x16xf32>
        tpu.vector_store %arg15[%swap3A_710, %swap3A_711], %swap3A_714 {strides = array<i32>} : memref<48x128xf32, #tpu.memory_space<vmem>>, vector<1x16xf32>,
        %get3A_715 = arith.index_cast %add3A_664 : i32 to index
        %get3A_716 = arith.constant 80 : index
        %get3A_717 = tpu.vector_load %arg15[%get3A_715, %get3A_716] {strides = array<i32>} : memref<48x128xf32, #tpu.memory_space<vmem>>, vector<1x16xf32>,
        %get3A_718 = vector.shape_cast %get3A_717 : vector<1x16xf32> to vector<16xf32>
        %mul3A_719 = arith.mulf %get3A_718, %gather3A_660 : vector<16xf32>
        %swap3A_720 = arith.index_cast %add3A_664 : i32 to index
        %swap3A_721 = arith.constant 80 : index
        %swap3A_722 = tpu.vector_load %arg15[%swap3A_720, %swap3A_721] {strides = array<i32>} : memref<48x128xf32, #tpu.memory_space<vmem>>, vector<1x16xf32>,
        %swap3A_723 = vector.shape_cast %swap3A_722 : vector<1x16xf32> to vector<16xf32>
        %swap3A_724 = vector.shape_cast %mul3A_719 : vector<16xf32> to vector<1x16xf32>
        tpu.vector_store %arg15[%swap3A_720, %swap3A_721], %swap3A_724 {strides = array<i32>} : memref<48x128xf32, #tpu.memory_space<vmem>>, vector<1x16xf32>,
        %get3A_725 = arith.index_cast %add3A_664 : i32 to index
        %get3A_726 = arith.constant 96 : index
        %get3A_727 = tpu.vector_load %arg15[%get3A_725, %get3A_726] {strides = array<i32>} : memref<48x128xf32, #tpu.memory_space<vmem>>, vector<1x16xf32>,
        %get3A_728 = vector.shape_cast %get3A_727 : vector<1x16xf32> to vector<16xf32>
        %mul3A_729 = arith.mulf %get3A_728, %gather3A_660 : vector<16xf32>
        %swap3A_730 = arith.index_cast %add3A_664 : i32 to index
        %swap3A_731 = arith.constant 96 : index
        %swap3A_732 = tpu.vector_load %arg15[%swap3A_730, %swap3A_731] {strides = array<i32>} : memref<48x128xf32, #tpu.memory_space<vmem>>, vector<1x16xf32>,
        %swap3A_733 = vector.shape_cast %swap3A_732 : vector<1x16xf32> to vector<16xf32>
        %swap3A_734 = vector.shape_cast %mul3A_729 : vector<16xf32> to vector<1x16xf32>
        tpu.vector_store %arg15[%swap3A_730, %swap3A_731], %swap3A_734 {strides = array<i32>} : memref<48x128xf32, #tpu.memory_space<vmem>>, vector<1x16xf32>,
        %get3A_735 = arith.index_cast %add3A_664 : i32 to index
        %get3A_736 = arith.constant 112 : index
        %get3A_737 = tpu.vector_load %arg15[%get3A_735, %get3A_736] {strides = array<i32>} : memref<48x128xf32, #tpu.memory_space<vmem>>, vector<1x16xf32>,
        %get3A_738 = vector.shape_cast %get3A_737 : vector<1x16xf32> to vector<16xf32>
        %mul3A_739 = arith.mulf %get3A_738, %gather3A_660 : vector<16xf32>
        %swap3A_740 = arith.index_cast %add3A_664 : i32 to index
        %swap3A_741 = arith.constant 112 : index
        %swap3A_742 = tpu.vector_load %arg15[%swap3A_740, %swap3A_741] {strides = array<i32>} : memref<48x128xf32, #tpu.memory_space<vmem>>, vector<1x16xf32>,
        %swap3A_743 = vector.shape_cast %swap3A_742 : vector<1x16xf32> to vector<16xf32>
        %swap3A_744 = vector.shape_cast %mul3A_739 : vector<16xf32> to vector<1x16xf32>
        tpu.vector_store %arg15[%swap3A_740, %swap3A_741], %swap3A_744 {strides = array<i32>} : memref<48x128xf32, #tpu.memory_space<vmem>>, vector<1x16xf32>,
        %broadcast_in_dim3A_745 = arith.constant 6 : i32
        %broadcast_in_dim3A_746 = vector.broadcast %broadcast_in_dim3A_745 : i32 to vector<16x1xi32>
        %gather3A_747 = vector.shape_cast %broadcast_in_dim3A_746 : vector<16x1xi32> to vector<16xi32>
        %gather3A_748 = tpu.dynamic_gather %get3A_218[%gather3A_747] in [0] : vector<16xf32>, vector<16xi32> -> vector<16xf32>
        %mul3A_749 = arith.constant 16 : i32
        %mul3A_750 = arith.muli %scan3A_212, %mul3A_749 : i32
        %add3A_751 = arith.constant 6 : i32
        %add3A_752 = arith.addi %mul3A_750, %add3A_751 : i32
        %get3A_753 = arith.index_cast %add3A_752 : i32 to index
        %get3A_754 = arith.constant 0 : index
        %get3A_755 = tpu.vector_load %arg15[%get3A_753, %get3A_754] {strides = array<i32>} : memref<48x128xf32, #tpu.memory_space<vmem>>, vector<1x16xf32>,
        %get3A_756 = vector.shape_cast %get3A_755 : vector<1x16xf32> to vector<16xf32>
        %mul3A_757 = arith.mulf %get3A_756, %gather3A_748 : vector<16xf32>
        %swap3A_758 = arith.index_cast %add3A_752 : i32 to index
        %swap3A_759 = arith.constant 0 : index
        %swap3A_760 = tpu.vector_load %arg15[%swap3A_758, %swap3A_759] {strides = array<i32>} : memref<48x128xf32, #tpu.memory_space<vmem>>, vector<1x16xf32>,
        %swap3A_761 = vector.shape_cast %swap3A_760 : vector<1x16xf32> to vector<16xf32>
        %swap3A_762 = vector.shape_cast %mul3A_757 : vector<16xf32> to vector<1x16xf32>
        tpu.vector_store %arg15[%swap3A_758, %swap3A_759], %swap3A_762 {strides = array<i32>} : memref<48x128xf32, #tpu.memory_space<vmem>>, vector<1x16xf32>,
        %get3A_763 = arith.index_cast %add3A_752 : i32 to index
        %get3A_764 = arith.constant 16 : index
        %get3A_765 = tpu.vector_load %arg15[%get3A_763, %get3A_764] {strides = array<i32>} : memref<48x128xf32, #tpu.memory_space<vmem>>, vector<1x16xf32>,
        %get3A_766 = vector.shape_cast %get3A_765 : vector<1x16xf32> to vector<16xf32>
        %mul3A_767 = arith.mulf %get3A_766, %gather3A_748 : vector<16xf32>
        %swap3A_768 = arith.index_cast %add3A_752 : i32 to index
        %swap3A_769 = arith.constant 16 : index
        %swap3A_770 = tpu.vector_load %arg15[%swap3A_768, %swap3A_769] {strides = array<i32>} : memref<48x128xf32, #tpu.memory_space<vmem>>, vector<1x16xf32>,
        %swap3A_771 = vector.shape_cast %swap3A_770 : vector<1x16xf32> to vector<16xf32>
        %swap3A_772 = vector.shape_cast %mul3A_767 : vector<16xf32> to vector<1x16xf32>
        tpu.vector_store %arg15[%swap3A_768, %swap3A_769], %swap3A_772 {strides = array<i32>} : memref<48x128xf32, #tpu.memory_space<vmem>>, vector<1x16xf32>,
        %get3A_773 = arith.index_cast %add3A_752 : i32 to index
        %get3A_774 = arith.constant 32 : index
        %get3A_775 = tpu.vector_load %arg15[%get3A_773, %get3A_774] {strides = array<i32>} : memref<48x128xf32, #tpu.memory_space<vmem>>, vector<1x16xf32>,
        %get3A_776 = vector.shape_cast %get3A_775 : vector<1x16xf32> to vector<16xf32>
        %mul3A_777 = arith.mulf %get3A_776, %gather3A_748 : vector<16xf32>
        %swap3A_778 = arith.index_cast %add3A_752 : i32 to index
        %swap3A_779 = arith.constant 32 : index
        %swap3A_780 = tpu.vector_load %arg15[%swap3A_778, %swap3A_779] {strides = array<i32>} : memref<48x128xf32, #tpu.memory_space<vmem>>, vector<1x16xf32>,
        %swap3A_781 = vector.shape_cast %swap3A_780 : vector<1x16xf32> to vector<16xf32>
        %swap3A_782 = vector.shape_cast %mul3A_777 : vector<16xf32> to vector<1x16xf32>
        tpu.vector_store %arg15[%swap3A_778, %swap3A_779], %swap3A_782 {strides = array<i32>} : memref<48x128xf32, #tpu.memory_space<vmem>>, vector<1x16xf32>,
        %get3A_783 = arith.index_cast %add3A_752 : i32 to index
        %get3A_784 = arith.constant 48 : index
        %get3A_785 = tpu.vector_load %arg15[%get3A_783, %get3A_784] {strides = array<i32>} : memref<48x128xf32, #tpu.memory_space<vmem>>, vector<1x16xf32>,
        %get3A_786 = vector.shape_cast %get3A_785 : vector<1x16xf32> to vector<16xf32>
        %mul3A_787 = arith.mulf %get3A_786, %gather3A_748 : vector<16xf32>
        %swap3A_788 = arith.index_cast %add3A_752 : i32 to index
        %swap3A_789 = arith.constant 48 : index
        %swap3A_790 = tpu.vector_load %arg15[%swap3A_788, %swap3A_789] {strides = array<i32>} : memref<48x128xf32, #tpu.memory_space<vmem>>, vector<1x16xf32>,
        %swap3A_791 = vector.shape_cast %swap3A_790 : vector<1x16xf32> to vector<16xf32>
        %swap3A_792 = vector.shape_cast %mul3A_787 : vector<16xf32> to vector<1x16xf32>
        tpu.vector_store %arg15[%swap3A_788, %swap3A_789], %swap3A_792 {strides = array<i32>} : memref<48x128xf32, #tpu.memory_space<vmem>>, vector<1x16xf32>,
        %get3A_793 = arith.index_cast %add3A_752 : i32 to index
        %get3A_794 = arith.constant 64 : index
        %get3A_795 = tpu.vector_load %arg15[%get3A_793, %get3A_794] {strides = array<i32>} : memref<48x128xf32, #tpu.memory_space<vmem>>, vector<1x16xf32>,
        %get3A_796 = vector.shape_cast %get3A_795 : vector<1x16xf32> to vector<16xf32>
        %mul3A_797 = arith.mulf %get3A_796, %gather3A_748 : vector<16xf32>
        %swap3A_798 = arith.index_cast %add3A_752 : i32 to index
        %swap3A_799 = arith.constant 64 : index
        %swap3A_800 = tpu.vector_load %arg15[%swap3A_798, %swap3A_799] {strides = array<i32>} : memref<48x128xf32, #tpu.memory_space<vmem>>, vector<1x16xf32>,
        %swap3A_801 = vector.shape_cast %swap3A_800 : vector<1x16xf32> to vector<16xf32>
        %swap3A_802 = vector.shape_cast %mul3A_797 : vector<16xf32> to vector<1x16xf32>
        tpu.vector_store %arg15[%swap3A_798, %swap3A_799], %swap3A_802 {strides = array<i32>} : memref<48x128xf32, #tpu.memory_space<vmem>>, vector<1x16xf32>,
        %get3A_803 = arith.index_cast %add3A_752 : i32 to index
        %get3A_804 = arith.constant 80 : index
        %get3A_805 = tpu.vector_load %arg15[%get3A_803, %get3A_804] {strides = array<i32>} : memref<48x128xf32, #tpu.memory_space<vmem>>, vector<1x16xf32>,
        %get3A_806 = vector.shape_cast %get3A_805 : vector<1x16xf32> to vector<16xf32>
        %mul3A_807 = arith.mulf %get3A_806, %gather3A_748 : vector<16xf32>
        %swap3A_808 = arith.index_cast %add3A_752 : i32 to index
        %swap3A_809 = arith.constant 80 : index
        %swap3A_810 = tpu.vector_load %arg15[%swap3A_808, %swap3A_809] {strides = array<i32>} : memref<48x128xf32, #tpu.memory_space<vmem>>, vector<1x16xf32>,
        %swap3A_811 = vector.shape_cast %swap3A_810 : vector<1x16xf32> to vector<16xf32>
        %swap3A_812 = vector.shape_cast %mul3A_807 : vector<16xf32> to vector<1x16xf32>
        tpu.vector_store %arg15[%swap3A_808, %swap3A_809], %swap3A_812 {strides = array<i32>} : memref<48x128xf32, #tpu.memory_space<vmem>>, vector<1x16xf32>,
        %get3A_813 = arith.index_cast %add3A_752 : i32 to index
        %get3A_814 = arith.constant 96 : index
        %get3A_815 = tpu.vector_load %arg15[%get3A_813, %get3A_814] {strides = array<i32>} : memref<48x128xf32, #tpu.memory_space<vmem>>, vector<1x16xf32>,
        %get3A_816 = vector.shape_cast %get3A_815 : vector<1x16xf32> to vector<16xf32>
        %mul3A_817 = arith.mulf %get3A_816, %gather3A_748 : vector<16xf32>
        %swap3A_818 = arith.index_cast %add3A_752 : i32 to index
        %swap3A_819 = arith.constant 96 : index
        %swap3A_820 = tpu.vector_load %arg15[%swap3A_818, %swap3A_819] {strides = array<i32>} : memref<48x128xf32, #tpu.memory_space<vmem>>, vector<1x16xf32>,
        %swap3A_821 = vector.shape_cast %swap3A_820 : vector<1x16xf32> to vector<16xf32>
        %swap3A_822 = vector.shape_cast %mul3A_817 : vector<16xf32> to vector<1x16xf32>
        tpu.vector_store %arg15[%swap3A_818, %swap3A_819], %swap3A_822 {strides = array<i32>} : memref<48x128xf32, #tpu.memory_space<vmem>>, vector<1x16xf32>,
        %get3A_823 = arith.index_cast %add3A_752 : i32 to index
        %get3A_824 = arith.constant 112 : index
        %get3A_825 = tpu.vector_load %arg15[%get3A_823, %get3A_824] {strides = array<i32>} : memref<48x128xf32, #tpu.memory_space<vmem>>, vector<1x16xf32>,
        %get3A_826 = vector.shape_cast %get3A_825 : vector<1x16xf32> to vector<16xf32>
        %mul3A_827 = arith.mulf %get3A_826, %gather3A_748 : vector<16xf32>
        %swap3A_828 = arith.index_cast %add3A_752 : i32 to index
        %swap3A_829 = arith.constant 112 : index
        %swap3A_830 = tpu.vector_load %arg15[%swap3A_828, %swap3A_829] {strides = array<i32>} : memref<48x128xf32, #tpu.memory_space<vmem>>, vector<1x16xf32>,
        %swap3A_831 = vector.shape_cast %swap3A_830 : vector<1x16xf32> to vector<16xf32>
        %swap3A_832 = vector.shape_cast %mul3A_827 : vector<16xf32> to vector<1x16xf32>
        tpu.vector_store %arg15[%swap3A_828, %swap3A_829], %swap3A_832 {strides = array<i32>} : memref<48x128xf32, #tpu.memory_space<vmem>>, vector<1x16xf32>,
        %broadcast_in_dim3A_833 = arith.constant 7 : i32
        %broadcast_in_dim3A_834 = vector.broadcast %broadcast_in_dim3A_833 : i32 to vector<16x1xi32>
        %gather3A_835 = vector.shape_cast %broadcast_in_dim3A_834 : vector<16x1xi32> to vector<16xi32>
        %gather3A_836 = tpu.dynamic_gather %get3A_218[%gather3A_835] in [0] : vector<16xf32>, vector<16xi32> -> vector<16xf32>
        %mul3A_837 = arith.constant 16 : i32
        %mul3A_838 = arith.muli %scan3A_212, %mul3A_837 : i32
        %add3A_839 = arith.constant 7 : i32
        %add3A_840 = arith.addi %mul3A_838, %add3A_839 : i32
        %get3A_841 = arith.index_cast %add3A_840 : i32 to index
        %get3A_842 = arith.constant 0 : index
        %get3A_843 = tpu.vector_load %arg15[%get3A_841, %get3A_842] {strides = array<i32>} : memref<48x128xf32, #tpu.memory_space<vmem>>, vector<1x16xf32>,
        %get3A_844 = vector.shape_cast %get3A_843 : vector<1x16xf32> to vector<16xf32>
        %mul3A_845 = arith.mulf %get3A_844, %gather3A_836 : vector<16xf32>
        %swap3A_846 = arith.index_cast %add3A_840 : i32 to index
        %swap3A_847 = arith.constant 0 : index
        %swap3A_848 = tpu.vector_load %arg15[%swap3A_846, %swap3A_847] {strides = array<i32>} : memref<48x128xf32, #tpu.memory_space<vmem>>, vector<1x16xf32>,
        %swap3A_849 = vector.shape_cast %swap3A_848 : vector<1x16xf32> to vector<16xf32>
        %swap3A_850 = vector.shape_cast %mul3A_845 : vector<16xf32> to vector<1x16xf32>
        tpu.vector_store %arg15[%swap3A_846, %swap3A_847], %swap3A_850 {strides = array<i32>} : memref<48x128xf32, #tpu.memory_space<vmem>>, vector<1x16xf32>,
        %get3A_851 = arith.index_cast %add3A_840 : i32 to index
        %get3A_852 = arith.constant 16 : index
        %get3A_853 = tpu.vector_load %arg15[%get3A_851, %get3A_852] {strides = array<i32>} : memref<48x128xf32, #tpu.memory_space<vmem>>, vector<1x16xf32>,
        %get3A_854 = vector.shape_cast %get3A_853 : vector<1x16xf32> to vector<16xf32>
        %mul3A_855 = arith.mulf %get3A_854, %gather3A_836 : vector<16xf32>
        %swap3A_856 = arith.index_cast %add3A_840 : i32 to index
        %swap3A_857 = arith.constant 16 : index
        %swap3A_858 = tpu.vector_load %arg15[%swap3A_856, %swap3A_857] {strides = array<i32>} : memref<48x128xf32, #tpu.memory_space<vmem>>, vector<1x16xf32>,
        %swap3A_859 = vector.shape_cast %swap3A_858 : vector<1x16xf32> to vector<16xf32>
        %swap3A_860 = vector.shape_cast %mul3A_855 : vector<16xf32> to vector<1x16xf32>
        tpu.vector_store %arg15[%swap3A_856, %swap3A_857], %swap3A_860 {strides = array<i32>} : memref<48x128xf32, #tpu.memory_space<vmem>>, vector<1x16xf32>,
        %get3A_861 = arith.index_cast %add3A_840 : i32 to index
        %get3A_862 = arith.constant 32 : index
        %get3A_863 = tpu.vector_load %arg15[%get3A_861, %get3A_862] {strides = array<i32>} : memref<48x128xf32, #tpu.memory_space<vmem>>, vector<1x16xf32>,
        %get3A_864 = vector.shape_cast %get3A_863 : vector<1x16xf32> to vector<16xf32>
        %mul3A_865 = arith.mulf %get3A_864, %gather3A_836 : vector<16xf32>
        %swap3A_866 = arith.index_cast %add3A_840 : i32 to index
        %swap3A_867 = arith.constant 32 : index
        %swap3A_868 = tpu.vector_load %arg15[%swap3A_866, %swap3A_867] {strides = array<i32>} : memref<48x128xf32, #tpu.memory_space<vmem>>, vector<1x16xf32>,
        %swap3A_869 = vector.shape_cast %swap3A_868 : vector<1x16xf32> to vector<16xf32>
        %swap3A_870 = vector.shape_cast %mul3A_865 : vector<16xf32> to vector<1x16xf32>
        tpu.vector_store %arg15[%swap3A_866, %swap3A_867], %swap3A_870 {strides = array<i32>} : memref<48x128xf32, #tpu.memory_space<vmem>>, vector<1x16xf32>,
        %get3A_871 = arith.index_cast %add3A_840 : i32 to index
        %get3A_872 = arith.constant 48 : index
        %get3A_873 = tpu.vector_load %arg15[%get3A_871, %get3A_872] {strides = array<i32>} : memref<48x128xf32, #tpu.memory_space<vmem>>, vector<1x16xf32>,
        %get3A_874 = vector.shape_cast %get3A_873 : vector<1x16xf32> to vector<16xf32>
        %mul3A_875 = arith.mulf %get3A_874, %gather3A_836 : vector<16xf32>
        %swap3A_876 = arith.index_cast %add3A_840 : i32 to index
        %swap3A_877 = arith.constant 48 : index
        %swap3A_878 = tpu.vector_load %arg15[%swap3A_876, %swap3A_877] {strides = array<i32>} : memref<48x128xf32, #tpu.memory_space<vmem>>, vector<1x16xf32>,
        %swap3A_879 = vector.shape_cast %swap3A_878 : vector<1x16xf32> to vector<16xf32>
        %swap3A_880 = vector.shape_cast %mul3A_875 : vector<16xf32> to vector<1x16xf32>
        tpu.vector_store %arg15[%swap3A_876, %swap3A_877], %swap3A_880 {strides = array<i32>} : memref<48x128xf32, #tpu.memory_space<vmem>>, vector<1x16xf32>,
        %get3A_881 = arith.index_cast %add3A_840 : i32 to index
        %get3A_882 = arith.constant 64 : index
        %get3A_883 = tpu.vector_load %arg15[%get3A_881, %get3A_882] {strides = array<i32>} : memref<48x128xf32, #tpu.memory_space<vmem>>, vector<1x16xf32>,
        %get3A_884 = vector.shape_cast %get3A_883 : vector<1x16xf32> to vector<16xf32>
        %mul3A_885 = arith.mulf %get3A_884, %gather3A_836 : vector<16xf32>
        %swap3A_886 = arith.index_cast %add3A_840 : i32 to index
        %swap3A_887 = arith.constant 64 : index
        %swap3A_888 = tpu.vector_load %arg15[%swap3A_886, %swap3A_887] {strides = array<i32>} : memref<48x128xf32, #tpu.memory_space<vmem>>, vector<1x16xf32>,
        %swap3A_889 = vector.shape_cast %swap3A_888 : vector<1x16xf32> to vector<16xf32>
        %swap3A_890 = vector.shape_cast %mul3A_885 : vector<16xf32> to vector<1x16xf32>
        tpu.vector_store %arg15[%swap3A_886, %swap3A_887], %swap3A_890 {strides = array<i32>} : memref<48x128xf32, #tpu.memory_space<vmem>>, vector<1x16xf32>,
        %get3A_891 = arith.index_cast %add3A_840 : i32 to index
        %get3A_892 = arith.constant 80 : index
        %get3A_893 = tpu.vector_load %arg15[%get3A_891, %get3A_892] {strides = array<i32>} : memref<48x128xf32, #tpu.memory_space<vmem>>, vector<1x16xf32>,
        %get3A_894 = vector.shape_cast %get3A_893 : vector<1x16xf32> to vector<16xf32>
        %mul3A_895 = arith.mulf %get3A_894, %gather3A_836 : vector<16xf32>
        %swap3A_896 = arith.index_cast %add3A_840 : i32 to index
        %swap3A_897 = arith.constant 80 : index
        %swap3A_898 = tpu.vector_load %arg15[%swap3A_896, %swap3A_897] {strides = array<i32>} : memref<48x128xf32, #tpu.memory_space<vmem>>, vector<1x16xf32>,
        %swap3A_899 = vector.shape_cast %swap3A_898 : vector<1x16xf32> to vector<16xf32>
        %swap3A_900 = vector.shape_cast %mul3A_895 : vector<16xf32> to vector<1x16xf32>
        tpu.vector_store %arg15[%swap3A_896, %swap3A_897], %swap3A_900 {strides = array<i32>} : memref<48x128xf32, #tpu.memory_space<vmem>>, vector<1x16xf32>,
        %get3A_901 = arith.index_cast %add3A_840 : i32 to index
        %get3A_902 = arith.constant 96 : index
        %get3A_903 = tpu.vector_load %arg15[%get3A_901, %get3A_902] {strides = array<i32>} : memref<48x128xf32, #tpu.memory_space<vmem>>, vector<1x16xf32>,
        %get3A_904 = vector.shape_cast %get3A_903 : vector<1x16xf32> to vector<16xf32>
        %mul3A_905 = arith.mulf %get3A_904, %gather3A_836 : vector<16xf32>
        %swap3A_906 = arith.index_cast %add3A_840 : i32 to index
        %swap3A_907 = arith.constant 96 : index
        %swap3A_908 = tpu.vector_load %arg15[%swap3A_906, %swap3A_907] {strides = array<i32>} : memref<48x128xf32, #tpu.memory_space<vmem>>, vector<1x16xf32>,
        %swap3A_909 = vector.shape_cast %swap3A_908 : vector<1x16xf32> to vector<16xf32>
        %swap3A_910 = vector.shape_cast %mul3A_905 : vector<16xf32> to vector<1x16xf32>
        tpu.vector_store %arg15[%swap3A_906, %swap3A_907], %swap3A_910 {strides = array<i32>} : memref<48x128xf32, #tpu.memory_space<vmem>>, vector<1x16xf32>,
        %get3A_911 = arith.index_cast %add3A_840 : i32 to index
        %get3A_912 = arith.constant 112 : index
        %get3A_913 = tpu.vector_load %arg15[%get3A_911, %get3A_912] {strides = array<i32>} : memref<48x128xf32, #tpu.memory_space<vmem>>, vector<1x16xf32>,
        %get3A_914 = vector.shape_cast %get3A_913 : vector<1x16xf32> to vector<16xf32>
        %mul3A_915 = arith.mulf %get3A_914, %gather3A_836 : vector<16xf32>
        %swap3A_916 = arith.index_cast %add3A_840 : i32 to index
        %swap3A_917 = arith.constant 112 : index
        %swap3A_918 = tpu.vector_load %arg15[%swap3A_916, %swap3A_917] {strides = array<i32>} : memref<48x128xf32, #tpu.memory_space<vmem>>, vector<1x16xf32>,
        %swap3A_919 = vector.shape_cast %swap3A_918 : vector<1x16xf32> to vector<16xf32>
        %swap3A_920 = vector.shape_cast %mul3A_915 : vector<16xf32> to vector<1x16xf32>
        tpu.vector_store %arg15[%swap3A_916, %swap3A_917], %swap3A_920 {strides = array<i32>} : memref<48x128xf32, #tpu.memory_space<vmem>>, vector<1x16xf32>,
        %broadcast_in_dim3A_921 = arith.constant 8 : i32
        %broadcast_in_dim3A_922 = vector.broadcast %broadcast_in_dim3A_921 : i32 to vector<16x1xi32>
        %gather3A_923 = vector.shape_cast %broadcast_in_dim3A_922 : vector<16x1xi32> to vector<16xi32>
        %gather3A_924 = tpu.dynamic_gather %get3A_218[%gather3A_923] in [0] : vector<16xf32>, vector<16xi32> -> vector<16xf32>
        %mul3A_925 = arith.constant 16 : i32
        %mul3A_926 = arith.muli %scan3A_212, %mul3A_925 : i32
        %add3A_927 = arith.constant 8 : i32
        %add3A_928 = arith.addi %mul3A_926, %add3A_927 : i32
        %get3A_929 = arith.index_cast %add3A_928 : i32 to index
        %get3A_930 = arith.constant 0 : index
        %get3A_931 = tpu.vector_load %arg15[%get3A_929, %get3A_930] {strides = array<i32>} : memref<48x128xf32, #tpu.memory_space<vmem>>, vector<1x16xf32>,
        %get3A_932 = vector.shape_cast %get3A_931 : vector<1x16xf32> to vector<16xf32>
        %mul3A_933 = arith.mulf %get3A_932, %gather3A_924 : vector<16xf32>
        %swap3A_934 = arith.index_cast %add3A_928 : i32 to index
        %swap3A_935 = arith.constant 0 : index
        %swap3A_936 = tpu.vector_load %arg15[%swap3A_934, %swap3A_935] {strides = array<i32>} : memref<48x128xf32, #tpu.memory_space<vmem>>, vector<1x16xf32>,
        %swap3A_937 = vector.shape_cast %swap3A_936 : vector<1x16xf32> to vector<16xf32>
        %swap3A_938 = vector.shape_cast %mul3A_933 : vector<16xf32> to vector<1x16xf32>
        tpu.vector_store %arg15[%swap3A_934, %swap3A_935], %swap3A_938 {strides = array<i32>} : memref<48x128xf32, #tpu.memory_space<vmem>>, vector<1x16xf32>,
        %get3A_939 = arith.index_cast %add3A_928 : i32 to index
        %get3A_940 = arith.constant 16 : index
        %get3A_941 = tpu.vector_load %arg15[%get3A_939, %get3A_940] {strides = array<i32>} : memref<48x128xf32, #tpu.memory_space<vmem>>, vector<1x16xf32>,
        %get3A_942 = vector.shape_cast %get3A_941 : vector<1x16xf32> to vector<16xf32>
        %mul3A_943 = arith.mulf %get3A_942, %gather3A_924 : vector<16xf32>
        %swap3A_944 = arith.index_cast %add3A_928 : i32 to index
        %swap3A_945 = arith.constant 16 : index
        %swap3A_946 = tpu.vector_load %arg15[%swap3A_944, %swap3A_945] {strides = array<i32>} : memref<48x128xf32, #tpu.memory_space<vmem>>, vector<1x16xf32>,
        %swap3A_947 = vector.shape_cast %swap3A_946 : vector<1x16xf32> to vector<16xf32>
        %swap3A_948 = vector.shape_cast %mul3A_943 : vector<16xf32> to vector<1x16xf32>
        tpu.vector_store %arg15[%swap3A_944, %swap3A_945], %swap3A_948 {strides = array<i32>} : memref<48x128xf32, #tpu.memory_space<vmem>>, vector<1x16xf32>,
        %get3A_949 = arith.index_cast %add3A_928 : i32 to index
        %get3A_950 = arith.constant 32 : index
        %get3A_951 = tpu.vector_load %arg15[%get3A_949, %get3A_950] {strides = array<i32>} : memref<48x128xf32, #tpu.memory_space<vmem>>, vector<1x16xf32>,
        %get3A_952 = vector.shape_cast %get3A_951 : vector<1x16xf32> to vector<16xf32>
        %mul3A_953 = arith.mulf %get3A_952, %gather3A_924 : vector<16xf32>
        %swap3A_954 = arith.index_cast %add3A_928 : i32 to index
        %swap3A_955 = arith.constant 32 : index
        %swap3A_956 = tpu.vector_load %arg15[%swap3A_954, %swap3A_955] {strides = array<i32>} : memref<48x128xf32, #tpu.memory_space<vmem>>, vector<1x16xf32>,
        %swap3A_957 = vector.shape_cast %swap3A_956 : vector<1x16xf32> to vector<16xf32>
        %swap3A_958 = vector.shape_cast %mul3A_953 : vector<16xf32> to vector<1x16xf32>
        tpu.vector_store %arg15[%swap3A_954, %swap3A_955], %swap3A_958 {strides = array<i32>} : memref<48x128xf32, #tpu.memory_space<vmem>>, vector<1x16xf32>,
        %get3A_959 = arith.index_cast %add3A_928 : i32 to index
        %get3A_960 = arith.constant 48 : index
        %get3A_961 = tpu.vector_load %arg15[%get3A_959, %get3A_960] {strides = array<i32>} : memref<48x128xf32, #tpu.memory_space<vmem>>, vector<1x16xf32>,
        %get3A_962 = vector.shape_cast %get3A_961 : vector<1x16xf32> to vector<16xf32>
        %mul3A_963 = arith.mulf %get3A_962, %gather3A_924 : vector<16xf32>
        %swap3A_964 = arith.index_cast %add3A_928 : i32 to index
        %swap3A_965 = arith.constant 48 : index
        %swap3A_966 = tpu.vector_load %arg15[%swap3A_964, %swap3A_965] {strides = array<i32>} : memref<48x128xf32, #tpu.memory_space<vmem>>, vector<1x16xf32>,
        %swap3A_967 = vector.shape_cast %swap3A_966 : vector<1x16xf32> to vector<16xf32>
        %swap3A_968 = vector.shape_cast %mul3A_963 : vector<16xf32> to vector<1x16xf32>
        tpu.vector_store %arg15[%swap3A_964, %swap3A_965], %swap3A_968 {strides = array<i32>} : memref<48x128xf32, #tpu.memory_space<vmem>>, vector<1x16xf32>,
        %get3A_969 = arith.index_cast %add3A_928 : i32 to index
        %get3A_970 = arith.constant 64 : index
        %get3A_971 = tpu.vector_load %arg15[%get3A_969, %get3A_970] {strides = array<i32>} : memref<48x128xf32, #tpu.memory_space<vmem>>, vector<1x16xf32>,
        %get3A_972 = vector.shape_cast %get3A_971 : vector<1x16xf32> to vector<16xf32>
        %mul3A_973 = arith.mulf %get3A_972, %gather3A_924 : vector<16xf32>
        %swap3A_974 = arith.index_cast %add3A_928 : i32 to index
        %swap3A_975 = arith.constant 64 : index
        %swap3A_976 = tpu.vector_load %arg15[%swap3A_974, %swap3A_975] {strides = array<i32>} : memref<48x128xf32, #tpu.memory_space<vmem>>, vector<1x16xf32>,
        %swap3A_977 = vector.shape_cast %swap3A_976 : vector<1x16xf32> to vector<16xf32>
        %swap3A_978 = vector.shape_cast %mul3A_973 : vector<16xf32> to vector<1x16xf32>
        tpu.vector_store %arg15[%swap3A_974, %swap3A_975], %swap3A_978 {strides = array<i32>} : memref<48x128xf32, #tpu.memory_space<vmem>>, vector<1x16xf32>,
        %get3A_979 = arith.index_cast %add3A_928 : i32 to index
        %get3A_980 = arith.constant 80 : index
        %get3A_981 = tpu.vector_load %arg15[%get3A_979, %get3A_980] {strides = array<i32>} : memref<48x128xf32, #tpu.memory_space<vmem>>, vector<1x16xf32>,
        %get3A_982 = vector.shape_cast %get3A_981 : vector<1x16xf32> to vector<16xf32>
        %mul3A_983 = arith.mulf %get3A_982, %gather3A_924 : vector<16xf32>
        %swap3A_984 = arith.index_cast %add3A_928 : i32 to index
        %swap3A_985 = arith.constant 80 : index
        %swap3A_986 = tpu.vector_load %arg15[%swap3A_984, %swap3A_985] {strides = array<i32>} : memref<48x128xf32, #tpu.memory_space<vmem>>, vector<1x16xf32>,
        %swap3A_987 = vector.shape_cast %swap3A_986 : vector<1x16xf32> to vector<16xf32>
        %swap3A_988 = vector.shape_cast %mul3A_983 : vector<16xf32> to vector<1x16xf32>
        tpu.vector_store %arg15[%swap3A_984, %swap3A_985], %swap3A_988 {strides = array<i32>} : memref<48x128xf32, #tpu.memory_space<vmem>>, vector<1x16xf32>,
        %get3A_989 = arith.index_cast %add3A_928 : i32 to index
        %get3A_990 = arith.constant 96 : index
        %get3A_991 = tpu.vector_load %arg15[%get3A_989, %get3A_990] {strides = array<i32>} : memref<48x128xf32, #tpu.memory_space<vmem>>, vector<1x16xf32>,
        %get3A_992 = vector.shape_cast %get3A_991 : vector<1x16xf32> to vector<16xf32>
        %mul3A_993 = arith.mulf %get3A_992, %gather3A_924 : vector<16xf32>
        %swap3A_994 = arith.index_cast %add3A_928 : i32 to index
        %swap3A_995 = arith.constant 96 : index
        %swap3A_996 = tpu.vector_load %arg15[%swap3A_994, %swap3A_995] {strides = array<i32>} : memref<48x128xf32, #tpu.memory_space<vmem>>, vector<1x16xf32>,
        %swap3A_997 = vector.shape_cast %swap3A_996 : vector<1x16xf32> to vector<16xf32>
        %swap3A_998 = vector.shape_cast %mul3A_993 : vector<16xf32> to vector<1x16xf32>
        tpu.vector_store %arg15[%swap3A_994, %swap3A_995], %swap3A_998 {strides = array<i32>} : memref<48x128xf32, #tpu.memory_space<vmem>>, vector<1x16xf32>,
        %get3A_999 = arith.index_cast %add3A_928 : i32 to index
        %get3A_1000 = arith.constant 112 : index
        %get3A_1001 = tpu.vector_load %arg15[%get3A_999, %get3A_1000] {strides = array<i32>} : memref<48x128xf32, #tpu.memory_space<vmem>>, vector<1x16xf32>,
        %get3A_1002 = vector.shape_cast %get3A_1001 : vector<1x16xf32> to vector<16xf32>
        %mul3A_1003 = arith.mulf %get3A_1002, %gather3A_924 : vector<16xf32>
        %swap3A_1004 = arith.index_cast %add3A_928 : i32 to index
        %swap3A_1005 = arith.constant 112 : index
        %swap3A_1006 = tpu.vector_load %arg15[%swap3A_1004, %swap3A_1005] {strides = array<i32>} : memref<48x128xf32, #tpu.memory_space<vmem>>, vector<1x16xf32>,
        %swap3A_1007 = vector.shape_cast %swap3A_1006 : vector<1x16xf32> to vector<16xf32>
        %swap3A_1008 = vector.shape_cast %mul3A_1003 : vector<16xf32> to vector<1x16xf32>
        tpu.vector_store %arg15[%swap3A_1004, %swap3A_1005], %swap3A_1008 {strides = array<i32>} : memref<48x128xf32, #tpu.memory_space<vmem>>, vector<1x16xf32>,
        %broadcast_in_dim3A_1009 = arith.constant 9 : i32
        %broadcast_in_dim3A_1010 = vector.broadcast %broadcast_in_dim3A_1009 : i32 to vector<16x1xi32>
        %gather3A_1011 = vector.shape_cast %broadcast_in_dim3A_1010 : vector<16x1xi32> to vector<16xi32>
        %gather3A_1012 = tpu.dynamic_gather %get3A_218[%gather3A_1011] in [0] : vector<16xf32>, vector<16xi32> -> vector<16xf32>
        %mul3A_1013 = arith.constant 16 : i32
        %mul3A_1014 = arith.muli %scan3A_212, %mul3A_1013 : i32
        %add3A_1015 = arith.constant 9 : i32
        %add3A_1016 = arith.addi %mul3A_1014, %add3A_1015 : i32
        %get3A_1017 = arith.index_cast %add3A_1016 : i32 to index
        %get3A_1018 = arith.constant 0 : index
        %get3A_1019 = tpu.vector_load %arg15[%get3A_1017, %get3A_1018] {strides = array<i32>} : memref<48x128xf32, #tpu.memory_space<vmem>>, vector<1x16xf32>,
        %get3A_1020 = vector.shape_cast %get3A_1019 : vector<1x16xf32> to vector<16xf32>
        %mul3A_1021 = arith.mulf %get3A_1020, %gather3A_1012 : vector<16xf32>
        %swap3A_1022 = arith.index_cast %add3A_1016 : i32 to index
        %swap3A_1023 = arith.constant 0 : index
        %swap3A_1024 = tpu.vector_load %arg15[%swap3A_1022, %swap3A_1023] {strides = array<i32>} : memref<48x128xf32, #tpu.memory_space<vmem>>, vector<1x16xf32>,
        %swap3A_1025 = vector.shape_cast %swap3A_1024 : vector<1x16xf32> to vector<16xf32>
        %swap3A_1026 = vector.shape_cast %mul3A_1021 : vector<16xf32> to vector<1x16xf32>
        tpu.vector_store %arg15[%swap3A_1022, %swap3A_1023], %swap3A_1026 {strides = array<i32>} : memref<48x128xf32, #tpu.memory_space<vmem>>, vector<1x16xf32>,
        %get3A_1027 = arith.index_cast %add3A_1016 : i32 to index
        %get3A_1028 = arith.constant 16 : index
        %get3A_1029 = tpu.vector_load %arg15[%get3A_1027, %get3A_1028] {strides = array<i32>} : memref<48x128xf32, #tpu.memory_space<vmem>>, vector<1x16xf32>,
        %get3A_1030 = vector.shape_cast %get3A_1029 : vector<1x16xf32> to vector<16xf32>
        %mul3A_1031 = arith.mulf %get3A_1030, %gather3A_1012 : vector<16xf32>
        %swap3A_1032 = arith.index_cast %add3A_1016 : i32 to index
        %swap3A_1033 = arith.constant 16 : index
        %swap3A_1034 = tpu.vector_load %arg15[%swap3A_1032, %swap3A_1033] {strides = array<i32>} : memref<48x128xf32, #tpu.memory_space<vmem>>, vector<1x16xf32>,
        %swap3A_1035 = vector.shape_cast %swap3A_1034 : vector<1x16xf32> to vector<16xf32>
        %swap3A_1036 = vector.shape_cast %mul3A_1031 : vector<16xf32> to vector<1x16xf32>
        tpu.vector_store %arg15[%swap3A_1032, %swap3A_1033], %swap3A_1036 {strides = array<i32>} : memref<48x128xf32, #tpu.memory_space<vmem>>, vector<1x16xf32>,
        %get3A_1037 = arith.index_cast %add3A_1016 : i32 to index
        %get3A_1038 = arith.constant 32 : index
        %get3A_1039 = tpu.vector_load %arg15[%get3A_1037, %get3A_1038] {strides = array<i32>} : memref<48x128xf32, #tpu.memory_space<vmem>>, vector<1x16xf32>,
        %get3A_1040 = vector.shape_cast %get3A_1039 : vector<1x16xf32> to vector<16xf32>
        %mul3A_1041 = arith.mulf %get3A_1040, %gather3A_1012 : vector<16xf32>
        %swap3A_1042 = arith.index_cast %add3A_1016 : i32 to index
        %swap3A_1043 = arith.constant 32 : index
        %swap3A_1044 = tpu.vector_load %arg15[%swap3A_1042, %swap3A_1043] {strides = array<i32>} : memref<48x128xf32, #tpu.memory_space<vmem>>, vector<1x16xf32>,
        %swap3A_1045 = vector.shape_cast %swap3A_1044 : vector<1x16xf32> to vector<16xf32>
        %swap3A_1046 = vector.shape_cast %mul3A_1041 : vector<16xf32> to vector<1x16xf32>
        tpu.vector_store %arg15[%swap3A_1042, %swap3A_1043], %swap3A_1046 {strides = array<i32>} : memref<48x128xf32, #tpu.memory_space<vmem>>, vector<1x16xf32>,
        %get3A_1047 = arith.index_cast %add3A_1016 : i32 to index
        %get3A_1048 = arith.constant 48 : index
        %get3A_1049 = tpu.vector_load %arg15[%get3A_1047, %get3A_1048] {strides = array<i32>} : memref<48x128xf32, #tpu.memory_space<vmem>>, vector<1x16xf32>,
        %get3A_1050 = vector.shape_cast %get3A_1049 : vector<1x16xf32> to vector<16xf32>
        %mul3A_1051 = arith.mulf %get3A_1050, %gather3A_1012 : vector<16xf32>
        %swap3A_1052 = arith.index_cast %add3A_1016 : i32 to index
        %swap3A_1053 = arith.constant 48 : index
        %swap3A_1054 = tpu.vector_load %arg15[%swap3A_1052, %swap3A_1053] {strides = array<i32>} : memref<48x128xf32, #tpu.memory_space<vmem>>, vector<1x16xf32>,
        %swap3A_1055 = vector.shape_cast %swap3A_1054 : vector<1x16xf32> to vector<16xf32>
        %swap3A_1056 = vector.shape_cast %mul3A_1051 : vector<16xf32> to vector<1x16xf32>
        tpu.vector_store %arg15[%swap3A_1052, %swap3A_1053], %swap3A_1056 {strides = array<i32>} : memref<48x128xf32, #tpu.memory_space<vmem>>, vector<1x16xf32>,
        %get3A_1057 = arith.index_cast %add3A_1016 : i32 to index
        %get3A_1058 = arith.constant 64 : index
        %get3A_1059 = tpu.vector_load %arg15[%get3A_1057, %get3A_1058] {strides = array<i32>} : memref<48x128xf32, #tpu.memory_space<vmem>>, vector<1x16xf32>,
        %get3A_1060 = vector.shape_cast %get3A_1059 : vector<1x16xf32> to vector<16xf32>
        %mul3A_1061 = arith.mulf %get3A_1060, %gather3A_1012 : vector<16xf32>
        %swap3A_1062 = arith.index_cast %add3A_1016 : i32 to index
        %swap3A_1063 = arith.constant 64 : index
        %swap3A_1064 = tpu.vector_load %arg15[%swap3A_1062, %swap3A_1063] {strides = array<i32>} : memref<48x128xf32, #tpu.memory_space<vmem>>, vector<1x16xf32>,
        %swap3A_1065 = vector.shape_cast %swap3A_1064 : vector<1x16xf32> to vector<16xf32>
        %swap3A_1066 = vector.shape_cast %mul3A_1061 : vector<16xf32> to vector<1x16xf32>
        tpu.vector_store %arg15[%swap3A_1062, %swap3A_1063], %swap3A_1066 {strides = array<i32>} : memref<48x128xf32, #tpu.memory_space<vmem>>, vector<1x16xf32>,
        %get3A_1067 = arith.index_cast %add3A_1016 : i32 to index
        %get3A_1068 = arith.constant 80 : index
        %get3A_1069 = tpu.vector_load %arg15[%get3A_1067, %get3A_1068] {strides = array<i32>} : memref<48x128xf32, #tpu.memory_space<vmem>>, vector<1x16xf32>,
        %get3A_1070 = vector.shape_cast %get3A_1069 : vector<1x16xf32> to vector<16xf32>
        %mul3A_1071 = arith.mulf %get3A_1070, %gather3A_1012 : vector<16xf32>
        %swap3A_1072 = arith.index_cast %add3A_1016 : i32 to index
        %swap3A_1073 = arith.constant 80 : index
        %swap3A_1074 = tpu.vector_load %arg15[%swap3A_1072, %swap3A_1073] {strides = array<i32>} : memref<48x128xf32, #tpu.memory_space<vmem>>, vector<1x16xf32>,
        %swap3A_1075 = vector.shape_cast %swap3A_1074 : vector<1x16xf32> to vector<16xf32>
        %swap3A_1076 = vector.shape_cast %mul3A_1071 : vector<16xf32> to vector<1x16xf32>
        tpu.vector_store %arg15[%swap3A_1072, %swap3A_1073], %swap3A_1076 {strides = array<i32>} : memref<48x128xf32, #tpu.memory_space<vmem>>, vector<1x16xf32>,
        %get3A_1077 = arith.index_cast %add3A_1016 : i32 to index
        %get3A_1078 = arith.constant 96 : index
        %get3A_1079 = tpu.vector_load %arg15[%get3A_1077, %get3A_1078] {strides = array<i32>} : memref<48x128xf32, #tpu.memory_space<vmem>>, vector<1x16xf32>,
        %get3A_1080 = vector.shape_cast %get3A_1079 : vector<1x16xf32> to vector<16xf32>
        %mul3A_1081 = arith.mulf %get3A_1080, %gather3A_1012 : vector<16xf32>
        %swap3A_1082 = arith.index_cast %add3A_1016 : i32 to index
        %swap3A_1083 = arith.constant 96 : index
        %swap3A_1084 = tpu.vector_load %arg15[%swap3A_1082, %swap3A_1083] {strides = array<i32>} : memref<48x128xf32, #tpu.memory_space<vmem>>, vector<1x16xf32>,
        %swap3A_1085 = vector.shape_cast %swap3A_1084 : vector<1x16xf32> to vector<16xf32>
        %swap3A_1086 = vector.shape_cast %mul3A_1081 : vector<16xf32> to vector<1x16xf32>
        tpu.vector_store %arg15[%swap3A_1082, %swap3A_1083], %swap3A_1086 {strides = array<i32>} : memref<48x128xf32, #tpu.memory_space<vmem>>, vector<1x16xf32>,
        %get3A_1087 = arith.index_cast %add3A_1016 : i32 to index
        %get3A_1088 = arith.constant 112 : index
        %get3A_1089 = tpu.vector_load %arg15[%get3A_1087, %get3A_1088] {strides = array<i32>} : memref<48x128xf32, #tpu.memory_space<vmem>>, vector<1x16xf32>,
        %get3A_1090 = vector.shape_cast %get3A_1089 : vector<1x16xf32> to vector<16xf32>
        %mul3A_1091 = arith.mulf %get3A_1090, %gather3A_1012 : vector<16xf32>
        %swap3A_1092 = arith.index_cast %add3A_1016 : i32 to index
        %swap3A_1093 = arith.constant 112 : index
        %swap3A_1094 = tpu.vector_load %arg15[%swap3A_1092, %swap3A_1093] {strides = array<i32>} : memref<48x128xf32, #tpu.memory_space<vmem>>, vector<1x16xf32>,
        %swap3A_1095 = vector.shape_cast %swap3A_1094 : vector<1x16xf32> to vector<16xf32>
        %swap3A_1096 = vector.shape_cast %mul3A_1091 : vector<16xf32> to vector<1x16xf32>
        tpu.vector_store %arg15[%swap3A_1092, %swap3A_1093], %swap3A_1096 {strides = array<i32>} : memref<48x128xf32, #tpu.memory_space<vmem>>, vector<1x16xf32>,
        %broadcast_in_dim3A_1097 = arith.constant 10 : i32
        %broadcast_in_dim3A_1098 = vector.broadcast %broadcast_in_dim3A_1097 : i32 to vector<16x1xi32>
        %gather3A_1099 = vector.shape_cast %broadcast_in_dim3A_1098 : vector<16x1xi32> to vector<16xi32>
        %gather3A_1100 = tpu.dynamic_gather %get3A_218[%gather3A_1099] in [0] : vector<16xf32>, vector<16xi32> -> vector<16xf32>
        %mul3A_1101 = arith.constant 16 : i32
        %mul3A_1102 = arith.muli %scan3A_212, %mul3A_1101 : i32
        %add3A_1103 = arith.constant 10 : i32
        %add3A_1104 = arith.addi %mul3A_1102, %add3A_1103 : i32
        %get3A_1105 = arith.index_cast %add3A_1104 : i32 to index
        %get3A_1106 = arith.constant 0 : index
        %get3A_1107 = tpu.vector_load %arg15[%get3A_1105, %get3A_1106] {strides = array<i32>} : memref<48x128xf32, #tpu.memory_space<vmem>>, vector<1x16xf32>,
        %get3A_1108 = vector.shape_cast %get3A_1107 : vector<1x16xf32> to vector<16xf32>
        %mul3A_1109 = arith.mulf %get3A_1108, %gather3A_1100 : vector<16xf32>
        %swap3A_1110 = arith.index_cast %add3A_1104 : i32 to index
        %swap3A_1111 = arith.constant 0 : index
        %swap3A_1112 = tpu.vector_load %arg15[%swap3A_1110, %swap3A_1111] {strides = array<i32>} : memref<48x128xf32, #tpu.memory_space<vmem>>, vector<1x16xf32>,
        %swap3A_1113 = vector.shape_cast %swap3A_1112 : vector<1x16xf32> to vector<16xf32>
        %swap3A_1114 = vector.shape_cast %mul3A_1109 : vector<16xf32> to vector<1x16xf32>
        tpu.vector_store %arg15[%swap3A_1110, %swap3A_1111], %swap3A_1114 {strides = array<i32>} : memref<48x128xf32, #tpu.memory_space<vmem>>, vector<1x16xf32>,
        %get3A_1115 = arith.index_cast %add3A_1104 : i32 to index
        %get3A_1116 = arith.constant 16 : index
        %get3A_1117 = tpu.vector_load %arg15[%get3A_1115, %get3A_1116] {strides = array<i32>} : memref<48x128xf32, #tpu.memory_space<vmem>>, vector<1x16xf32>,
        %get3A_1118 = vector.shape_cast %get3A_1117 : vector<1x16xf32> to vector<16xf32>
        %mul3A_1119 = arith.mulf %get3A_1118, %gather3A_1100 : vector<16xf32>
        %swap3A_1120 = arith.index_cast %add3A_1104 : i32 to index
        %swap3A_1121 = arith.constant 16 : index
        %swap3A_1122 = tpu.vector_load %arg15[%swap3A_1120, %swap3A_1121] {strides = array<i32>} : memref<48x128xf32, #tpu.memory_space<vmem>>, vector<1x16xf32>,
        %swap3A_1123 = vector.shape_cast %swap3A_1122 : vector<1x16xf32> to vector<16xf32>
        %swap3A_1124 = vector.shape_cast %mul3A_1119 : vector<16xf32> to vector<1x16xf32>
        tpu.vector_store %arg15[%swap3A_1120, %swap3A_1121], %swap3A_1124 {strides = array<i32>} : memref<48x128xf32, #tpu.memory_space<vmem>>, vector<1x16xf32>,
        %get3A_1125 = arith.index_cast %add3A_1104 : i32 to index
        %get3A_1126 = arith.constant 32 : index
        %get3A_1127 = tpu.vector_load %arg15[%get3A_1125, %get3A_1126] {strides = array<i32>} : memref<48x128xf32, #tpu.memory_space<vmem>>, vector<1x16xf32>,
        %get3A_1128 = vector.shape_cast %get3A_1127 : vector<1x16xf32> to vector<16xf32>
        %mul3A_1129 = arith.mulf %get3A_1128, %gather3A_1100 : vector<16xf32>
        %swap3A_1130 = arith.index_cast %add3A_1104 : i32 to index
        %swap3A_1131 = arith.constant 32 : index
        %swap3A_1132 = tpu.vector_load %arg15[%swap3A_1130, %swap3A_1131] {strides = array<i32>} : memref<48x128xf32, #tpu.memory_space<vmem>>, vector<1x16xf32>,
        %swap3A_1133 = vector.shape_cast %swap3A_1132 : vector<1x16xf32> to vector<16xf32>
        %swap3A_1134 = vector.shape_cast %mul3A_1129 : vector<16xf32> to vector<1x16xf32>
        tpu.vector_store %arg15[%swap3A_1130, %swap3A_1131], %swap3A_1134 {strides = array<i32>} : memref<48x128xf32, #tpu.memory_space<vmem>>, vector<1x16xf32>,
        %get3A_1135 = arith.index_cast %add3A_1104 : i32 to index
        %get3A_1136 = arith.constant 48 : index
        %get3A_1137 = tpu.vector_load %arg15[%get3A_1135, %get3A_1136] {strides = array<i32>} : memref<48x128xf32, #tpu.memory_space<vmem>>, vector<1x16xf32>,
        %get3A_1138 = vector.shape_cast %get3A_1137 : vector<1x16xf32> to vector<16xf32>
        %mul3A_1139 = arith.mulf %get3A_1138, %gather3A_1100 : vector<16xf32>
        %swap3A_1140 = arith.index_cast %add3A_1104 : i32 to index
        %swap3A_1141 = arith.constant 48 : index
        %swap3A_1142 = tpu.vector_load %arg15[%swap3A_1140, %swap3A_1141] {strides = array<i32>} : memref<48x128xf32, #tpu.memory_space<vmem>>, vector<1x16xf32>,
        %swap3A_1143 = vector.shape_cast %swap3A_1142 : vector<1x16xf32> to vector<16xf32>
        %swap3A_1144 = vector.shape_cast %mul3A_1139 : vector<16xf32> to vector<1x16xf32>
        tpu.vector_store %arg15[%swap3A_1140, %swap3A_1141], %swap3A_1144 {strides = array<i32>} : memref<48x128xf32, #tpu.memory_space<vmem>>, vector<1x16xf32>,
        %get3A_1145 = arith.index_cast %add3A_1104 : i32 to index
        %get3A_1146 = arith.constant 64 : index
        %get3A_1147 = tpu.vector_load %arg15[%get3A_1145, %get3A_1146] {strides = array<i32>} : memref<48x128xf32, #tpu.memory_space<vmem>>, vector<1x16xf32>,
        %get3A_1148 = vector.shape_cast %get3A_1147 : vector<1x16xf32> to vector<16xf32>
        %mul3A_1149 = arith.mulf %get3A_1148, %gather3A_1100 : vector<16xf32>
        %swap3A_1150 = arith.index_cast %add3A_1104 : i32 to index
        %swap3A_1151 = arith.constant 64 : index
        %swap3A_1152 = tpu.vector_load %arg15[%swap3A_1150, %swap3A_1151] {strides = array<i32>} : memref<48x128xf32, #tpu.memory_space<vmem>>, vector<1x16xf32>,
        %swap3A_1153 = vector.shape_cast %swap3A_1152 : vector<1x16xf32> to vector<16xf32>
        %swap3A_1154 = vector.shape_cast %mul3A_1149 : vector<16xf32> to vector<1x16xf32>
        tpu.vector_store %arg15[%swap3A_1150, %swap3A_1151], %swap3A_1154 {strides = array<i32>} : memref<48x128xf32, #tpu.memory_space<vmem>>, vector<1x16xf32>,
        %get3A_1155 = arith.index_cast %add3A_1104 : i32 to index
        %get3A_1156 = arith.constant 80 : index
        %get3A_1157 = tpu.vector_load %arg15[%get3A_1155, %get3A_1156] {strides = array<i32>} : memref<48x128xf32, #tpu.memory_space<vmem>>, vector<1x16xf32>,
        %get3A_1158 = vector.shape_cast %get3A_1157 : vector<1x16xf32> to vector<16xf32>
        %mul3A_1159 = arith.mulf %get3A_1158, %gather3A_1100 : vector<16xf32>
        %swap3A_1160 = arith.index_cast %add3A_1104 : i32 to index
        %swap3A_1161 = arith.constant 80 : index
        %swap3A_1162 = tpu.vector_load %arg15[%swap3A_1160, %swap3A_1161] {strides = array<i32>} : memref<48x128xf32, #tpu.memory_space<vmem>>, vector<1x16xf32>,
        %swap3A_1163 = vector.shape_cast %swap3A_1162 : vector<1x16xf32> to vector<16xf32>
        %swap3A_1164 = vector.shape_cast %mul3A_1159 : vector<16xf32> to vector<1x16xf32>
        tpu.vector_store %arg15[%swap3A_1160, %swap3A_1161], %swap3A_1164 {strides = array<i32>} : memref<48x128xf32, #tpu.memory_space<vmem>>, vector<1x16xf32>,
        %get3A_1165 = arith.index_cast %add3A_1104 : i32 to index
        %get3A_1166 = arith.constant 96 : index
        %get3A_1167 = tpu.vector_load %arg15[%get3A_1165, %get3A_1166] {strides = array<i32>} : memref<48x128xf32, #tpu.memory_space<vmem>>, vector<1x16xf32>,
        %get3A_1168 = vector.shape_cast %get3A_1167 : vector<1x16xf32> to vector<16xf32>
        %mul3A_1169 = arith.mulf %get3A_1168, %gather3A_1100 : vector<16xf32>
        %swap3A_1170 = arith.index_cast %add3A_1104 : i32 to index
        %swap3A_1171 = arith.constant 96 : index
        %swap3A_1172 = tpu.vector_load %arg15[%swap3A_1170, %swap3A_1171] {strides = array<i32>} : memref<48x128xf32, #tpu.memory_space<vmem>>, vector<1x16xf32>,
        %swap3A_1173 = vector.shape_cast %swap3A_1172 : vector<1x16xf32> to vector<16xf32>
        %swap3A_1174 = vector.shape_cast %mul3A_1169 : vector<16xf32> to vector<1x16xf32>
        tpu.vector_store %arg15[%swap3A_1170, %swap3A_1171], %swap3A_1174 {strides = array<i32>} : memref<48x128xf32, #tpu.memory_space<vmem>>, vector<1x16xf32>,
        %get3A_1175 = arith.index_cast %add3A_1104 : i32 to index
        %get3A_1176 = arith.constant 112 : index
        %get3A_1177 = tpu.vector_load %arg15[%get3A_1175, %get3A_1176] {strides = array<i32>} : memref<48x128xf32, #tpu.memory_space<vmem>>, vector<1x16xf32>,
        %get3A_1178 = vector.shape_cast %get3A_1177 : vector<1x16xf32> to vector<16xf32>
        %mul3A_1179 = arith.mulf %get3A_1178, %gather3A_1100 : vector<16xf32>
        %swap3A_1180 = arith.index_cast %add3A_1104 : i32 to index
        %swap3A_1181 = arith.constant 112 : index
        %swap3A_1182 = tpu.vector_load %arg15[%swap3A_1180, %swap3A_1181] {strides = array<i32>} : memref<48x128xf32, #tpu.memory_space<vmem>>, vector<1x16xf32>,
        %swap3A_1183 = vector.shape_cast %swap3A_1182 : vector<1x16xf32> to vector<16xf32>
        %swap3A_1184 = vector.shape_cast %mul3A_1179 : vector<16xf32> to vector<1x16xf32>
        tpu.vector_store %arg15[%swap3A_1180, %swap3A_1181], %swap3A_1184 {strides = array<i32>} : memref<48x128xf32, #tpu.memory_space<vmem>>, vector<1x16xf32>,
        %broadcast_in_dim3A_1185 = arith.constant 11 : i32
        %broadcast_in_dim3A_1186 = vector.broadcast %broadcast_in_dim3A_1185 : i32 to vector<16x1xi32>
        %gather3A_1187 = vector.shape_cast %broadcast_in_dim3A_1186 : vector<16x1xi32> to vector<16xi32>
        %gather3A_1188 = tpu.dynamic_gather %get3A_218[%gather3A_1187] in [0] : vector<16xf32>, vector<16xi32> -> vector<16xf32>
        %mul3A_1189 = arith.constant 16 : i32
        %mul3A_1190 = arith.muli %scan3A_212, %mul3A_1189 : i32
        %add3A_1191 = arith.constant 11 : i32
        %add3A_1192 = arith.addi %mul3A_1190, %add3A_1191 : i32
        %get3A_1193 = arith.index_cast %add3A_1192 : i32 to index
        %get3A_1194 = arith.constant 0 : index
        %get3A_1195 = tpu.vector_load %arg15[%get3A_1193, %get3A_1194] {strides = array<i32>} : memref<48x128xf32, #tpu.memory_space<vmem>>, vector<1x16xf32>,
        %get3A_1196 = vector.shape_cast %get3A_1195 : vector<1x16xf32> to vector<16xf32>
        %mul3A_1197 = arith.mulf %get3A_1196, %gather3A_1188 : vector<16xf32>
        %swap3A_1198 = arith.index_cast %add3A_1192 : i32 to index
        %swap3A_1199 = arith.constant 0 : index
        %swap3A_1200 = tpu.vector_load %arg15[%swap3A_1198, %swap3A_1199] {strides = array<i32>} : memref<48x128xf32, #tpu.memory_space<vmem>>, vector<1x16xf32>,
        %swap3A_1201 = vector.shape_cast %swap3A_1200 : vector<1x16xf32> to vector<16xf32>
        %swap3A_1202 = vector.shape_cast %mul3A_1197 : vector<16xf32> to vector<1x16xf32>
        tpu.vector_store %arg15[%swap3A_1198, %swap3A_1199], %swap3A_1202 {strides = array<i32>} : memref<48x128xf32, #tpu.memory_space<vmem>>, vector<1x16xf32>,
        %get3A_1203 = arith.index_cast %add3A_1192 : i32 to index
        %get3A_1204 = arith.constant 16 : index
        %get3A_1205 = tpu.vector_load %arg15[%get3A_1203, %get3A_1204] {strides = array<i32>} : memref<48x128xf32, #tpu.memory_space<vmem>>, vector<1x16xf32>,
        %get3A_1206 = vector.shape_cast %get3A_1205 : vector<1x16xf32> to vector<16xf32>
        %mul3A_1207 = arith.mulf %get3A_1206, %gather3A_1188 : vector<16xf32>
        %swap3A_1208 = arith.index_cast %add3A_1192 : i32 to index
        %swap3A_1209 = arith.constant 16 : index
        %swap3A_1210 = tpu.vector_load %arg15[%swap3A_1208, %swap3A_1209] {strides = array<i32>} : memref<48x128xf32, #tpu.memory_space<vmem>>, vector<1x16xf32>,
        %swap3A_1211 = vector.shape_cast %swap3A_1210 : vector<1x16xf32> to vector<16xf32>
        %swap3A_1212 = vector.shape_cast %mul3A_1207 : vector<16xf32> to vector<1x16xf32>
        tpu.vector_store %arg15[%swap3A_1208, %swap3A_1209], %swap3A_1212 {strides = array<i32>} : memref<48x128xf32, #tpu.memory_space<vmem>>, vector<1x16xf32>,
        %get3A_1213 = arith.index_cast %add3A_1192 : i32 to index
        %get3A_1214 = arith.constant 32 : index
        %get3A_1215 = tpu.vector_load %arg15[%get3A_1213, %get3A_1214] {strides = array<i32>} : memref<48x128xf32, #tpu.memory_space<vmem>>, vector<1x16xf32>,
        %get3A_1216 = vector.shape_cast %get3A_1215 : vector<1x16xf32> to vector<16xf32>
        %mul3A_1217 = arith.mulf %get3A_1216, %gather3A_1188 : vector<16xf32>
        %swap3A_1218 = arith.index_cast %add3A_1192 : i32 to index
        %swap3A_1219 = arith.constant 32 : index
        %swap3A_1220 = tpu.vector_load %arg15[%swap3A_1218, %swap3A_1219] {strides = array<i32>} : memref<48x128xf32, #tpu.memory_space<vmem>>, vector<1x16xf32>,
        %swap3A_1221 = vector.shape_cast %swap3A_1220 : vector<1x16xf32> to vector<16xf32>
        %swap3A_1222 = vector.shape_cast %mul3A_1217 : vector<16xf32> to vector<1x16xf32>
        tpu.vector_store %arg15[%swap3A_1218, %swap3A_1219], %swap3A_1222 {strides = array<i32>} : memref<48x128xf32, #tpu.memory_space<vmem>>, vector<1x16xf32>,
        %get3A_1223 = arith.index_cast %add3A_1192 : i32 to index
        %get3A_1224 = arith.constant 48 : index
        %get3A_1225 = tpu.vector_load %arg15[%get3A_1223, %get3A_1224] {strides = array<i32>} : memref<48x128xf32, #tpu.memory_space<vmem>>, vector<1x16xf32>,
        %get3A_1226 = vector.shape_cast %get3A_1225 : vector<1x16xf32> to vector<16xf32>
        %mul3A_1227 = arith.mulf %get3A_1226, %gather3A_1188 : vector<16xf32>
        %swap3A_1228 = arith.index_cast %add3A_1192 : i32 to index
        %swap3A_1229 = arith.constant 48 : index
        %swap3A_1230 = tpu.vector_load %arg15[%swap3A_1228, %swap3A_1229] {strides = array<i32>} : memref<48x128xf32, #tpu.memory_space<vmem>>, vector<1x16xf32>,
        %swap3A_1231 = vector.shape_cast %swap3A_1230 : vector<1x16xf32> to vector<16xf32>
        %swap3A_1232 = vector.shape_cast %mul3A_1227 : vector<16xf32> to vector<1x16xf32>
        tpu.vector_store %arg15[%swap3A_1228, %swap3A_1229], %swap3A_1232 {strides = array<i32>} : memref<48x128xf32, #tpu.memory_space<vmem>>, vector<1x16xf32>,
        %get3A_1233 = arith.index_cast %add3A_1192 : i32 to index
        %get3A_1234 = arith.constant 64 : index
        %get3A_1235 = tpu.vector_load %arg15[%get3A_1233, %get3A_1234] {strides = array<i32>} : memref<48x128xf32, #tpu.memory_space<vmem>>, vector<1x16xf32>,
        %get3A_1236 = vector.shape_cast %get3A_1235 : vector<1x16xf32> to vector<16xf32>
        %mul3A_1237 = arith.mulf %get3A_1236, %gather3A_1188 : vector<16xf32>
        %swap3A_1238 = arith.index_cast %add3A_1192 : i32 to index
        %swap3A_1239 = arith.constant 64 : index
        %swap3A_1240 = tpu.vector_load %arg15[%swap3A_1238, %swap3A_1239] {strides = array<i32>} : memref<48x128xf32, #tpu.memory_space<vmem>>, vector<1x16xf32>,
        %swap3A_1241 = vector.shape_cast %swap3A_1240 : vector<1x16xf32> to vector<16xf32>
        %swap3A_1242 = vector.shape_cast %mul3A_1237 : vector<16xf32> to vector<1x16xf32>
        tpu.vector_store %arg15[%swap3A_1238, %swap3A_1239], %swap3A_1242 {strides = array<i32>} : memref<48x128xf32, #tpu.memory_space<vmem>>, vector<1x16xf32>,
        %get3A_1243 = arith.index_cast %add3A_1192 : i32 to index
        %get3A_1244 = arith.constant 80 : index
        %get3A_1245 = tpu.vector_load %arg15[%get3A_1243, %get3A_1244] {strides = array<i32>} : memref<48x128xf32, #tpu.memory_space<vmem>>, vector<1x16xf32>,
        %get3A_1246 = vector.shape_cast %get3A_1245 : vector<1x16xf32> to vector<16xf32>
        %mul3A_1247 = arith.mulf %get3A_1246, %gather3A_1188 : vector<16xf32>
        %swap3A_1248 = arith.index_cast %add3A_1192 : i32 to index
        %swap3A_1249 = arith.constant 80 : index
        %swap3A_1250 = tpu.vector_load %arg15[%swap3A_1248, %swap3A_1249] {strides = array<i32>} : memref<48x128xf32, #tpu.memory_space<vmem>>, vector<1x16xf32>,
        %swap3A_1251 = vector.shape_cast %swap3A_1250 : vector<1x16xf32> to vector<16xf32>
        %swap3A_1252 = vector.shape_cast %mul3A_1247 : vector<16xf32> to vector<1x16xf32>
        tpu.vector_store %arg15[%swap3A_1248, %swap3A_1249], %swap3A_1252 {strides = array<i32>} : memref<48x128xf32, #tpu.memory_space<vmem>>, vector<1x16xf32>,
        %get3A_1253 = arith.index_cast %add3A_1192 : i32 to index
        %get3A_1254 = arith.constant 96 : index
        %get3A_1255 = tpu.vector_load %arg15[%get3A_1253, %get3A_1254] {strides = array<i32>} : memref<48x128xf32, #tpu.memory_space<vmem>>, vector<1x16xf32>,
        %get3A_1256 = vector.shape_cast %get3A_1255 : vector<1x16xf32> to vector<16xf32>
        %mul3A_1257 = arith.mulf %get3A_1256, %gather3A_1188 : vector<16xf32>
        %swap3A_1258 = arith.index_cast %add3A_1192 : i32 to index
        %swap3A_1259 = arith.constant 96 : index
        %swap3A_1260 = tpu.vector_load %arg15[%swap3A_1258, %swap3A_1259] {strides = array<i32>} : memref<48x128xf32, #tpu.memory_space<vmem>>, vector<1x16xf32>,
        %swap3A_1261 = vector.shape_cast %swap3A_1260 : vector<1x16xf32> to vector<16xf32>
        %swap3A_1262 = vector.shape_cast %mul3A_1257 : vector<16xf32> to vector<1x16xf32>
        tpu.vector_store %arg15[%swap3A_1258, %swap3A_1259], %swap3A_1262 {strides = array<i32>} : memref<48x128xf32, #tpu.memory_space<vmem>>, vector<1x16xf32>,
        %get3A_1263 = arith.index_cast %add3A_1192 : i32 to index
        %get3A_1264 = arith.constant 112 : index
        %get3A_1265 = tpu.vector_load %arg15[%get3A_1263, %get3A_1264] {strides = array<i32>} : memref<48x128xf32, #tpu.memory_space<vmem>>, vector<1x16xf32>,
        %get3A_1266 = vector.shape_cast %get3A_1265 : vector<1x16xf32> to vector<16xf32>
        %mul3A_1267 = arith.mulf %get3A_1266, %gather3A_1188 : vector<16xf32>
        %swap3A_1268 = arith.index_cast %add3A_1192 : i32 to index
        %swap3A_1269 = arith.constant 112 : index
        %swap3A_1270 = tpu.vector_load %arg15[%swap3A_1268, %swap3A_1269] {strides = array<i32>} : memref<48x128xf32, #tpu.memory_space<vmem>>, vector<1x16xf32>,
        %swap3A_1271 = vector.shape_cast %swap3A_1270 : vector<1x16xf32> to vector<16xf32>
        %swap3A_1272 = vector.shape_cast %mul3A_1267 : vector<16xf32> to vector<1x16xf32>
        tpu.vector_store %arg15[%swap3A_1268, %swap3A_1269], %swap3A_1272 {strides = array<i32>} : memref<48x128xf32, #tpu.memory_space<vmem>>, vector<1x16xf32>,
        %broadcast_in_dim3A_1273 = arith.constant 12 : i32
        %broadcast_in_dim3A_1274 = vector.broadcast %broadcast_in_dim3A_1273 : i32 to vector<16x1xi32>
        %gather3A_1275 = vector.shape_cast %broadcast_in_dim3A_1274 : vector<16x1xi32> to vector<16xi32>
        %gather3A_1276 = tpu.dynamic_gather %get3A_218[%gather3A_1275] in [0] : vector<16xf32>, vector<16xi32> -> vector<16xf32>
        %mul3A_1277 = arith.constant 16 : i32
        %mul3A_1278 = arith.muli %scan3A_212, %mul3A_1277 : i32
        %add3A_1279 = arith.constant 12 : i32
        %add3A_1280 = arith.addi %mul3A_1278, %add3A_1279 : i32
        %get3A_1281 = arith.index_cast %add3A_1280 : i32 to index
        %get3A_1282 = arith.constant 0 : index
        %get3A_1283 = tpu.vector_load %arg15[%get3A_1281, %get3A_1282] {strides = array<i32>} : memref<48x128xf32, #tpu.memory_space<vmem>>, vector<1x16xf32>,
        %get3A_1284 = vector.shape_cast %get3A_1283 : vector<1x16xf32> to vector<16xf32>
        %mul3A_1285 = arith.mulf %get3A_1284, %gather3A_1276 : vector<16xf32>
        %swap3A_1286 = arith.index_cast %add3A_1280 : i32 to index
        %swap3A_1287 = arith.constant 0 : index
        %swap3A_1288 = tpu.vector_load %arg15[%swap3A_1286, %swap3A_1287] {strides = array<i32>} : memref<48x128xf32, #tpu.memory_space<vmem>>, vector<1x16xf32>,
        %swap3A_1289 = vector.shape_cast %swap3A_1288 : vector<1x16xf32> to vector<16xf32>
        %swap3A_1290 = vector.shape_cast %mul3A_1285 : vector<16xf32> to vector<1x16xf32>
        tpu.vector_store %arg15[%swap3A_1286, %swap3A_1287], %swap3A_1290 {strides = array<i32>} : memref<48x128xf32, #tpu.memory_space<vmem>>, vector<1x16xf32>,
        %get3A_1291 = arith.index_cast %add3A_1280 : i32 to index
        %get3A_1292 = arith.constant 16 : index
        %get3A_1293 = tpu.vector_load %arg15[%get3A_1291, %get3A_1292] {strides = array<i32>} : memref<48x128xf32, #tpu.memory_space<vmem>>, vector<1x16xf32>,
        %get3A_1294 = vector.shape_cast %get3A_1293 : vector<1x16xf32> to vector<16xf32>
        %mul3A_1295 = arith.mulf %get3A_1294, %gather3A_1276 : vector<16xf32>
        %swap3A_1296 = arith.index_cast %add3A_1280 : i32 to index
        %swap3A_1297 = arith.constant 16 : index
        %swap3A_1298 = tpu.vector_load %arg15[%swap3A_1296, %swap3A_1297] {strides = array<i32>} : memref<48x128xf32, #tpu.memory_space<vmem>>, vector<1x16xf32>,
        %swap3A_1299 = vector.shape_cast %swap3A_1298 : vector<1x16xf32> to vector<16xf32>
        %swap3A_1300 = vector.shape_cast %mul3A_1295 : vector<16xf32> to vector<1x16xf32>
        tpu.vector_store %arg15[%swap3A_1296, %swap3A_1297], %swap3A_1300 {strides = array<i32>} : memref<48x128xf32, #tpu.memory_space<vmem>>, vector<1x16xf32>,
        %get3A_1301 = arith.index_cast %add3A_1280 : i32 to index
        %get3A_1302 = arith.constant 32 : index
        %get3A_1303 = tpu.vector_load %arg15[%get3A_1301, %get3A_1302] {strides = array<i32>} : memref<48x128xf32, #tpu.memory_space<vmem>>, vector<1x16xf32>,
        %get3A_1304 = vector.shape_cast %get3A_1303 : vector<1x16xf32> to vector<16xf32>
        %mul3A_1305 = arith.mulf %get3A_1304, %gather3A_1276 : vector<16xf32>
        %swap3A_1306 = arith.index_cast %add3A_1280 : i32 to index
        %swap3A_1307 = arith.constant 32 : index
        %swap3A_1308 = tpu.vector_load %arg15[%swap3A_1306, %swap3A_1307] {strides = array<i32>} : memref<48x128xf32, #tpu.memory_space<vmem>>, vector<1x16xf32>,
        %swap3A_1309 = vector.shape_cast %swap3A_1308 : vector<1x16xf32> to vector<16xf32>
        %swap3A_1310 = vector.shape_cast %mul3A_1305 : vector<16xf32> to vector<1x16xf32>
        tpu.vector_store %arg15[%swap3A_1306, %swap3A_1307], %swap3A_1310 {strides = array<i32>} : memref<48x128xf32, #tpu.memory_space<vmem>>, vector<1x16xf32>,
        %get3A_1311 = arith.index_cast %add3A_1280 : i32 to index
        %get3A_1312 = arith.constant 48 : index
        %get3A_1313 = tpu.vector_load %arg15[%get3A_1311, %get3A_1312] {strides = array<i32>} : memref<48x128xf32, #tpu.memory_space<vmem>>, vector<1x16xf32>,
        %get3A_1314 = vector.shape_cast %get3A_1313 : vector<1x16xf32> to vector<16xf32>
        %mul3A_1315 = arith.mulf %get3A_1314, %gather3A_1276 : vector<16xf32>
        %swap3A_1316 = arith.index_cast %add3A_1280 : i32 to index
        %swap3A_1317 = arith.constant 48 : index
        %swap3A_1318 = tpu.vector_load %arg15[%swap3A_1316, %swap3A_1317] {strides = array<i32>} : memref<48x128xf32, #tpu.memory_space<vmem>>, vector<1x16xf32>,
        %swap3A_1319 = vector.shape_cast %swap3A_1318 : vector<1x16xf32> to vector<16xf32>
        %swap3A_1320 = vector.shape_cast %mul3A_1315 : vector<16xf32> to vector<1x16xf32>
        tpu.vector_store %arg15[%swap3A_1316, %swap3A_1317], %swap3A_1320 {strides = array<i32>} : memref<48x128xf32, #tpu.memory_space<vmem>>, vector<1x16xf32>,
        %get3A_1321 = arith.index_cast %add3A_1280 : i32 to index
        %get3A_1322 = arith.constant 64 : index
        %get3A_1323 = tpu.vector_load %arg15[%get3A_1321, %get3A_1322] {strides = array<i32>} : memref<48x128xf32, #tpu.memory_space<vmem>>, vector<1x16xf32>,
        %get3A_1324 = vector.shape_cast %get3A_1323 : vector<1x16xf32> to vector<16xf32>
        %mul3A_1325 = arith.mulf %get3A_1324, %gather3A_1276 : vector<16xf32>
        %swap3A_1326 = arith.index_cast %add3A_1280 : i32 to index
        %swap3A_1327 = arith.constant 64 : index
        %swap3A_1328 = tpu.vector_load %arg15[%swap3A_1326, %swap3A_1327] {strides = array<i32>} : memref<48x128xf32, #tpu.memory_space<vmem>>, vector<1x16xf32>,
        %swap3A_1329 = vector.shape_cast %swap3A_1328 : vector<1x16xf32> to vector<16xf32>
        %swap3A_1330 = vector.shape_cast %mul3A_1325 : vector<16xf32> to vector<1x16xf32>
        tpu.vector_store %arg15[%swap3A_1326, %swap3A_1327], %swap3A_1330 {strides = array<i32>} : memref<48x128xf32, #tpu.memory_space<vmem>>, vector<1x16xf32>,
        %get3A_1331 = arith.index_cast %add3A_1280 : i32 to index
        %get3A_1332 = arith.constant 80 : index
        %get3A_1333 = tpu.vector_load %arg15[%get3A_1331, %get3A_1332] {strides = array<i32>} : memref<48x128xf32, #tpu.memory_space<vmem>>, vector<1x16xf32>,
        %get3A_1334 = vector.shape_cast %get3A_1333 : vector<1x16xf32> to vector<16xf32>
        %mul3A_1335 = arith.mulf %get3A_1334, %gather3A_1276 : vector<16xf32>
        %swap3A_1336 = arith.index_cast %add3A_1280 : i32 to index
        %swap3A_1337 = arith.constant 80 : index
        %swap3A_1338 = tpu.vector_load %arg15[%swap3A_1336, %swap3A_1337] {strides = array<i32>} : memref<48x128xf32, #tpu.memory_space<vmem>>, vector<1x16xf32>,
        %swap3A_1339 = vector.shape_cast %swap3A_1338 : vector<1x16xf32> to vector<16xf32>
        %swap3A_1340 = vector.shape_cast %mul3A_1335 : vector<16xf32> to vector<1x16xf32>
        tpu.vector_store %arg15[%swap3A_1336, %swap3A_1337], %swap3A_1340 {strides = array<i32>} : memref<48x128xf32, #tpu.memory_space<vmem>>, vector<1x16xf32>,
        %get3A_1341 = arith.index_cast %add3A_1280 : i32 to index
        %get3A_1342 = arith.constant 96 : index
        %get3A_1343 = tpu.vector_load %arg15[%get3A_1341, %get3A_1342] {strides = array<i32>} : memref<48x128xf32, #tpu.memory_space<vmem>>, vector<1x16xf32>,
        %get3A_1344 = vector.shape_cast %get3A_1343 : vector<1x16xf32> to vector<16xf32>
        %mul3A_1345 = arith.mulf %get3A_1344, %gather3A_1276 : vector<16xf32>
        %swap3A_1346 = arith.index_cast %add3A_1280 : i32 to index
        %swap3A_1347 = arith.constant 96 : index
        %swap3A_1348 = tpu.vector_load %arg15[%swap3A_1346, %swap3A_1347] {strides = array<i32>} : memref<48x128xf32, #tpu.memory_space<vmem>>, vector<1x16xf32>,
        %swap3A_1349 = vector.shape_cast %swap3A_1348 : vector<1x16xf32> to vector<16xf32>
        %swap3A_1350 = vector.shape_cast %mul3A_1345 : vector<16xf32> to vector<1x16xf32>
        tpu.vector_store %arg15[%swap3A_1346, %swap3A_1347], %swap3A_1350 {strides = array<i32>} : memref<48x128xf32, #tpu.memory_space<vmem>>, vector<1x16xf32>,
        %get3A_1351 = arith.index_cast %add3A_1280 : i32 to index
        %get3A_1352 = arith.constant 112 : index
        %get3A_1353 = tpu.vector_load %arg15[%get3A_1351, %get3A_1352] {strides = array<i32>} : memref<48x128xf32, #tpu.memory_space<vmem>>, vector<1x16xf32>,
        %get3A_1354 = vector.shape_cast %get3A_1353 : vector<1x16xf32> to vector<16xf32>
        %mul3A_1355 = arith.mulf %get3A_1354, %gather3A_1276 : vector<16xf32>
        %swap3A_1356 = arith.index_cast %add3A_1280 : i32 to index
        %swap3A_1357 = arith.constant 112 : index
        %swap3A_1358 = tpu.vector_load %arg15[%swap3A_1356, %swap3A_1357] {strides = array<i32>} : memref<48x128xf32, #tpu.memory_space<vmem>>, vector<1x16xf32>,
        %swap3A_1359 = vector.shape_cast %swap3A_1358 : vector<1x16xf32> to vector<16xf32>
        %swap3A_1360 = vector.shape_cast %mul3A_1355 : vector<16xf32> to vector<1x16xf32>
        tpu.vector_store %arg15[%swap3A_1356, %swap3A_1357], %swap3A_1360 {strides = array<i32>} : memref<48x128xf32, #tpu.memory_space<vmem>>, vector<1x16xf32>,
        %broadcast_in_dim3A_1361 = arith.constant 13 : i32
        %broadcast_in_dim3A_1362 = vector.broadcast %broadcast_in_dim3A_1361 : i32 to vector<16x1xi32>
        %gather3A_1363 = vector.shape_cast %broadcast_in_dim3A_1362 : vector<16x1xi32> to vector<16xi32>
        %gather3A_1364 = tpu.dynamic_gather %get3A_218[%gather3A_1363] in [0] : vector<16xf32>, vector<16xi32> -> vector<16xf32>
        %mul3A_1365 = arith.constant 16 : i32
        %mul3A_1366 = arith.muli %scan3A_212, %mul3A_1365 : i32
        %add3A_1367 = arith.constant 13 : i32
        %add3A_1368 = arith.addi %mul3A_1366, %add3A_1367 : i32
        %get3A_1369 = arith.index_cast %add3A_1368 : i32 to index
        %get3A_1370 = arith.constant 0 : index
        %get3A_1371 = tpu.vector_load %arg15[%get3A_1369, %get3A_1370] {strides = array<i32>} : memref<48x128xf32, #tpu.memory_space<vmem>>, vector<1x16xf32>,
        %get3A_1372 = vector.shape_cast %get3A_1371 : vector<1x16xf32> to vector<16xf32>
        %mul3A_1373 = arith.mulf %get3A_1372, %gather3A_1364 : vector<16xf32>
        %swap3A_1374 = arith.index_cast %add3A_1368 : i32 to index
        %swap3A_1375 = arith.constant 0 : index
        %swap3A_1376 = tpu.vector_load %arg15[%swap3A_1374, %swap3A_1375] {strides = array<i32>} : memref<48x128xf32, #tpu.memory_space<vmem>>, vector<1x16xf32>,
        %swap3A_1377 = vector.shape_cast %swap3A_1376 : vector<1x16xf32> to vector<16xf32>
        %swap3A_1378 = vector.shape_cast %mul3A_1373 : vector<16xf32> to vector<1x16xf32>
        tpu.vector_store %arg15[%swap3A_1374, %swap3A_1375], %swap3A_1378 {strides = array<i32>} : memref<48x128xf32, #tpu.memory_space<vmem>>, vector<1x16xf32>,
        %get3A_1379 = arith.index_cast %add3A_1368 : i32 to index
        %get3A_1380 = arith.constant 16 : index
        %get3A_1381 = tpu.vector_load %arg15[%get3A_1379, %get3A_1380] {strides = array<i32>} : memref<48x128xf32, #tpu.memory_space<vmem>>, vector<1x16xf32>,
        %get3A_1382 = vector.shape_cast %get3A_1381 : vector<1x16xf32> to vector<16xf32>
        %mul3A_1383 = arith.mulf %get3A_1382, %gather3A_1364 : vector<16xf32>
        %swap3A_1384 = arith.index_cast %add3A_1368 : i32 to index
        %swap3A_1385 = arith.constant 16 : index
        %swap3A_1386 = tpu.vector_load %arg15[%swap3A_1384, %swap3A_1385] {strides = array<i32>} : memref<48x128xf32, #tpu.memory_space<vmem>>, vector<1x16xf32>,
        %swap3A_1387 = vector.shape_cast %swap3A_1386 : vector<1x16xf32> to vector<16xf32>
        %swap3A_1388 = vector.shape_cast %mul3A_1383 : vector<16xf32> to vector<1x16xf32>
        tpu.vector_store %arg15[%swap3A_1384, %swap3A_1385], %swap3A_1388 {strides = array<i32>} : memref<48x128xf32, #tpu.memory_space<vmem>>, vector<1x16xf32>,
        %get3A_1389 = arith.index_cast %add3A_1368 : i32 to index
        %get3A_1390 = arith.constant 32 : index
        %get3A_1391 = tpu.vector_load %arg15[%get3A_1389, %get3A_1390] {strides = array<i32>} : memref<48x128xf32, #tpu.memory_space<vmem>>, vector<1x16xf32>,
        %get3A_1392 = vector.shape_cast %get3A_1391 : vector<1x16xf32> to vector<16xf32>
        %mul3A_1393 = arith.mulf %get3A_1392, %gather3A_1364 : vector<16xf32>
        %swap3A_1394 = arith.index_cast %add3A_1368 : i32 to index
        %swap3A_1395 = arith.constant 32 : index
        %swap3A_1396 = tpu.vector_load %arg15[%swap3A_1394, %swap3A_1395] {strides = array<i32>} : memref<48x128xf32, #tpu.memory_space<vmem>>, vector<1x16xf32>,
        %swap3A_1397 = vector.shape_cast %swap3A_1396 : vector<1x16xf32> to vector<16xf32>
        %swap3A_1398 = vector.shape_cast %mul3A_1393 : vector<16xf32> to vector<1x16xf32>
        tpu.vector_store %arg15[%swap3A_1394, %swap3A_1395], %swap3A_1398 {strides = array<i32>} : memref<48x128xf32, #tpu.memory_space<vmem>>, vector<1x16xf32>,
        %get3A_1399 = arith.index_cast %add3A_1368 : i32 to index
        %get3A_1400 = arith.constant 48 : index
        %get3A_1401 = tpu.vector_load %arg15[%get3A_1399, %get3A_1400] {strides = array<i32>} : memref<48x128xf32, #tpu.memory_space<vmem>>, vector<1x16xf32>,
        %get3A_1402 = vector.shape_cast %get3A_1401 : vector<1x16xf32> to vector<16xf32>
        %mul3A_1403 = arith.mulf %get3A_1402, %gather3A_1364 : vector<16xf32>
        %swap3A_1404 = arith.index_cast %add3A_1368 : i32 to index
        %swap3A_1405 = arith.constant 48 : index
        %swap3A_1406 = tpu.vector_load %arg15[%swap3A_1404, %swap3A_1405] {strides = array<i32>} : memref<48x128xf32, #tpu.memory_space<vmem>>, vector<1x16xf32>,
        %swap3A_1407 = vector.shape_cast %swap3A_1406 : vector<1x16xf32> to vector<16xf32>
        %swap3A_1408 = vector.shape_cast %mul3A_1403 : vector<16xf32> to vector<1x16xf32>
        tpu.vector_store %arg15[%swap3A_1404, %swap3A_1405], %swap3A_1408 {strides = array<i32>} : memref<48x128xf32, #tpu.memory_space<vmem>>, vector<1x16xf32>,
        %get3A_1409 = arith.index_cast %add3A_1368 : i32 to index
        %get3A_1410 = arith.constant 64 : index
        %get3A_1411 = tpu.vector_load %arg15[%get3A_1409, %get3A_1410] {strides = array<i32>} : memref<48x128xf32, #tpu.memory_space<vmem>>, vector<1x16xf32>,
        %get3A_1412 = vector.shape_cast %get3A_1411 : vector<1x16xf32> to vector<16xf32>
        %mul3A_1413 = arith.mulf %get3A_1412, %gather3A_1364 : vector<16xf32>
        %swap3A_1414 = arith.index_cast %add3A_1368 : i32 to index
        %swap3A_1415 = arith.constant 64 : index
        %swap3A_1416 = tpu.vector_load %arg15[%swap3A_1414, %swap3A_1415] {strides = array<i32>} : memref<48x128xf32, #tpu.memory_space<vmem>>, vector<1x16xf32>,
        %swap3A_1417 = vector.shape_cast %swap3A_1416 : vector<1x16xf32> to vector<16xf32>
        %swap3A_1418 = vector.shape_cast %mul3A_1413 : vector<16xf32> to vector<1x16xf32>
        tpu.vector_store %arg15[%swap3A_1414, %swap3A_1415], %swap3A_1418 {strides = array<i32>} : memref<48x128xf32, #tpu.memory_space<vmem>>, vector<1x16xf32>,
        %get3A_1419 = arith.index_cast %add3A_1368 : i32 to index
        %get3A_1420 = arith.constant 80 : index
        %get3A_1421 = tpu.vector_load %arg15[%get3A_1419, %get3A_1420] {strides = array<i32>} : memref<48x128xf32, #tpu.memory_space<vmem>>, vector<1x16xf32>,
        %get3A_1422 = vector.shape_cast %get3A_1421 : vector<1x16xf32> to vector<16xf32>
        %mul3A_1423 = arith.mulf %get3A_1422, %gather3A_1364 : vector<16xf32>
        %swap3A_1424 = arith.index_cast %add3A_1368 : i32 to index
        %swap3A_1425 = arith.constant 80 : index
        %swap3A_1426 = tpu.vector_load %arg15[%swap3A_1424, %swap3A_1425] {strides = array<i32>} : memref<48x128xf32, #tpu.memory_space<vmem>>, vector<1x16xf32>,
        %swap3A_1427 = vector.shape_cast %swap3A_1426 : vector<1x16xf32> to vector<16xf32>
        %swap3A_1428 = vector.shape_cast %mul3A_1423 : vector<16xf32> to vector<1x16xf32>
        tpu.vector_store %arg15[%swap3A_1424, %swap3A_1425], %swap3A_1428 {strides = array<i32>} : memref<48x128xf32, #tpu.memory_space<vmem>>, vector<1x16xf32>,
        %get3A_1429 = arith.index_cast %add3A_1368 : i32 to index
        %get3A_1430 = arith.constant 96 : index
        %get3A_1431 = tpu.vector_load %arg15[%get3A_1429, %get3A_1430] {strides = array<i32>} : memref<48x128xf32, #tpu.memory_space<vmem>>, vector<1x16xf32>,
        %get3A_1432 = vector.shape_cast %get3A_1431 : vector<1x16xf32> to vector<16xf32>
        %mul3A_1433 = arith.mulf %get3A_1432, %gather3A_1364 : vector<16xf32>
        %swap3A_1434 = arith.index_cast %add3A_1368 : i32 to index
        %swap3A_1435 = arith.constant 96 : index
        %swap3A_1436 = tpu.vector_load %arg15[%swap3A_1434, %swap3A_1435] {strides = array<i32>} : memref<48x128xf32, #tpu.memory_space<vmem>>, vector<1x16xf32>,
        %swap3A_1437 = vector.shape_cast %swap3A_1436 : vector<1x16xf32> to vector<16xf32>
        %swap3A_1438 = vector.shape_cast %mul3A_1433 : vector<16xf32> to vector<1x16xf32>
        tpu.vector_store %arg15[%swap3A_1434, %swap3A_1435], %swap3A_1438 {strides = array<i32>} : memref<48x128xf32, #tpu.memory_space<vmem>>, vector<1x16xf32>,
        %get3A_1439 = arith.index_cast %add3A_1368 : i32 to index
        %get3A_1440 = arith.constant 112 : index
        %get3A_1441 = tpu.vector_load %arg15[%get3A_1439, %get3A_1440] {strides = array<i32>} : memref<48x128xf32, #tpu.memory_space<vmem>>, vector<1x16xf32>,
        %get3A_1442 = vector.shape_cast %get3A_1441 : vector<1x16xf32> to vector<16xf32>
        %mul3A_1443 = arith.mulf %get3A_1442, %gather3A_1364 : vector<16xf32>
        %swap3A_1444 = arith.index_cast %add3A_1368 : i32 to index
        %swap3A_1445 = arith.constant 112 : index
        %swap3A_1446 = tpu.vector_load %arg15[%swap3A_1444, %swap3A_1445] {strides = array<i32>} : memref<48x128xf32, #tpu.memory_space<vmem>>, vector<1x16xf32>,
        %swap3A_1447 = vector.shape_cast %swap3A_1446 : vector<1x16xf32> to vector<16xf32>
        %swap3A_1448 = vector.shape_cast %mul3A_1443 : vector<16xf32> to vector<1x16xf32>
        tpu.vector_store %arg15[%swap3A_1444, %swap3A_1445], %swap3A_1448 {strides = array<i32>} : memref<48x128xf32, #tpu.memory_space<vmem>>, vector<1x16xf32>,
        %broadcast_in_dim3A_1449 = arith.constant 14 : i32
        %broadcast_in_dim3A_1450 = vector.broadcast %broadcast_in_dim3A_1449 : i32 to vector<16x1xi32>
        %gather3A_1451 = vector.shape_cast %broadcast_in_dim3A_1450 : vector<16x1xi32> to vector<16xi32>
        %gather3A_1452 = tpu.dynamic_gather %get3A_218[%gather3A_1451] in [0] : vector<16xf32>, vector<16xi32> -> vector<16xf32>
        %mul3A_1453 = arith.constant 16 : i32
        %mul3A_1454 = arith.muli %scan3A_212, %mul3A_1453 : i32
        %add3A_1455 = arith.constant 14 : i32
        %add3A_1456 = arith.addi %mul3A_1454, %add3A_1455 : i32
        %get3A_1457 = arith.index_cast %add3A_1456 : i32 to index
        %get3A_1458 = arith.constant 0 : index
        %get3A_1459 = tpu.vector_load %arg15[%get3A_1457, %get3A_1458] {strides = array<i32>} : memref<48x128xf32, #tpu.memory_space<vmem>>, vector<1x16xf32>,
        %get3A_1460 = vector.shape_cast %get3A_1459 : vector<1x16xf32> to vector<16xf32>
        %mul3A_1461 = arith.mulf %get3A_1460, %gather3A_1452 : vector<16xf32>
        %swap3A_1462 = arith.index_cast %add3A_1456 : i32 to index
        %swap3A_1463 = arith.constant 0 : index
        %swap3A_1464 = tpu.vector_load %arg15[%swap3A_1462, %swap3A_1463] {strides = array<i32>} : memref<48x128xf32, #tpu.memory_space<vmem>>, vector<1x16xf32>,
        %swap3A_1465 = vector.shape_cast %swap3A_1464 : vector<1x16xf32> to vector<16xf32>
        %swap3A_1466 = vector.shape_cast %mul3A_1461 : vector<16xf32> to vector<1x16xf32>
        tpu.vector_store %arg15[%swap3A_1462, %swap3A_1463], %swap3A_1466 {strides = array<i32>} : memref<48x128xf32, #tpu.memory_space<vmem>>, vector<1x16xf32>,
        %get3A_1467 = arith.index_cast %add3A_1456 : i32 to index
        %get3A_1468 = arith.constant 16 : index
        %get3A_1469 = tpu.vector_load %arg15[%get3A_1467, %get3A_1468] {strides = array<i32>} : memref<48x128xf32, #tpu.memory_space<vmem>>, vector<1x16xf32>,
        %get3A_1470 = vector.shape_cast %get3A_1469 : vector<1x16xf32> to vector<16xf32>
        %mul3A_1471 = arith.mulf %get3A_1470, %gather3A_1452 : vector<16xf32>
        %swap3A_1472 = arith.index_cast %add3A_1456 : i32 to index
        %swap3A_1473 = arith.constant 16 : index
        %swap3A_1474 = tpu.vector_load %arg15[%swap3A_1472, %swap3A_1473] {strides = array<i32>} : memref<48x128xf32, #tpu.memory_space<vmem>>, vector<1x16xf32>,
        %swap3A_1475 = vector.shape_cast %swap3A_1474 : vector<1x16xf32> to vector<16xf32>
        %swap3A_1476 = vector.shape_cast %mul3A_1471 : vector<16xf32> to vector<1x16xf32>
        tpu.vector_store %arg15[%swap3A_1472, %swap3A_1473], %swap3A_1476 {strides = array<i32>} : memref<48x128xf32, #tpu.memory_space<vmem>>, vector<1x16xf32>,
        %get3A_1477 = arith.index_cast %add3A_1456 : i32 to index
        %get3A_1478 = arith.constant 32 : index
        %get3A_1479 = tpu.vector_load %arg15[%get3A_1477, %get3A_1478] {strides = array<i32>} : memref<48x128xf32, #tpu.memory_space<vmem>>, vector<1x16xf32>,
        %get3A_1480 = vector.shape_cast %get3A_1479 : vector<1x16xf32> to vector<16xf32>
        %mul3A_1481 = arith.mulf %get3A_1480, %gather3A_1452 : vector<16xf32>
        %swap3A_1482 = arith.index_cast %add3A_1456 : i32 to index
        %swap3A_1483 = arith.constant 32 : index
        %swap3A_1484 = tpu.vector_load %arg15[%swap3A_1482, %swap3A_1483] {strides = array<i32>} : memref<48x128xf32, #tpu.memory_space<vmem>>, vector<1x16xf32>,
        %swap3A_1485 = vector.shape_cast %swap3A_1484 : vector<1x16xf32> to vector<16xf32>
        %swap3A_1486 = vector.shape_cast %mul3A_1481 : vector<16xf32> to vector<1x16xf32>
        tpu.vector_store %arg15[%swap3A_1482, %swap3A_1483], %swap3A_1486 {strides = array<i32>} : memref<48x128xf32, #tpu.memory_space<vmem>>, vector<1x16xf32>,
        %get3A_1487 = arith.index_cast %add3A_1456 : i32 to index
        %get3A_1488 = arith.constant 48 : index
        %get3A_1489 = tpu.vector_load %arg15[%get3A_1487, %get3A_1488] {strides = array<i32>} : memref<48x128xf32, #tpu.memory_space<vmem>>, vector<1x16xf32>,
        %get3A_1490 = vector.shape_cast %get3A_1489 : vector<1x16xf32> to vector<16xf32>
        %mul3A_1491 = arith.mulf %get3A_1490, %gather3A_1452 : vector<16xf32>
        %swap3A_1492 = arith.index_cast %add3A_1456 : i32 to index
        %swap3A_1493 = arith.constant 48 : index
        %swap3A_1494 = tpu.vector_load %arg15[%swap3A_1492, %swap3A_1493] {strides = array<i32>} : memref<48x128xf32, #tpu.memory_space<vmem>>, vector<1x16xf32>,
        %swap3A_1495 = vector.shape_cast %swap3A_1494 : vector<1x16xf32> to vector<16xf32>
        %swap3A_1496 = vector.shape_cast %mul3A_1491 : vector<16xf32> to vector<1x16xf32>
        tpu.vector_store %arg15[%swap3A_1492, %swap3A_1493], %swap3A_1496 {strides = array<i32>} : memref<48x128xf32, #tpu.memory_space<vmem>>, vector<1x16xf32>,
        %get3A_1497 = arith.index_cast %add3A_1456 : i32 to index
        %get3A_1498 = arith.constant 64 : index
        %get3A_1499 = tpu.vector_load %arg15[%get3A_1497, %get3A_1498] {strides = array<i32>} : memref<48x128xf32, #tpu.memory_space<vmem>>, vector<1x16xf32>,
        %get3A_1500 = vector.shape_cast %get3A_1499 : vector<1x16xf32> to vector<16xf32>
        %mul3A_1501 = arith.mulf %get3A_1500, %gather3A_1452 : vector<16xf32>
        %swap3A_1502 = arith.index_cast %add3A_1456 : i32 to index
        %swap3A_1503 = arith.constant 64 : index
        %swap3A_1504 = tpu.vector_load %arg15[%swap3A_1502, %swap3A_1503] {strides = array<i32>} : memref<48x128xf32, #tpu.memory_space<vmem>>, vector<1x16xf32>,
        %swap3A_1505 = vector.shape_cast %swap3A_1504 : vector<1x16xf32> to vector<16xf32>
        %swap3A_1506 = vector.shape_cast %mul3A_1501 : vector<16xf32> to vector<1x16xf32>
        tpu.vector_store %arg15[%swap3A_1502, %swap3A_1503], %swap3A_1506 {strides = array<i32>} : memref<48x128xf32, #tpu.memory_space<vmem>>, vector<1x16xf32>,
        %get3A_1507 = arith.index_cast %add3A_1456 : i32 to index
        %get3A_1508 = arith.constant 80 : index
        %get3A_1509 = tpu.vector_load %arg15[%get3A_1507, %get3A_1508] {strides = array<i32>} : memref<48x128xf32, #tpu.memory_space<vmem>>, vector<1x16xf32>,
        %get3A_1510 = vector.shape_cast %get3A_1509 : vector<1x16xf32> to vector<16xf32>
        %mul3A_1511 = arith.mulf %get3A_1510, %gather3A_1452 : vector<16xf32>
        %swap3A_1512 = arith.index_cast %add3A_1456 : i32 to index
        %swap3A_1513 = arith.constant 80 : index
        %swap3A_1514 = tpu.vector_load %arg15[%swap3A_1512, %swap3A_1513] {strides = array<i32>} : memref<48x128xf32, #tpu.memory_space<vmem>>, vector<1x16xf32>,
        %swap3A_1515 = vector.shape_cast %swap3A_1514 : vector<1x16xf32> to vector<16xf32>
        %swap3A_1516 = vector.shape_cast %mul3A_1511 : vector<16xf32> to vector<1x16xf32>
        tpu.vector_store %arg15[%swap3A_1512, %swap3A_1513], %swap3A_1516 {strides = array<i32>} : memref<48x128xf32, #tpu.memory_space<vmem>>, vector<1x16xf32>,
        %get3A_1517 = arith.index_cast %add3A_1456 : i32 to index
        %get3A_1518 = arith.constant 96 : index
        %get3A_1519 = tpu.vector_load %arg15[%get3A_1517, %get3A_1518] {strides = array<i32>} : memref<48x128xf32, #tpu.memory_space<vmem>>, vector<1x16xf32>,
        %get3A_1520 = vector.shape_cast %get3A_1519 : vector<1x16xf32> to vector<16xf32>
        %mul3A_1521 = arith.mulf %get3A_1520, %gather3A_1452 : vector<16xf32>
        %swap3A_1522 = arith.index_cast %add3A_1456 : i32 to index
        %swap3A_1523 = arith.constant 96 : index
        %swap3A_1524 = tpu.vector_load %arg15[%swap3A_1522, %swap3A_1523] {strides = array<i32>} : memref<48x128xf32, #tpu.memory_space<vmem>>, vector<1x16xf32>,
        %swap3A_1525 = vector.shape_cast %swap3A_1524 : vector<1x16xf32> to vector<16xf32>
        %swap3A_1526 = vector.shape_cast %mul3A_1521 : vector<16xf32> to vector<1x16xf32>
        tpu.vector_store %arg15[%swap3A_1522, %swap3A_1523], %swap3A_1526 {strides = array<i32>} : memref<48x128xf32, #tpu.memory_space<vmem>>, vector<1x16xf32>,
        %get3A_1527 = arith.index_cast %add3A_1456 : i32 to index
        %get3A_1528 = arith.constant 112 : index
        %get3A_1529 = tpu.vector_load %arg15[%get3A_1527, %get3A_1528] {strides = array<i32>} : memref<48x128xf32, #tpu.memory_space<vmem>>, vector<1x16xf32>,
        %get3A_1530 = vector.shape_cast %get3A_1529 : vector<1x16xf32> to vector<16xf32>
        %mul3A_1531 = arith.mulf %get3A_1530, %gather3A_1452 : vector<16xf32>
        %swap3A_1532 = arith.index_cast %add3A_1456 : i32 to index
        %swap3A_1533 = arith.constant 112 : index
        %swap3A_1534 = tpu.vector_load %arg15[%swap3A_1532, %swap3A_1533] {strides = array<i32>} : memref<48x128xf32, #tpu.memory_space<vmem>>, vector<1x16xf32>,
        %swap3A_1535 = vector.shape_cast %swap3A_1534 : vector<1x16xf32> to vector<16xf32>
        %swap3A_1536 = vector.shape_cast %mul3A_1531 : vector<16xf32> to vector<1x16xf32>
        tpu.vector_store %arg15[%swap3A_1532, %swap3A_1533], %swap3A_1536 {strides = array<i32>} : memref<48x128xf32, #tpu.memory_space<vmem>>, vector<1x16xf32>,
        %broadcast_in_dim3A_1537 = arith.constant 15 : i32
        %broadcast_in_dim3A_1538 = vector.broadcast %broadcast_in_dim3A_1537 : i32 to vector<16x1xi32>
        %gather3A_1539 = vector.shape_cast %broadcast_in_dim3A_1538 : vector<16x1xi32> to vector<16xi32>
        %gather3A_1540 = tpu.dynamic_gather %get3A_218[%gather3A_1539] in [0] : vector<16xf32>, vector<16xi32> -> vector<16xf32>
        %mul3A_1541 = arith.constant 16 : i32
        %mul3A_1542 = arith.muli %scan3A_212, %mul3A_1541 : i32
        %add3A_1543 = arith.constant 15 : i32
        %add3A_1544 = arith.addi %mul3A_1542, %add3A_1543 : i32
        %get3A_1545 = arith.index_cast %add3A_1544 : i32 to index
        %get3A_1546 = arith.constant 0 : index
        %get3A_1547 = tpu.vector_load %arg15[%get3A_1545, %get3A_1546] {strides = array<i32>} : memref<48x128xf32, #tpu.memory_space<vmem>>, vector<1x16xf32>,
        %get3A_1548 = vector.shape_cast %get3A_1547 : vector<1x16xf32> to vector<16xf32>
        %mul3A_1549 = arith.mulf %get3A_1548, %gather3A_1540 : vector<16xf32>
        %swap3A_1550 = arith.index_cast %add3A_1544 : i32 to index
        %swap3A_1551 = arith.constant 0 : index
        %swap3A_1552 = tpu.vector_load %arg15[%swap3A_1550, %swap3A_1551] {strides = array<i32>} : memref<48x128xf32, #tpu.memory_space<vmem>>, vector<1x16xf32>,
        %swap3A_1553 = vector.shape_cast %swap3A_1552 : vector<1x16xf32> to vector<16xf32>
        %swap3A_1554 = vector.shape_cast %mul3A_1549 : vector<16xf32> to vector<1x16xf32>
        tpu.vector_store %arg15[%swap3A_1550, %swap3A_1551], %swap3A_1554 {strides = array<i32>} : memref<48x128xf32, #tpu.memory_space<vmem>>, vector<1x16xf32>,
        %get3A_1555 = arith.index_cast %add3A_1544 : i32 to index
        %get3A_1556 = arith.constant 16 : index
        %get3A_1557 = tpu.vector_load %arg15[%get3A_1555, %get3A_1556] {strides = array<i32>} : memref<48x128xf32, #tpu.memory_space<vmem>>, vector<1x16xf32>,
        %get3A_1558 = vector.shape_cast %get3A_1557 : vector<1x16xf32> to vector<16xf32>
        %mul3A_1559 = arith.mulf %get3A_1558, %gather3A_1540 : vector<16xf32>
        %swap3A_1560 = arith.index_cast %add3A_1544 : i32 to index
        %swap3A_1561 = arith.constant 16 : index
        %swap3A_1562 = tpu.vector_load %arg15[%swap3A_1560, %swap3A_1561] {strides = array<i32>} : memref<48x128xf32, #tpu.memory_space<vmem>>, vector<1x16xf32>,
        %swap3A_1563 = vector.shape_cast %swap3A_1562 : vector<1x16xf32> to vector<16xf32>
        %swap3A_1564 = vector.shape_cast %mul3A_1559 : vector<16xf32> to vector<1x16xf32>
        tpu.vector_store %arg15[%swap3A_1560, %swap3A_1561], %swap3A_1564 {strides = array<i32>} : memref<48x128xf32, #tpu.memory_space<vmem>>, vector<1x16xf32>,
        %get3A_1565 = arith.index_cast %add3A_1544 : i32 to index
        %get3A_1566 = arith.constant 32 : index
        %get3A_1567 = tpu.vector_load %arg15[%get3A_1565, %get3A_1566] {strides = array<i32>} : memref<48x128xf32, #tpu.memory_space<vmem>>, vector<1x16xf32>,
        %get3A_1568 = vector.shape_cast %get3A_1567 : vector<1x16xf32> to vector<16xf32>
        %mul3A_1569 = arith.mulf %get3A_1568, %gather3A_1540 : vector<16xf32>
        %swap3A_1570 = arith.index_cast %add3A_1544 : i32 to index
        %swap3A_1571 = arith.constant 32 : index
        %swap3A_1572 = tpu.vector_load %arg15[%swap3A_1570, %swap3A_1571] {strides = array<i32>} : memref<48x128xf32, #tpu.memory_space<vmem>>, vector<1x16xf32>,
        %swap3A_1573 = vector.shape_cast %swap3A_1572 : vector<1x16xf32> to vector<16xf32>
        %swap3A_1574 = vector.shape_cast %mul3A_1569 : vector<16xf32> to vector<1x16xf32>
        tpu.vector_store %arg15[%swap3A_1570, %swap3A_1571], %swap3A_1574 {strides = array<i32>} : memref<48x128xf32, #tpu.memory_space<vmem>>, vector<1x16xf32>,
        %get3A_1575 = arith.index_cast %add3A_1544 : i32 to index
        %get3A_1576 = arith.constant 48 : index
        %get3A_1577 = tpu.vector_load %arg15[%get3A_1575, %get3A_1576] {strides = array<i32>} : memref<48x128xf32, #tpu.memory_space<vmem>>, vector<1x16xf32>,
        %get3A_1578 = vector.shape_cast %get3A_1577 : vector<1x16xf32> to vector<16xf32>
        %mul3A_1579 = arith.mulf %get3A_1578, %gather3A_1540 : vector<16xf32>
        %swap3A_1580 = arith.index_cast %add3A_1544 : i32 to index
        %swap3A_1581 = arith.constant 48 : index
        %swap3A_1582 = tpu.vector_load %arg15[%swap3A_1580, %swap3A_1581] {strides = array<i32>} : memref<48x128xf32, #tpu.memory_space<vmem>>, vector<1x16xf32>,
        %swap3A_1583 = vector.shape_cast %swap3A_1582 : vector<1x16xf32> to vector<16xf32>
        %swap3A_1584 = vector.shape_cast %mul3A_1579 : vector<16xf32> to vector<1x16xf32>
        tpu.vector_store %arg15[%swap3A_1580, %swap3A_1581], %swap3A_1584 {strides = array<i32>} : memref<48x128xf32, #tpu.memory_space<vmem>>, vector<1x16xf32>,
        %get3A_1585 = arith.index_cast %add3A_1544 : i32 to index
        %get3A_1586 = arith.constant 64 : index
        %get3A_1587 = tpu.vector_load %arg15[%get3A_1585, %get3A_1586] {strides = array<i32>} : memref<48x128xf32, #tpu.memory_space<vmem>>, vector<1x16xf32>,
        %get3A_1588 = vector.shape_cast %get3A_1587 : vector<1x16xf32> to vector<16xf32>
        %mul3A_1589 = arith.mulf %get3A_1588, %gather3A_1540 : vector<16xf32>
        %swap3A_1590 = arith.index_cast %add3A_1544 : i32 to index
        %swap3A_1591 = arith.constant 64 : index
        %swap3A_1592 = tpu.vector_load %arg15[%swap3A_1590, %swap3A_1591] {strides = array<i32>} : memref<48x128xf32, #tpu.memory_space<vmem>>, vector<1x16xf32>,
        %swap3A_1593 = vector.shape_cast %swap3A_1592 : vector<1x16xf32> to vector<16xf32>
        %swap3A_1594 = vector.shape_cast %mul3A_1589 : vector<16xf32> to vector<1x16xf32>
        tpu.vector_store %arg15[%swap3A_1590, %swap3A_1591], %swap3A_1594 {strides = array<i32>} : memref<48x128xf32, #tpu.memory_space<vmem>>, vector<1x16xf32>,
        %get3A_1595 = arith.index_cast %add3A_1544 : i32 to index
        %get3A_1596 = arith.constant 80 : index
        %get3A_1597 = tpu.vector_load %arg15[%get3A_1595, %get3A_1596] {strides = array<i32>} : memref<48x128xf32, #tpu.memory_space<vmem>>, vector<1x16xf32>,
        %get3A_1598 = vector.shape_cast %get3A_1597 : vector<1x16xf32> to vector<16xf32>
        %mul3A_1599 = arith.mulf %get3A_1598, %gather3A_1540 : vector<16xf32>
        %swap3A_1600 = arith.index_cast %add3A_1544 : i32 to index
        %swap3A_1601 = arith.constant 80 : index
        %swap3A_1602 = tpu.vector_load %arg15[%swap3A_1600, %swap3A_1601] {strides = array<i32>} : memref<48x128xf32, #tpu.memory_space<vmem>>, vector<1x16xf32>,
        %swap3A_1603 = vector.shape_cast %swap3A_1602 : vector<1x16xf32> to vector<16xf32>
        %swap3A_1604 = vector.shape_cast %mul3A_1599 : vector<16xf32> to vector<1x16xf32>
        tpu.vector_store %arg15[%swap3A_1600, %swap3A_1601], %swap3A_1604 {strides = array<i32>} : memref<48x128xf32, #tpu.memory_space<vmem>>, vector<1x16xf32>,
        %get3A_1605 = arith.index_cast %add3A_1544 : i32 to index
        %get3A_1606 = arith.constant 96 : index
        %get3A_1607 = tpu.vector_load %arg15[%get3A_1605, %get3A_1606] {strides = array<i32>} : memref<48x128xf32, #tpu.memory_space<vmem>>, vector<1x16xf32>,
        %get3A_1608 = vector.shape_cast %get3A_1607 : vector<1x16xf32> to vector<16xf32>
        %mul3A_1609 = arith.mulf %get3A_1608, %gather3A_1540 : vector<16xf32>
        %swap3A_1610 = arith.index_cast %add3A_1544 : i32 to index
        %swap3A_1611 = arith.constant 96 : index
        %swap3A_1612 = tpu.vector_load %arg15[%swap3A_1610, %swap3A_1611] {strides = array<i32>} : memref<48x128xf32, #tpu.memory_space<vmem>>, vector<1x16xf32>,
        %swap3A_1613 = vector.shape_cast %swap3A_1612 : vector<1x16xf32> to vector<16xf32>
        %swap3A_1614 = vector.shape_cast %mul3A_1609 : vector<16xf32> to vector<1x16xf32>
        tpu.vector_store %arg15[%swap3A_1610, %swap3A_1611], %swap3A_1614 {strides = array<i32>} : memref<48x128xf32, #tpu.memory_space<vmem>>, vector<1x16xf32>,
        %get3A_1615 = arith.index_cast %add3A_1544 : i32 to index
        %get3A_1616 = arith.constant 112 : index
        %get3A_1617 = tpu.vector_load %arg15[%get3A_1615, %get3A_1616] {strides = array<i32>} : memref<48x128xf32, #tpu.memory_space<vmem>>, vector<1x16xf32>,
        %get3A_1618 = vector.shape_cast %get3A_1617 : vector<1x16xf32> to vector<16xf32>
        %mul3A_1619 = arith.mulf %get3A_1618, %gather3A_1540 : vector<16xf32>
        %swap3A_1620 = arith.index_cast %add3A_1544 : i32 to index
        %swap3A_1621 = arith.constant 112 : index
        %swap3A_1622 = tpu.vector_load %arg15[%swap3A_1620, %swap3A_1621] {strides = array<i32>} : memref<48x128xf32, #tpu.memory_space<vmem>>, vector<1x16xf32>,
        %swap3A_1623 = vector.shape_cast %swap3A_1622 : vector<1x16xf32> to vector<16xf32>
        %swap3A_1624 = vector.shape_cast %mul3A_1619 : vector<16xf32> to vector<1x16xf32>
        tpu.vector_store %arg15[%swap3A_1620, %swap3A_1621], %swap3A_1624 {strides = array<i32>} : memref<48x128xf32, #tpu.memory_space<vmem>>, vector<1x16xf32>,
      }
      %scan3A_121 = arith.constant 3 : i32
      %add3A_122 = arith.constant 0 : i32
      %add3A_123 = arith.addi %mul3A_109, %add3A_122 : i32
      %get3A_124 = arith.index_cast %add3A_123 : i32 to index
      %get3A_125 = tpu.vector_load %arg9[%get3A_124] {strides = array<i32>} : memref<10080xi32, #tpu.memory_space<vmem>>, vector<16xi32>,
      %get3A_126 = vector.shape_cast %get3A_125 : vector<16xi32> to vector<16xi32>
      %swap3A_127 = arith.constant 0 : index
      %swap3A_128 = tpu.vector_load %arg12[%swap3A_127] {strides = array<i32>} : memref<48xi32, #tpu.memory_space<vmem>>, vector<16xi32>,
      %swap3A_129 = vector.shape_cast %swap3A_128 : vector<16xi32> to vector<16xi32>
      %swap3A_130 = vector.shape_cast %get3A_126 : vector<16xi32> to vector<16xi32>
      tpu.vector_store %arg12[%swap3A_127], %swap3A_130 {strides = array<i32>} : memref<48xi32, #tpu.memory_space<vmem>>, vector<16xi32>,
      %add3A_131 = arith.constant 16 : i32
      %add3A_132 = arith.addi %mul3A_109, %add3A_131 : i32
      %get3A_133 = arith.index_cast %add3A_132 : i32 to index
      %get3A_134 = tpu.vector_load %arg9[%get3A_133] {strides = array<i32>} : memref<10080xi32, #tpu.memory_space<vmem>>, vector<16xi32>,
      %get3A_135 = vector.shape_cast %get3A_134 : vector<16xi32> to vector<16xi32>
      %swap3A_136 = arith.constant 16 : index
      %swap3A_137 = tpu.vector_load %arg12[%swap3A_136] {strides = array<i32>} : memref<48xi32, #tpu.memory_space<vmem>>, vector<16xi32>,
      %swap3A_138 = vector.shape_cast %swap3A_137 : vector<16xi32> to vector<16xi32>
      %swap3A_139 = vector.shape_cast %get3A_135 : vector<16xi32> to vector<16xi32>
      tpu.vector_store %arg12[%swap3A_136], %swap3A_139 {strides = array<i32>} : memref<48xi32, #tpu.memory_space<vmem>>, vector<16xi32>,
      %add3A_140 = arith.constant 32 : i32
      %add3A_141 = arith.addi %mul3A_109, %add3A_140 : i32
      %get3A_142 = arith.index_cast %add3A_141 : i32 to index
      %get3A_143 = tpu.vector_load %arg9[%get3A_142] {strides = array<i32>} : memref<10080xi32, #tpu.memory_space<vmem>>, vector<16xi32>,
      %get3A_144 = vector.shape_cast %get3A_143 : vector<16xi32> to vector<16xi32>
      %swap3A_145 = arith.constant 32 : index
      %swap3A_146 = tpu.vector_load %arg12[%swap3A_145] {strides = array<i32>} : memref<48xi32, #tpu.memory_space<vmem>>, vector<16xi32>,
      %swap3A_147 = vector.shape_cast %swap3A_146 : vector<16xi32> to vector<16xi32>
      %swap3A_148 = vector.shape_cast %get3A_144 : vector<16xi32> to vector<16xi32>
      tpu.vector_store %arg12[%swap3A_145], %swap3A_148 {strides = array<i32>} : memref<48xi32, #tpu.memory_space<vmem>>, vector<16xi32>,
      %dma_start3A_149 = arith.constant 0 : i32
      %dma_start3A_150 = arith.constant 0 : i32
      %dma_start3A_151 = tpu.memref_slice %arg17[%dma_start3A_149, %dma_start3A_150] : memref<10000x128xf32, #tpu.memory_space<vmem_shared>> -> memref<10000x128xf32, #tpu.memory_space<vmem_shared>>
      tpu.enqueue_indirect_dma source(%arg15 : memref<48x128xf32, #tpu.memory_space<vmem>>) target(%dma_start3A_151 : memref<10000x128xf32, #tpu.memory_space<vmem_shared>>) offsets(%arg12 : memref<48xi32, #tpu.memory_space<vmem>>) semaphore(%arg22 : memref<!tpu.dma_semaphore, #tpu.memory_space<semaphore_mem>>) {add = true}
      %add3A_152 = arith.constant 96 : i32
      %add3A_153 = arith.addi %mul3A_109, %add3A_152 : i32
      %lt3A_154 = arith.constant 69 : i32
      %lt3A_155 = arith.cmpi slt, %scan3A_48, %lt3A_154 : i32
      %convert_element_type3A_156 = arith.extui %lt3A_155 : i1 to i32
      %cond3A_157 = arith.constant 0 : i32
      %cond3A_158 = arith.cmpi ne, %convert_element_type3A_156, %cond3A_157 : i32
      scf.if %cond3A_158 {
        %dma_wait3A_212 = arith.constant 0 : i32
        %dma_wait3A_213 = arith.constant 0 : i32
        %dma_wait3A_214 = tpu.memref_slice %arg2[%dma_wait3A_212, %dma_wait3A_213] : memref<10000x128xf32, #tpu.memory_space<hbm>> -> memref<48x128xf32, #tpu.memory_space<hbm>>
        %dma_wait3A_215 = arith.constant 0 : i32
        %dma_wait3A_216 = arith.constant 0 : i32
        %dma_wait3A_217 = tpu.memref_slice %arg2[%dma_wait3A_215, %dma_wait3A_216] : memref<10000x128xf32, #tpu.memory_space<hbm>> -> memref<48x128xf32, #tpu.memory_space<hbm>>
        tpu.wait_dma2 semaphore(%arg21 : memref<!tpu.dma_semaphore, #tpu.memory_space<semaphore_mem>>) src(%dma_wait3A_217 : memref<48x128xf32, #tpu.memory_space<hbm>>) dst(%arg14 : memref<48x128xf32, #tpu.memory_space<vmem>>)
        %dma_start3A_218 = tpu.memref_slice %arg8[%add3A_153] : memref<10080xi32, #tpu.memory_space<vmem>> -> memref<48xi32, #tpu.memory_space<vmem>>
        %dma_start3A_219 = arith.constant 0 : i32
        %dma_start3A_220 = arith.constant 0 : i32
        %dma_start3A_221 = tpu.memref_slice %arg2[%dma_start3A_219, %dma_start3A_220] : memref<10000x128xf32, #tpu.memory_space<hbm>> -> memref<10000x128xf32, #tpu.memory_space<hbm>>
        tpu.enqueue_indirect_dma source(%dma_start3A_221 : memref<10000x128xf32, #tpu.memory_space<hbm>>) target(%arg14 : memref<48x128xf32, #tpu.memory_space<vmem>>) offsets(%dma_start3A_218 : memref<48xi32, #tpu.memory_space<vmem>>) semaphore(%arg18 : memref<!tpu.dma_semaphore, #tpu.memory_space<semaphore_mem>>)
      } else {
      }
      %add3A_159 = arith.constant 2 : i32
      %add3A_160 = arith.addi %mul3A_50, %add3A_159 : i32
      %mul3A_161 = arith.constant 48 : i32
      %mul3A_162 = arith.muli %add3A_160, %mul3A_161 : i32
      %dma_wait3A_163 = arith.constant 0 : i32
      %dma_wait3A_164 = arith.constant 0 : i32
      %dma_wait3A_165 = tpu.memref_slice %arg2[%dma_wait3A_163, %dma_wait3A_164] : memref<10000x128xf32, #tpu.memory_space<hbm>> -> memref<48x128xf32, #tpu.memory_space<hbm>>
      %dma_wait3A_166 = arith.constant 0 : i32
      %dma_wait3A_167 = arith.constant 0 : i32
      %dma_wait3A_168 = tpu.memref_slice %arg2[%dma_wait3A_166, %dma_wait3A_167] : memref<10000x128xf32, #tpu.memory_space<hbm>> -> memref<48x128xf32, #tpu.memory_space<hbm>>
      tpu.wait_dma2 semaphore(%arg20 : memref<!tpu.dma_semaphore, #tpu.memory_space<semaphore_mem>>) src(%dma_wait3A_168 : memref<48x128xf32, #tpu.memory_space<hbm>>) dst(%arg16 : memref<48x128xf32, #tpu.memory_space<vmem>>)
      %scan3A_169 = arith.constant 0 : i32
      %scan3A_170 = arith.constant 0 : i32
      %scan3A_171 = arith.constant 3 : i32
      %scan3A_172 = arith.addi %scan3A_170, %scan3A_171 : i32
      %scan3A_173 = arith.constant 1 : i32
      scf.for %scan3A_212 = %scan3A_170 to %scan3A_172 step %scan3A_173  : i32 {
        %mul3A_213 = arith.constant 16 : i32
        %mul3A_214 = arith.muli %scan3A_212, %mul3A_213 : i32
        %add3A_215 = arith.addi %mul3A_162, %mul3A_214 : i32
        %get3A_216 = arith.index_cast %add3A_215 : i32 to index
        %get3A_217 = tpu.vector_load %arg10[%get3A_216] {strides = array<i32>} : memref<10080xf32, #tpu.memory_space<vmem>>, vector<16xf32>,
        %get3A_218 = vector.shape_cast %get3A_217 : vector<16xf32> to vector<16xf32>
        %broadcast_in_dim3A = arith.constant 0 : i32
        %broadcast_in_dim3A_219 = vector.broadcast %broadcast_in_dim3A : i32 to vector<16x1xi32>
        %gather3A = vector.shape_cast %broadcast_in_dim3A_219 : vector<16x1xi32> to vector<16xi32>
        %gather3A_220 = tpu.dynamic_gather %get3A_218[%gather3A] in [0] : vector<16xf32>, vector<16xi32> -> vector<16xf32>
        %mul3A_221 = arith.constant 16 : i32
        %mul3A_222 = arith.muli %scan3A_212, %mul3A_221 : i32
        %add3A_223 = arith.constant 0 : i32
        %add3A_224 = arith.addi %mul3A_222, %add3A_223 : i32
        %get3A_225 = arith.index_cast %add3A_224 : i32 to index
        %get3A_226 = arith.constant 0 : index
        %get3A_227 = tpu.vector_load %arg16[%get3A_225, %get3A_226] {strides = array<i32>} : memref<48x128xf32, #tpu.memory_space<vmem>>, vector<1x16xf32>,
        %get3A_228 = vector.shape_cast %get3A_227 : vector<1x16xf32> to vector<16xf32>
        %mul3A_229 = arith.mulf %get3A_228, %gather3A_220 : vector<16xf32>
        %swap3A_230 = arith.index_cast %add3A_224 : i32 to index
        %swap3A_231 = arith.constant 0 : index
        %swap3A_232 = tpu.vector_load %arg16[%swap3A_230, %swap3A_231] {strides = array<i32>} : memref<48x128xf32, #tpu.memory_space<vmem>>, vector<1x16xf32>,
        %swap3A_233 = vector.shape_cast %swap3A_232 : vector<1x16xf32> to vector<16xf32>
        %swap3A_234 = vector.shape_cast %mul3A_229 : vector<16xf32> to vector<1x16xf32>
        tpu.vector_store %arg16[%swap3A_230, %swap3A_231], %swap3A_234 {strides = array<i32>} : memref<48x128xf32, #tpu.memory_space<vmem>>, vector<1x16xf32>,
        %get3A_235 = arith.index_cast %add3A_224 : i32 to index
        %get3A_236 = arith.constant 16 : index
        %get3A_237 = tpu.vector_load %arg16[%get3A_235, %get3A_236] {strides = array<i32>} : memref<48x128xf32, #tpu.memory_space<vmem>>, vector<1x16xf32>,
        %get3A_238 = vector.shape_cast %get3A_237 : vector<1x16xf32> to vector<16xf32>
        %mul3A_239 = arith.mulf %get3A_238, %gather3A_220 : vector<16xf32>
        %swap3A_240 = arith.index_cast %add3A_224 : i32 to index
        %swap3A_241 = arith.constant 16 : index
        %swap3A_242 = tpu.vector_load %arg16[%swap3A_240, %swap3A_241] {strides = array<i32>} : memref<48x128xf32, #tpu.memory_space<vmem>>, vector<1x16xf32>,
        %swap3A_243 = vector.shape_cast %swap3A_242 : vector<1x16xf32> to vector<16xf32>
        %swap3A_244 = vector.shape_cast %mul3A_239 : vector<16xf32> to vector<1x16xf32>
        tpu.vector_store %arg16[%swap3A_240, %swap3A_241], %swap3A_244 {strides = array<i32>} : memref<48x128xf32, #tpu.memory_space<vmem>>, vector<1x16xf32>,
        %get3A_245 = arith.index_cast %add3A_224 : i32 to index
        %get3A_246 = arith.constant 32 : index
        %get3A_247 = tpu.vector_load %arg16[%get3A_245, %get3A_246] {strides = array<i32>} : memref<48x128xf32, #tpu.memory_space<vmem>>, vector<1x16xf32>,
        %get3A_248 = vector.shape_cast %get3A_247 : vector<1x16xf32> to vector<16xf32>
        %mul3A_249 = arith.mulf %get3A_248, %gather3A_220 : vector<16xf32>
        %swap3A_250 = arith.index_cast %add3A_224 : i32 to index
        %swap3A_251 = arith.constant 32 : index
        %swap3A_252 = tpu.vector_load %arg16[%swap3A_250, %swap3A_251] {strides = array<i32>} : memref<48x128xf32, #tpu.memory_space<vmem>>, vector<1x16xf32>,
        %swap3A_253 = vector.shape_cast %swap3A_252 : vector<1x16xf32> to vector<16xf32>
        %swap3A_254 = vector.shape_cast %mul3A_249 : vector<16xf32> to vector<1x16xf32>
        tpu.vector_store %arg16[%swap3A_250, %swap3A_251], %swap3A_254 {strides = array<i32>} : memref<48x128xf32, #tpu.memory_space<vmem>>, vector<1x16xf32>,
        %get3A_255 = arith.index_cast %add3A_224 : i32 to index
        %get3A_256 = arith.constant 48 : index
        %get3A_257 = tpu.vector_load %arg16[%get3A_255, %get3A_256] {strides = array<i32>} : memref<48x128xf32, #tpu.memory_space<vmem>>, vector<1x16xf32>,
        %get3A_258 = vector.shape_cast %get3A_257 : vector<1x16xf32> to vector<16xf32>
        %mul3A_259 = arith.mulf %get3A_258, %gather3A_220 : vector<16xf32>
        %swap3A_260 = arith.index_cast %add3A_224 : i32 to index
        %swap3A_261 = arith.constant 48 : index
        %swap3A_262 = tpu.vector_load %arg16[%swap3A_260, %swap3A_261] {strides = array<i32>} : memref<48x128xf32, #tpu.memory_space<vmem>>, vector<1x16xf32>,
        %swap3A_263 = vector.shape_cast %swap3A_262 : vector<1x16xf32> to vector<16xf32>
        %swap3A_264 = vector.shape_cast %mul3A_259 : vector<16xf32> to vector<1x16xf32>
        tpu.vector_store %arg16[%swap3A_260, %swap3A_261], %swap3A_264 {strides = array<i32>} : memref<48x128xf32, #tpu.memory_space<vmem>>, vector<1x16xf32>,
        %get3A_265 = arith.index_cast %add3A_224 : i32 to index
        %get3A_266 = arith.constant 64 : index
        %get3A_267 = tpu.vector_load %arg16[%get3A_265, %get3A_266] {strides = array<i32>} : memref<48x128xf32, #tpu.memory_space<vmem>>, vector<1x16xf32>,
        %get3A_268 = vector.shape_cast %get3A_267 : vector<1x16xf32> to vector<16xf32>
        %mul3A_269 = arith.mulf %get3A_268, %gather3A_220 : vector<16xf32>
        %swap3A_270 = arith.index_cast %add3A_224 : i32 to index
        %swap3A_271 = arith.constant 64 : index
        %swap3A_272 = tpu.vector_load %arg16[%swap3A_270, %swap3A_271] {strides = array<i32>} : memref<48x128xf32, #tpu.memory_space<vmem>>, vector<1x16xf32>,
        %swap3A_273 = vector.shape_cast %swap3A_272 : vector<1x16xf32> to vector<16xf32>
        %swap3A_274 = vector.shape_cast %mul3A_269 : vector<16xf32> to vector<1x16xf32>
        tpu.vector_store %arg16[%swap3A_270, %swap3A_271], %swap3A_274 {strides = array<i32>} : memref<48x128xf32, #tpu.memory_space<vmem>>, vector<1x16xf32>,
        %get3A_275 = arith.index_cast %add3A_224 : i32 to index
        %get3A_276 = arith.constant 80 : index
        %get3A_277 = tpu.vector_load %arg16[%get3A_275, %get3A_276] {strides = array<i32>} : memref<48x128xf32, #tpu.memory_space<vmem>>, vector<1x16xf32>,
        %get3A_278 = vector.shape_cast %get3A_277 : vector<1x16xf32> to vector<16xf32>
        %mul3A_279 = arith.mulf %get3A_278, %gather3A_220 : vector<16xf32>
        %swap3A_280 = arith.index_cast %add3A_224 : i32 to index
        %swap3A_281 = arith.constant 80 : index
        %swap3A_282 = tpu.vector_load %arg16[%swap3A_280, %swap3A_281] {strides = array<i32>} : memref<48x128xf32, #tpu.memory_space<vmem>>, vector<1x16xf32>,
        %swap3A_283 = vector.shape_cast %swap3A_282 : vector<1x16xf32> to vector<16xf32>
        %swap3A_284 = vector.shape_cast %mul3A_279 : vector<16xf32> to vector<1x16xf32>
        tpu.vector_store %arg16[%swap3A_280, %swap3A_281], %swap3A_284 {strides = array<i32>} : memref<48x128xf32, #tpu.memory_space<vmem>>, vector<1x16xf32>,
        %get3A_285 = arith.index_cast %add3A_224 : i32 to index
        %get3A_286 = arith.constant 96 : index
        %get3A_287 = tpu.vector_load %arg16[%get3A_285, %get3A_286] {strides = array<i32>} : memref<48x128xf32, #tpu.memory_space<vmem>>, vector<1x16xf32>,
        %get3A_288 = vector.shape_cast %get3A_287 : vector<1x16xf32> to vector<16xf32>
        %mul3A_289 = arith.mulf %get3A_288, %gather3A_220 : vector<16xf32>
        %swap3A_290 = arith.index_cast %add3A_224 : i32 to index
        %swap3A_291 = arith.constant 96 : index
        %swap3A_292 = tpu.vector_load %arg16[%swap3A_290, %swap3A_291] {strides = array<i32>} : memref<48x128xf32, #tpu.memory_space<vmem>>, vector<1x16xf32>,
        %swap3A_293 = vector.shape_cast %swap3A_292 : vector<1x16xf32> to vector<16xf32>
        %swap3A_294 = vector.shape_cast %mul3A_289 : vector<16xf32> to vector<1x16xf32>
        tpu.vector_store %arg16[%swap3A_290, %swap3A_291], %swap3A_294 {strides = array<i32>} : memref<48x128xf32, #tpu.memory_space<vmem>>, vector<1x16xf32>,
        %get3A_295 = arith.index_cast %add3A_224 : i32 to index
        %get3A_296 = arith.constant 112 : index
        %get3A_297 = tpu.vector_load %arg16[%get3A_295, %get3A_296] {strides = array<i32>} : memref<48x128xf32, #tpu.memory_space<vmem>>, vector<1x16xf32>,
        %get3A_298 = vector.shape_cast %get3A_297 : vector<1x16xf32> to vector<16xf32>
        %mul3A_299 = arith.mulf %get3A_298, %gather3A_220 : vector<16xf32>
        %swap3A_300 = arith.index_cast %add3A_224 : i32 to index
        %swap3A_301 = arith.constant 112 : index
        %swap3A_302 = tpu.vector_load %arg16[%swap3A_300, %swap3A_301] {strides = array<i32>} : memref<48x128xf32, #tpu.memory_space<vmem>>, vector<1x16xf32>,
        %swap3A_303 = vector.shape_cast %swap3A_302 : vector<1x16xf32> to vector<16xf32>
        %swap3A_304 = vector.shape_cast %mul3A_299 : vector<16xf32> to vector<1x16xf32>
        tpu.vector_store %arg16[%swap3A_300, %swap3A_301], %swap3A_304 {strides = array<i32>} : memref<48x128xf32, #tpu.memory_space<vmem>>, vector<1x16xf32>,
        %broadcast_in_dim3A_305 = arith.constant 1 : i32
        %broadcast_in_dim3A_306 = vector.broadcast %broadcast_in_dim3A_305 : i32 to vector<16x1xi32>
        %gather3A_307 = vector.shape_cast %broadcast_in_dim3A_306 : vector<16x1xi32> to vector<16xi32>
        %gather3A_308 = tpu.dynamic_gather %get3A_218[%gather3A_307] in [0] : vector<16xf32>, vector<16xi32> -> vector<16xf32>
        %mul3A_309 = arith.constant 16 : i32
        %mul3A_310 = arith.muli %scan3A_212, %mul3A_309 : i32
        %add3A_311 = arith.constant 1 : i32
        %add3A_312 = arith.addi %mul3A_310, %add3A_311 : i32
        %get3A_313 = arith.index_cast %add3A_312 : i32 to index
        %get3A_314 = arith.constant 0 : index
        %get3A_315 = tpu.vector_load %arg16[%get3A_313, %get3A_314] {strides = array<i32>} : memref<48x128xf32, #tpu.memory_space<vmem>>, vector<1x16xf32>,
        %get3A_316 = vector.shape_cast %get3A_315 : vector<1x16xf32> to vector<16xf32>
        %mul3A_317 = arith.mulf %get3A_316, %gather3A_308 : vector<16xf32>
        %swap3A_318 = arith.index_cast %add3A_312 : i32 to index
        %swap3A_319 = arith.constant 0 : index
        %swap3A_320 = tpu.vector_load %arg16[%swap3A_318, %swap3A_319] {strides = array<i32>} : memref<48x128xf32, #tpu.memory_space<vmem>>, vector<1x16xf32>,
        %swap3A_321 = vector.shape_cast %swap3A_320 : vector<1x16xf32> to vector<16xf32>
        %swap3A_322 = vector.shape_cast %mul3A_317 : vector<16xf32> to vector<1x16xf32>
        tpu.vector_store %arg16[%swap3A_318, %swap3A_319], %swap3A_322 {strides = array<i32>} : memref<48x128xf32, #tpu.memory_space<vmem>>, vector<1x16xf32>,
        %get3A_323 = arith.index_cast %add3A_312 : i32 to index
        %get3A_324 = arith.constant 16 : index
        %get3A_325 = tpu.vector_load %arg16[%get3A_323, %get3A_324] {strides = array<i32>} : memref<48x128xf32, #tpu.memory_space<vmem>>, vector<1x16xf32>,
        %get3A_326 = vector.shape_cast %get3A_325 : vector<1x16xf32> to vector<16xf32>
        %mul3A_327 = arith.mulf %get3A_326, %gather3A_308 : vector<16xf32>
        %swap3A_328 = arith.index_cast %add3A_312 : i32 to index
        %swap3A_329 = arith.constant 16 : index
        %swap3A_330 = tpu.vector_load %arg16[%swap3A_328, %swap3A_329] {strides = array<i32>} : memref<48x128xf32, #tpu.memory_space<vmem>>, vector<1x16xf32>,
        %swap3A_331 = vector.shape_cast %swap3A_330 : vector<1x16xf32> to vector<16xf32>
        %swap3A_332 = vector.shape_cast %mul3A_327 : vector<16xf32> to vector<1x16xf32>
        tpu.vector_store %arg16[%swap3A_328, %swap3A_329], %swap3A_332 {strides = array<i32>} : memref<48x128xf32, #tpu.memory_space<vmem>>, vector<1x16xf32>,
        %get3A_333 = arith.index_cast %add3A_312 : i32 to index
        %get3A_334 = arith.constant 32 : index
        %get3A_335 = tpu.vector_load %arg16[%get3A_333, %get3A_334] {strides = array<i32>} : memref<48x128xf32, #tpu.memory_space<vmem>>, vector<1x16xf32>,
        %get3A_336 = vector.shape_cast %get3A_335 : vector<1x16xf32> to vector<16xf32>
        %mul3A_337 = arith.mulf %get3A_336, %gather3A_308 : vector<16xf32>
        %swap3A_338 = arith.index_cast %add3A_312 : i32 to index
        %swap3A_339 = arith.constant 32 : index
        %swap3A_340 = tpu.vector_load %arg16[%swap3A_338, %swap3A_339] {strides = array<i32>} : memref<48x128xf32, #tpu.memory_space<vmem>>, vector<1x16xf32>,
        %swap3A_341 = vector.shape_cast %swap3A_340 : vector<1x16xf32> to vector<16xf32>
        %swap3A_342 = vector.shape_cast %mul3A_337 : vector<16xf32> to vector<1x16xf32>
        tpu.vector_store %arg16[%swap3A_338, %swap3A_339], %swap3A_342 {strides = array<i32>} : memref<48x128xf32, #tpu.memory_space<vmem>>, vector<1x16xf32>,
        %get3A_343 = arith.index_cast %add3A_312 : i32 to index
        %get3A_344 = arith.constant 48 : index
        %get3A_345 = tpu.vector_load %arg16[%get3A_343, %get3A_344] {strides = array<i32>} : memref<48x128xf32, #tpu.memory_space<vmem>>, vector<1x16xf32>,
        %get3A_346 = vector.shape_cast %get3A_345 : vector<1x16xf32> to vector<16xf32>
        %mul3A_347 = arith.mulf %get3A_346, %gather3A_308 : vector<16xf32>
        %swap3A_348 = arith.index_cast %add3A_312 : i32 to index
        %swap3A_349 = arith.constant 48 : index
        %swap3A_350 = tpu.vector_load %arg16[%swap3A_348, %swap3A_349] {strides = array<i32>} : memref<48x128xf32, #tpu.memory_space<vmem>>, vector<1x16xf32>,
        %swap3A_351 = vector.shape_cast %swap3A_350 : vector<1x16xf32> to vector<16xf32>
        %swap3A_352 = vector.shape_cast %mul3A_347 : vector<16xf32> to vector<1x16xf32>
        tpu.vector_store %arg16[%swap3A_348, %swap3A_349], %swap3A_352 {strides = array<i32>} : memref<48x128xf32, #tpu.memory_space<vmem>>, vector<1x16xf32>,
        %get3A_353 = arith.index_cast %add3A_312 : i32 to index
        %get3A_354 = arith.constant 64 : index
        %get3A_355 = tpu.vector_load %arg16[%get3A_353, %get3A_354] {strides = array<i32>} : memref<48x128xf32, #tpu.memory_space<vmem>>, vector<1x16xf32>,
        %get3A_356 = vector.shape_cast %get3A_355 : vector<1x16xf32> to vector<16xf32>
        %mul3A_357 = arith.mulf %get3A_356, %gather3A_308 : vector<16xf32>
        %swap3A_358 = arith.index_cast %add3A_312 : i32 to index
        %swap3A_359 = arith.constant 64 : index
        %swap3A_360 = tpu.vector_load %arg16[%swap3A_358, %swap3A_359] {strides = array<i32>} : memref<48x128xf32, #tpu.memory_space<vmem>>, vector<1x16xf32>,
        %swap3A_361 = vector.shape_cast %swap3A_360 : vector<1x16xf32> to vector<16xf32>
        %swap3A_362 = vector.shape_cast %mul3A_357 : vector<16xf32> to vector<1x16xf32>
        tpu.vector_store %arg16[%swap3A_358, %swap3A_359], %swap3A_362 {strides = array<i32>} : memref<48x128xf32, #tpu.memory_space<vmem>>, vector<1x16xf32>,
        %get3A_363 = arith.index_cast %add3A_312 : i32 to index
        %get3A_364 = arith.constant 80 : index
        %get3A_365 = tpu.vector_load %arg16[%get3A_363, %get3A_364] {strides = array<i32>} : memref<48x128xf32, #tpu.memory_space<vmem>>, vector<1x16xf32>,
        %get3A_366 = vector.shape_cast %get3A_365 : vector<1x16xf32> to vector<16xf32>
        %mul3A_367 = arith.mulf %get3A_366, %gather3A_308 : vector<16xf32>
        %swap3A_368 = arith.index_cast %add3A_312 : i32 to index
        %swap3A_369 = arith.constant 80 : index
        %swap3A_370 = tpu.vector_load %arg16[%swap3A_368, %swap3A_369] {strides = array<i32>} : memref<48x128xf32, #tpu.memory_space<vmem>>, vector<1x16xf32>,
        %swap3A_371 = vector.shape_cast %swap3A_370 : vector<1x16xf32> to vector<16xf32>
        %swap3A_372 = vector.shape_cast %mul3A_367 : vector<16xf32> to vector<1x16xf32>
        tpu.vector_store %arg16[%swap3A_368, %swap3A_369], %swap3A_372 {strides = array<i32>} : memref<48x128xf32, #tpu.memory_space<vmem>>, vector<1x16xf32>,
        %get3A_373 = arith.index_cast %add3A_312 : i32 to index
        %get3A_374 = arith.constant 96 : index
        %get3A_375 = tpu.vector_load %arg16[%get3A_373, %get3A_374] {strides = array<i32>} : memref<48x128xf32, #tpu.memory_space<vmem>>, vector<1x16xf32>,
        %get3A_376 = vector.shape_cast %get3A_375 : vector<1x16xf32> to vector<16xf32>
        %mul3A_377 = arith.mulf %get3A_376, %gather3A_308 : vector<16xf32>
        %swap3A_378 = arith.index_cast %add3A_312 : i32 to index
        %swap3A_379 = arith.constant 96 : index
        %swap3A_380 = tpu.vector_load %arg16[%swap3A_378, %swap3A_379] {strides = array<i32>} : memref<48x128xf32, #tpu.memory_space<vmem>>, vector<1x16xf32>,
        %swap3A_381 = vector.shape_cast %swap3A_380 : vector<1x16xf32> to vector<16xf32>
        %swap3A_382 = vector.shape_cast %mul3A_377 : vector<16xf32> to vector<1x16xf32>
        tpu.vector_store %arg16[%swap3A_378, %swap3A_379], %swap3A_382 {strides = array<i32>} : memref<48x128xf32, #tpu.memory_space<vmem>>, vector<1x16xf32>,
        %get3A_383 = arith.index_cast %add3A_312 : i32 to index
        %get3A_384 = arith.constant 112 : index
        %get3A_385 = tpu.vector_load %arg16[%get3A_383, %get3A_384] {strides = array<i32>} : memref<48x128xf32, #tpu.memory_space<vmem>>, vector<1x16xf32>,
        %get3A_386 = vector.shape_cast %get3A_385 : vector<1x16xf32> to vector<16xf32>
        %mul3A_387 = arith.mulf %get3A_386, %gather3A_308 : vector<16xf32>
        %swap3A_388 = arith.index_cast %add3A_312 : i32 to index
        %swap3A_389 = arith.constant 112 : index
        %swap3A_390 = tpu.vector_load %arg16[%swap3A_388, %swap3A_389] {strides = array<i32>} : memref<48x128xf32, #tpu.memory_space<vmem>>, vector<1x16xf32>,
        %swap3A_391 = vector.shape_cast %swap3A_390 : vector<1x16xf32> to vector<16xf32>
        %swap3A_392 = vector.shape_cast %mul3A_387 : vector<16xf32> to vector<1x16xf32>
        tpu.vector_store %arg16[%swap3A_388, %swap3A_389], %swap3A_392 {strides = array<i32>} : memref<48x128xf32, #tpu.memory_space<vmem>>, vector<1x16xf32>,
        %broadcast_in_dim3A_393 = arith.constant 2 : i32
        %broadcast_in_dim3A_394 = vector.broadcast %broadcast_in_dim3A_393 : i32 to vector<16x1xi32>
        %gather3A_395 = vector.shape_cast %broadcast_in_dim3A_394 : vector<16x1xi32> to vector<16xi32>
        %gather3A_396 = tpu.dynamic_gather %get3A_218[%gather3A_395] in [0] : vector<16xf32>, vector<16xi32> -> vector<16xf32>
        %mul3A_397 = arith.constant 16 : i32
        %mul3A_398 = arith.muli %scan3A_212, %mul3A_397 : i32
        %add3A_399 = arith.constant 2 : i32
        %add3A_400 = arith.addi %mul3A_398, %add3A_399 : i32
        %get3A_401 = arith.index_cast %add3A_400 : i32 to index
        %get3A_402 = arith.constant 0 : index
        %get3A_403 = tpu.vector_load %arg16[%get3A_401, %get3A_402] {strides = array<i32>} : memref<48x128xf32, #tpu.memory_space<vmem>>, vector<1x16xf32>,
        %get3A_404 = vector.shape_cast %get3A_403 : vector<1x16xf32> to vector<16xf32>
        %mul3A_405 = arith.mulf %get3A_404, %gather3A_396 : vector<16xf32>
        %swap3A_406 = arith.index_cast %add3A_400 : i32 to index
        %swap3A_407 = arith.constant 0 : index
        %swap3A_408 = tpu.vector_load %arg16[%swap3A_406, %swap3A_407] {strides = array<i32>} : memref<48x128xf32, #tpu.memory_space<vmem>>, vector<1x16xf32>,
        %swap3A_409 = vector.shape_cast %swap3A_408 : vector<1x16xf32> to vector<16xf32>
        %swap3A_410 = vector.shape_cast %mul3A_405 : vector<16xf32> to vector<1x16xf32>
        tpu.vector_store %arg16[%swap3A_406, %swap3A_407], %swap3A_410 {strides = array<i32>} : memref<48x128xf32, #tpu.memory_space<vmem>>, vector<1x16xf32>,
        %get3A_411 = arith.index_cast %add3A_400 : i32 to index
        %get3A_412 = arith.constant 16 : index
        %get3A_413 = tpu.vector_load %arg16[%get3A_411, %get3A_412] {strides = array<i32>} : memref<48x128xf32, #tpu.memory_space<vmem>>, vector<1x16xf32>,
        %get3A_414 = vector.shape_cast %get3A_413 : vector<1x16xf32> to vector<16xf32>
        %mul3A_415 = arith.mulf %get3A_414, %gather3A_396 : vector<16xf32>
        %swap3A_416 = arith.index_cast %add3A_400 : i32 to index
        %swap3A_417 = arith.constant 16 : index
        %swap3A_418 = tpu.vector_load %arg16[%swap3A_416, %swap3A_417] {strides = array<i32>} : memref<48x128xf32, #tpu.memory_space<vmem>>, vector<1x16xf32>,
        %swap3A_419 = vector.shape_cast %swap3A_418 : vector<1x16xf32> to vector<16xf32>
        %swap3A_420 = vector.shape_cast %mul3A_415 : vector<16xf32> to vector<1x16xf32>
        tpu.vector_store %arg16[%swap3A_416, %swap3A_417], %swap3A_420 {strides = array<i32>} : memref<48x128xf32, #tpu.memory_space<vmem>>, vector<1x16xf32>,
        %get3A_421 = arith.index_cast %add3A_400 : i32 to index
        %get3A_422 = arith.constant 32 : index
        %get3A_423 = tpu.vector_load %arg16[%get3A_421, %get3A_422] {strides = array<i32>} : memref<48x128xf32, #tpu.memory_space<vmem>>, vector<1x16xf32>,
        %get3A_424 = vector.shape_cast %get3A_423 : vector<1x16xf32> to vector<16xf32>
        %mul3A_425 = arith.mulf %get3A_424, %gather3A_396 : vector<16xf32>
        %swap3A_426 = arith.index_cast %add3A_400 : i32 to index
        %swap3A_427 = arith.constant 32 : index
        %swap3A_428 = tpu.vector_load %arg16[%swap3A_426, %swap3A_427] {strides = array<i32>} : memref<48x128xf32, #tpu.memory_space<vmem>>, vector<1x16xf32>,
        %swap3A_429 = vector.shape_cast %swap3A_428 : vector<1x16xf32> to vector<16xf32>
        %swap3A_430 = vector.shape_cast %mul3A_425 : vector<16xf32> to vector<1x16xf32>
        tpu.vector_store %arg16[%swap3A_426, %swap3A_427], %swap3A_430 {strides = array<i32>} : memref<48x128xf32, #tpu.memory_space<vmem>>, vector<1x16xf32>,
        %get3A_431 = arith.index_cast %add3A_400 : i32 to index
        %get3A_432 = arith.constant 48 : index
        %get3A_433 = tpu.vector_load %arg16[%get3A_431, %get3A_432] {strides = array<i32>} : memref<48x128xf32, #tpu.memory_space<vmem>>, vector<1x16xf32>,
        %get3A_434 = vector.shape_cast %get3A_433 : vector<1x16xf32> to vector<16xf32>
        %mul3A_435 = arith.mulf %get3A_434, %gather3A_396 : vector<16xf32>
        %swap3A_436 = arith.index_cast %add3A_400 : i32 to index
        %swap3A_437 = arith.constant 48 : index
        %swap3A_438 = tpu.vector_load %arg16[%swap3A_436, %swap3A_437] {strides = array<i32>} : memref<48x128xf32, #tpu.memory_space<vmem>>, vector<1x16xf32>,
        %swap3A_439 = vector.shape_cast %swap3A_438 : vector<1x16xf32> to vector<16xf32>
        %swap3A_440 = vector.shape_cast %mul3A_435 : vector<16xf32> to vector<1x16xf32>
        tpu.vector_store %arg16[%swap3A_436, %swap3A_437], %swap3A_440 {strides = array<i32>} : memref<48x128xf32, #tpu.memory_space<vmem>>, vector<1x16xf32>,
        %get3A_441 = arith.index_cast %add3A_400 : i32 to index
        %get3A_442 = arith.constant 64 : index
        %get3A_443 = tpu.vector_load %arg16[%get3A_441, %get3A_442] {strides = array<i32>} : memref<48x128xf32, #tpu.memory_space<vmem>>, vector<1x16xf32>,
        %get3A_444 = vector.shape_cast %get3A_443 : vector<1x16xf32> to vector<16xf32>
        %mul3A_445 = arith.mulf %get3A_444, %gather3A_396 : vector<16xf32>
        %swap3A_446 = arith.index_cast %add3A_400 : i32 to index
        %swap3A_447 = arith.constant 64 : index
        %swap3A_448 = tpu.vector_load %arg16[%swap3A_446, %swap3A_447] {strides = array<i32>} : memref<48x128xf32, #tpu.memory_space<vmem>>, vector<1x16xf32>,
        %swap3A_449 = vector.shape_cast %swap3A_448 : vector<1x16xf32> to vector<16xf32>
        %swap3A_450 = vector.shape_cast %mul3A_445 : vector<16xf32> to vector<1x16xf32>
        tpu.vector_store %arg16[%swap3A_446, %swap3A_447], %swap3A_450 {strides = array<i32>} : memref<48x128xf32, #tpu.memory_space<vmem>>, vector<1x16xf32>,
        %get3A_451 = arith.index_cast %add3A_400 : i32 to index
        %get3A_452 = arith.constant 80 : index
        %get3A_453 = tpu.vector_load %arg16[%get3A_451, %get3A_452] {strides = array<i32>} : memref<48x128xf32, #tpu.memory_space<vmem>>, vector<1x16xf32>,
        %get3A_454 = vector.shape_cast %get3A_453 : vector<1x16xf32> to vector<16xf32>
        %mul3A_455 = arith.mulf %get3A_454, %gather3A_396 : vector<16xf32>
        %swap3A_456 = arith.index_cast %add3A_400 : i32 to index
        %swap3A_457 = arith.constant 80 : index
        %swap3A_458 = tpu.vector_load %arg16[%swap3A_456, %swap3A_457] {strides = array<i32>} : memref<48x128xf32, #tpu.memory_space<vmem>>, vector<1x16xf32>,
        %swap3A_459 = vector.shape_cast %swap3A_458 : vector<1x16xf32> to vector<16xf32>
        %swap3A_460 = vector.shape_cast %mul3A_455 : vector<16xf32> to vector<1x16xf32>
        tpu.vector_store %arg16[%swap3A_456, %swap3A_457], %swap3A_460 {strides = array<i32>} : memref<48x128xf32, #tpu.memory_space<vmem>>, vector<1x16xf32>,
        %get3A_461 = arith.index_cast %add3A_400 : i32 to index
        %get3A_462 = arith.constant 96 : index
        %get3A_463 = tpu.vector_load %arg16[%get3A_461, %get3A_462] {strides = array<i32>} : memref<48x128xf32, #tpu.memory_space<vmem>>, vector<1x16xf32>,
        %get3A_464 = vector.shape_cast %get3A_463 : vector<1x16xf32> to vector<16xf32>
        %mul3A_465 = arith.mulf %get3A_464, %gather3A_396 : vector<16xf32>
        %swap3A_466 = arith.index_cast %add3A_400 : i32 to index
        %swap3A_467 = arith.constant 96 : index
        %swap3A_468 = tpu.vector_load %arg16[%swap3A_466, %swap3A_467] {strides = array<i32>} : memref<48x128xf32, #tpu.memory_space<vmem>>, vector<1x16xf32>,
        %swap3A_469 = vector.shape_cast %swap3A_468 : vector<1x16xf32> to vector<16xf32>
        %swap3A_470 = vector.shape_cast %mul3A_465 : vector<16xf32> to vector<1x16xf32>
        tpu.vector_store %arg16[%swap3A_466, %swap3A_467], %swap3A_470 {strides = array<i32>} : memref<48x128xf32, #tpu.memory_space<vmem>>, vector<1x16xf32>,
        %get3A_471 = arith.index_cast %add3A_400 : i32 to index
        %get3A_472 = arith.constant 112 : index
        %get3A_473 = tpu.vector_load %arg16[%get3A_471, %get3A_472] {strides = array<i32>} : memref<48x128xf32, #tpu.memory_space<vmem>>, vector<1x16xf32>,
        %get3A_474 = vector.shape_cast %get3A_473 : vector<1x16xf32> to vector<16xf32>
        %mul3A_475 = arith.mulf %get3A_474, %gather3A_396 : vector<16xf32>
        %swap3A_476 = arith.index_cast %add3A_400 : i32 to index
        %swap3A_477 = arith.constant 112 : index
        %swap3A_478 = tpu.vector_load %arg16[%swap3A_476, %swap3A_477] {strides = array<i32>} : memref<48x128xf32, #tpu.memory_space<vmem>>, vector<1x16xf32>,
        %swap3A_479 = vector.shape_cast %swap3A_478 : vector<1x16xf32> to vector<16xf32>
        %swap3A_480 = vector.shape_cast %mul3A_475 : vector<16xf32> to vector<1x16xf32>
        tpu.vector_store %arg16[%swap3A_476, %swap3A_477], %swap3A_480 {strides = array<i32>} : memref<48x128xf32, #tpu.memory_space<vmem>>, vector<1x16xf32>,
        %broadcast_in_dim3A_481 = arith.constant 3 : i32
        %broadcast_in_dim3A_482 = vector.broadcast %broadcast_in_dim3A_481 : i32 to vector<16x1xi32>
        %gather3A_483 = vector.shape_cast %broadcast_in_dim3A_482 : vector<16x1xi32> to vector<16xi32>
        %gather3A_484 = tpu.dynamic_gather %get3A_218[%gather3A_483] in [0] : vector<16xf32>, vector<16xi32> -> vector<16xf32>
        %mul3A_485 = arith.constant 16 : i32
        %mul3A_486 = arith.muli %scan3A_212, %mul3A_485 : i32
        %add3A_487 = arith.constant 3 : i32
        %add3A_488 = arith.addi %mul3A_486, %add3A_487 : i32
        %get3A_489 = arith.index_cast %add3A_488 : i32 to index
        %get3A_490 = arith.constant 0 : index
        %get3A_491 = tpu.vector_load %arg16[%get3A_489, %get3A_490] {strides = array<i32>} : memref<48x128xf32, #tpu.memory_space<vmem>>, vector<1x16xf32>,
        %get3A_492 = vector.shape_cast %get3A_491 : vector<1x16xf32> to vector<16xf32>
        %mul3A_493 = arith.mulf %get3A_492, %gather3A_484 : vector<16xf32>
        %swap3A_494 = arith.index_cast %add3A_488 : i32 to index
        %swap3A_495 = arith.constant 0 : index
        %swap3A_496 = tpu.vector_load %arg16[%swap3A_494, %swap3A_495] {strides = array<i32>} : memref<48x128xf32, #tpu.memory_space<vmem>>, vector<1x16xf32>,
        %swap3A_497 = vector.shape_cast %swap3A_496 : vector<1x16xf32> to vector<16xf32>
        %swap3A_498 = vector.shape_cast %mul3A_493 : vector<16xf32> to vector<1x16xf32>
        tpu.vector_store %arg16[%swap3A_494, %swap3A_495], %swap3A_498 {strides = array<i32>} : memref<48x128xf32, #tpu.memory_space<vmem>>, vector<1x16xf32>,
        %get3A_499 = arith.index_cast %add3A_488 : i32 to index
        %get3A_500 = arith.constant 16 : index
        %get3A_501 = tpu.vector_load %arg16[%get3A_499, %get3A_500] {strides = array<i32>} : memref<48x128xf32, #tpu.memory_space<vmem>>, vector<1x16xf32>,
        %get3A_502 = vector.shape_cast %get3A_501 : vector<1x16xf32> to vector<16xf32>
        %mul3A_503 = arith.mulf %get3A_502, %gather3A_484 : vector<16xf32>
        %swap3A_504 = arith.index_cast %add3A_488 : i32 to index
        %swap3A_505 = arith.constant 16 : index
        %swap3A_506 = tpu.vector_load %arg16[%swap3A_504, %swap3A_505] {strides = array<i32>} : memref<48x128xf32, #tpu.memory_space<vmem>>, vector<1x16xf32>,
        %swap3A_507 = vector.shape_cast %swap3A_506 : vector<1x16xf32> to vector<16xf32>
        %swap3A_508 = vector.shape_cast %mul3A_503 : vector<16xf32> to vector<1x16xf32>
        tpu.vector_store %arg16[%swap3A_504, %swap3A_505], %swap3A_508 {strides = array<i32>} : memref<48x128xf32, #tpu.memory_space<vmem>>, vector<1x16xf32>,
        %get3A_509 = arith.index_cast %add3A_488 : i32 to index
        %get3A_510 = arith.constant 32 : index
        %get3A_511 = tpu.vector_load %arg16[%get3A_509, %get3A_510] {strides = array<i32>} : memref<48x128xf32, #tpu.memory_space<vmem>>, vector<1x16xf32>,
        %get3A_512 = vector.shape_cast %get3A_511 : vector<1x16xf32> to vector<16xf32>
        %mul3A_513 = arith.mulf %get3A_512, %gather3A_484 : vector<16xf32>
        %swap3A_514 = arith.index_cast %add3A_488 : i32 to index
        %swap3A_515 = arith.constant 32 : index
        %swap3A_516 = tpu.vector_load %arg16[%swap3A_514, %swap3A_515] {strides = array<i32>} : memref<48x128xf32, #tpu.memory_space<vmem>>, vector<1x16xf32>,
        %swap3A_517 = vector.shape_cast %swap3A_516 : vector<1x16xf32> to vector<16xf32>
        %swap3A_518 = vector.shape_cast %mul3A_513 : vector<16xf32> to vector<1x16xf32>
        tpu.vector_store %arg16[%swap3A_514, %swap3A_515], %swap3A_518 {strides = array<i32>} : memref<48x128xf32, #tpu.memory_space<vmem>>, vector<1x16xf32>,
        %get3A_519 = arith.index_cast %add3A_488 : i32 to index
        %get3A_520 = arith.constant 48 : index
        %get3A_521 = tpu.vector_load %arg16[%get3A_519, %get3A_520] {strides = array<i32>} : memref<48x128xf32, #tpu.memory_space<vmem>>, vector<1x16xf32>,
        %get3A_522 = vector.shape_cast %get3A_521 : vector<1x16xf32> to vector<16xf32>
        %mul3A_523 = arith.mulf %get3A_522, %gather3A_484 : vector<16xf32>
        %swap3A_524 = arith.index_cast %add3A_488 : i32 to index
        %swap3A_525 = arith.constant 48 : index
        %swap3A_526 = tpu.vector_load %arg16[%swap3A_524, %swap3A_525] {strides = array<i32>} : memref<48x128xf32, #tpu.memory_space<vmem>>, vector<1x16xf32>,
        %swap3A_527 = vector.shape_cast %swap3A_526 : vector<1x16xf32> to vector<16xf32>
        %swap3A_528 = vector.shape_cast %mul3A_523 : vector<16xf32> to vector<1x16xf32>
        tpu.vector_store %arg16[%swap3A_524, %swap3A_525], %swap3A_528 {strides = array<i32>} : memref<48x128xf32, #tpu.memory_space<vmem>>, vector<1x16xf32>,
        %get3A_529 = arith.index_cast %add3A_488 : i32 to index
        %get3A_530 = arith.constant 64 : index
        %get3A_531 = tpu.vector_load %arg16[%get3A_529, %get3A_530] {strides = array<i32>} : memref<48x128xf32, #tpu.memory_space<vmem>>, vector<1x16xf32>,
        %get3A_532 = vector.shape_cast %get3A_531 : vector<1x16xf32> to vector<16xf32>
        %mul3A_533 = arith.mulf %get3A_532, %gather3A_484 : vector<16xf32>
        %swap3A_534 = arith.index_cast %add3A_488 : i32 to index
        %swap3A_535 = arith.constant 64 : index
        %swap3A_536 = tpu.vector_load %arg16[%swap3A_534, %swap3A_535] {strides = array<i32>} : memref<48x128xf32, #tpu.memory_space<vmem>>, vector<1x16xf32>,
        %swap3A_537 = vector.shape_cast %swap3A_536 : vector<1x16xf32> to vector<16xf32>
        %swap3A_538 = vector.shape_cast %mul3A_533 : vector<16xf32> to vector<1x16xf32>
        tpu.vector_store %arg16[%swap3A_534, %swap3A_535], %swap3A_538 {strides = array<i32>} : memref<48x128xf32, #tpu.memory_space<vmem>>, vector<1x16xf32>,
        %get3A_539 = arith.index_cast %add3A_488 : i32 to index
        %get3A_540 = arith.constant 80 : index
        %get3A_541 = tpu.vector_load %arg16[%get3A_539, %get3A_540] {strides = array<i32>} : memref<48x128xf32, #tpu.memory_space<vmem>>, vector<1x16xf32>,
        %get3A_542 = vector.shape_cast %get3A_541 : vector<1x16xf32> to vector<16xf32>
        %mul3A_543 = arith.mulf %get3A_542, %gather3A_484 : vector<16xf32>
        %swap3A_544 = arith.index_cast %add3A_488 : i32 to index
        %swap3A_545 = arith.constant 80 : index
        %swap3A_546 = tpu.vector_load %arg16[%swap3A_544, %swap3A_545] {strides = array<i32>} : memref<48x128xf32, #tpu.memory_space<vmem>>, vector<1x16xf32>,
        %swap3A_547 = vector.shape_cast %swap3A_546 : vector<1x16xf32> to vector<16xf32>
        %swap3A_548 = vector.shape_cast %mul3A_543 : vector<16xf32> to vector<1x16xf32>
        tpu.vector_store %arg16[%swap3A_544, %swap3A_545], %swap3A_548 {strides = array<i32>} : memref<48x128xf32, #tpu.memory_space<vmem>>, vector<1x16xf32>,
        %get3A_549 = arith.index_cast %add3A_488 : i32 to index
        %get3A_550 = arith.constant 96 : index
        %get3A_551 = tpu.vector_load %arg16[%get3A_549, %get3A_550] {strides = array<i32>} : memref<48x128xf32, #tpu.memory_space<vmem>>, vector<1x16xf32>,
        %get3A_552 = vector.shape_cast %get3A_551 : vector<1x16xf32> to vector<16xf32>
        %mul3A_553 = arith.mulf %get3A_552, %gather3A_484 : vector<16xf32>
        %swap3A_554 = arith.index_cast %add3A_488 : i32 to index
        %swap3A_555 = arith.constant 96 : index
        %swap3A_556 = tpu.vector_load %arg16[%swap3A_554, %swap3A_555] {strides = array<i32>} : memref<48x128xf32, #tpu.memory_space<vmem>>, vector<1x16xf32>,
        %swap3A_557 = vector.shape_cast %swap3A_556 : vector<1x16xf32> to vector<16xf32>
        %swap3A_558 = vector.shape_cast %mul3A_553 : vector<16xf32> to vector<1x16xf32>
        tpu.vector_store %arg16[%swap3A_554, %swap3A_555], %swap3A_558 {strides = array<i32>} : memref<48x128xf32, #tpu.memory_space<vmem>>, vector<1x16xf32>,
        %get3A_559 = arith.index_cast %add3A_488 : i32 to index
        %get3A_560 = arith.constant 112 : index
        %get3A_561 = tpu.vector_load %arg16[%get3A_559, %get3A_560] {strides = array<i32>} : memref<48x128xf32, #tpu.memory_space<vmem>>, vector<1x16xf32>,
        %get3A_562 = vector.shape_cast %get3A_561 : vector<1x16xf32> to vector<16xf32>
        %mul3A_563 = arith.mulf %get3A_562, %gather3A_484 : vector<16xf32>
        %swap3A_564 = arith.index_cast %add3A_488 : i32 to index
        %swap3A_565 = arith.constant 112 : index
        %swap3A_566 = tpu.vector_load %arg16[%swap3A_564, %swap3A_565] {strides = array<i32>} : memref<48x128xf32, #tpu.memory_space<vmem>>, vector<1x16xf32>,
        %swap3A_567 = vector.shape_cast %swap3A_566 : vector<1x16xf32> to vector<16xf32>
        %swap3A_568 = vector.shape_cast %mul3A_563 : vector<16xf32> to vector<1x16xf32>
        tpu.vector_store %arg16[%swap3A_564, %swap3A_565], %swap3A_568 {strides = array<i32>} : memref<48x128xf32, #tpu.memory_space<vmem>>, vector<1x16xf32>,
        %broadcast_in_dim3A_569 = arith.constant 4 : i32
        %broadcast_in_dim3A_570 = vector.broadcast %broadcast_in_dim3A_569 : i32 to vector<16x1xi32>
        %gather3A_571 = vector.shape_cast %broadcast_in_dim3A_570 : vector<16x1xi32> to vector<16xi32>
        %gather3A_572 = tpu.dynamic_gather %get3A_218[%gather3A_571] in [0] : vector<16xf32>, vector<16xi32> -> vector<16xf32>
        %mul3A_573 = arith.constant 16 : i32
        %mul3A_574 = arith.muli %scan3A_212, %mul3A_573 : i32
        %add3A_575 = arith.constant 4 : i32
        %add3A_576 = arith.addi %mul3A_574, %add3A_575 : i32
        %get3A_577 = arith.index_cast %add3A_576 : i32 to index
        %get3A_578 = arith.constant 0 : index
        %get3A_579 = tpu.vector_load %arg16[%get3A_577, %get3A_578] {strides = array<i32>} : memref<48x128xf32, #tpu.memory_space<vmem>>, vector<1x16xf32>,
        %get3A_580 = vector.shape_cast %get3A_579 : vector<1x16xf32> to vector<16xf32>
        %mul3A_581 = arith.mulf %get3A_580, %gather3A_572 : vector<16xf32>
        %swap3A_582 = arith.index_cast %add3A_576 : i32 to index
        %swap3A_583 = arith.constant 0 : index
        %swap3A_584 = tpu.vector_load %arg16[%swap3A_582, %swap3A_583] {strides = array<i32>} : memref<48x128xf32, #tpu.memory_space<vmem>>, vector<1x16xf32>,
        %swap3A_585 = vector.shape_cast %swap3A_584 : vector<1x16xf32> to vector<16xf32>
        %swap3A_586 = vector.shape_cast %mul3A_581 : vector<16xf32> to vector<1x16xf32>
        tpu.vector_store %arg16[%swap3A_582, %swap3A_583], %swap3A_586 {strides = array<i32>} : memref<48x128xf32, #tpu.memory_space<vmem>>, vector<1x16xf32>,
        %get3A_587 = arith.index_cast %add3A_576 : i32 to index
        %get3A_588 = arith.constant 16 : index
        %get3A_589 = tpu.vector_load %arg16[%get3A_587, %get3A_588] {strides = array<i32>} : memref<48x128xf32, #tpu.memory_space<vmem>>, vector<1x16xf32>,
        %get3A_590 = vector.shape_cast %get3A_589 : vector<1x16xf32> to vector<16xf32>
        %mul3A_591 = arith.mulf %get3A_590, %gather3A_572 : vector<16xf32>
        %swap3A_592 = arith.index_cast %add3A_576 : i32 to index
        %swap3A_593 = arith.constant 16 : index
        %swap3A_594 = tpu.vector_load %arg16[%swap3A_592, %swap3A_593] {strides = array<i32>} : memref<48x128xf32, #tpu.memory_space<vmem>>, vector<1x16xf32>,
        %swap3A_595 = vector.shape_cast %swap3A_594 : vector<1x16xf32> to vector<16xf32>
        %swap3A_596 = vector.shape_cast %mul3A_591 : vector<16xf32> to vector<1x16xf32>
        tpu.vector_store %arg16[%swap3A_592, %swap3A_593], %swap3A_596 {strides = array<i32>} : memref<48x128xf32, #tpu.memory_space<vmem>>, vector<1x16xf32>,
        %get3A_597 = arith.index_cast %add3A_576 : i32 to index
        %get3A_598 = arith.constant 32 : index
        %get3A_599 = tpu.vector_load %arg16[%get3A_597, %get3A_598] {strides = array<i32>} : memref<48x128xf32, #tpu.memory_space<vmem>>, vector<1x16xf32>,
        %get3A_600 = vector.shape_cast %get3A_599 : vector<1x16xf32> to vector<16xf32>
        %mul3A_601 = arith.mulf %get3A_600, %gather3A_572 : vector<16xf32>
        %swap3A_602 = arith.index_cast %add3A_576 : i32 to index
        %swap3A_603 = arith.constant 32 : index
        %swap3A_604 = tpu.vector_load %arg16[%swap3A_602, %swap3A_603] {strides = array<i32>} : memref<48x128xf32, #tpu.memory_space<vmem>>, vector<1x16xf32>,
        %swap3A_605 = vector.shape_cast %swap3A_604 : vector<1x16xf32> to vector<16xf32>
        %swap3A_606 = vector.shape_cast %mul3A_601 : vector<16xf32> to vector<1x16xf32>
        tpu.vector_store %arg16[%swap3A_602, %swap3A_603], %swap3A_606 {strides = array<i32>} : memref<48x128xf32, #tpu.memory_space<vmem>>, vector<1x16xf32>,
        %get3A_607 = arith.index_cast %add3A_576 : i32 to index
        %get3A_608 = arith.constant 48 : index
        %get3A_609 = tpu.vector_load %arg16[%get3A_607, %get3A_608] {strides = array<i32>} : memref<48x128xf32, #tpu.memory_space<vmem>>, vector<1x16xf32>,
        %get3A_610 = vector.shape_cast %get3A_609 : vector<1x16xf32> to vector<16xf32>
        %mul3A_611 = arith.mulf %get3A_610, %gather3A_572 : vector<16xf32>
        %swap3A_612 = arith.index_cast %add3A_576 : i32 to index
        %swap3A_613 = arith.constant 48 : index
        %swap3A_614 = tpu.vector_load %arg16[%swap3A_612, %swap3A_613] {strides = array<i32>} : memref<48x128xf32, #tpu.memory_space<vmem>>, vector<1x16xf32>,
        %swap3A_615 = vector.shape_cast %swap3A_614 : vector<1x16xf32> to vector<16xf32>
        %swap3A_616 = vector.shape_cast %mul3A_611 : vector<16xf32> to vector<1x16xf32>
        tpu.vector_store %arg16[%swap3A_612, %swap3A_613], %swap3A_616 {strides = array<i32>} : memref<48x128xf32, #tpu.memory_space<vmem>>, vector<1x16xf32>,
        %get3A_617 = arith.index_cast %add3A_576 : i32 to index
        %get3A_618 = arith.constant 64 : index
        %get3A_619 = tpu.vector_load %arg16[%get3A_617, %get3A_618] {strides = array<i32>} : memref<48x128xf32, #tpu.memory_space<vmem>>, vector<1x16xf32>,
        %get3A_620 = vector.shape_cast %get3A_619 : vector<1x16xf32> to vector<16xf32>
        %mul3A_621 = arith.mulf %get3A_620, %gather3A_572 : vector<16xf32>
        %swap3A_622 = arith.index_cast %add3A_576 : i32 to index
        %swap3A_623 = arith.constant 64 : index
        %swap3A_624 = tpu.vector_load %arg16[%swap3A_622, %swap3A_623] {strides = array<i32>} : memref<48x128xf32, #tpu.memory_space<vmem>>, vector<1x16xf32>,
        %swap3A_625 = vector.shape_cast %swap3A_624 : vector<1x16xf32> to vector<16xf32>
        %swap3A_626 = vector.shape_cast %mul3A_621 : vector<16xf32> to vector<1x16xf32>
        tpu.vector_store %arg16[%swap3A_622, %swap3A_623], %swap3A_626 {strides = array<i32>} : memref<48x128xf32, #tpu.memory_space<vmem>>, vector<1x16xf32>,
        %get3A_627 = arith.index_cast %add3A_576 : i32 to index
        %get3A_628 = arith.constant 80 : index
        %get3A_629 = tpu.vector_load %arg16[%get3A_627, %get3A_628] {strides = array<i32>} : memref<48x128xf32, #tpu.memory_space<vmem>>, vector<1x16xf32>,
        %get3A_630 = vector.shape_cast %get3A_629 : vector<1x16xf32> to vector<16xf32>
        %mul3A_631 = arith.mulf %get3A_630, %gather3A_572 : vector<16xf32>
        %swap3A_632 = arith.index_cast %add3A_576 : i32 to index
        %swap3A_633 = arith.constant 80 : index
        %swap3A_634 = tpu.vector_load %arg16[%swap3A_632, %swap3A_633] {strides = array<i32>} : memref<48x128xf32, #tpu.memory_space<vmem>>, vector<1x16xf32>,
        %swap3A_635 = vector.shape_cast %swap3A_634 : vector<1x16xf32> to vector<16xf32>
        %swap3A_636 = vector.shape_cast %mul3A_631 : vector<16xf32> to vector<1x16xf32>
        tpu.vector_store %arg16[%swap3A_632, %swap3A_633], %swap3A_636 {strides = array<i32>} : memref<48x128xf32, #tpu.memory_space<vmem>>, vector<1x16xf32>,
        %get3A_637 = arith.index_cast %add3A_576 : i32 to index
        %get3A_638 = arith.constant 96 : index
        %get3A_639 = tpu.vector_load %arg16[%get3A_637, %get3A_638] {strides = array<i32>} : memref<48x128xf32, #tpu.memory_space<vmem>>, vector<1x16xf32>,
        %get3A_640 = vector.shape_cast %get3A_639 : vector<1x16xf32> to vector<16xf32>
        %mul3A_641 = arith.mulf %get3A_640, %gather3A_572 : vector<16xf32>
        %swap3A_642 = arith.index_cast %add3A_576 : i32 to index
        %swap3A_643 = arith.constant 96 : index
        %swap3A_644 = tpu.vector_load %arg16[%swap3A_642, %swap3A_643] {strides = array<i32>} : memref<48x128xf32, #tpu.memory_space<vmem>>, vector<1x16xf32>,
        %swap3A_645 = vector.shape_cast %swap3A_644 : vector<1x16xf32> to vector<16xf32>
        %swap3A_646 = vector.shape_cast %mul3A_641 : vector<16xf32> to vector<1x16xf32>
        tpu.vector_store %arg16[%swap3A_642, %swap3A_643], %swap3A_646 {strides = array<i32>} : memref<48x128xf32, #tpu.memory_space<vmem>>, vector<1x16xf32>,
        %get3A_647 = arith.index_cast %add3A_576 : i32 to index
        %get3A_648 = arith.constant 112 : index
        %get3A_649 = tpu.vector_load %arg16[%get3A_647, %get3A_648] {strides = array<i32>} : memref<48x128xf32, #tpu.memory_space<vmem>>, vector<1x16xf32>,
        %get3A_650 = vector.shape_cast %get3A_649 : vector<1x16xf32> to vector<16xf32>
        %mul3A_651 = arith.mulf %get3A_650, %gather3A_572 : vector<16xf32>
        %swap3A_652 = arith.index_cast %add3A_576 : i32 to index
        %swap3A_653 = arith.constant 112 : index
        %swap3A_654 = tpu.vector_load %arg16[%swap3A_652, %swap3A_653] {strides = array<i32>} : memref<48x128xf32, #tpu.memory_space<vmem>>, vector<1x16xf32>,
        %swap3A_655 = vector.shape_cast %swap3A_654 : vector<1x16xf32> to vector<16xf32>
        %swap3A_656 = vector.shape_cast %mul3A_651 : vector<16xf32> to vector<1x16xf32>
        tpu.vector_store %arg16[%swap3A_652, %swap3A_653], %swap3A_656 {strides = array<i32>} : memref<48x128xf32, #tpu.memory_space<vmem>>, vector<1x16xf32>,
        %broadcast_in_dim3A_657 = arith.constant 5 : i32
        %broadcast_in_dim3A_658 = vector.broadcast %broadcast_in_dim3A_657 : i32 to vector<16x1xi32>
        %gather3A_659 = vector.shape_cast %broadcast_in_dim3A_658 : vector<16x1xi32> to vector<16xi32>
        %gather3A_660 = tpu.dynamic_gather %get3A_218[%gather3A_659] in [0] : vector<16xf32>, vector<16xi32> -> vector<16xf32>
        %mul3A_661 = arith.constant 16 : i32
        %mul3A_662 = arith.muli %scan3A_212, %mul3A_661 : i32
        %add3A_663 = arith.constant 5 : i32
        %add3A_664 = arith.addi %mul3A_662, %add3A_663 : i32
        %get3A_665 = arith.index_cast %add3A_664 : i32 to index
        %get3A_666 = arith.constant 0 : index
        %get3A_667 = tpu.vector_load %arg16[%get3A_665, %get3A_666] {strides = array<i32>} : memref<48x128xf32, #tpu.memory_space<vmem>>, vector<1x16xf32>,
        %get3A_668 = vector.shape_cast %get3A_667 : vector<1x16xf32> to vector<16xf32>
        %mul3A_669 = arith.mulf %get3A_668, %gather3A_660 : vector<16xf32>
        %swap3A_670 = arith.index_cast %add3A_664 : i32 to index
        %swap3A_671 = arith.constant 0 : index
        %swap3A_672 = tpu.vector_load %arg16[%swap3A_670, %swap3A_671] {strides = array<i32>} : memref<48x128xf32, #tpu.memory_space<vmem>>, vector<1x16xf32>,
        %swap3A_673 = vector.shape_cast %swap3A_672 : vector<1x16xf32> to vector<16xf32>
        %swap3A_674 = vector.shape_cast %mul3A_669 : vector<16xf32> to vector<1x16xf32>
        tpu.vector_store %arg16[%swap3A_670, %swap3A_671], %swap3A_674 {strides = array<i32>} : memref<48x128xf32, #tpu.memory_space<vmem>>, vector<1x16xf32>,
        %get3A_675 = arith.index_cast %add3A_664 : i32 to index
        %get3A_676 = arith.constant 16 : index
        %get3A_677 = tpu.vector_load %arg16[%get3A_675, %get3A_676] {strides = array<i32>} : memref<48x128xf32, #tpu.memory_space<vmem>>, vector<1x16xf32>,
        %get3A_678 = vector.shape_cast %get3A_677 : vector<1x16xf32> to vector<16xf32>
        %mul3A_679 = arith.mulf %get3A_678, %gather3A_660 : vector<16xf32>
        %swap3A_680 = arith.index_cast %add3A_664 : i32 to index
        %swap3A_681 = arith.constant 16 : index
        %swap3A_682 = tpu.vector_load %arg16[%swap3A_680, %swap3A_681] {strides = array<i32>} : memref<48x128xf32, #tpu.memory_space<vmem>>, vector<1x16xf32>,
        %swap3A_683 = vector.shape_cast %swap3A_682 : vector<1x16xf32> to vector<16xf32>
        %swap3A_684 = vector.shape_cast %mul3A_679 : vector<16xf32> to vector<1x16xf32>
        tpu.vector_store %arg16[%swap3A_680, %swap3A_681], %swap3A_684 {strides = array<i32>} : memref<48x128xf32, #tpu.memory_space<vmem>>, vector<1x16xf32>,
        %get3A_685 = arith.index_cast %add3A_664 : i32 to index
        %get3A_686 = arith.constant 32 : index
        %get3A_687 = tpu.vector_load %arg16[%get3A_685, %get3A_686] {strides = array<i32>} : memref<48x128xf32, #tpu.memory_space<vmem>>, vector<1x16xf32>,
        %get3A_688 = vector.shape_cast %get3A_687 : vector<1x16xf32> to vector<16xf32>
        %mul3A_689 = arith.mulf %get3A_688, %gather3A_660 : vector<16xf32>
        %swap3A_690 = arith.index_cast %add3A_664 : i32 to index
        %swap3A_691 = arith.constant 32 : index
        %swap3A_692 = tpu.vector_load %arg16[%swap3A_690, %swap3A_691] {strides = array<i32>} : memref<48x128xf32, #tpu.memory_space<vmem>>, vector<1x16xf32>,
        %swap3A_693 = vector.shape_cast %swap3A_692 : vector<1x16xf32> to vector<16xf32>
        %swap3A_694 = vector.shape_cast %mul3A_689 : vector<16xf32> to vector<1x16xf32>
        tpu.vector_store %arg16[%swap3A_690, %swap3A_691], %swap3A_694 {strides = array<i32>} : memref<48x128xf32, #tpu.memory_space<vmem>>, vector<1x16xf32>,
        %get3A_695 = arith.index_cast %add3A_664 : i32 to index
        %get3A_696 = arith.constant 48 : index
        %get3A_697 = tpu.vector_load %arg16[%get3A_695, %get3A_696] {strides = array<i32>} : memref<48x128xf32, #tpu.memory_space<vmem>>, vector<1x16xf32>,
        %get3A_698 = vector.shape_cast %get3A_697 : vector<1x16xf32> to vector<16xf32>
        %mul3A_699 = arith.mulf %get3A_698, %gather3A_660 : vector<16xf32>
        %swap3A_700 = arith.index_cast %add3A_664 : i32 to index
        %swap3A_701 = arith.constant 48 : index
        %swap3A_702 = tpu.vector_load %arg16[%swap3A_700, %swap3A_701] {strides = array<i32>} : memref<48x128xf32, #tpu.memory_space<vmem>>, vector<1x16xf32>,
        %swap3A_703 = vector.shape_cast %swap3A_702 : vector<1x16xf32> to vector<16xf32>
        %swap3A_704 = vector.shape_cast %mul3A_699 : vector<16xf32> to vector<1x16xf32>
        tpu.vector_store %arg16[%swap3A_700, %swap3A_701], %swap3A_704 {strides = array<i32>} : memref<48x128xf32, #tpu.memory_space<vmem>>, vector<1x16xf32>,
        %get3A_705 = arith.index_cast %add3A_664 : i32 to index
        %get3A_706 = arith.constant 64 : index
        %get3A_707 = tpu.vector_load %arg16[%get3A_705, %get3A_706] {strides = array<i32>} : memref<48x128xf32, #tpu.memory_space<vmem>>, vector<1x16xf32>,
        %get3A_708 = vector.shape_cast %get3A_707 : vector<1x16xf32> to vector<16xf32>
        %mul3A_709 = arith.mulf %get3A_708, %gather3A_660 : vector<16xf32>
        %swap3A_710 = arith.index_cast %add3A_664 : i32 to index
        %swap3A_711 = arith.constant 64 : index
        %swap3A_712 = tpu.vector_load %arg16[%swap3A_710, %swap3A_711] {strides = array<i32>} : memref<48x128xf32, #tpu.memory_space<vmem>>, vector<1x16xf32>,
        %swap3A_713 = vector.shape_cast %swap3A_712 : vector<1x16xf32> to vector<16xf32>
        %swap3A_714 = vector.shape_cast %mul3A_709 : vector<16xf32> to vector<1x16xf32>
        tpu.vector_store %arg16[%swap3A_710, %swap3A_711], %swap3A_714 {strides = array<i32>} : memref<48x128xf32, #tpu.memory_space<vmem>>, vector<1x16xf32>,
        %get3A_715 = arith.index_cast %add3A_664 : i32 to index
        %get3A_716 = arith.constant 80 : index
        %get3A_717 = tpu.vector_load %arg16[%get3A_715, %get3A_716] {strides = array<i32>} : memref<48x128xf32, #tpu.memory_space<vmem>>, vector<1x16xf32>,
        %get3A_718 = vector.shape_cast %get3A_717 : vector<1x16xf32> to vector<16xf32>
        %mul3A_719 = arith.mulf %get3A_718, %gather3A_660 : vector<16xf32>
        %swap3A_720 = arith.index_cast %add3A_664 : i32 to index
        %swap3A_721 = arith.constant 80 : index
        %swap3A_722 = tpu.vector_load %arg16[%swap3A_720, %swap3A_721] {strides = array<i32>} : memref<48x128xf32, #tpu.memory_space<vmem>>, vector<1x16xf32>,
        %swap3A_723 = vector.shape_cast %swap3A_722 : vector<1x16xf32> to vector<16xf32>
        %swap3A_724 = vector.shape_cast %mul3A_719 : vector<16xf32> to vector<1x16xf32>
        tpu.vector_store %arg16[%swap3A_720, %swap3A_721], %swap3A_724 {strides = array<i32>} : memref<48x128xf32, #tpu.memory_space<vmem>>, vector<1x16xf32>,
        %get3A_725 = arith.index_cast %add3A_664 : i32 to index
        %get3A_726 = arith.constant 96 : index
        %get3A_727 = tpu.vector_load %arg16[%get3A_725, %get3A_726] {strides = array<i32>} : memref<48x128xf32, #tpu.memory_space<vmem>>, vector<1x16xf32>,
        %get3A_728 = vector.shape_cast %get3A_727 : vector<1x16xf32> to vector<16xf32>
        %mul3A_729 = arith.mulf %get3A_728, %gather3A_660 : vector<16xf32>
        %swap3A_730 = arith.index_cast %add3A_664 : i32 to index
        %swap3A_731 = arith.constant 96 : index
        %swap3A_732 = tpu.vector_load %arg16[%swap3A_730, %swap3A_731] {strides = array<i32>} : memref<48x128xf32, #tpu.memory_space<vmem>>, vector<1x16xf32>,
        %swap3A_733 = vector.shape_cast %swap3A_732 : vector<1x16xf32> to vector<16xf32>
        %swap3A_734 = vector.shape_cast %mul3A_729 : vector<16xf32> to vector<1x16xf32>
        tpu.vector_store %arg16[%swap3A_730, %swap3A_731], %swap3A_734 {strides = array<i32>} : memref<48x128xf32, #tpu.memory_space<vmem>>, vector<1x16xf32>,
        %get3A_735 = arith.index_cast %add3A_664 : i32 to index
        %get3A_736 = arith.constant 112 : index
        %get3A_737 = tpu.vector_load %arg16[%get3A_735, %get3A_736] {strides = array<i32>} : memref<48x128xf32, #tpu.memory_space<vmem>>, vector<1x16xf32>,
        %get3A_738 = vector.shape_cast %get3A_737 : vector<1x16xf32> to vector<16xf32>
        %mul3A_739 = arith.mulf %get3A_738, %gather3A_660 : vector<16xf32>
        %swap3A_740 = arith.index_cast %add3A_664 : i32 to index
        %swap3A_741 = arith.constant 112 : index
        %swap3A_742 = tpu.vector_load %arg16[%swap3A_740, %swap3A_741] {strides = array<i32>} : memref<48x128xf32, #tpu.memory_space<vmem>>, vector<1x16xf32>,
        %swap3A_743 = vector.shape_cast %swap3A_742 : vector<1x16xf32> to vector<16xf32>
        %swap3A_744 = vector.shape_cast %mul3A_739 : vector<16xf32> to vector<1x16xf32>
        tpu.vector_store %arg16[%swap3A_740, %swap3A_741], %swap3A_744 {strides = array<i32>} : memref<48x128xf32, #tpu.memory_space<vmem>>, vector<1x16xf32>,
        %broadcast_in_dim3A_745 = arith.constant 6 : i32
        %broadcast_in_dim3A_746 = vector.broadcast %broadcast_in_dim3A_745 : i32 to vector<16x1xi32>
        %gather3A_747 = vector.shape_cast %broadcast_in_dim3A_746 : vector<16x1xi32> to vector<16xi32>
        %gather3A_748 = tpu.dynamic_gather %get3A_218[%gather3A_747] in [0] : vector<16xf32>, vector<16xi32> -> vector<16xf32>
        %mul3A_749 = arith.constant 16 : i32
        %mul3A_750 = arith.muli %scan3A_212, %mul3A_749 : i32
        %add3A_751 = arith.constant 6 : i32
        %add3A_752 = arith.addi %mul3A_750, %add3A_751 : i32
        %get3A_753 = arith.index_cast %add3A_752 : i32 to index
        %get3A_754 = arith.constant 0 : index
        %get3A_755 = tpu.vector_load %arg16[%get3A_753, %get3A_754] {strides = array<i32>} : memref<48x128xf32, #tpu.memory_space<vmem>>, vector<1x16xf32>,
        %get3A_756 = vector.shape_cast %get3A_755 : vector<1x16xf32> to vector<16xf32>
        %mul3A_757 = arith.mulf %get3A_756, %gather3A_748 : vector<16xf32>
        %swap3A_758 = arith.index_cast %add3A_752 : i32 to index
        %swap3A_759 = arith.constant 0 : index
        %swap3A_760 = tpu.vector_load %arg16[%swap3A_758, %swap3A_759] {strides = array<i32>} : memref<48x128xf32, #tpu.memory_space<vmem>>, vector<1x16xf32>,
        %swap3A_761 = vector.shape_cast %swap3A_760 : vector<1x16xf32> to vector<16xf32>
        %swap3A_762 = vector.shape_cast %mul3A_757 : vector<16xf32> to vector<1x16xf32>
        tpu.vector_store %arg16[%swap3A_758, %swap3A_759], %swap3A_762 {strides = array<i32>} : memref<48x128xf32, #tpu.memory_space<vmem>>, vector<1x16xf32>,
        %get3A_763 = arith.index_cast %add3A_752 : i32 to index
        %get3A_764 = arith.constant 16 : index
        %get3A_765 = tpu.vector_load %arg16[%get3A_763, %get3A_764] {strides = array<i32>} : memref<48x128xf32, #tpu.memory_space<vmem>>, vector<1x16xf32>,
        %get3A_766 = vector.shape_cast %get3A_765 : vector<1x16xf32> to vector<16xf32>
        %mul3A_767 = arith.mulf %get3A_766, %gather3A_748 : vector<16xf32>
        %swap3A_768 = arith.index_cast %add3A_752 : i32 to index
        %swap3A_769 = arith.constant 16 : index
        %swap3A_770 = tpu.vector_load %arg16[%swap3A_768, %swap3A_769] {strides = array<i32>} : memref<48x128xf32, #tpu.memory_space<vmem>>, vector<1x16xf32>,
        %swap3A_771 = vector.shape_cast %swap3A_770 : vector<1x16xf32> to vector<16xf32>
        %swap3A_772 = vector.shape_cast %mul3A_767 : vector<16xf32> to vector<1x16xf32>
        tpu.vector_store %arg16[%swap3A_768, %swap3A_769], %swap3A_772 {strides = array<i32>} : memref<48x128xf32, #tpu.memory_space<vmem>>, vector<1x16xf32>,
        %get3A_773 = arith.index_cast %add3A_752 : i32 to index
        %get3A_774 = arith.constant 32 : index
        %get3A_775 = tpu.vector_load %arg16[%get3A_773, %get3A_774] {strides = array<i32>} : memref<48x128xf32, #tpu.memory_space<vmem>>, vector<1x16xf32>,
        %get3A_776 = vector.shape_cast %get3A_775 : vector<1x16xf32> to vector<16xf32>
        %mul3A_777 = arith.mulf %get3A_776, %gather3A_748 : vector<16xf32>
        %swap3A_778 = arith.index_cast %add3A_752 : i32 to index
        %swap3A_779 = arith.constant 32 : index
        %swap3A_780 = tpu.vector_load %arg16[%swap3A_778, %swap3A_779] {strides = array<i32>} : memref<48x128xf32, #tpu.memory_space<vmem>>, vector<1x16xf32>,
        %swap3A_781 = vector.shape_cast %swap3A_780 : vector<1x16xf32> to vector<16xf32>
        %swap3A_782 = vector.shape_cast %mul3A_777 : vector<16xf32> to vector<1x16xf32>
        tpu.vector_store %arg16[%swap3A_778, %swap3A_779], %swap3A_782 {strides = array<i32>} : memref<48x128xf32, #tpu.memory_space<vmem>>, vector<1x16xf32>,
        %get3A_783 = arith.index_cast %add3A_752 : i32 to index
        %get3A_784 = arith.constant 48 : index
        %get3A_785 = tpu.vector_load %arg16[%get3A_783, %get3A_784] {strides = array<i32>} : memref<48x128xf32, #tpu.memory_space<vmem>>, vector<1x16xf32>,
        %get3A_786 = vector.shape_cast %get3A_785 : vector<1x16xf32> to vector<16xf32>
        %mul3A_787 = arith.mulf %get3A_786, %gather3A_748 : vector<16xf32>
        %swap3A_788 = arith.index_cast %add3A_752 : i32 to index
        %swap3A_789 = arith.constant 48 : index
        %swap3A_790 = tpu.vector_load %arg16[%swap3A_788, %swap3A_789] {strides = array<i32>} : memref<48x128xf32, #tpu.memory_space<vmem>>, vector<1x16xf32>,
        %swap3A_791 = vector.shape_cast %swap3A_790 : vector<1x16xf32> to vector<16xf32>
        %swap3A_792 = vector.shape_cast %mul3A_787 : vector<16xf32> to vector<1x16xf32>
        tpu.vector_store %arg16[%swap3A_788, %swap3A_789], %swap3A_792 {strides = array<i32>} : memref<48x128xf32, #tpu.memory_space<vmem>>, vector<1x16xf32>,
        %get3A_793 = arith.index_cast %add3A_752 : i32 to index
        %get3A_794 = arith.constant 64 : index
        %get3A_795 = tpu.vector_load %arg16[%get3A_793, %get3A_794] {strides = array<i32>} : memref<48x128xf32, #tpu.memory_space<vmem>>, vector<1x16xf32>,
        %get3A_796 = vector.shape_cast %get3A_795 : vector<1x16xf32> to vector<16xf32>
        %mul3A_797 = arith.mulf %get3A_796, %gather3A_748 : vector<16xf32>
        %swap3A_798 = arith.index_cast %add3A_752 : i32 to index
        %swap3A_799 = arith.constant 64 : index
        %swap3A_800 = tpu.vector_load %arg16[%swap3A_798, %swap3A_799] {strides = array<i32>} : memref<48x128xf32, #tpu.memory_space<vmem>>, vector<1x16xf32>,
        %swap3A_801 = vector.shape_cast %swap3A_800 : vector<1x16xf32> to vector<16xf32>
        %swap3A_802 = vector.shape_cast %mul3A_797 : vector<16xf32> to vector<1x16xf32>
        tpu.vector_store %arg16[%swap3A_798, %swap3A_799], %swap3A_802 {strides = array<i32>} : memref<48x128xf32, #tpu.memory_space<vmem>>, vector<1x16xf32>,
        %get3A_803 = arith.index_cast %add3A_752 : i32 to index
        %get3A_804 = arith.constant 80 : index
        %get3A_805 = tpu.vector_load %arg16[%get3A_803, %get3A_804] {strides = array<i32>} : memref<48x128xf32, #tpu.memory_space<vmem>>, vector<1x16xf32>,
        %get3A_806 = vector.shape_cast %get3A_805 : vector<1x16xf32> to vector<16xf32>
        %mul3A_807 = arith.mulf %get3A_806, %gather3A_748 : vector<16xf32>
        %swap3A_808 = arith.index_cast %add3A_752 : i32 to index
        %swap3A_809 = arith.constant 80 : index
        %swap3A_810 = tpu.vector_load %arg16[%swap3A_808, %swap3A_809] {strides = array<i32>} : memref<48x128xf32, #tpu.memory_space<vmem>>, vector<1x16xf32>,
        %swap3A_811 = vector.shape_cast %swap3A_810 : vector<1x16xf32> to vector<16xf32>
        %swap3A_812 = vector.shape_cast %mul3A_807 : vector<16xf32> to vector<1x16xf32>
        tpu.vector_store %arg16[%swap3A_808, %swap3A_809], %swap3A_812 {strides = array<i32>} : memref<48x128xf32, #tpu.memory_space<vmem>>, vector<1x16xf32>,
        %get3A_813 = arith.index_cast %add3A_752 : i32 to index
        %get3A_814 = arith.constant 96 : index
        %get3A_815 = tpu.vector_load %arg16[%get3A_813, %get3A_814] {strides = array<i32>} : memref<48x128xf32, #tpu.memory_space<vmem>>, vector<1x16xf32>,
        %get3A_816 = vector.shape_cast %get3A_815 : vector<1x16xf32> to vector<16xf32>
        %mul3A_817 = arith.mulf %get3A_816, %gather3A_748 : vector<16xf32>
        %swap3A_818 = arith.index_cast %add3A_752 : i32 to index
        %swap3A_819 = arith.constant 96 : index
        %swap3A_820 = tpu.vector_load %arg16[%swap3A_818, %swap3A_819] {strides = array<i32>} : memref<48x128xf32, #tpu.memory_space<vmem>>, vector<1x16xf32>,
        %swap3A_821 = vector.shape_cast %swap3A_820 : vector<1x16xf32> to vector<16xf32>
        %swap3A_822 = vector.shape_cast %mul3A_817 : vector<16xf32> to vector<1x16xf32>
        tpu.vector_store %arg16[%swap3A_818, %swap3A_819], %swap3A_822 {strides = array<i32>} : memref<48x128xf32, #tpu.memory_space<vmem>>, vector<1x16xf32>,
        %get3A_823 = arith.index_cast %add3A_752 : i32 to index
        %get3A_824 = arith.constant 112 : index
        %get3A_825 = tpu.vector_load %arg16[%get3A_823, %get3A_824] {strides = array<i32>} : memref<48x128xf32, #tpu.memory_space<vmem>>, vector<1x16xf32>,
        %get3A_826 = vector.shape_cast %get3A_825 : vector<1x16xf32> to vector<16xf32>
        %mul3A_827 = arith.mulf %get3A_826, %gather3A_748 : vector<16xf32>
        %swap3A_828 = arith.index_cast %add3A_752 : i32 to index
        %swap3A_829 = arith.constant 112 : index
        %swap3A_830 = tpu.vector_load %arg16[%swap3A_828, %swap3A_829] {strides = array<i32>} : memref<48x128xf32, #tpu.memory_space<vmem>>, vector<1x16xf32>,
        %swap3A_831 = vector.shape_cast %swap3A_830 : vector<1x16xf32> to vector<16xf32>
        %swap3A_832 = vector.shape_cast %mul3A_827 : vector<16xf32> to vector<1x16xf32>
        tpu.vector_store %arg16[%swap3A_828, %swap3A_829], %swap3A_832 {strides = array<i32>} : memref<48x128xf32, #tpu.memory_space<vmem>>, vector<1x16xf32>,
        %broadcast_in_dim3A_833 = arith.constant 7 : i32
        %broadcast_in_dim3A_834 = vector.broadcast %broadcast_in_dim3A_833 : i32 to vector<16x1xi32>
        %gather3A_835 = vector.shape_cast %broadcast_in_dim3A_834 : vector<16x1xi32> to vector<16xi32>
        %gather3A_836 = tpu.dynamic_gather %get3A_218[%gather3A_835] in [0] : vector<16xf32>, vector<16xi32> -> vector<16xf32>
        %mul3A_837 = arith.constant 16 : i32
        %mul3A_838 = arith.muli %scan3A_212, %mul3A_837 : i32
        %add3A_839 = arith.constant 7 : i32
        %add3A_840 = arith.addi %mul3A_838, %add3A_839 : i32
        %get3A_841 = arith.index_cast %add3A_840 : i32 to index
        %get3A_842 = arith.constant 0 : index
        %get3A_843 = tpu.vector_load %arg16[%get3A_841, %get3A_842] {strides = array<i32>} : memref<48x128xf32, #tpu.memory_space<vmem>>, vector<1x16xf32>,
        %get3A_844 = vector.shape_cast %get3A_843 : vector<1x16xf32> to vector<16xf32>
        %mul3A_845 = arith.mulf %get3A_844, %gather3A_836 : vector<16xf32>
        %swap3A_846 = arith.index_cast %add3A_840 : i32 to index
        %swap3A_847 = arith.constant 0 : index
        %swap3A_848 = tpu.vector_load %arg16[%swap3A_846, %swap3A_847] {strides = array<i32>} : memref<48x128xf32, #tpu.memory_space<vmem>>, vector<1x16xf32>,
        %swap3A_849 = vector.shape_cast %swap3A_848 : vector<1x16xf32> to vector<16xf32>
        %swap3A_850 = vector.shape_cast %mul3A_845 : vector<16xf32> to vector<1x16xf32>
        tpu.vector_store %arg16[%swap3A_846, %swap3A_847], %swap3A_850 {strides = array<i32>} : memref<48x128xf32, #tpu.memory_space<vmem>>, vector<1x16xf32>,
        %get3A_851 = arith.index_cast %add3A_840 : i32 to index
        %get3A_852 = arith.constant 16 : index
        %get3A_853 = tpu.vector_load %arg16[%get3A_851, %get3A_852] {strides = array<i32>} : memref<48x128xf32, #tpu.memory_space<vmem>>, vector<1x16xf32>,
        %get3A_854 = vector.shape_cast %get3A_853 : vector<1x16xf32> to vector<16xf32>
        %mul3A_855 = arith.mulf %get3A_854, %gather3A_836 : vector<16xf32>
        %swap3A_856 = arith.index_cast %add3A_840 : i32 to index
        %swap3A_857 = arith.constant 16 : index
        %swap3A_858 = tpu.vector_load %arg16[%swap3A_856, %swap3A_857] {strides = array<i32>} : memref<48x128xf32, #tpu.memory_space<vmem>>, vector<1x16xf32>,
        %swap3A_859 = vector.shape_cast %swap3A_858 : vector<1x16xf32> to vector<16xf32>
        %swap3A_860 = vector.shape_cast %mul3A_855 : vector<16xf32> to vector<1x16xf32>
        tpu.vector_store %arg16[%swap3A_856, %swap3A_857], %swap3A_860 {strides = array<i32>} : memref<48x128xf32, #tpu.memory_space<vmem>>, vector<1x16xf32>,
        %get3A_861 = arith.index_cast %add3A_840 : i32 to index
        %get3A_862 = arith.constant 32 : index
        %get3A_863 = tpu.vector_load %arg16[%get3A_861, %get3A_862] {strides = array<i32>} : memref<48x128xf32, #tpu.memory_space<vmem>>, vector<1x16xf32>,
        %get3A_864 = vector.shape_cast %get3A_863 : vector<1x16xf32> to vector<16xf32>
        %mul3A_865 = arith.mulf %get3A_864, %gather3A_836 : vector<16xf32>
        %swap3A_866 = arith.index_cast %add3A_840 : i32 to index
        %swap3A_867 = arith.constant 32 : index
        %swap3A_868 = tpu.vector_load %arg16[%swap3A_866, %swap3A_867] {strides = array<i32>} : memref<48x128xf32, #tpu.memory_space<vmem>>, vector<1x16xf32>,
        %swap3A_869 = vector.shape_cast %swap3A_868 : vector<1x16xf32> to vector<16xf32>
        %swap3A_870 = vector.shape_cast %mul3A_865 : vector<16xf32> to vector<1x16xf32>
        tpu.vector_store %arg16[%swap3A_866, %swap3A_867], %swap3A_870 {strides = array<i32>} : memref<48x128xf32, #tpu.memory_space<vmem>>, vector<1x16xf32>,
        %get3A_871 = arith.index_cast %add3A_840 : i32 to index
        %get3A_872 = arith.constant 48 : index
        %get3A_873 = tpu.vector_load %arg16[%get3A_871, %get3A_872] {strides = array<i32>} : memref<48x128xf32, #tpu.memory_space<vmem>>, vector<1x16xf32>,
        %get3A_874 = vector.shape_cast %get3A_873 : vector<1x16xf32> to vector<16xf32>
        %mul3A_875 = arith.mulf %get3A_874, %gather3A_836 : vector<16xf32>
        %swap3A_876 = arith.index_cast %add3A_840 : i32 to index
        %swap3A_877 = arith.constant 48 : index
        %swap3A_878 = tpu.vector_load %arg16[%swap3A_876, %swap3A_877] {strides = array<i32>} : memref<48x128xf32, #tpu.memory_space<vmem>>, vector<1x16xf32>,
        %swap3A_879 = vector.shape_cast %swap3A_878 : vector<1x16xf32> to vector<16xf32>
        %swap3A_880 = vector.shape_cast %mul3A_875 : vector<16xf32> to vector<1x16xf32>
        tpu.vector_store %arg16[%swap3A_876, %swap3A_877], %swap3A_880 {strides = array<i32>} : memref<48x128xf32, #tpu.memory_space<vmem>>, vector<1x16xf32>,
        %get3A_881 = arith.index_cast %add3A_840 : i32 to index
        %get3A_882 = arith.constant 64 : index
        %get3A_883 = tpu.vector_load %arg16[%get3A_881, %get3A_882] {strides = array<i32>} : memref<48x128xf32, #tpu.memory_space<vmem>>, vector<1x16xf32>,
        %get3A_884 = vector.shape_cast %get3A_883 : vector<1x16xf32> to vector<16xf32>
        %mul3A_885 = arith.mulf %get3A_884, %gather3A_836 : vector<16xf32>
        %swap3A_886 = arith.index_cast %add3A_840 : i32 to index
        %swap3A_887 = arith.constant 64 : index
        %swap3A_888 = tpu.vector_load %arg16[%swap3A_886, %swap3A_887] {strides = array<i32>} : memref<48x128xf32, #tpu.memory_space<vmem>>, vector<1x16xf32>,
        %swap3A_889 = vector.shape_cast %swap3A_888 : vector<1x16xf32> to vector<16xf32>
        %swap3A_890 = vector.shape_cast %mul3A_885 : vector<16xf32> to vector<1x16xf32>
        tpu.vector_store %arg16[%swap3A_886, %swap3A_887], %swap3A_890 {strides = array<i32>} : memref<48x128xf32, #tpu.memory_space<vmem>>, vector<1x16xf32>,
        %get3A_891 = arith.index_cast %add3A_840 : i32 to index
        %get3A_892 = arith.constant 80 : index
        %get3A_893 = tpu.vector_load %arg16[%get3A_891, %get3A_892] {strides = array<i32>} : memref<48x128xf32, #tpu.memory_space<vmem>>, vector<1x16xf32>,
        %get3A_894 = vector.shape_cast %get3A_893 : vector<1x16xf32> to vector<16xf32>
        %mul3A_895 = arith.mulf %get3A_894, %gather3A_836 : vector<16xf32>
        %swap3A_896 = arith.index_cast %add3A_840 : i32 to index
        %swap3A_897 = arith.constant 80 : index
        %swap3A_898 = tpu.vector_load %arg16[%swap3A_896, %swap3A_897] {strides = array<i32>} : memref<48x128xf32, #tpu.memory_space<vmem>>, vector<1x16xf32>,
        %swap3A_899 = vector.shape_cast %swap3A_898 : vector<1x16xf32> to vector<16xf32>
        %swap3A_900 = vector.shape_cast %mul3A_895 : vector<16xf32> to vector<1x16xf32>
        tpu.vector_store %arg16[%swap3A_896, %swap3A_897], %swap3A_900 {strides = array<i32>} : memref<48x128xf32, #tpu.memory_space<vmem>>, vector<1x16xf32>,
        %get3A_901 = arith.index_cast %add3A_840 : i32 to index
        %get3A_902 = arith.constant 96 : index
        %get3A_903 = tpu.vector_load %arg16[%get3A_901, %get3A_902] {strides = array<i32>} : memref<48x128xf32, #tpu.memory_space<vmem>>, vector<1x16xf32>,
        %get3A_904 = vector.shape_cast %get3A_903 : vector<1x16xf32> to vector<16xf32>
        %mul3A_905 = arith.mulf %get3A_904, %gather3A_836 : vector<16xf32>
        %swap3A_906 = arith.index_cast %add3A_840 : i32 to index
        %swap3A_907 = arith.constant 96 : index
        %swap3A_908 = tpu.vector_load %arg16[%swap3A_906, %swap3A_907] {strides = array<i32>} : memref<48x128xf32, #tpu.memory_space<vmem>>, vector<1x16xf32>,
        %swap3A_909 = vector.shape_cast %swap3A_908 : vector<1x16xf32> to vector<16xf32>
        %swap3A_910 = vector.shape_cast %mul3A_905 : vector<16xf32> to vector<1x16xf32>
        tpu.vector_store %arg16[%swap3A_906, %swap3A_907], %swap3A_910 {strides = array<i32>} : memref<48x128xf32, #tpu.memory_space<vmem>>, vector<1x16xf32>,
        %get3A_911 = arith.index_cast %add3A_840 : i32 to index
        %get3A_912 = arith.constant 112 : index
        %get3A_913 = tpu.vector_load %arg16[%get3A_911, %get3A_912] {strides = array<i32>} : memref<48x128xf32, #tpu.memory_space<vmem>>, vector<1x16xf32>,
        %get3A_914 = vector.shape_cast %get3A_913 : vector<1x16xf32> to vector<16xf32>
        %mul3A_915 = arith.mulf %get3A_914, %gather3A_836 : vector<16xf32>
        %swap3A_916 = arith.index_cast %add3A_840 : i32 to index
        %swap3A_917 = arith.constant 112 : index
        %swap3A_918 = tpu.vector_load %arg16[%swap3A_916, %swap3A_917] {strides = array<i32>} : memref<48x128xf32, #tpu.memory_space<vmem>>, vector<1x16xf32>,
        %swap3A_919 = vector.shape_cast %swap3A_918 : vector<1x16xf32> to vector<16xf32>
        %swap3A_920 = vector.shape_cast %mul3A_915 : vector<16xf32> to vector<1x16xf32>
        tpu.vector_store %arg16[%swap3A_916, %swap3A_917], %swap3A_920 {strides = array<i32>} : memref<48x128xf32, #tpu.memory_space<vmem>>, vector<1x16xf32>,
        %broadcast_in_dim3A_921 = arith.constant 8 : i32
        %broadcast_in_dim3A_922 = vector.broadcast %broadcast_in_dim3A_921 : i32 to vector<16x1xi32>
        %gather3A_923 = vector.shape_cast %broadcast_in_dim3A_922 : vector<16x1xi32> to vector<16xi32>
        %gather3A_924 = tpu.dynamic_gather %get3A_218[%gather3A_923] in [0] : vector<16xf32>, vector<16xi32> -> vector<16xf32>
        %mul3A_925 = arith.constant 16 : i32
        %mul3A_926 = arith.muli %scan3A_212, %mul3A_925 : i32
        %add3A_927 = arith.constant 8 : i32
        %add3A_928 = arith.addi %mul3A_926, %add3A_927 : i32
        %get3A_929 = arith.index_cast %add3A_928 : i32 to index
        %get3A_930 = arith.constant 0 : index
        %get3A_931 = tpu.vector_load %arg16[%get3A_929, %get3A_930] {strides = array<i32>} : memref<48x128xf32, #tpu.memory_space<vmem>>, vector<1x16xf32>,
        %get3A_932 = vector.shape_cast %get3A_931 : vector<1x16xf32> to vector<16xf32>
        %mul3A_933 = arith.mulf %get3A_932, %gather3A_924 : vector<16xf32>
        %swap3A_934 = arith.index_cast %add3A_928 : i32 to index
        %swap3A_935 = arith.constant 0 : index
        %swap3A_936 = tpu.vector_load %arg16[%swap3A_934, %swap3A_935] {strides = array<i32>} : memref<48x128xf32, #tpu.memory_space<vmem>>, vector<1x16xf32>,
        %swap3A_937 = vector.shape_cast %swap3A_936 : vector<1x16xf32> to vector<16xf32>
        %swap3A_938 = vector.shape_cast %mul3A_933 : vector<16xf32> to vector<1x16xf32>
        tpu.vector_store %arg16[%swap3A_934, %swap3A_935], %swap3A_938 {strides = array<i32>} : memref<48x128xf32, #tpu.memory_space<vmem>>, vector<1x16xf32>,
        %get3A_939 = arith.index_cast %add3A_928 : i32 to index
        %get3A_940 = arith.constant 16 : index
        %get3A_941 = tpu.vector_load %arg16[%get3A_939, %get3A_940] {strides = array<i32>} : memref<48x128xf32, #tpu.memory_space<vmem>>, vector<1x16xf32>,
        %get3A_942 = vector.shape_cast %get3A_941 : vector<1x16xf32> to vector<16xf32>
        %mul3A_943 = arith.mulf %get3A_942, %gather3A_924 : vector<16xf32>
        %swap3A_944 = arith.index_cast %add3A_928 : i32 to index
        %swap3A_945 = arith.constant 16 : index
        %swap3A_946 = tpu.vector_load %arg16[%swap3A_944, %swap3A_945] {strides = array<i32>} : memref<48x128xf32, #tpu.memory_space<vmem>>, vector<1x16xf32>,
        %swap3A_947 = vector.shape_cast %swap3A_946 : vector<1x16xf32> to vector<16xf32>
        %swap3A_948 = vector.shape_cast %mul3A_943 : vector<16xf32> to vector<1x16xf32>
        tpu.vector_store %arg16[%swap3A_944, %swap3A_945], %swap3A_948 {strides = array<i32>} : memref<48x128xf32, #tpu.memory_space<vmem>>, vector<1x16xf32>,
        %get3A_949 = arith.index_cast %add3A_928 : i32 to index
        %get3A_950 = arith.constant 32 : index
        %get3A_951 = tpu.vector_load %arg16[%get3A_949, %get3A_950] {strides = array<i32>} : memref<48x128xf32, #tpu.memory_space<vmem>>, vector<1x16xf32>,
        %get3A_952 = vector.shape_cast %get3A_951 : vector<1x16xf32> to vector<16xf32>
        %mul3A_953 = arith.mulf %get3A_952, %gather3A_924 : vector<16xf32>
        %swap3A_954 = arith.index_cast %add3A_928 : i32 to index
        %swap3A_955 = arith.constant 32 : index
        %swap3A_956 = tpu.vector_load %arg16[%swap3A_954, %swap3A_955] {strides = array<i32>} : memref<48x128xf32, #tpu.memory_space<vmem>>, vector<1x16xf32>,
        %swap3A_957 = vector.shape_cast %swap3A_956 : vector<1x16xf32> to vector<16xf32>
        %swap3A_958 = vector.shape_cast %mul3A_953 : vector<16xf32> to vector<1x16xf32>
        tpu.vector_store %arg16[%swap3A_954, %swap3A_955], %swap3A_958 {strides = array<i32>} : memref<48x128xf32, #tpu.memory_space<vmem>>, vector<1x16xf32>,
        %get3A_959 = arith.index_cast %add3A_928 : i32 to index
        %get3A_960 = arith.constant 48 : index
        %get3A_961 = tpu.vector_load %arg16[%get3A_959, %get3A_960] {strides = array<i32>} : memref<48x128xf32, #tpu.memory_space<vmem>>, vector<1x16xf32>,
        %get3A_962 = vector.shape_cast %get3A_961 : vector<1x16xf32> to vector<16xf32>
        %mul3A_963 = arith.mulf %get3A_962, %gather3A_924 : vector<16xf32>
        %swap3A_964 = arith.index_cast %add3A_928 : i32 to index
        %swap3A_965 = arith.constant 48 : index
        %swap3A_966 = tpu.vector_load %arg16[%swap3A_964, %swap3A_965] {strides = array<i32>} : memref<48x128xf32, #tpu.memory_space<vmem>>, vector<1x16xf32>,
        %swap3A_967 = vector.shape_cast %swap3A_966 : vector<1x16xf32> to vector<16xf32>
        %swap3A_968 = vector.shape_cast %mul3A_963 : vector<16xf32> to vector<1x16xf32>
        tpu.vector_store %arg16[%swap3A_964, %swap3A_965], %swap3A_968 {strides = array<i32>} : memref<48x128xf32, #tpu.memory_space<vmem>>, vector<1x16xf32>,
        %get3A_969 = arith.index_cast %add3A_928 : i32 to index
        %get3A_970 = arith.constant 64 : index
        %get3A_971 = tpu.vector_load %arg16[%get3A_969, %get3A_970] {strides = array<i32>} : memref<48x128xf32, #tpu.memory_space<vmem>>, vector<1x16xf32>,
        %get3A_972 = vector.shape_cast %get3A_971 : vector<1x16xf32> to vector<16xf32>
        %mul3A_973 = arith.mulf %get3A_972, %gather3A_924 : vector<16xf32>
        %swap3A_974 = arith.index_cast %add3A_928 : i32 to index
        %swap3A_975 = arith.constant 64 : index
        %swap3A_976 = tpu.vector_load %arg16[%swap3A_974, %swap3A_975] {strides = array<i32>} : memref<48x128xf32, #tpu.memory_space<vmem>>, vector<1x16xf32>,
        %swap3A_977 = vector.shape_cast %swap3A_976 : vector<1x16xf32> to vector<16xf32>
        %swap3A_978 = vector.shape_cast %mul3A_973 : vector<16xf32> to vector<1x16xf32>
        tpu.vector_store %arg16[%swap3A_974, %swap3A_975], %swap3A_978 {strides = array<i32>} : memref<48x128xf32, #tpu.memory_space<vmem>>, vector<1x16xf32>,
        %get3A_979 = arith.index_cast %add3A_928 : i32 to index
        %get3A_980 = arith.constant 80 : index
        %get3A_981 = tpu.vector_load %arg16[%get3A_979, %get3A_980] {strides = array<i32>} : memref<48x128xf32, #tpu.memory_space<vmem>>, vector<1x16xf32>,
        %get3A_982 = vector.shape_cast %get3A_981 : vector<1x16xf32> to vector<16xf32>
        %mul3A_983 = arith.mulf %get3A_982, %gather3A_924 : vector<16xf32>
        %swap3A_984 = arith.index_cast %add3A_928 : i32 to index
        %swap3A_985 = arith.constant 80 : index
        %swap3A_986 = tpu.vector_load %arg16[%swap3A_984, %swap3A_985] {strides = array<i32>} : memref<48x128xf32, #tpu.memory_space<vmem>>, vector<1x16xf32>,
        %swap3A_987 = vector.shape_cast %swap3A_986 : vector<1x16xf32> to vector<16xf32>
        %swap3A_988 = vector.shape_cast %mul3A_983 : vector<16xf32> to vector<1x16xf32>
        tpu.vector_store %arg16[%swap3A_984, %swap3A_985], %swap3A_988 {strides = array<i32>} : memref<48x128xf32, #tpu.memory_space<vmem>>, vector<1x16xf32>,
        %get3A_989 = arith.index_cast %add3A_928 : i32 to index
        %get3A_990 = arith.constant 96 : index
        %get3A_991 = tpu.vector_load %arg16[%get3A_989, %get3A_990] {strides = array<i32>} : memref<48x128xf32, #tpu.memory_space<vmem>>, vector<1x16xf32>,
        %get3A_992 = vector.shape_cast %get3A_991 : vector<1x16xf32> to vector<16xf32>
        %mul3A_993 = arith.mulf %get3A_992, %gather3A_924 : vector<16xf32>
        %swap3A_994 = arith.index_cast %add3A_928 : i32 to index
        %swap3A_995 = arith.constant 96 : index
        %swap3A_996 = tpu.vector_load %arg16[%swap3A_994, %swap3A_995] {strides = array<i32>} : memref<48x128xf32, #tpu.memory_space<vmem>>, vector<1x16xf32>,
        %swap3A_997 = vector.shape_cast %swap3A_996 : vector<1x16xf32> to vector<16xf32>
        %swap3A_998 = vector.shape_cast %mul3A_993 : vector<16xf32> to vector<1x16xf32>
        tpu.vector_store %arg16[%swap3A_994, %swap3A_995], %swap3A_998 {strides = array<i32>} : memref<48x128xf32, #tpu.memory_space<vmem>>, vector<1x16xf32>,
        %get3A_999 = arith.index_cast %add3A_928 : i32 to index
        %get3A_1000 = arith.constant 112 : index
        %get3A_1001 = tpu.vector_load %arg16[%get3A_999, %get3A_1000] {strides = array<i32>} : memref<48x128xf32, #tpu.memory_space<vmem>>, vector<1x16xf32>,
        %get3A_1002 = vector.shape_cast %get3A_1001 : vector<1x16xf32> to vector<16xf32>
        %mul3A_1003 = arith.mulf %get3A_1002, %gather3A_924 : vector<16xf32>
        %swap3A_1004 = arith.index_cast %add3A_928 : i32 to index
        %swap3A_1005 = arith.constant 112 : index
        %swap3A_1006 = tpu.vector_load %arg16[%swap3A_1004, %swap3A_1005] {strides = array<i32>} : memref<48x128xf32, #tpu.memory_space<vmem>>, vector<1x16xf32>,
        %swap3A_1007 = vector.shape_cast %swap3A_1006 : vector<1x16xf32> to vector<16xf32>
        %swap3A_1008 = vector.shape_cast %mul3A_1003 : vector<16xf32> to vector<1x16xf32>
        tpu.vector_store %arg16[%swap3A_1004, %swap3A_1005], %swap3A_1008 {strides = array<i32>} : memref<48x128xf32, #tpu.memory_space<vmem>>, vector<1x16xf32>,
        %broadcast_in_dim3A_1009 = arith.constant 9 : i32
        %broadcast_in_dim3A_1010 = vector.broadcast %broadcast_in_dim3A_1009 : i32 to vector<16x1xi32>
        %gather3A_1011 = vector.shape_cast %broadcast_in_dim3A_1010 : vector<16x1xi32> to vector<16xi32>
        %gather3A_1012 = tpu.dynamic_gather %get3A_218[%gather3A_1011] in [0] : vector<16xf32>, vector<16xi32> -> vector<16xf32>
        %mul3A_1013 = arith.constant 16 : i32
        %mul3A_1014 = arith.muli %scan3A_212, %mul3A_1013 : i32
        %add3A_1015 = arith.constant 9 : i32
        %add3A_1016 = arith.addi %mul3A_1014, %add3A_1015 : i32
        %get3A_1017 = arith.index_cast %add3A_1016 : i32 to index
        %get3A_1018 = arith.constant 0 : index
        %get3A_1019 = tpu.vector_load %arg16[%get3A_1017, %get3A_1018] {strides = array<i32>} : memref<48x128xf32, #tpu.memory_space<vmem>>, vector<1x16xf32>,
        %get3A_1020 = vector.shape_cast %get3A_1019 : vector<1x16xf32> to vector<16xf32>
        %mul3A_1021 = arith.mulf %get3A_1020, %gather3A_1012 : vector<16xf32>
        %swap3A_1022 = arith.index_cast %add3A_1016 : i32 to index
        %swap3A_1023 = arith.constant 0 : index
        %swap3A_1024 = tpu.vector_load %arg16[%swap3A_1022, %swap3A_1023] {strides = array<i32>} : memref<48x128xf32, #tpu.memory_space<vmem>>, vector<1x16xf32>,
        %swap3A_1025 = vector.shape_cast %swap3A_1024 : vector<1x16xf32> to vector<16xf32>
        %swap3A_1026 = vector.shape_cast %mul3A_1021 : vector<16xf32> to vector<1x16xf32>
        tpu.vector_store %arg16[%swap3A_1022, %swap3A_1023], %swap3A_1026 {strides = array<i32>} : memref<48x128xf32, #tpu.memory_space<vmem>>, vector<1x16xf32>,
        %get3A_1027 = arith.index_cast %add3A_1016 : i32 to index
        %get3A_1028 = arith.constant 16 : index
        %get3A_1029 = tpu.vector_load %arg16[%get3A_1027, %get3A_1028] {strides = array<i32>} : memref<48x128xf32, #tpu.memory_space<vmem>>, vector<1x16xf32>,
        %get3A_1030 = vector.shape_cast %get3A_1029 : vector<1x16xf32> to vector<16xf32>
        %mul3A_1031 = arith.mulf %get3A_1030, %gather3A_1012 : vector<16xf32>
        %swap3A_1032 = arith.index_cast %add3A_1016 : i32 to index
        %swap3A_1033 = arith.constant 16 : index
        %swap3A_1034 = tpu.vector_load %arg16[%swap3A_1032, %swap3A_1033] {strides = array<i32>} : memref<48x128xf32, #tpu.memory_space<vmem>>, vector<1x16xf32>,
        %swap3A_1035 = vector.shape_cast %swap3A_1034 : vector<1x16xf32> to vector<16xf32>
        %swap3A_1036 = vector.shape_cast %mul3A_1031 : vector<16xf32> to vector<1x16xf32>
        tpu.vector_store %arg16[%swap3A_1032, %swap3A_1033], %swap3A_1036 {strides = array<i32>} : memref<48x128xf32, #tpu.memory_space<vmem>>, vector<1x16xf32>,
        %get3A_1037 = arith.index_cast %add3A_1016 : i32 to index
        %get3A_1038 = arith.constant 32 : index
        %get3A_1039 = tpu.vector_load %arg16[%get3A_1037, %get3A_1038] {strides = array<i32>} : memref<48x128xf32, #tpu.memory_space<vmem>>, vector<1x16xf32>,
        %get3A_1040 = vector.shape_cast %get3A_1039 : vector<1x16xf32> to vector<16xf32>
        %mul3A_1041 = arith.mulf %get3A_1040, %gather3A_1012 : vector<16xf32>
        %swap3A_1042 = arith.index_cast %add3A_1016 : i32 to index
        %swap3A_1043 = arith.constant 32 : index
        %swap3A_1044 = tpu.vector_load %arg16[%swap3A_1042, %swap3A_1043] {strides = array<i32>} : memref<48x128xf32, #tpu.memory_space<vmem>>, vector<1x16xf32>,
        %swap3A_1045 = vector.shape_cast %swap3A_1044 : vector<1x16xf32> to vector<16xf32>
        %swap3A_1046 = vector.shape_cast %mul3A_1041 : vector<16xf32> to vector<1x16xf32>
        tpu.vector_store %arg16[%swap3A_1042, %swap3A_1043], %swap3A_1046 {strides = array<i32>} : memref<48x128xf32, #tpu.memory_space<vmem>>, vector<1x16xf32>,
        %get3A_1047 = arith.index_cast %add3A_1016 : i32 to index
        %get3A_1048 = arith.constant 48 : index
        %get3A_1049 = tpu.vector_load %arg16[%get3A_1047, %get3A_1048] {strides = array<i32>} : memref<48x128xf32, #tpu.memory_space<vmem>>, vector<1x16xf32>,
        %get3A_1050 = vector.shape_cast %get3A_1049 : vector<1x16xf32> to vector<16xf32>
        %mul3A_1051 = arith.mulf %get3A_1050, %gather3A_1012 : vector<16xf32>
        %swap3A_1052 = arith.index_cast %add3A_1016 : i32 to index
        %swap3A_1053 = arith.constant 48 : index
        %swap3A_1054 = tpu.vector_load %arg16[%swap3A_1052, %swap3A_1053] {strides = array<i32>} : memref<48x128xf32, #tpu.memory_space<vmem>>, vector<1x16xf32>,
        %swap3A_1055 = vector.shape_cast %swap3A_1054 : vector<1x16xf32> to vector<16xf32>
        %swap3A_1056 = vector.shape_cast %mul3A_1051 : vector<16xf32> to vector<1x16xf32>
        tpu.vector_store %arg16[%swap3A_1052, %swap3A_1053], %swap3A_1056 {strides = array<i32>} : memref<48x128xf32, #tpu.memory_space<vmem>>, vector<1x16xf32>,
        %get3A_1057 = arith.index_cast %add3A_1016 : i32 to index
        %get3A_1058 = arith.constant 64 : index
        %get3A_1059 = tpu.vector_load %arg16[%get3A_1057, %get3A_1058] {strides = array<i32>} : memref<48x128xf32, #tpu.memory_space<vmem>>, vector<1x16xf32>,
        %get3A_1060 = vector.shape_cast %get3A_1059 : vector<1x16xf32> to vector<16xf32>
        %mul3A_1061 = arith.mulf %get3A_1060, %gather3A_1012 : vector<16xf32>
        %swap3A_1062 = arith.index_cast %add3A_1016 : i32 to index
        %swap3A_1063 = arith.constant 64 : index
        %swap3A_1064 = tpu.vector_load %arg16[%swap3A_1062, %swap3A_1063] {strides = array<i32>} : memref<48x128xf32, #tpu.memory_space<vmem>>, vector<1x16xf32>,
        %swap3A_1065 = vector.shape_cast %swap3A_1064 : vector<1x16xf32> to vector<16xf32>
        %swap3A_1066 = vector.shape_cast %mul3A_1061 : vector<16xf32> to vector<1x16xf32>
        tpu.vector_store %arg16[%swap3A_1062, %swap3A_1063], %swap3A_1066 {strides = array<i32>} : memref<48x128xf32, #tpu.memory_space<vmem>>, vector<1x16xf32>,
        %get3A_1067 = arith.index_cast %add3A_1016 : i32 to index
        %get3A_1068 = arith.constant 80 : index
        %get3A_1069 = tpu.vector_load %arg16[%get3A_1067, %get3A_1068] {strides = array<i32>} : memref<48x128xf32, #tpu.memory_space<vmem>>, vector<1x16xf32>,
        %get3A_1070 = vector.shape_cast %get3A_1069 : vector<1x16xf32> to vector<16xf32>
        %mul3A_1071 = arith.mulf %get3A_1070, %gather3A_1012 : vector<16xf32>
        %swap3A_1072 = arith.index_cast %add3A_1016 : i32 to index
        %swap3A_1073 = arith.constant 80 : index
        %swap3A_1074 = tpu.vector_load %arg16[%swap3A_1072, %swap3A_1073] {strides = array<i32>} : memref<48x128xf32, #tpu.memory_space<vmem>>, vector<1x16xf32>,
        %swap3A_1075 = vector.shape_cast %swap3A_1074 : vector<1x16xf32> to vector<16xf32>
        %swap3A_1076 = vector.shape_cast %mul3A_1071 : vector<16xf32> to vector<1x16xf32>
        tpu.vector_store %arg16[%swap3A_1072, %swap3A_1073], %swap3A_1076 {strides = array<i32>} : memref<48x128xf32, #tpu.memory_space<vmem>>, vector<1x16xf32>,
        %get3A_1077 = arith.index_cast %add3A_1016 : i32 to index
        %get3A_1078 = arith.constant 96 : index
        %get3A_1079 = tpu.vector_load %arg16[%get3A_1077, %get3A_1078] {strides = array<i32>} : memref<48x128xf32, #tpu.memory_space<vmem>>, vector<1x16xf32>,
        %get3A_1080 = vector.shape_cast %get3A_1079 : vector<1x16xf32> to vector<16xf32>
        %mul3A_1081 = arith.mulf %get3A_1080, %gather3A_1012 : vector<16xf32>
        %swap3A_1082 = arith.index_cast %add3A_1016 : i32 to index
        %swap3A_1083 = arith.constant 96 : index
        %swap3A_1084 = tpu.vector_load %arg16[%swap3A_1082, %swap3A_1083] {strides = array<i32>} : memref<48x128xf32, #tpu.memory_space<vmem>>, vector<1x16xf32>,
        %swap3A_1085 = vector.shape_cast %swap3A_1084 : vector<1x16xf32> to vector<16xf32>
        %swap3A_1086 = vector.shape_cast %mul3A_1081 : vector<16xf32> to vector<1x16xf32>
        tpu.vector_store %arg16[%swap3A_1082, %swap3A_1083], %swap3A_1086 {strides = array<i32>} : memref<48x128xf32, #tpu.memory_space<vmem>>, vector<1x16xf32>,
        %get3A_1087 = arith.index_cast %add3A_1016 : i32 to index
        %get3A_1088 = arith.constant 112 : index
        %get3A_1089 = tpu.vector_load %arg16[%get3A_1087, %get3A_1088] {strides = array<i32>} : memref<48x128xf32, #tpu.memory_space<vmem>>, vector<1x16xf32>,
        %get3A_1090 = vector.shape_cast %get3A_1089 : vector<1x16xf32> to vector<16xf32>
        %mul3A_1091 = arith.mulf %get3A_1090, %gather3A_1012 : vector<16xf32>
        %swap3A_1092 = arith.index_cast %add3A_1016 : i32 to index
        %swap3A_1093 = arith.constant 112 : index
        %swap3A_1094 = tpu.vector_load %arg16[%swap3A_1092, %swap3A_1093] {strides = array<i32>} : memref<48x128xf32, #tpu.memory_space<vmem>>, vector<1x16xf32>,
        %swap3A_1095 = vector.shape_cast %swap3A_1094 : vector<1x16xf32> to vector<16xf32>
        %swap3A_1096 = vector.shape_cast %mul3A_1091 : vector<16xf32> to vector<1x16xf32>
        tpu.vector_store %arg16[%swap3A_1092, %swap3A_1093], %swap3A_1096 {strides = array<i32>} : memref<48x128xf32, #tpu.memory_space<vmem>>, vector<1x16xf32>,
        %broadcast_in_dim3A_1097 = arith.constant 10 : i32
        %broadcast_in_dim3A_1098 = vector.broadcast %broadcast_in_dim3A_1097 : i32 to vector<16x1xi32>
        %gather3A_1099 = vector.shape_cast %broadcast_in_dim3A_1098 : vector<16x1xi32> to vector<16xi32>
        %gather3A_1100 = tpu.dynamic_gather %get3A_218[%gather3A_1099] in [0] : vector<16xf32>, vector<16xi32> -> vector<16xf32>
        %mul3A_1101 = arith.constant 16 : i32
        %mul3A_1102 = arith.muli %scan3A_212, %mul3A_1101 : i32
        %add3A_1103 = arith.constant 10 : i32
        %add3A_1104 = arith.addi %mul3A_1102, %add3A_1103 : i32
        %get3A_1105 = arith.index_cast %add3A_1104 : i32 to index
        %get3A_1106 = arith.constant 0 : index
        %get3A_1107 = tpu.vector_load %arg16[%get3A_1105, %get3A_1106] {strides = array<i32>} : memref<48x128xf32, #tpu.memory_space<vmem>>, vector<1x16xf32>,
        %get3A_1108 = vector.shape_cast %get3A_1107 : vector<1x16xf32> to vector<16xf32>
        %mul3A_1109 = arith.mulf %get3A_1108, %gather3A_1100 : vector<16xf32>
        %swap3A_1110 = arith.index_cast %add3A_1104 : i32 to index
        %swap3A_1111 = arith.constant 0 : index
        %swap3A_1112 = tpu.vector_load %arg16[%swap3A_1110, %swap3A_1111] {strides = array<i32>} : memref<48x128xf32, #tpu.memory_space<vmem>>, vector<1x16xf32>,
        %swap3A_1113 = vector.shape_cast %swap3A_1112 : vector<1x16xf32> to vector<16xf32>
        %swap3A_1114 = vector.shape_cast %mul3A_1109 : vector<16xf32> to vector<1x16xf32>
        tpu.vector_store %arg16[%swap3A_1110, %swap3A_1111], %swap3A_1114 {strides = array<i32>} : memref<48x128xf32, #tpu.memory_space<vmem>>, vector<1x16xf32>,
        %get3A_1115 = arith.index_cast %add3A_1104 : i32 to index
        %get3A_1116 = arith.constant 16 : index
        %get3A_1117 = tpu.vector_load %arg16[%get3A_1115, %get3A_1116] {strides = array<i32>} : memref<48x128xf32, #tpu.memory_space<vmem>>, vector<1x16xf32>,
        %get3A_1118 = vector.shape_cast %get3A_1117 : vector<1x16xf32> to vector<16xf32>
        %mul3A_1119 = arith.mulf %get3A_1118, %gather3A_1100 : vector<16xf32>
        %swap3A_1120 = arith.index_cast %add3A_1104 : i32 to index
        %swap3A_1121 = arith.constant 16 : index
        %swap3A_1122 = tpu.vector_load %arg16[%swap3A_1120, %swap3A_1121] {strides = array<i32>} : memref<48x128xf32, #tpu.memory_space<vmem>>, vector<1x16xf32>,
        %swap3A_1123 = vector.shape_cast %swap3A_1122 : vector<1x16xf32> to vector<16xf32>
        %swap3A_1124 = vector.shape_cast %mul3A_1119 : vector<16xf32> to vector<1x16xf32>
        tpu.vector_store %arg16[%swap3A_1120, %swap3A_1121], %swap3A_1124 {strides = array<i32>} : memref<48x128xf32, #tpu.memory_space<vmem>>, vector<1x16xf32>,
        %get3A_1125 = arith.index_cast %add3A_1104 : i32 to index
        %get3A_1126 = arith.constant 32 : index
        %get3A_1127 = tpu.vector_load %arg16[%get3A_1125, %get3A_1126] {strides = array<i32>} : memref<48x128xf32, #tpu.memory_space<vmem>>, vector<1x16xf32>,
        %get3A_1128 = vector.shape_cast %get3A_1127 : vector<1x16xf32> to vector<16xf32>
        %mul3A_1129 = arith.mulf %get3A_1128, %gather3A_1100 : vector<16xf32>
        %swap3A_1130 = arith.index_cast %add3A_1104 : i32 to index
        %swap3A_1131 = arith.constant 32 : index
        %swap3A_1132 = tpu.vector_load %arg16[%swap3A_1130, %swap3A_1131] {strides = array<i32>} : memref<48x128xf32, #tpu.memory_space<vmem>>, vector<1x16xf32>,
        %swap3A_1133 = vector.shape_cast %swap3A_1132 : vector<1x16xf32> to vector<16xf32>
        %swap3A_1134 = vector.shape_cast %mul3A_1129 : vector<16xf32> to vector<1x16xf32>
        tpu.vector_store %arg16[%swap3A_1130, %swap3A_1131], %swap3A_1134 {strides = array<i32>} : memref<48x128xf32, #tpu.memory_space<vmem>>, vector<1x16xf32>,
        %get3A_1135 = arith.index_cast %add3A_1104 : i32 to index
        %get3A_1136 = arith.constant 48 : index
        %get3A_1137 = tpu.vector_load %arg16[%get3A_1135, %get3A_1136] {strides = array<i32>} : memref<48x128xf32, #tpu.memory_space<vmem>>, vector<1x16xf32>,
        %get3A_1138 = vector.shape_cast %get3A_1137 : vector<1x16xf32> to vector<16xf32>
        %mul3A_1139 = arith.mulf %get3A_1138, %gather3A_1100 : vector<16xf32>
        %swap3A_1140 = arith.index_cast %add3A_1104 : i32 to index
        %swap3A_1141 = arith.constant 48 : index
        %swap3A_1142 = tpu.vector_load %arg16[%swap3A_1140, %swap3A_1141] {strides = array<i32>} : memref<48x128xf32, #tpu.memory_space<vmem>>, vector<1x16xf32>,
        %swap3A_1143 = vector.shape_cast %swap3A_1142 : vector<1x16xf32> to vector<16xf32>
        %swap3A_1144 = vector.shape_cast %mul3A_1139 : vector<16xf32> to vector<1x16xf32>
        tpu.vector_store %arg16[%swap3A_1140, %swap3A_1141], %swap3A_1144 {strides = array<i32>} : memref<48x128xf32, #tpu.memory_space<vmem>>, vector<1x16xf32>,
        %get3A_1145 = arith.index_cast %add3A_1104 : i32 to index
        %get3A_1146 = arith.constant 64 : index
        %get3A_1147 = tpu.vector_load %arg16[%get3A_1145, %get3A_1146] {strides = array<i32>} : memref<48x128xf32, #tpu.memory_space<vmem>>, vector<1x16xf32>,
        %get3A_1148 = vector.shape_cast %get3A_1147 : vector<1x16xf32> to vector<16xf32>
        %mul3A_1149 = arith.mulf %get3A_1148, %gather3A_1100 : vector<16xf32>
        %swap3A_1150 = arith.index_cast %add3A_1104 : i32 to index
        %swap3A_1151 = arith.constant 64 : index
        %swap3A_1152 = tpu.vector_load %arg16[%swap3A_1150, %swap3A_1151] {strides = array<i32>} : memref<48x128xf32, #tpu.memory_space<vmem>>, vector<1x16xf32>,
        %swap3A_1153 = vector.shape_cast %swap3A_1152 : vector<1x16xf32> to vector<16xf32>
        %swap3A_1154 = vector.shape_cast %mul3A_1149 : vector<16xf32> to vector<1x16xf32>
        tpu.vector_store %arg16[%swap3A_1150, %swap3A_1151], %swap3A_1154 {strides = array<i32>} : memref<48x128xf32, #tpu.memory_space<vmem>>, vector<1x16xf32>,
        %get3A_1155 = arith.index_cast %add3A_1104 : i32 to index
        %get3A_1156 = arith.constant 80 : index
        %get3A_1157 = tpu.vector_load %arg16[%get3A_1155, %get3A_1156] {strides = array<i32>} : memref<48x128xf32, #tpu.memory_space<vmem>>, vector<1x16xf32>,
        %get3A_1158 = vector.shape_cast %get3A_1157 : vector<1x16xf32> to vector<16xf32>
        %mul3A_1159 = arith.mulf %get3A_1158, %gather3A_1100 : vector<16xf32>
        %swap3A_1160 = arith.index_cast %add3A_1104 : i32 to index
        %swap3A_1161 = arith.constant 80 : index
        %swap3A_1162 = tpu.vector_load %arg16[%swap3A_1160, %swap3A_1161] {strides = array<i32>} : memref<48x128xf32, #tpu.memory_space<vmem>>, vector<1x16xf32>,
        %swap3A_1163 = vector.shape_cast %swap3A_1162 : vector<1x16xf32> to vector<16xf32>
        %swap3A_1164 = vector.shape_cast %mul3A_1159 : vector<16xf32> to vector<1x16xf32>
        tpu.vector_store %arg16[%swap3A_1160, %swap3A_1161], %swap3A_1164 {strides = array<i32>} : memref<48x128xf32, #tpu.memory_space<vmem>>, vector<1x16xf32>,
        %get3A_1165 = arith.index_cast %add3A_1104 : i32 to index
        %get3A_1166 = arith.constant 96 : index
        %get3A_1167 = tpu.vector_load %arg16[%get3A_1165, %get3A_1166] {strides = array<i32>} : memref<48x128xf32, #tpu.memory_space<vmem>>, vector<1x16xf32>,
        %get3A_1168 = vector.shape_cast %get3A_1167 : vector<1x16xf32> to vector<16xf32>
        %mul3A_1169 = arith.mulf %get3A_1168, %gather3A_1100 : vector<16xf32>
        %swap3A_1170 = arith.index_cast %add3A_1104 : i32 to index
        %swap3A_1171 = arith.constant 96 : index
        %swap3A_1172 = tpu.vector_load %arg16[%swap3A_1170, %swap3A_1171] {strides = array<i32>} : memref<48x128xf32, #tpu.memory_space<vmem>>, vector<1x16xf32>,
        %swap3A_1173 = vector.shape_cast %swap3A_1172 : vector<1x16xf32> to vector<16xf32>
        %swap3A_1174 = vector.shape_cast %mul3A_1169 : vector<16xf32> to vector<1x16xf32>
        tpu.vector_store %arg16[%swap3A_1170, %swap3A_1171], %swap3A_1174 {strides = array<i32>} : memref<48x128xf32, #tpu.memory_space<vmem>>, vector<1x16xf32>,
        %get3A_1175 = arith.index_cast %add3A_1104 : i32 to index
        %get3A_1176 = arith.constant 112 : index
        %get3A_1177 = tpu.vector_load %arg16[%get3A_1175, %get3A_1176] {strides = array<i32>} : memref<48x128xf32, #tpu.memory_space<vmem>>, vector<1x16xf32>,
        %get3A_1178 = vector.shape_cast %get3A_1177 : vector<1x16xf32> to vector<16xf32>
        %mul3A_1179 = arith.mulf %get3A_1178, %gather3A_1100 : vector<16xf32>
        %swap3A_1180 = arith.index_cast %add3A_1104 : i32 to index
        %swap3A_1181 = arith.constant 112 : index
        %swap3A_1182 = tpu.vector_load %arg16[%swap3A_1180, %swap3A_1181] {strides = array<i32>} : memref<48x128xf32, #tpu.memory_space<vmem>>, vector<1x16xf32>,
        %swap3A_1183 = vector.shape_cast %swap3A_1182 : vector<1x16xf32> to vector<16xf32>
        %swap3A_1184 = vector.shape_cast %mul3A_1179 : vector<16xf32> to vector<1x16xf32>
        tpu.vector_store %arg16[%swap3A_1180, %swap3A_1181], %swap3A_1184 {strides = array<i32>} : memref<48x128xf32, #tpu.memory_space<vmem>>, vector<1x16xf32>,
        %broadcast_in_dim3A_1185 = arith.constant 11 : i32
        %broadcast_in_dim3A_1186 = vector.broadcast %broadcast_in_dim3A_1185 : i32 to vector<16x1xi32>
        %gather3A_1187 = vector.shape_cast %broadcast_in_dim3A_1186 : vector<16x1xi32> to vector<16xi32>
        %gather3A_1188 = tpu.dynamic_gather %get3A_218[%gather3A_1187] in [0] : vector<16xf32>, vector<16xi32> -> vector<16xf32>
        %mul3A_1189 = arith.constant 16 : i32
        %mul3A_1190 = arith.muli %scan3A_212, %mul3A_1189 : i32
        %add3A_1191 = arith.constant 11 : i32
        %add3A_1192 = arith.addi %mul3A_1190, %add3A_1191 : i32
        %get3A_1193 = arith.index_cast %add3A_1192 : i32 to index
        %get3A_1194 = arith.constant 0 : index
        %get3A_1195 = tpu.vector_load %arg16[%get3A_1193, %get3A_1194] {strides = array<i32>} : memref<48x128xf32, #tpu.memory_space<vmem>>, vector<1x16xf32>,
        %get3A_1196 = vector.shape_cast %get3A_1195 : vector<1x16xf32> to vector<16xf32>
        %mul3A_1197 = arith.mulf %get3A_1196, %gather3A_1188 : vector<16xf32>
        %swap3A_1198 = arith.index_cast %add3A_1192 : i32 to index
        %swap3A_1199 = arith.constant 0 : index
        %swap3A_1200 = tpu.vector_load %arg16[%swap3A_1198, %swap3A_1199] {strides = array<i32>} : memref<48x128xf32, #tpu.memory_space<vmem>>, vector<1x16xf32>,
        %swap3A_1201 = vector.shape_cast %swap3A_1200 : vector<1x16xf32> to vector<16xf32>
        %swap3A_1202 = vector.shape_cast %mul3A_1197 : vector<16xf32> to vector<1x16xf32>
        tpu.vector_store %arg16[%swap3A_1198, %swap3A_1199], %swap3A_1202 {strides = array<i32>} : memref<48x128xf32, #tpu.memory_space<vmem>>, vector<1x16xf32>,
        %get3A_1203 = arith.index_cast %add3A_1192 : i32 to index
        %get3A_1204 = arith.constant 16 : index
        %get3A_1205 = tpu.vector_load %arg16[%get3A_1203, %get3A_1204] {strides = array<i32>} : memref<48x128xf32, #tpu.memory_space<vmem>>, vector<1x16xf32>,
        %get3A_1206 = vector.shape_cast %get3A_1205 : vector<1x16xf32> to vector<16xf32>
        %mul3A_1207 = arith.mulf %get3A_1206, %gather3A_1188 : vector<16xf32>
        %swap3A_1208 = arith.index_cast %add3A_1192 : i32 to index
        %swap3A_1209 = arith.constant 16 : index
        %swap3A_1210 = tpu.vector_load %arg16[%swap3A_1208, %swap3A_1209] {strides = array<i32>} : memref<48x128xf32, #tpu.memory_space<vmem>>, vector<1x16xf32>,
        %swap3A_1211 = vector.shape_cast %swap3A_1210 : vector<1x16xf32> to vector<16xf32>
        %swap3A_1212 = vector.shape_cast %mul3A_1207 : vector<16xf32> to vector<1x16xf32>
        tpu.vector_store %arg16[%swap3A_1208, %swap3A_1209], %swap3A_1212 {strides = array<i32>} : memref<48x128xf32, #tpu.memory_space<vmem>>, vector<1x16xf32>,
        %get3A_1213 = arith.index_cast %add3A_1192 : i32 to index
        %get3A_1214 = arith.constant 32 : index
        %get3A_1215 = tpu.vector_load %arg16[%get3A_1213, %get3A_1214] {strides = array<i32>} : memref<48x128xf32, #tpu.memory_space<vmem>>, vector<1x16xf32>,
        %get3A_1216 = vector.shape_cast %get3A_1215 : vector<1x16xf32> to vector<16xf32>
        %mul3A_1217 = arith.mulf %get3A_1216, %gather3A_1188 : vector<16xf32>
        %swap3A_1218 = arith.index_cast %add3A_1192 : i32 to index
        %swap3A_1219 = arith.constant 32 : index
        %swap3A_1220 = tpu.vector_load %arg16[%swap3A_1218, %swap3A_1219] {strides = array<i32>} : memref<48x128xf32, #tpu.memory_space<vmem>>, vector<1x16xf32>,
        %swap3A_1221 = vector.shape_cast %swap3A_1220 : vector<1x16xf32> to vector<16xf32>
        %swap3A_1222 = vector.shape_cast %mul3A_1217 : vector<16xf32> to vector<1x16xf32>
        tpu.vector_store %arg16[%swap3A_1218, %swap3A_1219], %swap3A_1222 {strides = array<i32>} : memref<48x128xf32, #tpu.memory_space<vmem>>, vector<1x16xf32>,
        %get3A_1223 = arith.index_cast %add3A_1192 : i32 to index
        %get3A_1224 = arith.constant 48 : index
        %get3A_1225 = tpu.vector_load %arg16[%get3A_1223, %get3A_1224] {strides = array<i32>} : memref<48x128xf32, #tpu.memory_space<vmem>>, vector<1x16xf32>,
        %get3A_1226 = vector.shape_cast %get3A_1225 : vector<1x16xf32> to vector<16xf32>
        %mul3A_1227 = arith.mulf %get3A_1226, %gather3A_1188 : vector<16xf32>
        %swap3A_1228 = arith.index_cast %add3A_1192 : i32 to index
        %swap3A_1229 = arith.constant 48 : index
        %swap3A_1230 = tpu.vector_load %arg16[%swap3A_1228, %swap3A_1229] {strides = array<i32>} : memref<48x128xf32, #tpu.memory_space<vmem>>, vector<1x16xf32>,
        %swap3A_1231 = vector.shape_cast %swap3A_1230 : vector<1x16xf32> to vector<16xf32>
        %swap3A_1232 = vector.shape_cast %mul3A_1227 : vector<16xf32> to vector<1x16xf32>
        tpu.vector_store %arg16[%swap3A_1228, %swap3A_1229], %swap3A_1232 {strides = array<i32>} : memref<48x128xf32, #tpu.memory_space<vmem>>, vector<1x16xf32>,
        %get3A_1233 = arith.index_cast %add3A_1192 : i32 to index
        %get3A_1234 = arith.constant 64 : index
        %get3A_1235 = tpu.vector_load %arg16[%get3A_1233, %get3A_1234] {strides = array<i32>} : memref<48x128xf32, #tpu.memory_space<vmem>>, vector<1x16xf32>,
        %get3A_1236 = vector.shape_cast %get3A_1235 : vector<1x16xf32> to vector<16xf32>
        %mul3A_1237 = arith.mulf %get3A_1236, %gather3A_1188 : vector<16xf32>
        %swap3A_1238 = arith.index_cast %add3A_1192 : i32 to index
        %swap3A_1239 = arith.constant 64 : index
        %swap3A_1240 = tpu.vector_load %arg16[%swap3A_1238, %swap3A_1239] {strides = array<i32>} : memref<48x128xf32, #tpu.memory_space<vmem>>, vector<1x16xf32>,
        %swap3A_1241 = vector.shape_cast %swap3A_1240 : vector<1x16xf32> to vector<16xf32>
        %swap3A_1242 = vector.shape_cast %mul3A_1237 : vector<16xf32> to vector<1x16xf32>
        tpu.vector_store %arg16[%swap3A_1238, %swap3A_1239], %swap3A_1242 {strides = array<i32>} : memref<48x128xf32, #tpu.memory_space<vmem>>, vector<1x16xf32>,
        %get3A_1243 = arith.index_cast %add3A_1192 : i32 to index
        %get3A_1244 = arith.constant 80 : index
        %get3A_1245 = tpu.vector_load %arg16[%get3A_1243, %get3A_1244] {strides = array<i32>} : memref<48x128xf32, #tpu.memory_space<vmem>>, vector<1x16xf32>,
        %get3A_1246 = vector.shape_cast %get3A_1245 : vector<1x16xf32> to vector<16xf32>
        %mul3A_1247 = arith.mulf %get3A_1246, %gather3A_1188 : vector<16xf32>
        %swap3A_1248 = arith.index_cast %add3A_1192 : i32 to index
        %swap3A_1249 = arith.constant 80 : index
        %swap3A_1250 = tpu.vector_load %arg16[%swap3A_1248, %swap3A_1249] {strides = array<i32>} : memref<48x128xf32, #tpu.memory_space<vmem>>, vector<1x16xf32>,
        %swap3A_1251 = vector.shape_cast %swap3A_1250 : vector<1x16xf32> to vector<16xf32>
        %swap3A_1252 = vector.shape_cast %mul3A_1247 : vector<16xf32> to vector<1x16xf32>
        tpu.vector_store %arg16[%swap3A_1248, %swap3A_1249], %swap3A_1252 {strides = array<i32>} : memref<48x128xf32, #tpu.memory_space<vmem>>, vector<1x16xf32>,
        %get3A_1253 = arith.index_cast %add3A_1192 : i32 to index
        %get3A_1254 = arith.constant 96 : index
        %get3A_1255 = tpu.vector_load %arg16[%get3A_1253, %get3A_1254] {strides = array<i32>} : memref<48x128xf32, #tpu.memory_space<vmem>>, vector<1x16xf32>,
        %get3A_1256 = vector.shape_cast %get3A_1255 : vector<1x16xf32> to vector<16xf32>
        %mul3A_1257 = arith.mulf %get3A_1256, %gather3A_1188 : vector<16xf32>
        %swap3A_1258 = arith.index_cast %add3A_1192 : i32 to index
        %swap3A_1259 = arith.constant 96 : index
        %swap3A_1260 = tpu.vector_load %arg16[%swap3A_1258, %swap3A_1259] {strides = array<i32>} : memref<48x128xf32, #tpu.memory_space<vmem>>, vector<1x16xf32>,
        %swap3A_1261 = vector.shape_cast %swap3A_1260 : vector<1x16xf32> to vector<16xf32>
        %swap3A_1262 = vector.shape_cast %mul3A_1257 : vector<16xf32> to vector<1x16xf32>
        tpu.vector_store %arg16[%swap3A_1258, %swap3A_1259], %swap3A_1262 {strides = array<i32>} : memref<48x128xf32, #tpu.memory_space<vmem>>, vector<1x16xf32>,
        %get3A_1263 = arith.index_cast %add3A_1192 : i32 to index
        %get3A_1264 = arith.constant 112 : index
        %get3A_1265 = tpu.vector_load %arg16[%get3A_1263, %get3A_1264] {strides = array<i32>} : memref<48x128xf32, #tpu.memory_space<vmem>>, vector<1x16xf32>,
        %get3A_1266 = vector.shape_cast %get3A_1265 : vector<1x16xf32> to vector<16xf32>
        %mul3A_1267 = arith.mulf %get3A_1266, %gather3A_1188 : vector<16xf32>
        %swap3A_1268 = arith.index_cast %add3A_1192 : i32 to index
        %swap3A_1269 = arith.constant 112 : index
        %swap3A_1270 = tpu.vector_load %arg16[%swap3A_1268, %swap3A_1269] {strides = array<i32>} : memref<48x128xf32, #tpu.memory_space<vmem>>, vector<1x16xf32>,
        %swap3A_1271 = vector.shape_cast %swap3A_1270 : vector<1x16xf32> to vector<16xf32>
        %swap3A_1272 = vector.shape_cast %mul3A_1267 : vector<16xf32> to vector<1x16xf32>
        tpu.vector_store %arg16[%swap3A_1268, %swap3A_1269], %swap3A_1272 {strides = array<i32>} : memref<48x128xf32, #tpu.memory_space<vmem>>, vector<1x16xf32>,
        %broadcast_in_dim3A_1273 = arith.constant 12 : i32
        %broadcast_in_dim3A_1274 = vector.broadcast %broadcast_in_dim3A_1273 : i32 to vector<16x1xi32>
        %gather3A_1275 = vector.shape_cast %broadcast_in_dim3A_1274 : vector<16x1xi32> to vector<16xi32>
        %gather3A_1276 = tpu.dynamic_gather %get3A_218[%gather3A_1275] in [0] : vector<16xf32>, vector<16xi32> -> vector<16xf32>
        %mul3A_1277 = arith.constant 16 : i32
        %mul3A_1278 = arith.muli %scan3A_212, %mul3A_1277 : i32
        %add3A_1279 = arith.constant 12 : i32
        %add3A_1280 = arith.addi %mul3A_1278, %add3A_1279 : i32
        %get3A_1281 = arith.index_cast %add3A_1280 : i32 to index
        %get3A_1282 = arith.constant 0 : index
        %get3A_1283 = tpu.vector_load %arg16[%get3A_1281, %get3A_1282] {strides = array<i32>} : memref<48x128xf32, #tpu.memory_space<vmem>>, vector<1x16xf32>,
        %get3A_1284 = vector.shape_cast %get3A_1283 : vector<1x16xf32> to vector<16xf32>
        %mul3A_1285 = arith.mulf %get3A_1284, %gather3A_1276 : vector<16xf32>
        %swap3A_1286 = arith.index_cast %add3A_1280 : i32 to index
        %swap3A_1287 = arith.constant 0 : index
        %swap3A_1288 = tpu.vector_load %arg16[%swap3A_1286, %swap3A_1287] {strides = array<i32>} : memref<48x128xf32, #tpu.memory_space<vmem>>, vector<1x16xf32>,
        %swap3A_1289 = vector.shape_cast %swap3A_1288 : vector<1x16xf32> to vector<16xf32>
        %swap3A_1290 = vector.shape_cast %mul3A_1285 : vector<16xf32> to vector<1x16xf32>
        tpu.vector_store %arg16[%swap3A_1286, %swap3A_1287], %swap3A_1290 {strides = array<i32>} : memref<48x128xf32, #tpu.memory_space<vmem>>, vector<1x16xf32>,
        %get3A_1291 = arith.index_cast %add3A_1280 : i32 to index
        %get3A_1292 = arith.constant 16 : index
        %get3A_1293 = tpu.vector_load %arg16[%get3A_1291, %get3A_1292] {strides = array<i32>} : memref<48x128xf32, #tpu.memory_space<vmem>>, vector<1x16xf32>,
        %get3A_1294 = vector.shape_cast %get3A_1293 : vector<1x16xf32> to vector<16xf32>
        %mul3A_1295 = arith.mulf %get3A_1294, %gather3A_1276 : vector<16xf32>
        %swap3A_1296 = arith.index_cast %add3A_1280 : i32 to index
        %swap3A_1297 = arith.constant 16 : index
        %swap3A_1298 = tpu.vector_load %arg16[%swap3A_1296, %swap3A_1297] {strides = array<i32>} : memref<48x128xf32, #tpu.memory_space<vmem>>, vector<1x16xf32>,
        %swap3A_1299 = vector.shape_cast %swap3A_1298 : vector<1x16xf32> to vector<16xf32>
        %swap3A_1300 = vector.shape_cast %mul3A_1295 : vector<16xf32> to vector<1x16xf32>
        tpu.vector_store %arg16[%swap3A_1296, %swap3A_1297], %swap3A_1300 {strides = array<i32>} : memref<48x128xf32, #tpu.memory_space<vmem>>, vector<1x16xf32>,
        %get3A_1301 = arith.index_cast %add3A_1280 : i32 to index
        %get3A_1302 = arith.constant 32 : index
        %get3A_1303 = tpu.vector_load %arg16[%get3A_1301, %get3A_1302] {strides = array<i32>} : memref<48x128xf32, #tpu.memory_space<vmem>>, vector<1x16xf32>,
        %get3A_1304 = vector.shape_cast %get3A_1303 : vector<1x16xf32> to vector<16xf32>
        %mul3A_1305 = arith.mulf %get3A_1304, %gather3A_1276 : vector<16xf32>
        %swap3A_1306 = arith.index_cast %add3A_1280 : i32 to index
        %swap3A_1307 = arith.constant 32 : index
        %swap3A_1308 = tpu.vector_load %arg16[%swap3A_1306, %swap3A_1307] {strides = array<i32>} : memref<48x128xf32, #tpu.memory_space<vmem>>, vector<1x16xf32>,
        %swap3A_1309 = vector.shape_cast %swap3A_1308 : vector<1x16xf32> to vector<16xf32>
        %swap3A_1310 = vector.shape_cast %mul3A_1305 : vector<16xf32> to vector<1x16xf32>
        tpu.vector_store %arg16[%swap3A_1306, %swap3A_1307], %swap3A_1310 {strides = array<i32>} : memref<48x128xf32, #tpu.memory_space<vmem>>, vector<1x16xf32>,
        %get3A_1311 = arith.index_cast %add3A_1280 : i32 to index
        %get3A_1312 = arith.constant 48 : index
        %get3A_1313 = tpu.vector_load %arg16[%get3A_1311, %get3A_1312] {strides = array<i32>} : memref<48x128xf32, #tpu.memory_space<vmem>>, vector<1x16xf32>,
        %get3A_1314 = vector.shape_cast %get3A_1313 : vector<1x16xf32> to vector<16xf32>
        %mul3A_1315 = arith.mulf %get3A_1314, %gather3A_1276 : vector<16xf32>
        %swap3A_1316 = arith.index_cast %add3A_1280 : i32 to index
        %swap3A_1317 = arith.constant 48 : index
        %swap3A_1318 = tpu.vector_load %arg16[%swap3A_1316, %swap3A_1317] {strides = array<i32>} : memref<48x128xf32, #tpu.memory_space<vmem>>, vector<1x16xf32>,
        %swap3A_1319 = vector.shape_cast %swap3A_1318 : vector<1x16xf32> to vector<16xf32>
        %swap3A_1320 = vector.shape_cast %mul3A_1315 : vector<16xf32> to vector<1x16xf32>
        tpu.vector_store %arg16[%swap3A_1316, %swap3A_1317], %swap3A_1320 {strides = array<i32>} : memref<48x128xf32, #tpu.memory_space<vmem>>, vector<1x16xf32>,
        %get3A_1321 = arith.index_cast %add3A_1280 : i32 to index
        %get3A_1322 = arith.constant 64 : index
        %get3A_1323 = tpu.vector_load %arg16[%get3A_1321, %get3A_1322] {strides = array<i32>} : memref<48x128xf32, #tpu.memory_space<vmem>>, vector<1x16xf32>,
        %get3A_1324 = vector.shape_cast %get3A_1323 : vector<1x16xf32> to vector<16xf32>
        %mul3A_1325 = arith.mulf %get3A_1324, %gather3A_1276 : vector<16xf32>
        %swap3A_1326 = arith.index_cast %add3A_1280 : i32 to index
        %swap3A_1327 = arith.constant 64 : index
        %swap3A_1328 = tpu.vector_load %arg16[%swap3A_1326, %swap3A_1327] {strides = array<i32>} : memref<48x128xf32, #tpu.memory_space<vmem>>, vector<1x16xf32>,
        %swap3A_1329 = vector.shape_cast %swap3A_1328 : vector<1x16xf32> to vector<16xf32>
        %swap3A_1330 = vector.shape_cast %mul3A_1325 : vector<16xf32> to vector<1x16xf32>
        tpu.vector_store %arg16[%swap3A_1326, %swap3A_1327], %swap3A_1330 {strides = array<i32>} : memref<48x128xf32, #tpu.memory_space<vmem>>, vector<1x16xf32>,
        %get3A_1331 = arith.index_cast %add3A_1280 : i32 to index
        %get3A_1332 = arith.constant 80 : index
        %get3A_1333 = tpu.vector_load %arg16[%get3A_1331, %get3A_1332] {strides = array<i32>} : memref<48x128xf32, #tpu.memory_space<vmem>>, vector<1x16xf32>,
        %get3A_1334 = vector.shape_cast %get3A_1333 : vector<1x16xf32> to vector<16xf32>
        %mul3A_1335 = arith.mulf %get3A_1334, %gather3A_1276 : vector<16xf32>
        %swap3A_1336 = arith.index_cast %add3A_1280 : i32 to index
        %swap3A_1337 = arith.constant 80 : index
        %swap3A_1338 = tpu.vector_load %arg16[%swap3A_1336, %swap3A_1337] {strides = array<i32>} : memref<48x128xf32, #tpu.memory_space<vmem>>, vector<1x16xf32>,
        %swap3A_1339 = vector.shape_cast %swap3A_1338 : vector<1x16xf32> to vector<16xf32>
        %swap3A_1340 = vector.shape_cast %mul3A_1335 : vector<16xf32> to vector<1x16xf32>
        tpu.vector_store %arg16[%swap3A_1336, %swap3A_1337], %swap3A_1340 {strides = array<i32>} : memref<48x128xf32, #tpu.memory_space<vmem>>, vector<1x16xf32>,
        %get3A_1341 = arith.index_cast %add3A_1280 : i32 to index
        %get3A_1342 = arith.constant 96 : index
        %get3A_1343 = tpu.vector_load %arg16[%get3A_1341, %get3A_1342] {strides = array<i32>} : memref<48x128xf32, #tpu.memory_space<vmem>>, vector<1x16xf32>,
        %get3A_1344 = vector.shape_cast %get3A_1343 : vector<1x16xf32> to vector<16xf32>
        %mul3A_1345 = arith.mulf %get3A_1344, %gather3A_1276 : vector<16xf32>
        %swap3A_1346 = arith.index_cast %add3A_1280 : i32 to index
        %swap3A_1347 = arith.constant 96 : index
        %swap3A_1348 = tpu.vector_load %arg16[%swap3A_1346, %swap3A_1347] {strides = array<i32>} : memref<48x128xf32, #tpu.memory_space<vmem>>, vector<1x16xf32>,
        %swap3A_1349 = vector.shape_cast %swap3A_1348 : vector<1x16xf32> to vector<16xf32>
        %swap3A_1350 = vector.shape_cast %mul3A_1345 : vector<16xf32> to vector<1x16xf32>
        tpu.vector_store %arg16[%swap3A_1346, %swap3A_1347], %swap3A_1350 {strides = array<i32>} : memref<48x128xf32, #tpu.memory_space<vmem>>, vector<1x16xf32>,
        %get3A_1351 = arith.index_cast %add3A_1280 : i32 to index
        %get3A_1352 = arith.constant 112 : index
        %get3A_1353 = tpu.vector_load %arg16[%get3A_1351, %get3A_1352] {strides = array<i32>} : memref<48x128xf32, #tpu.memory_space<vmem>>, vector<1x16xf32>,
        %get3A_1354 = vector.shape_cast %get3A_1353 : vector<1x16xf32> to vector<16xf32>
        %mul3A_1355 = arith.mulf %get3A_1354, %gather3A_1276 : vector<16xf32>
        %swap3A_1356 = arith.index_cast %add3A_1280 : i32 to index
        %swap3A_1357 = arith.constant 112 : index
        %swap3A_1358 = tpu.vector_load %arg16[%swap3A_1356, %swap3A_1357] {strides = array<i32>} : memref<48x128xf32, #tpu.memory_space<vmem>>, vector<1x16xf32>,
        %swap3A_1359 = vector.shape_cast %swap3A_1358 : vector<1x16xf32> to vector<16xf32>
        %swap3A_1360 = vector.shape_cast %mul3A_1355 : vector<16xf32> to vector<1x16xf32>
        tpu.vector_store %arg16[%swap3A_1356, %swap3A_1357], %swap3A_1360 {strides = array<i32>} : memref<48x128xf32, #tpu.memory_space<vmem>>, vector<1x16xf32>,
        %broadcast_in_dim3A_1361 = arith.constant 13 : i32
        %broadcast_in_dim3A_1362 = vector.broadcast %broadcast_in_dim3A_1361 : i32 to vector<16x1xi32>
        %gather3A_1363 = vector.shape_cast %broadcast_in_dim3A_1362 : vector<16x1xi32> to vector<16xi32>
        %gather3A_1364 = tpu.dynamic_gather %get3A_218[%gather3A_1363] in [0] : vector<16xf32>, vector<16xi32> -> vector<16xf32>
        %mul3A_1365 = arith.constant 16 : i32
        %mul3A_1366 = arith.muli %scan3A_212, %mul3A_1365 : i32
        %add3A_1367 = arith.constant 13 : i32
        %add3A_1368 = arith.addi %mul3A_1366, %add3A_1367 : i32
        %get3A_1369 = arith.index_cast %add3A_1368 : i32 to index
        %get3A_1370 = arith.constant 0 : index
        %get3A_1371 = tpu.vector_load %arg16[%get3A_1369, %get3A_1370] {strides = array<i32>} : memref<48x128xf32, #tpu.memory_space<vmem>>, vector<1x16xf32>,
        %get3A_1372 = vector.shape_cast %get3A_1371 : vector<1x16xf32> to vector<16xf32>
        %mul3A_1373 = arith.mulf %get3A_1372, %gather3A_1364 : vector<16xf32>
        %swap3A_1374 = arith.index_cast %add3A_1368 : i32 to index
        %swap3A_1375 = arith.constant 0 : index
        %swap3A_1376 = tpu.vector_load %arg16[%swap3A_1374, %swap3A_1375] {strides = array<i32>} : memref<48x128xf32, #tpu.memory_space<vmem>>, vector<1x16xf32>,
        %swap3A_1377 = vector.shape_cast %swap3A_1376 : vector<1x16xf32> to vector<16xf32>
        %swap3A_1378 = vector.shape_cast %mul3A_1373 : vector<16xf32> to vector<1x16xf32>
        tpu.vector_store %arg16[%swap3A_1374, %swap3A_1375], %swap3A_1378 {strides = array<i32>} : memref<48x128xf32, #tpu.memory_space<vmem>>, vector<1x16xf32>,
        %get3A_1379 = arith.index_cast %add3A_1368 : i32 to index
        %get3A_1380 = arith.constant 16 : index
        %get3A_1381 = tpu.vector_load %arg16[%get3A_1379, %get3A_1380] {strides = array<i32>} : memref<48x128xf32, #tpu.memory_space<vmem>>, vector<1x16xf32>,
        %get3A_1382 = vector.shape_cast %get3A_1381 : vector<1x16xf32> to vector<16xf32>
        %mul3A_1383 = arith.mulf %get3A_1382, %gather3A_1364 : vector<16xf32>
        %swap3A_1384 = arith.index_cast %add3A_1368 : i32 to index
        %swap3A_1385 = arith.constant 16 : index
        %swap3A_1386 = tpu.vector_load %arg16[%swap3A_1384, %swap3A_1385] {strides = array<i32>} : memref<48x128xf32, #tpu.memory_space<vmem>>, vector<1x16xf32>,
        %swap3A_1387 = vector.shape_cast %swap3A_1386 : vector<1x16xf32> to vector<16xf32>
        %swap3A_1388 = vector.shape_cast %mul3A_1383 : vector<16xf32> to vector<1x16xf32>
        tpu.vector_store %arg16[%swap3A_1384, %swap3A_1385], %swap3A_1388 {strides = array<i32>} : memref<48x128xf32, #tpu.memory_space<vmem>>, vector<1x16xf32>,
        %get3A_1389 = arith.index_cast %add3A_1368 : i32 to index
        %get3A_1390 = arith.constant 32 : index
        %get3A_1391 = tpu.vector_load %arg16[%get3A_1389, %get3A_1390] {strides = array<i32>} : memref<48x128xf32, #tpu.memory_space<vmem>>, vector<1x16xf32>,
        %get3A_1392 = vector.shape_cast %get3A_1391 : vector<1x16xf32> to vector<16xf32>
        %mul3A_1393 = arith.mulf %get3A_1392, %gather3A_1364 : vector<16xf32>
        %swap3A_1394 = arith.index_cast %add3A_1368 : i32 to index
        %swap3A_1395 = arith.constant 32 : index
        %swap3A_1396 = tpu.vector_load %arg16[%swap3A_1394, %swap3A_1395] {strides = array<i32>} : memref<48x128xf32, #tpu.memory_space<vmem>>, vector<1x16xf32>,
        %swap3A_1397 = vector.shape_cast %swap3A_1396 : vector<1x16xf32> to vector<16xf32>
        %swap3A_1398 = vector.shape_cast %mul3A_1393 : vector<16xf32> to vector<1x16xf32>
        tpu.vector_store %arg16[%swap3A_1394, %swap3A_1395], %swap3A_1398 {strides = array<i32>} : memref<48x128xf32, #tpu.memory_space<vmem>>, vector<1x16xf32>,
        %get3A_1399 = arith.index_cast %add3A_1368 : i32 to index
        %get3A_1400 = arith.constant 48 : index
        %get3A_1401 = tpu.vector_load %arg16[%get3A_1399, %get3A_1400] {strides = array<i32>} : memref<48x128xf32, #tpu.memory_space<vmem>>, vector<1x16xf32>,
        %get3A_1402 = vector.shape_cast %get3A_1401 : vector<1x16xf32> to vector<16xf32>
        %mul3A_1403 = arith.mulf %get3A_1402, %gather3A_1364 : vector<16xf32>
        %swap3A_1404 = arith.index_cast %add3A_1368 : i32 to index
        %swap3A_1405 = arith.constant 48 : index
        %swap3A_1406 = tpu.vector_load %arg16[%swap3A_1404, %swap3A_1405] {strides = array<i32>} : memref<48x128xf32, #tpu.memory_space<vmem>>, vector<1x16xf32>,
        %swap3A_1407 = vector.shape_cast %swap3A_1406 : vector<1x16xf32> to vector<16xf32>
        %swap3A_1408 = vector.shape_cast %mul3A_1403 : vector<16xf32> to vector<1x16xf32>
        tpu.vector_store %arg16[%swap3A_1404, %swap3A_1405], %swap3A_1408 {strides = array<i32>} : memref<48x128xf32, #tpu.memory_space<vmem>>, vector<1x16xf32>,
        %get3A_1409 = arith.index_cast %add3A_1368 : i32 to index
        %get3A_1410 = arith.constant 64 : index
        %get3A_1411 = tpu.vector_load %arg16[%get3A_1409, %get3A_1410] {strides = array<i32>} : memref<48x128xf32, #tpu.memory_space<vmem>>, vector<1x16xf32>,
        %get3A_1412 = vector.shape_cast %get3A_1411 : vector<1x16xf32> to vector<16xf32>
        %mul3A_1413 = arith.mulf %get3A_1412, %gather3A_1364 : vector<16xf32>
        %swap3A_1414 = arith.index_cast %add3A_1368 : i32 to index
        %swap3A_1415 = arith.constant 64 : index
        %swap3A_1416 = tpu.vector_load %arg16[%swap3A_1414, %swap3A_1415] {strides = array<i32>} : memref<48x128xf32, #tpu.memory_space<vmem>>, vector<1x16xf32>,
        %swap3A_1417 = vector.shape_cast %swap3A_1416 : vector<1x16xf32> to vector<16xf32>
        %swap3A_1418 = vector.shape_cast %mul3A_1413 : vector<16xf32> to vector<1x16xf32>
        tpu.vector_store %arg16[%swap3A_1414, %swap3A_1415], %swap3A_1418 {strides = array<i32>} : memref<48x128xf32, #tpu.memory_space<vmem>>, vector<1x16xf32>,
        %get3A_1419 = arith.index_cast %add3A_1368 : i32 to index
        %get3A_1420 = arith.constant 80 : index
        %get3A_1421 = tpu.vector_load %arg16[%get3A_1419, %get3A_1420] {strides = array<i32>} : memref<48x128xf32, #tpu.memory_space<vmem>>, vector<1x16xf32>,
        %get3A_1422 = vector.shape_cast %get3A_1421 : vector<1x16xf32> to vector<16xf32>
        %mul3A_1423 = arith.mulf %get3A_1422, %gather3A_1364 : vector<16xf32>
        %swap3A_1424 = arith.index_cast %add3A_1368 : i32 to index
        %swap3A_1425 = arith.constant 80 : index
        %swap3A_1426 = tpu.vector_load %arg16[%swap3A_1424, %swap3A_1425] {strides = array<i32>} : memref<48x128xf32, #tpu.memory_space<vmem>>, vector<1x16xf32>,
        %swap3A_1427 = vector.shape_cast %swap3A_1426 : vector<1x16xf32> to vector<16xf32>
        %swap3A_1428 = vector.shape_cast %mul3A_1423 : vector<16xf32> to vector<1x16xf32>
        tpu.vector_store %arg16[%swap3A_1424, %swap3A_1425], %swap3A_1428 {strides = array<i32>} : memref<48x128xf32, #tpu.memory_space<vmem>>, vector<1x16xf32>,
        %get3A_1429 = arith.index_cast %add3A_1368 : i32 to index
        %get3A_1430 = arith.constant 96 : index
        %get3A_1431 = tpu.vector_load %arg16[%get3A_1429, %get3A_1430] {strides = array<i32>} : memref<48x128xf32, #tpu.memory_space<vmem>>, vector<1x16xf32>,
        %get3A_1432 = vector.shape_cast %get3A_1431 : vector<1x16xf32> to vector<16xf32>
        %mul3A_1433 = arith.mulf %get3A_1432, %gather3A_1364 : vector<16xf32>
        %swap3A_1434 = arith.index_cast %add3A_1368 : i32 to index
        %swap3A_1435 = arith.constant 96 : index
        %swap3A_1436 = tpu.vector_load %arg16[%swap3A_1434, %swap3A_1435] {strides = array<i32>} : memref<48x128xf32, #tpu.memory_space<vmem>>, vector<1x16xf32>,
        %swap3A_1437 = vector.shape_cast %swap3A_1436 : vector<1x16xf32> to vector<16xf32>
        %swap3A_1438 = vector.shape_cast %mul3A_1433 : vector<16xf32> to vector<1x16xf32>
        tpu.vector_store %arg16[%swap3A_1434, %swap3A_1435], %swap3A_1438 {strides = array<i32>} : memref<48x128xf32, #tpu.memory_space<vmem>>, vector<1x16xf32>,
        %get3A_1439 = arith.index_cast %add3A_1368 : i32 to index
        %get3A_1440 = arith.constant 112 : index
        %get3A_1441 = tpu.vector_load %arg16[%get3A_1439, %get3A_1440] {strides = array<i32>} : memref<48x128xf32, #tpu.memory_space<vmem>>, vector<1x16xf32>,
        %get3A_1442 = vector.shape_cast %get3A_1441 : vector<1x16xf32> to vector<16xf32>
        %mul3A_1443 = arith.mulf %get3A_1442, %gather3A_1364 : vector<16xf32>
        %swap3A_1444 = arith.index_cast %add3A_1368 : i32 to index
        %swap3A_1445 = arith.constant 112 : index
        %swap3A_1446 = tpu.vector_load %arg16[%swap3A_1444, %swap3A_1445] {strides = array<i32>} : memref<48x128xf32, #tpu.memory_space<vmem>>, vector<1x16xf32>,
        %swap3A_1447 = vector.shape_cast %swap3A_1446 : vector<1x16xf32> to vector<16xf32>
        %swap3A_1448 = vector.shape_cast %mul3A_1443 : vector<16xf32> to vector<1x16xf32>
        tpu.vector_store %arg16[%swap3A_1444, %swap3A_1445], %swap3A_1448 {strides = array<i32>} : memref<48x128xf32, #tpu.memory_space<vmem>>, vector<1x16xf32>,
        %broadcast_in_dim3A_1449 = arith.constant 14 : i32
        %broadcast_in_dim3A_1450 = vector.broadcast %broadcast_in_dim3A_1449 : i32 to vector<16x1xi32>
        %gather3A_1451 = vector.shape_cast %broadcast_in_dim3A_1450 : vector<16x1xi32> to vector<16xi32>
        %gather3A_1452 = tpu.dynamic_gather %get3A_218[%gather3A_1451] in [0] : vector<16xf32>, vector<16xi32> -> vector<16xf32>
        %mul3A_1453 = arith.constant 16 : i32
        %mul3A_1454 = arith.muli %scan3A_212, %mul3A_1453 : i32
        %add3A_1455 = arith.constant 14 : i32
        %add3A_1456 = arith.addi %mul3A_1454, %add3A_1455 : i32
        %get3A_1457 = arith.index_cast %add3A_1456 : i32 to index
        %get3A_1458 = arith.constant 0 : index
        %get3A_1459 = tpu.vector_load %arg16[%get3A_1457, %get3A_1458] {strides = array<i32>} : memref<48x128xf32, #tpu.memory_space<vmem>>, vector<1x16xf32>,
        %get3A_1460 = vector.shape_cast %get3A_1459 : vector<1x16xf32> to vector<16xf32>
        %mul3A_1461 = arith.mulf %get3A_1460, %gather3A_1452 : vector<16xf32>
        %swap3A_1462 = arith.index_cast %add3A_1456 : i32 to index
        %swap3A_1463 = arith.constant 0 : index
        %swap3A_1464 = tpu.vector_load %arg16[%swap3A_1462, %swap3A_1463] {strides = array<i32>} : memref<48x128xf32, #tpu.memory_space<vmem>>, vector<1x16xf32>,
        %swap3A_1465 = vector.shape_cast %swap3A_1464 : vector<1x16xf32> to vector<16xf32>
        %swap3A_1466 = vector.shape_cast %mul3A_1461 : vector<16xf32> to vector<1x16xf32>
        tpu.vector_store %arg16[%swap3A_1462, %swap3A_1463], %swap3A_1466 {strides = array<i32>} : memref<48x128xf32, #tpu.memory_space<vmem>>, vector<1x16xf32>,
        %get3A_1467 = arith.index_cast %add3A_1456 : i32 to index
        %get3A_1468 = arith.constant 16 : index
        %get3A_1469 = tpu.vector_load %arg16[%get3A_1467, %get3A_1468] {strides = array<i32>} : memref<48x128xf32, #tpu.memory_space<vmem>>, vector<1x16xf32>,
        %get3A_1470 = vector.shape_cast %get3A_1469 : vector<1x16xf32> to vector<16xf32>
        %mul3A_1471 = arith.mulf %get3A_1470, %gather3A_1452 : vector<16xf32>
        %swap3A_1472 = arith.index_cast %add3A_1456 : i32 to index
        %swap3A_1473 = arith.constant 16 : index
        %swap3A_1474 = tpu.vector_load %arg16[%swap3A_1472, %swap3A_1473] {strides = array<i32>} : memref<48x128xf32, #tpu.memory_space<vmem>>, vector<1x16xf32>,
        %swap3A_1475 = vector.shape_cast %swap3A_1474 : vector<1x16xf32> to vector<16xf32>
        %swap3A_1476 = vector.shape_cast %mul3A_1471 : vector<16xf32> to vector<1x16xf32>
        tpu.vector_store %arg16[%swap3A_1472, %swap3A_1473], %swap3A_1476 {strides = array<i32>} : memref<48x128xf32, #tpu.memory_space<vmem>>, vector<1x16xf32>,
        %get3A_1477 = arith.index_cast %add3A_1456 : i32 to index
        %get3A_1478 = arith.constant 32 : index
        %get3A_1479 = tpu.vector_load %arg16[%get3A_1477, %get3A_1478] {strides = array<i32>} : memref<48x128xf32, #tpu.memory_space<vmem>>, vector<1x16xf32>,
        %get3A_1480 = vector.shape_cast %get3A_1479 : vector<1x16xf32> to vector<16xf32>
        %mul3A_1481 = arith.mulf %get3A_1480, %gather3A_1452 : vector<16xf32>
        %swap3A_1482 = arith.index_cast %add3A_1456 : i32 to index
        %swap3A_1483 = arith.constant 32 : index
        %swap3A_1484 = tpu.vector_load %arg16[%swap3A_1482, %swap3A_1483] {strides = array<i32>} : memref<48x128xf32, #tpu.memory_space<vmem>>, vector<1x16xf32>,
        %swap3A_1485 = vector.shape_cast %swap3A_1484 : vector<1x16xf32> to vector<16xf32>
        %swap3A_1486 = vector.shape_cast %mul3A_1481 : vector<16xf32> to vector<1x16xf32>
        tpu.vector_store %arg16[%swap3A_1482, %swap3A_1483], %swap3A_1486 {strides = array<i32>} : memref<48x128xf32, #tpu.memory_space<vmem>>, vector<1x16xf32>,
        %get3A_1487 = arith.index_cast %add3A_1456 : i32 to index
        %get3A_1488 = arith.constant 48 : index
        %get3A_1489 = tpu.vector_load %arg16[%get3A_1487, %get3A_1488] {strides = array<i32>} : memref<48x128xf32, #tpu.memory_space<vmem>>, vector<1x16xf32>,
        %get3A_1490 = vector.shape_cast %get3A_1489 : vector<1x16xf32> to vector<16xf32>
        %mul3A_1491 = arith.mulf %get3A_1490, %gather3A_1452 : vector<16xf32>
        %swap3A_1492 = arith.index_cast %add3A_1456 : i32 to index
        %swap3A_1493 = arith.constant 48 : index
        %swap3A_1494 = tpu.vector_load %arg16[%swap3A_1492, %swap3A_1493] {strides = array<i32>} : memref<48x128xf32, #tpu.memory_space<vmem>>, vector<1x16xf32>,
        %swap3A_1495 = vector.shape_cast %swap3A_1494 : vector<1x16xf32> to vector<16xf32>
        %swap3A_1496 = vector.shape_cast %mul3A_1491 : vector<16xf32> to vector<1x16xf32>
        tpu.vector_store %arg16[%swap3A_1492, %swap3A_1493], %swap3A_1496 {strides = array<i32>} : memref<48x128xf32, #tpu.memory_space<vmem>>, vector<1x16xf32>,
        %get3A_1497 = arith.index_cast %add3A_1456 : i32 to index
        %get3A_1498 = arith.constant 64 : index
        %get3A_1499 = tpu.vector_load %arg16[%get3A_1497, %get3A_1498] {strides = array<i32>} : memref<48x128xf32, #tpu.memory_space<vmem>>, vector<1x16xf32>,
        %get3A_1500 = vector.shape_cast %get3A_1499 : vector<1x16xf32> to vector<16xf32>
        %mul3A_1501 = arith.mulf %get3A_1500, %gather3A_1452 : vector<16xf32>
        %swap3A_1502 = arith.index_cast %add3A_1456 : i32 to index
        %swap3A_1503 = arith.constant 64 : index
        %swap3A_1504 = tpu.vector_load %arg16[%swap3A_1502, %swap3A_1503] {strides = array<i32>} : memref<48x128xf32, #tpu.memory_space<vmem>>, vector<1x16xf32>,
        %swap3A_1505 = vector.shape_cast %swap3A_1504 : vector<1x16xf32> to vector<16xf32>
        %swap3A_1506 = vector.shape_cast %mul3A_1501 : vector<16xf32> to vector<1x16xf32>
        tpu.vector_store %arg16[%swap3A_1502, %swap3A_1503], %swap3A_1506 {strides = array<i32>} : memref<48x128xf32, #tpu.memory_space<vmem>>, vector<1x16xf32>,
        %get3A_1507 = arith.index_cast %add3A_1456 : i32 to index
        %get3A_1508 = arith.constant 80 : index
        %get3A_1509 = tpu.vector_load %arg16[%get3A_1507, %get3A_1508] {strides = array<i32>} : memref<48x128xf32, #tpu.memory_space<vmem>>, vector<1x16xf32>,
        %get3A_1510 = vector.shape_cast %get3A_1509 : vector<1x16xf32> to vector<16xf32>
        %mul3A_1511 = arith.mulf %get3A_1510, %gather3A_1452 : vector<16xf32>
        %swap3A_1512 = arith.index_cast %add3A_1456 : i32 to index
        %swap3A_1513 = arith.constant 80 : index
        %swap3A_1514 = tpu.vector_load %arg16[%swap3A_1512, %swap3A_1513] {strides = array<i32>} : memref<48x128xf32, #tpu.memory_space<vmem>>, vector<1x16xf32>,
        %swap3A_1515 = vector.shape_cast %swap3A_1514 : vector<1x16xf32> to vector<16xf32>
        %swap3A_1516 = vector.shape_cast %mul3A_1511 : vector<16xf32> to vector<1x16xf32>
        tpu.vector_store %arg16[%swap3A_1512, %swap3A_1513], %swap3A_1516 {strides = array<i32>} : memref<48x128xf32, #tpu.memory_space<vmem>>, vector<1x16xf32>,
        %get3A_1517 = arith.index_cast %add3A_1456 : i32 to index
        %get3A_1518 = arith.constant 96 : index
        %get3A_1519 = tpu.vector_load %arg16[%get3A_1517, %get3A_1518] {strides = array<i32>} : memref<48x128xf32, #tpu.memory_space<vmem>>, vector<1x16xf32>,
        %get3A_1520 = vector.shape_cast %get3A_1519 : vector<1x16xf32> to vector<16xf32>
        %mul3A_1521 = arith.mulf %get3A_1520, %gather3A_1452 : vector<16xf32>
        %swap3A_1522 = arith.index_cast %add3A_1456 : i32 to index
        %swap3A_1523 = arith.constant 96 : index
        %swap3A_1524 = tpu.vector_load %arg16[%swap3A_1522, %swap3A_1523] {strides = array<i32>} : memref<48x128xf32, #tpu.memory_space<vmem>>, vector<1x16xf32>,
        %swap3A_1525 = vector.shape_cast %swap3A_1524 : vector<1x16xf32> to vector<16xf32>
        %swap3A_1526 = vector.shape_cast %mul3A_1521 : vector<16xf32> to vector<1x16xf32>
        tpu.vector_store %arg16[%swap3A_1522, %swap3A_1523], %swap3A_1526 {strides = array<i32>} : memref<48x128xf32, #tpu.memory_space<vmem>>, vector<1x16xf32>,
        %get3A_1527 = arith.index_cast %add3A_1456 : i32 to index
        %get3A_1528 = arith.constant 112 : index
        %get3A_1529 = tpu.vector_load %arg16[%get3A_1527, %get3A_1528] {strides = array<i32>} : memref<48x128xf32, #tpu.memory_space<vmem>>, vector<1x16xf32>,
        %get3A_1530 = vector.shape_cast %get3A_1529 : vector<1x16xf32> to vector<16xf32>
        %mul3A_1531 = arith.mulf %get3A_1530, %gather3A_1452 : vector<16xf32>
        %swap3A_1532 = arith.index_cast %add3A_1456 : i32 to index
        %swap3A_1533 = arith.constant 112 : index
        %swap3A_1534 = tpu.vector_load %arg16[%swap3A_1532, %swap3A_1533] {strides = array<i32>} : memref<48x128xf32, #tpu.memory_space<vmem>>, vector<1x16xf32>,
        %swap3A_1535 = vector.shape_cast %swap3A_1534 : vector<1x16xf32> to vector<16xf32>
        %swap3A_1536 = vector.shape_cast %mul3A_1531 : vector<16xf32> to vector<1x16xf32>
        tpu.vector_store %arg16[%swap3A_1532, %swap3A_1533], %swap3A_1536 {strides = array<i32>} : memref<48x128xf32, #tpu.memory_space<vmem>>, vector<1x16xf32>,
        %broadcast_in_dim3A_1537 = arith.constant 15 : i32
        %broadcast_in_dim3A_1538 = vector.broadcast %broadcast_in_dim3A_1537 : i32 to vector<16x1xi32>
        %gather3A_1539 = vector.shape_cast %broadcast_in_dim3A_1538 : vector<16x1xi32> to vector<16xi32>
        %gather3A_1540 = tpu.dynamic_gather %get3A_218[%gather3A_1539] in [0] : vector<16xf32>, vector<16xi32> -> vector<16xf32>
        %mul3A_1541 = arith.constant 16 : i32
        %mul3A_1542 = arith.muli %scan3A_212, %mul3A_1541 : i32
        %add3A_1543 = arith.constant 15 : i32
        %add3A_1544 = arith.addi %mul3A_1542, %add3A_1543 : i32
        %get3A_1545 = arith.index_cast %add3A_1544 : i32 to index
        %get3A_1546 = arith.constant 0 : index
        %get3A_1547 = tpu.vector_load %arg16[%get3A_1545, %get3A_1546] {strides = array<i32>} : memref<48x128xf32, #tpu.memory_space<vmem>>, vector<1x16xf32>,
        %get3A_1548 = vector.shape_cast %get3A_1547 : vector<1x16xf32> to vector<16xf32>
        %mul3A_1549 = arith.mulf %get3A_1548, %gather3A_1540 : vector<16xf32>
        %swap3A_1550 = arith.index_cast %add3A_1544 : i32 to index
        %swap3A_1551 = arith.constant 0 : index
        %swap3A_1552 = tpu.vector_load %arg16[%swap3A_1550, %swap3A_1551] {strides = array<i32>} : memref<48x128xf32, #tpu.memory_space<vmem>>, vector<1x16xf32>,
        %swap3A_1553 = vector.shape_cast %swap3A_1552 : vector<1x16xf32> to vector<16xf32>
        %swap3A_1554 = vector.shape_cast %mul3A_1549 : vector<16xf32> to vector<1x16xf32>
        tpu.vector_store %arg16[%swap3A_1550, %swap3A_1551], %swap3A_1554 {strides = array<i32>} : memref<48x128xf32, #tpu.memory_space<vmem>>, vector<1x16xf32>,
        %get3A_1555 = arith.index_cast %add3A_1544 : i32 to index
        %get3A_1556 = arith.constant 16 : index
        %get3A_1557 = tpu.vector_load %arg16[%get3A_1555, %get3A_1556] {strides = array<i32>} : memref<48x128xf32, #tpu.memory_space<vmem>>, vector<1x16xf32>,
        %get3A_1558 = vector.shape_cast %get3A_1557 : vector<1x16xf32> to vector<16xf32>
        %mul3A_1559 = arith.mulf %get3A_1558, %gather3A_1540 : vector<16xf32>
        %swap3A_1560 = arith.index_cast %add3A_1544 : i32 to index
        %swap3A_1561 = arith.constant 16 : index
        %swap3A_1562 = tpu.vector_load %arg16[%swap3A_1560, %swap3A_1561] {strides = array<i32>} : memref<48x128xf32, #tpu.memory_space<vmem>>, vector<1x16xf32>,
        %swap3A_1563 = vector.shape_cast %swap3A_1562 : vector<1x16xf32> to vector<16xf32>
        %swap3A_1564 = vector.shape_cast %mul3A_1559 : vector<16xf32> to vector<1x16xf32>
        tpu.vector_store %arg16[%swap3A_1560, %swap3A_1561], %swap3A_1564 {strides = array<i32>} : memref<48x128xf32, #tpu.memory_space<vmem>>, vector<1x16xf32>,
        %get3A_1565 = arith.index_cast %add3A_1544 : i32 to index
        %get3A_1566 = arith.constant 32 : index
        %get3A_1567 = tpu.vector_load %arg16[%get3A_1565, %get3A_1566] {strides = array<i32>} : memref<48x128xf32, #tpu.memory_space<vmem>>, vector<1x16xf32>,
        %get3A_1568 = vector.shape_cast %get3A_1567 : vector<1x16xf32> to vector<16xf32>
        %mul3A_1569 = arith.mulf %get3A_1568, %gather3A_1540 : vector<16xf32>
        %swap3A_1570 = arith.index_cast %add3A_1544 : i32 to index
        %swap3A_1571 = arith.constant 32 : index
        %swap3A_1572 = tpu.vector_load %arg16[%swap3A_1570, %swap3A_1571] {strides = array<i32>} : memref<48x128xf32, #tpu.memory_space<vmem>>, vector<1x16xf32>,
        %swap3A_1573 = vector.shape_cast %swap3A_1572 : vector<1x16xf32> to vector<16xf32>
        %swap3A_1574 = vector.shape_cast %mul3A_1569 : vector<16xf32> to vector<1x16xf32>
        tpu.vector_store %arg16[%swap3A_1570, %swap3A_1571], %swap3A_1574 {strides = array<i32>} : memref<48x128xf32, #tpu.memory_space<vmem>>, vector<1x16xf32>,
        %get3A_1575 = arith.index_cast %add3A_1544 : i32 to index
        %get3A_1576 = arith.constant 48 : index
        %get3A_1577 = tpu.vector_load %arg16[%get3A_1575, %get3A_1576] {strides = array<i32>} : memref<48x128xf32, #tpu.memory_space<vmem>>, vector<1x16xf32>,
        %get3A_1578 = vector.shape_cast %get3A_1577 : vector<1x16xf32> to vector<16xf32>
        %mul3A_1579 = arith.mulf %get3A_1578, %gather3A_1540 : vector<16xf32>
        %swap3A_1580 = arith.index_cast %add3A_1544 : i32 to index
        %swap3A_1581 = arith.constant 48 : index
        %swap3A_1582 = tpu.vector_load %arg16[%swap3A_1580, %swap3A_1581] {strides = array<i32>} : memref<48x128xf32, #tpu.memory_space<vmem>>, vector<1x16xf32>,
        %swap3A_1583 = vector.shape_cast %swap3A_1582 : vector<1x16xf32> to vector<16xf32>
        %swap3A_1584 = vector.shape_cast %mul3A_1579 : vector<16xf32> to vector<1x16xf32>
        tpu.vector_store %arg16[%swap3A_1580, %swap3A_1581], %swap3A_1584 {strides = array<i32>} : memref<48x128xf32, #tpu.memory_space<vmem>>, vector<1x16xf32>,
        %get3A_1585 = arith.index_cast %add3A_1544 : i32 to index
        %get3A_1586 = arith.constant 64 : index
        %get3A_1587 = tpu.vector_load %arg16[%get3A_1585, %get3A_1586] {strides = array<i32>} : memref<48x128xf32, #tpu.memory_space<vmem>>, vector<1x16xf32>,
        %get3A_1588 = vector.shape_cast %get3A_1587 : vector<1x16xf32> to vector<16xf32>
        %mul3A_1589 = arith.mulf %get3A_1588, %gather3A_1540 : vector<16xf32>
        %swap3A_1590 = arith.index_cast %add3A_1544 : i32 to index
        %swap3A_1591 = arith.constant 64 : index
        %swap3A_1592 = tpu.vector_load %arg16[%swap3A_1590, %swap3A_1591] {strides = array<i32>} : memref<48x128xf32, #tpu.memory_space<vmem>>, vector<1x16xf32>,
        %swap3A_1593 = vector.shape_cast %swap3A_1592 : vector<1x16xf32> to vector<16xf32>
        %swap3A_1594 = vector.shape_cast %mul3A_1589 : vector<16xf32> to vector<1x16xf32>
        tpu.vector_store %arg16[%swap3A_1590, %swap3A_1591], %swap3A_1594 {strides = array<i32>} : memref<48x128xf32, #tpu.memory_space<vmem>>, vector<1x16xf32>,
        %get3A_1595 = arith.index_cast %add3A_1544 : i32 to index
        %get3A_1596 = arith.constant 80 : index
        %get3A_1597 = tpu.vector_load %arg16[%get3A_1595, %get3A_1596] {strides = array<i32>} : memref<48x128xf32, #tpu.memory_space<vmem>>, vector<1x16xf32>,
        %get3A_1598 = vector.shape_cast %get3A_1597 : vector<1x16xf32> to vector<16xf32>
        %mul3A_1599 = arith.mulf %get3A_1598, %gather3A_1540 : vector<16xf32>
        %swap3A_1600 = arith.index_cast %add3A_1544 : i32 to index
        %swap3A_1601 = arith.constant 80 : index
        %swap3A_1602 = tpu.vector_load %arg16[%swap3A_1600, %swap3A_1601] {strides = array<i32>} : memref<48x128xf32, #tpu.memory_space<vmem>>, vector<1x16xf32>,
        %swap3A_1603 = vector.shape_cast %swap3A_1602 : vector<1x16xf32> to vector<16xf32>
        %swap3A_1604 = vector.shape_cast %mul3A_1599 : vector<16xf32> to vector<1x16xf32>
        tpu.vector_store %arg16[%swap3A_1600, %swap3A_1601], %swap3A_1604 {strides = array<i32>} : memref<48x128xf32, #tpu.memory_space<vmem>>, vector<1x16xf32>,
        %get3A_1605 = arith.index_cast %add3A_1544 : i32 to index
        %get3A_1606 = arith.constant 96 : index
        %get3A_1607 = tpu.vector_load %arg16[%get3A_1605, %get3A_1606] {strides = array<i32>} : memref<48x128xf32, #tpu.memory_space<vmem>>, vector<1x16xf32>,
        %get3A_1608 = vector.shape_cast %get3A_1607 : vector<1x16xf32> to vector<16xf32>
        %mul3A_1609 = arith.mulf %get3A_1608, %gather3A_1540 : vector<16xf32>
        %swap3A_1610 = arith.index_cast %add3A_1544 : i32 to index
        %swap3A_1611 = arith.constant 96 : index
        %swap3A_1612 = tpu.vector_load %arg16[%swap3A_1610, %swap3A_1611] {strides = array<i32>} : memref<48x128xf32, #tpu.memory_space<vmem>>, vector<1x16xf32>,
        %swap3A_1613 = vector.shape_cast %swap3A_1612 : vector<1x16xf32> to vector<16xf32>
        %swap3A_1614 = vector.shape_cast %mul3A_1609 : vector<16xf32> to vector<1x16xf32>
        tpu.vector_store %arg16[%swap3A_1610, %swap3A_1611], %swap3A_1614 {strides = array<i32>} : memref<48x128xf32, #tpu.memory_space<vmem>>, vector<1x16xf32>,
        %get3A_1615 = arith.index_cast %add3A_1544 : i32 to index
        %get3A_1616 = arith.constant 112 : index
        %get3A_1617 = tpu.vector_load %arg16[%get3A_1615, %get3A_1616] {strides = array<i32>} : memref<48x128xf32, #tpu.memory_space<vmem>>, vector<1x16xf32>,
        %get3A_1618 = vector.shape_cast %get3A_1617 : vector<1x16xf32> to vector<16xf32>
        %mul3A_1619 = arith.mulf %get3A_1618, %gather3A_1540 : vector<16xf32>
        %swap3A_1620 = arith.index_cast %add3A_1544 : i32 to index
        %swap3A_1621 = arith.constant 112 : index
        %swap3A_1622 = tpu.vector_load %arg16[%swap3A_1620, %swap3A_1621] {strides = array<i32>} : memref<48x128xf32, #tpu.memory_space<vmem>>, vector<1x16xf32>,
        %swap3A_1623 = vector.shape_cast %swap3A_1622 : vector<1x16xf32> to vector<16xf32>
        %swap3A_1624 = vector.shape_cast %mul3A_1619 : vector<16xf32> to vector<1x16xf32>
        tpu.vector_store %arg16[%swap3A_1620, %swap3A_1621], %swap3A_1624 {strides = array<i32>} : memref<48x128xf32, #tpu.memory_space<vmem>>, vector<1x16xf32>,
      }
      %scan3A_174 = arith.constant 3 : i32
      %add3A_175 = arith.constant 0 : i32
      %add3A_176 = arith.addi %mul3A_162, %add3A_175 : i32
      %get3A_177 = arith.index_cast %add3A_176 : i32 to index
      %get3A_178 = tpu.vector_load %arg9[%get3A_177] {strides = array<i32>} : memref<10080xi32, #tpu.memory_space<vmem>>, vector<16xi32>,
      %get3A_179 = vector.shape_cast %get3A_178 : vector<16xi32> to vector<16xi32>
      %swap3A_180 = arith.constant 0 : index
      %swap3A_181 = tpu.vector_load %arg13[%swap3A_180] {strides = array<i32>} : memref<48xi32, #tpu.memory_space<vmem>>, vector<16xi32>,
      %swap3A_182 = vector.shape_cast %swap3A_181 : vector<16xi32> to vector<16xi32>
      %swap3A_183 = vector.shape_cast %get3A_179 : vector<16xi32> to vector<16xi32>
      tpu.vector_store %arg13[%swap3A_180], %swap3A_183 {strides = array<i32>} : memref<48xi32, #tpu.memory_space<vmem>>, vector<16xi32>,
      %add3A_184 = arith.constant 16 : i32
      %add3A_185 = arith.addi %mul3A_162, %add3A_184 : i32
      %get3A_186 = arith.index_cast %add3A_185 : i32 to index
      %get3A_187 = tpu.vector_load %arg9[%get3A_186] {strides = array<i32>} : memref<10080xi32, #tpu.memory_space<vmem>>, vector<16xi32>,
      %get3A_188 = vector.shape_cast %get3A_187 : vector<16xi32> to vector<16xi32>
      %swap3A_189 = arith.constant 16 : index
      %swap3A_190 = tpu.vector_load %arg13[%swap3A_189] {strides = array<i32>} : memref<48xi32, #tpu.memory_space<vmem>>, vector<16xi32>,
      %swap3A_191 = vector.shape_cast %swap3A_190 : vector<16xi32> to vector<16xi32>
      %swap3A_192 = vector.shape_cast %get3A_188 : vector<16xi32> to vector<16xi32>
      tpu.vector_store %arg13[%swap3A_189], %swap3A_192 {strides = array<i32>} : memref<48xi32, #tpu.memory_space<vmem>>, vector<16xi32>,
      %add3A_193 = arith.constant 32 : i32
      %add3A_194 = arith.addi %mul3A_162, %add3A_193 : i32
      %get3A_195 = arith.index_cast %add3A_194 : i32 to index
      %get3A_196 = tpu.vector_load %arg9[%get3A_195] {strides = array<i32>} : memref<10080xi32, #tpu.memory_space<vmem>>, vector<16xi32>,
      %get3A_197 = vector.shape_cast %get3A_196 : vector<16xi32> to vector<16xi32>
      %swap3A_198 = arith.constant 32 : index
      %swap3A_199 = tpu.vector_load %arg13[%swap3A_198] {strides = array<i32>} : memref<48xi32, #tpu.memory_space<vmem>>, vector<16xi32>,
      %swap3A_200 = vector.shape_cast %swap3A_199 : vector<16xi32> to vector<16xi32>
      %swap3A_201 = vector.shape_cast %get3A_197 : vector<16xi32> to vector<16xi32>
      tpu.vector_store %arg13[%swap3A_198], %swap3A_201 {strides = array<i32>} : memref<48xi32, #tpu.memory_space<vmem>>, vector<16xi32>,
      %dma_start3A_202 = arith.constant 0 : i32
      %dma_start3A_203 = arith.constant 0 : i32
      %dma_start3A_204 = tpu.memref_slice %arg17[%dma_start3A_202, %dma_start3A_203] : memref<10000x128xf32, #tpu.memory_space<vmem_shared>> -> memref<10000x128xf32, #tpu.memory_space<vmem_shared>>
      tpu.enqueue_indirect_dma source(%arg16 : memref<48x128xf32, #tpu.memory_space<vmem>>) target(%dma_start3A_204 : memref<10000x128xf32, #tpu.memory_space<vmem_shared>>) offsets(%arg13 : memref<48xi32, #tpu.memory_space<vmem>>) semaphore(%arg23 : memref<!tpu.dma_semaphore, #tpu.memory_space<semaphore_mem>>) {add = true}
      %add3A_205 = arith.constant 96 : i32
      %add3A_206 = arith.addi %mul3A_162, %add3A_205 : i32
      %lt3A_207 = arith.constant 69 : i32
      %lt3A_208 = arith.cmpi slt, %scan3A_48, %lt3A_207 : i32
      %convert_element_type3A_209 = arith.extui %lt3A_208 : i1 to i32
      %cond3A_210 = arith.constant 0 : i32
      %cond3A_211 = arith.cmpi ne, %convert_element_type3A_209, %cond3A_210 : i32
      scf.if %cond3A_211 {
        %dma_wait3A_212 = arith.constant 0 : i32
        %dma_wait3A_213 = arith.constant 0 : i32
        %dma_wait3A_214 = tpu.memref_slice %arg2[%dma_wait3A_212, %dma_wait3A_213] : memref<10000x128xf32, #tpu.memory_space<hbm>> -> memref<48x128xf32, #tpu.memory_space<hbm>>
        %dma_wait3A_215 = arith.constant 0 : i32
        %dma_wait3A_216 = arith.constant 0 : i32
        %dma_wait3A_217 = tpu.memref_slice %arg2[%dma_wait3A_215, %dma_wait3A_216] : memref<10000x128xf32, #tpu.memory_space<hbm>> -> memref<48x128xf32, #tpu.memory_space<hbm>>
        tpu.wait_dma2 semaphore(%arg22 : memref<!tpu.dma_semaphore, #tpu.memory_space<semaphore_mem>>) src(%dma_wait3A_217 : memref<48x128xf32, #tpu.memory_space<hbm>>) dst(%arg15 : memref<48x128xf32, #tpu.memory_space<vmem>>)
        %dma_start3A_218 = tpu.memref_slice %arg8[%add3A_206] : memref<10080xi32, #tpu.memory_space<vmem>> -> memref<48xi32, #tpu.memory_space<vmem>>
        %dma_start3A_219 = arith.constant 0 : i32
        %dma_start3A_220 = arith.constant 0 : i32
        %dma_start3A_221 = tpu.memref_slice %arg2[%dma_start3A_219, %dma_start3A_220] : memref<10000x128xf32, #tpu.memory_space<hbm>> -> memref<10000x128xf32, #tpu.memory_space<hbm>>
        tpu.enqueue_indirect_dma source(%dma_start3A_221 : memref<10000x128xf32, #tpu.memory_space<hbm>>) target(%arg15 : memref<48x128xf32, #tpu.memory_space<vmem>>) offsets(%dma_start3A_218 : memref<48xi32, #tpu.memory_space<vmem>>) semaphore(%arg19 : memref<!tpu.dma_semaphore, #tpu.memory_space<semaphore_mem>>)
      } else {
      }
    }
    %scan3A_18 = arith.constant 70 : i32
    %dma_wait3A = arith.constant 0 : i32
    %dma_wait3A_19 = arith.constant 0 : i32
    %dma_wait3A_20 = tpu.memref_slice %arg2[%dma_wait3A, %dma_wait3A_19] : memref<10000x128xf32, #tpu.memory_space<hbm>> -> memref<48x128xf32, #tpu.memory_space<hbm>>
    %dma_wait3A_21 = arith.constant 0 : i32
    %dma_wait3A_22 = arith.constant 0 : i32
    %dma_wait3A_23 = tpu.memref_slice %arg2[%dma_wait3A_21, %dma_wait3A_22] : memref<10000x128xf32, #tpu.memory_space<hbm>> -> memref<48x128xf32, #tpu.memory_space<hbm>>
    tpu.wait_dma2 semaphore(%arg21 : memref<!tpu.dma_semaphore, #tpu.memory_space<semaphore_mem>>) src(%dma_wait3A_23 : memref<48x128xf32, #tpu.memory_space<hbm>>) dst(%arg14 : memref<48x128xf32, #tpu.memory_space<vmem>>)
    %dma_wait3A_24 = arith.constant 0 : i32
    %dma_wait3A_25 = arith.constant 0 : i32
    %dma_wait3A_26 = tpu.memref_slice %arg2[%dma_wait3A_24, %dma_wait3A_25] : memref<10000x128xf32, #tpu.memory_space<hbm>> -> memref<48x128xf32, #tpu.memory_space<hbm>>
    %dma_wait3A_27 = arith.constant 0 : i32
    %dma_wait3A_28 = arith.constant 0 : i32
    %dma_wait3A_29 = tpu.memref_slice %arg2[%dma_wait3A_27, %dma_wait3A_28] : memref<10000x128xf32, #tpu.memory_space<hbm>> -> memref<48x128xf32, #tpu.memory_space<hbm>>
    tpu.wait_dma2 semaphore(%arg22 : memref<!tpu.dma_semaphore, #tpu.memory_space<semaphore_mem>>) src(%dma_wait3A_29 : memref<48x128xf32, #tpu.memory_space<hbm>>) dst(%arg15 : memref<48x128xf32, #tpu.memory_space<vmem>>)
    %dma_wait3A_30 = arith.constant 0 : i32
    %dma_wait3A_31 = arith.constant 0 : i32
    %dma_wait3A_32 = tpu.memref_slice %arg2[%dma_wait3A_30, %dma_wait3A_31] : memref<10000x128xf32, #tpu.memory_space<hbm>> -> memref<48x128xf32, #tpu.memory_space<hbm>>
    %dma_wait3A_33 = arith.constant 0 : i32
    %dma_wait3A_34 = arith.constant 0 : i32
    %dma_wait3A_35 = tpu.memref_slice %arg2[%dma_wait3A_33, %dma_wait3A_34] : memref<10000x128xf32, #tpu.memory_space<hbm>> -> memref<48x128xf32, #tpu.memory_space<hbm>>
    tpu.wait_dma2 semaphore(%arg23 : memref<!tpu.dma_semaphore, #tpu.memory_space<semaphore_mem>>) src(%dma_wait3A_35 : memref<48x128xf32, #tpu.memory_space<hbm>>) dst(%arg16 : memref<48x128xf32, #tpu.memory_space<vmem>>)
    %barrier3A_36 = arith.constant 0 : index
    tpu.barrier barrier_id(%barrier3A_36)
    %mul3A_37 = arith.constant 632 : i32
    %mul3A_38 = arith.muli %arg1, %mul3A_37 : i32
    %lt3A = arith.constant 15 : i32
    %lt3A_39 = arith.cmpi slt, %arg1, %lt3A : i32
    %convert_element_type3A_40 = arith.extui %lt3A_39 : i1 to i32
    %cond3A_41 = arith.constant 0 : i32
    %cond3A_42 = arith.cmpi ne, %convert_element_type3A_40, %cond3A_41 : i32
    scf.if %cond3A_42 {
      "tpu.region"() ({
        %run_scoped3A = tpu.sem_alloc : memref<!tpu.dma_semaphore, #tpu.memory_space<semaphore_mem>>
        %dma_start3A_48 = arith.constant 0 : i32
        %dma_start3A_49 = tpu.memref_slice %arg7[%arg0, %mul3A_38, %dma_start3A_48] : memref<2x10000x128xf32, #tpu.memory_space<hbm>> -> memref<1x632x128xf32, #tpu.memory_space<hbm>>
        %dma_start3A_50 = tpu.memref_squeeze %dma_start3A_49 : memref<1x632x128xf32, #tpu.memory_space<hbm>> -> memref<632x128xf32, #tpu.memory_space<hbm>>
        %dma_start3A_51 = arith.constant 0 : i32
        %dma_start3A_52 = tpu.memref_slice %arg17[%mul3A_38, %dma_start3A_51] : memref<10000x128xf32, #tpu.memory_space<vmem_shared>> -> memref<632x128xf32, #tpu.memory_space<vmem_shared>>
        tpu.enqueue_dma source(%dma_start3A_52 : memref<632x128xf32, #tpu.memory_space<vmem_shared>>) target(%dma_start3A_50 : memref<632x128xf32, #tpu.memory_space<hbm>>) target_semaphore(%run_scoped3A : memref<!tpu.dma_semaphore, #tpu.memory_space<semaphore_mem>>)
        %dma_wait3A_53 = arith.constant 0 : i32
        %dma_wait3A_54 = tpu.memref_slice %arg7[%arg0, %mul3A_38, %dma_wait3A_53] : memref<2x10000x128xf32, #tpu.memory_space<hbm>> -> memref<1x632x128xf32, #tpu.memory_space<hbm>>
        %dma_wait3A_55 = tpu.memref_squeeze %dma_wait3A_54 : memref<1x632x128xf32, #tpu.memory_space<hbm>> -> memref<632x128xf32, #tpu.memory_space<hbm>>
        %dma_wait3A_56 = arith.constant 0 : i32
        %dma_wait3A_57 = tpu.memref_slice %arg17[%mul3A_38, %dma_wait3A_56] : memref<10000x128xf32, #tpu.memory_space<vmem_shared>> -> memref<632x128xf32, #tpu.memory_space<vmem_shared>>
        tpu.wait_dma2 semaphore(%run_scoped3A : memref<!tpu.dma_semaphore, #tpu.memory_space<semaphore_mem>>) src(%dma_wait3A_57 : memref<632x128xf32, #tpu.memory_space<vmem_shared>>) dst(%dma_wait3A_55 : memref<632x128xf32, #tpu.memory_space<hbm>>)
        tpu.yield
      }) : () -> ()
    } else {
    }
    %eq3A_43 = arith.constant 15 : i32
    %eq3A_44 = arith.cmpi eq, %arg1, %eq3A_43 : i32
    %convert_element_type3A_45 = arith.extui %eq3A_44 : i1 to i32
    %cond3A_46 = arith.constant 0 : i32
    %cond3A_47 = arith.cmpi ne, %convert_element_type3A_45, %cond3A_46 : i32
    scf.if %cond3A_47 {
      "tpu.region"() ({
        %run_scoped3A = tpu.sem_alloc : memref<!tpu.dma_semaphore, #tpu.memory_space<semaphore_mem>>
        %dma_start3A_48 = arith.constant 9480 : i32
        %dma_start3A_49 = arith.constant 0 : i32
        %dma_start3A_50 = tpu.memref_slice %arg7[%arg0, %dma_start3A_48, %dma_start3A_49] : memref<2x10000x128xf32, #tpu.memory_space<hbm>> -> memref<1x520x128xf32, #tpu.memory_space<hbm>>
        %dma_start3A_51 = tpu.memref_squeeze %dma_start3A_50 : memref<1x520x128xf32, #tpu.memory_space<hbm>> -> memref<520x128xf32, #tpu.memory_space<hbm>>
        %dma_start3A_52 = arith.constant 9480 : i32
        %dma_start3A_53 = arith.constant 0 : i32
        %dma_start3A_54 = tpu.memref_slice %arg17[%dma_start3A_52, %dma_start3A_53] : memref<10000x128xf32, #tpu.memory_space<vmem_shared>> -> memref<520x128xf32, #tpu.memory_space<vmem_shared>>
        tpu.enqueue_dma source(%dma_start3A_54 : memref<520x128xf32, #tpu.memory_space<vmem_shared>>) target(%dma_start3A_51 : memref<520x128xf32, #tpu.memory_space<hbm>>) target_semaphore(%run_scoped3A : memref<!tpu.dma_semaphore, #tpu.memory_space<semaphore_mem>>)
        %dma_wait3A_55 = arith.constant 9480 : i32
        %dma_wait3A_56 = arith.constant 0 : i32
        %dma_wait3A_57 = tpu.memref_slice %arg7[%arg0, %dma_wait3A_55, %dma_wait3A_56] : memref<2x10000x128xf32, #tpu.memory_space<hbm>> -> memref<1x520x128xf32, #tpu.memory_space<hbm>>
        %dma_wait3A_58 = tpu.memref_squeeze %dma_wait3A_57 : memref<1x520x128xf32, #tpu.memory_space<hbm>> -> memref<520x128xf32, #tpu.memory_space<hbm>>
        %dma_wait3A_59 = arith.constant 9480 : i32
        %dma_wait3A_60 = arith.constant 0 : i32
        %dma_wait3A_61 = tpu.memref_slice %arg17[%dma_wait3A_59, %dma_wait3A_60] : memref<10000x128xf32, #tpu.memory_space<vmem_shared>> -> memref<520x128xf32, #tpu.memory_space<vmem_shared>>
        tpu.wait_dma2 semaphore(%run_scoped3A : memref<!tpu.dma_semaphore, #tpu.memory_space<semaphore_mem>>) src(%dma_wait3A_61 : memref<520x128xf32, #tpu.memory_space<vmem_shared>>) dst(%dma_wait3A_58 : memref<520x128xf32, #tpu.memory_space<hbm>>)
        tpu.yield
      }) : () -> ()
    } else {
    }
    return
  }
}

module attributes {stable_mosaic.version = 14 : i64} {
  func.func @body(%arg0: i32, %arg1: memref<2xf32, #tpu.memory_space<smem>>, %arg2: memref<1x2000x128xf32, #tpu.memory_space<vmem>>, %arg3: memref<1x2000x128xf32, #tpu.memory_space<vmem>>, %arg4: memref<2000x128xf32, #tpu.memory_space<vmem>>, %arg5: memref<128x128xf32, #tpu.memory_space<vmem>>, %arg6: memref<2000x128xf32, #tpu.memory_space<vmem>>) attributes {dimension_semantics = [#tpu.dimension_semantics<arbitrary>], iteration_bounds = array<i64: 5>, scalar_prefetch = 0 : i64, scratch_operands = 0 : i64, tpu.core_type = #tpu.core_type<tc>, window_params = [{transform_indices = @transform_0, window_bounds = array<i64: 2>}, {transform_indices = @transform_1, window_bounds = array<i64: 1, 2000, 128>}, {transform_indices = @transform_2, window_bounds = array<i64: 1, 2000, 128>}, {transform_indices = @transform_3, window_bounds = array<i64: 2000, 128>}, {pipeline_mode = #tpu.pipeline_mode<synchronous>, transform_indices = @transform_4, window_bounds = array<i64: 128, 128>}, {transform_indices = @transform_5, window_bounds = array<i64: 2000, 128>}]} {
    %get3A = arith.constant 0 : index
    %get3A_0 = memref.load %arg1[%get3A] : memref<2xf32, #tpu.memory_space<smem>>
    %get3A_1 = arith.constant 1 : index
    %get3A_2 = memref.load %arg1[%get3A_1] : memref<2xf32, #tpu.memory_space<smem>>
    %sub3A = arith.constant 1.000000e+00 : f32
    %sub3A_3 = arith.subf %sub3A, %get3A_0 : f32
    %get3A_4 = arith.constant 0 : index
    %get3A_5 = arith.constant 0 : index
    %get3A_6 = arith.constant 0 : index
    %get3A_7 = vector.load %arg2[%get3A_4, %get3A_5, %get3A_6] : memref<1x2000x128xf32, #tpu.memory_space<vmem>>, vector<1x2000x128xf32>
    %get3A_8 = vector.shape_cast %get3A_7 : vector<1x2000x128xf32> to vector<2000x128xf32>
    %get3A_9 = arith.constant 0 : index
    %get3A_10 = arith.constant 0 : index
    %get3A_11 = arith.constant 0 : index
    %get3A_12 = vector.load %arg3[%get3A_9, %get3A_10, %get3A_11] : memref<1x2000x128xf32, #tpu.memory_space<vmem>>, vector<1x2000x128xf32>
    %get3A_13 = vector.shape_cast %get3A_12 : vector<1x2000x128xf32> to vector<2000x128xf32>
    %add3A = arith.addf %get3A_8, %get3A_13 : vector<2000x128xf32>
    %mul3A = vector.broadcast %sub3A_3 : f32 to vector<2000x128xf32>
    %mul3A_14 = arith.mulf %mul3A, %add3A : vector<2000x128xf32>
    %get3A_15 = arith.constant 0 : index
    %get3A_16 = arith.constant 0 : index
    %get3A_17 = vector.load %arg4[%get3A_15, %get3A_16] : memref<2000x128xf32, #tpu.memory_space<vmem>>, vector<2000x128xf32>
    %mul3A_18 = vector.broadcast %get3A_0 : f32 to vector<2000x128xf32>
    %mul3A_19 = arith.mulf %mul3A_18, %get3A_17 : vector<2000x128xf32>
    %add3A_20 = arith.addf %mul3A_14, %mul3A_19 : vector<2000x128xf32>
    %get3A_21 = arith.constant 0 : index
    %get3A_22 = arith.constant 0 : index
    %get3A_23 = vector.load %arg5[%get3A_21, %get3A_22] : memref<128x128xf32, #tpu.memory_space<vmem>>, vector<128x128xf32>
    %dot_general3A = arith.constant dense<0.000000e+00> : vector<2000x128xf32>
    %dot_general3A_24 = tpu.matmul %add3A_20, %get3A_23, %dot_general3A {dimension_numbers = #tpu.dot_dimension_numbers<[1], [0], [0], [1], [0, 0, 1, 1], [], []>, transpose_lhs_hint = false} : vector<2000x128xf32>, vector<128x128xf32>, vector<2000x128xf32> -> vector<2000x128xf32>
    %mul3A_25 = vector.broadcast %get3A_2 : f32 to vector<2000x128xf32>
    %mul3A_26 = arith.mulf %mul3A_25, %dot_general3A_24 : vector<2000x128xf32>
    %sub3A_27 = arith.constant 1.000000e+00 : f32
    %sub3A_28 = arith.subf %sub3A_27, %get3A_2 : f32
    %mul3A_29 = vector.broadcast %sub3A_28 : f32 to vector<2000x128xf32>
    %mul3A_30 = arith.mulf %mul3A_29, %add3A_20 : vector<2000x128xf32>
    %add3A_31 = arith.addf %mul3A_26, %mul3A_30 : vector<2000x128xf32>
    %swap3A = arith.constant 0 : index
    %swap3A_32 = arith.constant 0 : index
    %swap3A_33 = vector.load %arg6[%swap3A, %swap3A_32] : memref<2000x128xf32, #tpu.memory_space<vmem>>, vector<2000x128xf32>
    tpu.vector_store %arg6[%swap3A, %swap3A_32], %add3A_31 {strides = array<i32>} : memref<2000x128xf32, #tpu.memory_space<vmem>>, vector<2000x128xf32>,
    return
  }
  func.func @transform_0(%arg0: i32) -> i32 {
    %c0_i32 = arith.constant 0 : i32
    %c0_i32_0 = arith.constant 0 : i32
    return %c0_i32 : i32
  }
  func.func @transform_1(%arg0: i32) -> (i32, i32, i32) {
    %c0_i32 = arith.constant 0 : i32
    %c0_i32_0 = arith.constant 0 : i32
    %c0_i32_1 = arith.constant 0 : i32
    return %c0_i32, %arg0, %c0_i32_0 : i32, i32, i32
  }
  func.func @transform_2(%arg0: i32) -> (i32, i32, i32) {
    %c1_i32 = arith.constant 1 : i32
    %c0_i32 = arith.constant 0 : i32
    %c0_i32_0 = arith.constant 0 : i32
    return %c1_i32, %arg0, %c0_i32 : i32, i32, i32
  }
  func.func @transform_3(%arg0: i32) -> (i32, i32) {
    %c0_i32 = arith.constant 0 : i32
    %c0_i32_0 = arith.constant 0 : i32
    return %arg0, %c0_i32 : i32, i32
  }
  func.func @transform_4(%arg0: i32) -> (i32, i32) {
    %c0_i32 = arith.constant 0 : i32
    %c0_i32_0 = arith.constant 0 : i32
    %c0_i32_1 = arith.constant 0 : i32
    return %c0_i32, %c0_i32_0 : i32, i32
  }
  func.func @transform_5(%arg0: i32) -> (i32, i32) {
    %c0_i32 = arith.constant 0 : i32
    %c0_i32_0 = arith.constant 0 : i32
    return %arg0, %c0_i32 : i32, i32
  }
}

</mosaic_0001>

<sc_bundles>
// kernel: kernel.4.cloned.1.call-start
scs
__scs_entry_jumppad:
0x0: {  	(pc) =	sbr.rel $0x88, $3  }
0x1: {  	(tag) =	ssettag $0x0;
	lr =	simm.s32 $0x1  }
0x2: {  	[smem:$0x3F99] =	sst lr;
	_ =	strace $0xD0000000  }
0x3: {  	_ = 	snop  }
0x4: {  	_ = 	snop  }
0x5: {  	_ = 	snop  }
0x6: {  	_ = 	snop  }
0x7: {  	_ = 	snop  }
__scs_overlays_trampoline_lowered:
0x8: {  	[smem:$0x3FA8] =	sst s0  }
0x9: {  	[smem:$0x3FA9] =	sst s1  }
0xa: {  	[smem:$0x3FAA] =	sst s2  }
0xb: {  	[smem:$0x3FAB] =	sst s3  }
0xc: {  	[smem:$0x3FAC] =	sst s4  }
0xd: {  	[smem:$0x3FAD] =	sst s5  }
0xe: {  	[smem:$0x3FAE] =	sst s6  }
0xf: {  	[smem:$0x3FAF] =	sst s7  }
0x10: {  	[smem:$0x3FB0] =	sst s8  }
0x11: {  	[smem:$0x3FB1] =	sst s9;
	s0 =	simm.s32 @!p0 $0x0  }
0x12: {  	s1 =	sld [smem:$0x3F97];
	s0 =	simm.s32 @p0 $0x1  }
0x13: {  	[smem:$0x3FB2] =	sst s0;
	s0 =	simm.s32 @!p1 $0x0  }
0x14: {  	s2 =	sld [smem:$0x3F96];
	s0 =	simm.s32 @p1 $0x1  }
0x15: {  	[smem:$0x3FB3] =	sst s0;
	s0 =	simm.s32 @!p2 $0x0  }
0x16: {  	s3 =	sld [smem:$0x3FDB];
	s0 =	simm.s32 @p2 $0x1  }
0x17: {  	s4 =	simm.s32 $0x1BF5;
	[smem:$0x3FB5] =	sst s0  }
0x18: {  	s0 =	sld [smem:$0x3F98];
	_ =	swait.ge [sflag:s4], $0x0  }
0x19: {  	s7 =	sld [smem:$0x3F99]  }
0x1a: {  	s8 =	sadd.s32 $0xFFFFE003, lr  }
0x1b: {  	s9 =	sadd.s32 $0xFFFFFEF7, lr;
	s5 =	simm.s32 $0xFFFFFFFF;
	p2 =	slt.u32 s8, $0xFFFFF086  }
0x1c: {  	p1 =	slt.u32 s9, $0xF7A;
	s5 =	simm.s32 @!p2 $0x0  }
0x1d: {  	s5 =	simm.s32 @p1 $0x1;
	p0 =	seq.s32 s7, s2  }
0x1e: {  	s7 =	smul.u32 @!p0 $0xF7A, s2;
	p2 =	seq.s32 @!p0 s5, $0x0  }
0x1f: {  	s9 =	smul.u32 $0xF7A, s1;
	s8 =	simm.s32 @!p0 $0x1BF5;
	p2 =	por !p2, p0  }
0x20: {  	[sflag:s8] =	ssyncset.s32 @!p0 $0xFFFFF086;
	s6 =	sadd.s32 @!p0 s3, s7;
	s7 =	simm.s32 @!p0 $0x108  }
0x21: {  	s3 =	sadd.s32 s3, s9;
	s6 =	sadd.s32 @!p0 $0x88, s6;
	s7 =	simm.s32 @p2 $0x1082  }
0x22: {  	[simem:s7], [sflag:s8] =	dma.local @!p0 [hbm:s6], $0xF7A  }
0x23: {  	s9 =	sor.u32 $0xD0000000, s2;
	s6 =	simm.s32 $0x108;
	_ =	swait.ge @!p0 [sflag:s8], $0x0  }
0x24: {  	s3 =	sadd.s32 $0x88, s3;
	s6 =	simm.s32 @!p1 $0x1082;
	[sflag:s4] =	ssyncset.s32 $0xFFFFF086  }
0x25: {  	[simem:s6], [sflag:s4] =	dma.local [hbm:s3], $0xF7A  }
0x26: {  	[smem:$0x3F99] =	sst s1;
	(tag) =	ssettag s2;
	_ =	strace s9  }
0x27: {  	s1 =	sld [smem:$0x3FA9]  }
0x28: {  	s2 =	sld [smem:$0x3FAA]  }
0x29: {  	s4 =	sld [smem:$0x3FAC]  }
0x2a: {  	p0 =	seq.s32 s5, $0x0;
	s5 =	sld [smem:$0x3FAD]  }
0x2b: {  	s6 =	sld [smem:$0x3FAE]  }
0x2c: {  	s7 =	sld [smem:$0x3FAF]  }
0x2d: {  	s3 =	simm.s32 $0x108;
	s8 =	sld [smem:$0x3FB0]  }
0x2e: {  	s3 =	simm.s32 @!p0 $0x1082;
	s9 =	sld [smem:$0x3FB1]  }
0x2f: {  	lr =	sadd.s32 s0, s3;
	s0 =	sld [smem:$0x3FA8]  }
0x30: {  	s3 =	sld [smem:$0x3FAB]  }
0x31: {  	[smem:$0x3FB4] =	sst s10  }
0x32: {  	s10 =	sld [smem:$0x3FB2];
	_ =	sdelay $0x3  }
0x33: {  	p0 =	seq.s32 s10, $0x1;
	s10 =	sld [smem:$0x3FB4];
	_ =	sdelay $0x3  }
0x34: {  	[smem:$0x3FB4] =	sst s10  }
0x35: {  	s10 =	sld [smem:$0x3FB3];
	_ =	sdelay $0x3  }
0x36: {  	p1 =	seq.s32 s10, $0x1;
	s10 =	sld [smem:$0x3FB4];
	_ =	sdelay $0x3  }
0x37: {  	[smem:$0x3FB4] =	sst s10  }
0x38: {  	s10 =	sld [smem:$0x3FB5]  }
0x39: {  	_ = 	snop;
	(pc) =	sbr.ind lr, $3  }
0x3a: {  	_ = 	snop  }
0x3b: {  	_ = 	snop  }
0x3c: {  	p2 =	seq.s32 s10, $0x1;
	s10 =	sld [smem:$0x3FB4]  }
0x3d: {  	_ =	shalt  }
0x3e: {  	_ =	shalt  }
0x3f: {  	_ =	shalt  }
0x40: {  	_ =	shalt  }
0x41: {  	_ =	shalt  }
0x42: {  	_ =	shalt  }
0x43: {  	_ =	shalt  }
0x44: {  	_ =	shalt  }
0x45: {  	_ =	shalt  }
0x46: {  	_ =	shalt  }
0x47: {  	_ =	shalt  }
0x48: {  	_ =	shalt  }
0x49: {  	_ =	shalt  }
0x4a: {  	_ =	shalt  }
0x4b: {  	_ =	shalt  }
0x4c: {  	_ =	shalt  }
0x4d: {  	_ =	shalt  }
0x4e: {  	_ =	shalt  }
0x4f: {  	_ =	shalt  }
0x50: {  	_ =	shalt  }
0x51: {  	_ =	shalt  }
0x52: {  	_ =	shalt  }
0x53: {  	_ =	shalt  }
0x54: {  	_ =	shalt  }
0x55: {  	_ =	shalt  }
0x56: {  	_ =	shalt  }
0x57: {  	_ =	shalt  }
0x58: {  	_ =	shalt  }
0x59: {  	_ =	shalt  }
0x5a: {  	_ =	shalt  }
0x5b: {  	_ =	shalt  }
0x5c: {  	_ =	shalt  }
0x5d: {  	_ =	shalt  }
0x5e: {  	_ =	shalt  }
0x5f: {  	_ =	shalt  }
0x60: {  	_ =	shalt  }
0x61: {  	_ =	shalt  }
0x62: {  	_ =	shalt  }
0x63: {  	_ =	shalt  }
0x64: {  	_ =	shalt  }
0x65: {  	_ =	shalt  }
0x66: {  	_ =	shalt  }
0x67: {  	_ =	shalt  }
0x68: {  	_ =	shalt  }
0x69: {  	_ =	shalt  }
0x6a: {  	_ =	shalt  }
0x6b: {  	_ =	shalt  }
0x6c: {  	_ =	shalt  }
0x6d: {  	_ =	shalt  }
0x6e: {  	_ =	shalt  }
0x6f: {  	_ =	shalt  }
0x70: {  	_ =	shalt  }
0x71: {  	_ =	shalt  }
0x72: {  	_ =	shalt  }
0x73: {  	_ =	shalt  }
0x74: {  	_ =	shalt  }
0x75: {  	_ =	shalt  }
0x76: {  	_ =	shalt  }
0x77: {  	_ =	shalt  }
0x78: {  	_ =	shalt  }
0x79: {  	_ =	shalt  }
0x7a: {  	_ =	shalt  }
0x7b: {  	_ =	shalt  }
0x7c: {  	_ =	shalt  }
0x7d: {  	_ =	shalt  }
0x7e: {  	_ =	shalt  }
0x7f: {  	_ =	shalt  }
0x80: {  	_ =	shalt  }
0x81: {  	_ =	shalt  }
0x82: {  	_ =	shalt  }
0x83: {  	_ =	shalt  }
0x84: {  	_ =	shalt  }
0x85: {  	_ =	shalt  }
0x86: {  	_ =	shalt  }
0x87: {  	_ =	shalt  }
.Lfunc_end0:
.L_simem_size_0:
called_computation_lowered:
.L_overlay_start_0:
0x88: {  	s2 =	sld [smem:$0x3FD9]  }
0x89: {  	s3 =	sld [smem:$0x3FFE];
	_ =	sdelay $0x1  }
0x8a: {  	s1 =	srdreg.scid  }
0x8b: {  	s0 =	sand.u32 $0x1, s1  }
0x8c: {  	s17 =	sshll.u32 s0, $0xA;
	s2 =	sadd.s32 s3, s2  }
0x8d: {  	s2 =	sadd.s32 s2, s17  }
0x8e: {  	[smem:$0x3FC0] =	sst s2  }
0x8f: {  	_ = 	snop  }
0x90: {  	s2 =	sld [smem:$0x3FC9]  }
0x91: {  	s18 =	sld [smem:$0x3FD0];
	(tm) =	ssettm $0x1  }
0x92: {  	s4 =	sld [smem:$0x3FFB];
	_ =	sdelay $0x3  }
0x93: {  	_ =	strace s4  }
0x94: {  	s4 =	sld [smem:$0x3FFC];
	_ =	sdelay $0x3  }
0x95: {  	_ =	strace s4  }
0x96: {  	s4 =	sld [smem:$0x3FFD];
	_ =	sdelay $0x3  }
0x97: {  	_ =	strace s4  }
0x98: {  	_ =	strace $0x8FFFFFFF  }
0x99: {  	s19 =	sld [smem:$0x3FDB];
	_ =	sdelay $0x1  }
0x9a: {  	s5 =	simm.s32 $_scs_section_size  }
0x9b: {  	s6 =	simm.s32 $_size__tile_overlayer_lowered;
	s7 =	simm.s32 $_tile_overlayer_lowered  }
0x9c: {  	s22 =	simm.s32 $0x1BFF;
	s21 =	sshll.u32 s7, $0x1;
	s4 =	sadd.s32 s5, s19  }
0x9d: {  	s8 =	simm.s32 $0x0;
	s20 =	sshll.u32 s6, $0x1;
	s6 =	sadd.s32 s21, s4  }
0x9e: {  	[timem:s8], [sflag:s22] =	dma.local [hbm:s6], s20  }
0x9f: {  	_ =	swait.ge [sflag:s22], s20  }
0xa0: {  	s5 =	ssub.s32 $0x0, s20;
	[sflag:s22] =	ssyncset.done $0x0  }
0xa1: {  	[sflag:s22] =	ssyncadd.s32 s5;
	_ =	sdelay $0x1  }
0xa2: {  	s23 =	simm.s32 $0x1B8B  }
0xa3: {  	_ =	swait.ge [sflag:s23], $0x1  }
0xa4: {  	[sflag:s23] =	ssyncset.done $0x0  }
0xa5: {  	s25 =	simm.s32 $0x1B8E;
	s24 =	sld [smem:$0x3FFE];
	[sflag:s23] =	ssyncadd.s32 $0xFFFFFFFF  }
0xa6: {  	s26 =	simm.s32 $execute0_lowered;
	[smem:$0x3FD2] =	sst s25  }
0xa7: {  	s6 =	sshll.u32 s26, $0x1;
	_ =	strace $0x80000046;
	[dreg:$0x1] =	wrdreg $0xFFFFFFFF  }
0xa8: {  	s28 =	simm.s32 $_size_execute0_lowered;
	s4 =	sadd.s32 s4, s6;
	[dreg:$0x0] =	wrdreg $0x0  }
0xa9: {  	s6 =	sshll.u32 s28, $0x1;
	[dreg:$0x2] =	wrdreg s4  }
0xaa: {  	[dreg:$0x3] =	wrdreg s6  }
0xab: {  	[dreg:$0x4] =	wrdreg $0xC0  }
0xac: {  	_ =	task [dreg:s8], $0x5FFFF  }
0xad: {  	[dreg:$0x1] =	wrdreg $0xFFFFFFFF  }
0xae: {  	[dreg:$0x0] =	wrdreg $0x60  }
0xaf: {  	[dreg:$0x2] =	wrdreg s2  }
0xb0: {  	[dreg:$0x3] =	wrdreg s24  }
0xb1: {  	[dreg:$0x4] =	wrdreg s18  }
0xb2: {  	[dreg:$0x5] =	wrdreg $0xC0000  }
0xb3: {  	[dreg:$0x6] =	wrdreg $0x9  }
0xb4: {  	_ =	task.clear_ibuf [dreg:s8], $0x7FFFF;
	_ =	strace $0x90000046  }
0xb5: {  	s29 =	simm.s32 $0x9;
	_ =	strace $0x80000048  }
0xb6: {  	_ =	swait.ge [sflag:s29], $0x1  }
0xb7: {  	[sflag:s29] =	ssyncadd.s32 $0xFFFFFFFF  }
0xb8: {  	_ =	strace $0x90000048  }
0xb9: {  	_ =	sfence  }
0xba: {  	s30 =	sld [smem:$0x0];
	_ =	sdelay $0x2  }
0xbb: {  	s31 =	sshll.u32 s1, $0xD;
	s1 =	sshrl.u32 s1, $0x2  }
0xbc: {  	s3 =	sand.u32 $0x4000, s31;
	s1 =	sadd.s32 s1, s30  }
0xbd: {  	s0 =	sor.u32 s3, s0;
	s1 =	sshll.u32 s1, $0x11  }
0xbe: {  	s0 =	sor.u32 s1, s0  }
0xbf: {  	s0 =	sadd.s32 $0x8F2B, s0  }
0xc0: {  	[sflag:s0] =	ssyncadd.remote.s32 $0x1  }
0xc1: {  	_ =	sfence.sel $0xFFFF  }
0xc2: {  	[dreg:$0x0] =	wrdreg $0xFFFFFFFF;
	(pc) =	sbr.abs _section_cstart, $3  }
0xc3: {  	[dreg:$0x1] =	wrdreg $0xFFFFFFFF  }
0xc4: {  	_ =	task.clear_ibuf [dreg:s8], $0x2FFFF;
	_ =	strace $0x9FFFFFFF  }
0xc5: {  	(tm) =	ssettm $0x7FFFFFFF  }
tec
execute0_lowered:
.L_overlay_start_1:
0x0: {  	(tag) =	ssettag $0x1  }
0x1: {  	s0 =	rddreg [dreg:$0x0]  }
0x2: {  	s1 =	rddreg [dreg:$0x1];
	s2 =	srdreg.scid  }
0x3: {  	s3 =	rddreg [dreg:$0x3];
	s14 =	stileid.u32  }
0x4: {  	s5 =	simm.s32 $0x0;
	s13 =	simm.s32 $0x7;
	s16 =	simm.s32 $0x30  }
0x5: {  	s17 =	simm.s32 $0x7800;
	s18 =	simm.s32 $0x9000;
	s19 =	simm.s32 $0x1  }
0x6: {  	s20 =	simm.s32 $0x7680;
	s21 =	simm.s32 $0xA800;
	s22 =	simm.s32 $0x2  }
0x7: {  	s28 =	simm.s32 $0x7780;
	s29 =	simm.s32 $0x4;
	s30 =	simm.s32 $0x5  }
0x8: {  	s31 =	simm.s32 $0x6;
	s2 =	sand.u32 $0x1, s2;
	s23 =	smul.u32 $0x13C00, s14  }
0x9: {  	[smem:$0x7FF] =	sst s5;
	s9 =	smul.u32 $0x4F000, s14;
	p0 =	sne.s32 s14, $0x0  }
0xa: {  	p1 =	seq.s32 s14, $0xF;
	s4 =	sshll.u32 s2, $0x4;
	_ =	strace $0x80000047  }
0xb: {  	s6 =	ssub.s32 $0x2, s2;
	s2 =	smul.u32 $0x138800, s2;
	s4 =	sor.u32 s14, s4  }
0xc: {  	s12 =	sshrl.u32 @!p0 s3, $0x3;
	s7 =	sshrl.u32 s6, $0x1;
	s4 =	smul.u32 $0x4EC, s4  }
0xd: {  	s26 =	sshrl.u32 s9, $0x2;
	s6 =	ssub.s32 s6, s7;
	s25 =	sadd.s32 s23, s2  }
0xe: {  	s2 =	sshrl.u32 s2, $0x3;
	s23 =	simm.s32 $0x7700;
	s4 =	sadd.s32 s4, s1  }
0xf: {  	v0 =	vimm.s32 $0x0;
	s11 =	smax.u32 s6, $0x1;
	s1 =	sadd.s32 $0x1E400, s1;
	s8 =	sadd.s32 $0xA00, s4  }
.Ltmp0:
0x10: {  	v1 =	vimm.s32 $0x1;
	v2 =	vimm.s32 $0x2;
	v3 =	vimm.s32 $0x3;
	s24 =	sadd.s32 $0xA800, s4;
	[dreg:$0x5] =	wrdreg s8;
	(pc) =	sbr.rel .LBB2_1-.Ltmp0, $4  }
0x11: {  	v4 =	vimm.s32 $0x4;
	v5 =	vimm.s32 $0x5;
	v6 =	vimm.s32 $0x6;
	s2 =	sadd.s32 s1, s2;
	[dreg:$0x6] =	wrdreg s24;
	s8 =	sadd.s32 $0x14600, s4  }
0x12: {  	v7 =	vimm.s32 $0x7;
	v8 =	vimm.s32 $0x8;
	v9 =	vimm.s32 $0x9;
	s4 =	sshrl.u32 s25, $0x3;
	s10 =	sadd.s32 $0x25080, s2;
	s2 =	sadd.s32 $0x128400, s3  }
0x13: {  	v10 =	vimm.s32 $0xA;
	v11 =	vimm.s32 $0xB;
	v12 =	vimm.s32 $0xC;
	s9 =	sadd.s32 s1, s4;
	s1 =	sadd.s32 s26, s3;
	s24 =	sshrl.u32 @p1 s2, $0x3  }
0x14: {  	v13 =	vimm.s32 $0xD;
	v14 =	vimm.s32 $0xE;
	v15 =	vimm.s32 $0xF;
	s26 =	simm.s32 $0x3;
	s25 =	sshrl.u32 @!p1 s1, $0x3;
	s1 =	simm.s32 $0x0  }
.LBB2_10:
0x15: {  	_ =	swait.ge [sflag:s29], $0x1800  }
0x16: {  	[sflag:s29] =	ssyncset.done $0x0  }
0x17: {  	[sflag:s29] =	ssyncadd.s32 $0xFFFFE800  }
0x18: {  	_ =	swait.ge [sflag:s30], $0x1800  }
0x19: {  	[sflag:s30] =	ssyncset.done $0x0  }
0x1a: {  	[sflag:s30] =	ssyncadd.s32 $0xFFFFE800  }
0x1b: {  	_ =	swait.ge [sflag:s31], $0x1800  }
0x1c: {  	[sflag:s31] =	ssyncset.done $0x0  }
0x1d: {  	[sflag:s31] =	ssyncadd.s32 $0xFFFFE800  }
0x1e: {  	s2 =	simm.s32 @p1 $0x1FC7;
	[bflag:$0x0] =	sbarrier.arrive $0xFFFF  }
0x1f: {  	[hbm:s10], [sflag:s2] =	dma.local @p1 [spmem:s24], $0x2080  }
0x20: {  	s2 =	simm.s32 @p1 $0x7  }
0x21: {  	s4 =	stileid.u32;
	_ =	swait.ge @p1 [sflag:s2], $0x2080  }
0x22: {  	s1 =	sadd.s32 $0x1, s1;
	s4 =	sshll.u32 @!p1 s4, $0x6;
	[sflag:s2] =	ssyncset.done @p1 $0x0  }
0x23: {  	p2 =	sne.s32 s1, s11;
	[sflag:s2] =	ssyncadd.s32 @p1 $0xFFFFDF80;
	s2 =	sor.u32 @!p1 $0x1C07, s4  }
0x24: {  	[hbm:s9], [sflag:s2] =	dma.local @!p1 [spmem:s25], $0x2780  }
.Ltmp1:
0x25: {  	_ = 	snop;
	(pc) =	sbr.rel @!p2 .LBB2_11-.Ltmp1, $4  }
0x26: {  	s2 =	simm.s32 @!p1 $0x7  }
0x27: {  	_ =	swait.ge @!p1 [sflag:s2], $0x2780  }
0x28: {  	[sflag:s2] =	ssyncset.done @!p1 $0x0  }
0x29: {  	[sflag:s2] =	ssyncadd.s32 @!p1 $0xFFFFD880  }
.LBB2_1:
0x2a: {  	s2 =	simm.s32 @!p0 $0x1C07;
	s4 =	rddreg [dreg:$0x2]  }
0x2b: {  	[spmem:s12], [sflag:s2] =	dma.local @!p0 [hbm:s4], $0x27100  }
0x2c: {  	s2 =	simm.s32 @!p0 $0x7  }
0x2d: {  	_ =	swait.ge @!p0 [sflag:s2], $0x27100  }
0x2e: {  	[sflag:s2] =	ssyncset.done @!p0 $0x0  }
0x2f: {  	s6 =	rddreg [dreg:$0x5];
	[sflag:s2] =	ssyncadd.s32 @!p0 $0xFFFD8F00  }
0x30: {  	[tilespmem:s5], [sflag:$0x7] =	stream.linear.gather [hbm4b:s6+s5], $0x2760, $0x38;
	[tilespmem:$0x1F880] =	vst v63  }
0x31: {  	_ =	swait.ge [sflag:s13], $0x2760  }
0x32: {  	[sflag:s13] =	ssyncset.done $0x0  }
0x33: {  	s14 =	simm.s32 $0x2780;
	s7 =	rddreg [dreg:$0x6];
	[sflag:s13] =	ssyncadd.s32 $0xFFFFD8A0  }
0x34: {  	[tilespmem:s14], [sflag:$0x7] =	stream.linear.gather [hbm4b:s7+s5], $0x2760, $0x38;
	[tilespmem:$0x1F880] =	vst v63  }
0x35: {  	_ =	swait.ge [sflag:s13], $0x2760  }
0x36: {  	[sflag:s13] =	ssyncset.done $0x0  }
0x37: {  	s15 =	simm.s32 $0x4F00;
	[sflag:s13] =	ssyncadd.s32 $0xFFFFD8A0  }
0x38: {  	[tilespmem:s15], [sflag:$0x7] =	stream.linear.gather [hbm4b:s8+s5], $0x2760, $0x38;
	[tilespmem:$0x1F880] =	vst v63  }
0x39: {  	_ =	swait.ge [sflag:s13], $0x2760  }
0x3a: {  	[sflag:s13] =	ssyncset.done $0x0  }
0x3b: {  	[sflag:s13] =	ssyncadd.s32 $0xFFFFD8A0  }
0x3c: {  	[bflag:$0x0] =	sbarrier.arrive $0xFFFF  }
0x3d: {  	[tilespmem:s17], [sflag:$0x1] =	stream.indirect.gather [hbm4b:s0+s16], $0x80, s5, s16, $0xb8;
	[tilespmem:$0x1F880] =	vst v63  }
0x3e: {  	s2 =	simm.s32 $0x0  }
0x3f: {  	[tilespmem:s18], [sflag:$0x2] =	stream.indirect.gather [hbm4b:s0+s16], $0x80, s16, s16, $0xb8;
	[tilespmem:$0x1F880] =	vst v63  }
.LBB2_2:
0x40: {  	s14 =	smul.u32 $0x90, s2;
	_ =	sdelay $0x1  }
0x41: {  	s6 =	sadd.s32 $0x4F00, s14  }
0x42: {  	_ =	swait.ge [sflag:s19], $0x1800;
	v16 =	vmov s6  }
0x43: {  	[sflag:s19] =	ssyncset.done $0x0  }
0x44: {  	s4 =	simm.s32 $0x0;
	[sflag:s19] =	ssyncadd.s32 $0xFFFFE800  }
.LBB2_3:
0x45: {  	s6 =	sshll.u32 s4, $0x4  }
0x46: {  	s6 =	sand.u32 $0x3FFFFFF0, s6  }
0x47: {  	s15 =	sshll.u32 s4, $0xB;
	v17 =	vld.idx.msk [tilespmem:v16+s6+$0x0 ss:$0x1], $0xffff  }
0x48: {  	s6 =	sand.u32 $0x3FFFF800, s15  }
0x49: {  	v18 =	vld [tilespmem:s6+$0x7800]  }
0x4a: {  	v19 =	vld [tilespmem:s6+$0x7810]  }
0x4b: {  	v20 =	vld [tilespmem:s6+$0x7820]  }
0x4c: {  	v22 =	vld [tilespmem:s6+$0x7830];
	v21 =	vperm.xlane v17, v0  }
0x4d: {  	v23 =	vld [tilespmem:s6+$0x7840]  }
0x4e: {  	v24 =	vld [tilespmem:s6+$0x7850];
	v18 =	vmul.f32 v18, v21  }
0x4f: {  	v25 =	vld [tilespmem:s6+$0x7860];
	v19 =	vmul.f32 v19, v21  }
0x50: {  	v38 =	vld [tilespmem:s6+$0x7870];
	[tilespmem:s6+$0x7800] =	vst v18;
	v18 =	vmul.f32 v20, v21  }
0x51: {  	v39 =	vld [tilespmem:s6+$0x7880];
	[tilespmem:s6+$0x7810] =	vst v19;
	v19 =	vmul.f32 v22, v21  }
0x52: {  	v40 =	vld [tilespmem:s6+$0x7890];
	[tilespmem:s6+$0x7820] =	vst v18;
	v18 =	vmul.f32 v23, v21  }
0x53: {  	v41 =	vld [tilespmem:s6+$0x78A0];
	[tilespmem:s6+$0x7830] =	vst v19;
	v19 =	vmul.f32 v24, v21  }
0x54: {  	v26 =	vld [tilespmem:s6+$0x78B0];
	v42 =	vperm.xlane v17, v1;
	[tilespmem:s6+$0x7840] =	vst v18;
	v18 =	vmul.f32 v25, v21  }
0x55: {  	v43 =	vld [tilespmem:s6+$0x78C0];
	[tilespmem:s6+$0x7850] =	vst v19;
	v19 =	vmul.f32 v38, v21  }
0x56: {  	v44 =	vld [tilespmem:s6+$0x78D0];
	[tilespmem:s6+$0x7860] =	vst v18;
	v18 =	vmul.f32 v39, v42  }
0x57: {  	v45 =	vld [tilespmem:s6+$0x78E0];
	[tilespmem:s6+$0x7870] =	vst v19;
	v19 =	vmul.f32 v40, v42  }
0x58: {  	v46 =	vld [tilespmem:s6+$0x78F0];
	[tilespmem:s6+$0x7880] =	vst v18;
	v18 =	vmul.f32 v41, v42  }
0x59: {  	v47 =	vld [tilespmem:s6+$0x7900];
	[tilespmem:s6+$0x7890] =	vst v19;
	v19 =	vmul.f32 v26, v42  }
0x5a: {  	v48 =	vld [tilespmem:s6+$0x7910];
	[tilespmem:s6+$0x78A0] =	vst v18;
	v18 =	vmul.f32 v43, v42  }
0x5b: {  	v49 =	vld [tilespmem:s6+$0x7920];
	[tilespmem:s6+$0x78B0] =	vst v19;
	v19 =	vmul.f32 v44, v42  }
0x5c: {  	v51 =	vld [tilespmem:s6+$0x7930];
	v50 =	vperm.xlane v17, v2;
	[tilespmem:s6+$0x78C0] =	vst v18;
	v18 =	vmul.f32 v45, v42  }
0x5d: {  	v52 =	vld [tilespmem:s6+$0x7940];
	[tilespmem:s6+$0x78D0] =	vst v19;
	v19 =	vmul.f32 v46, v42  }
0x5e: {  	v53 =	vld [tilespmem:s6+$0x7950];
	[tilespmem:s6+$0x78E0] =	vst v18;
	v18 =	vmul.f32 v47, v50  }
0x5f: {  	v54 =	vld [tilespmem:s6+$0x7960];
	[tilespmem:s6+$0x78F0] =	vst v19;
	v19 =	vmul.f32 v48, v50  }
0x60: {  	v55 =	vld [tilespmem:s6+$0x7970];
	[tilespmem:s6+$0x7900] =	vst v18;
	v18 =	vmul.f32 v49, v50  }
0x61: {  	v56 =	vld [tilespmem:s6+$0x7980];
	[tilespmem:s6+$0x7910] =	vst v19;
	v19 =	vmul.f32 v51, v50  }
0x62: {  	v57 =	vld [tilespmem:s6+$0x7990];
	[tilespmem:s6+$0x7920] =	vst v18;
	v18 =	vmul.f32 v52, v50  }
0x63: {  	v58 =	vld [tilespmem:s6+$0x79A0];
	[tilespmem:s6+$0x7930] =	vst v19;
	v19 =	vmul.f32 v53, v50  }
0x64: {  	v60 =	vld [tilespmem:s6+$0x79B0];
	v59 =	vperm.xlane v17, v3;
	[tilespmem:s6+$0x7940] =	vst v18;
	v18 =	vmul.f32 v54, v50  }
0x65: {  	v61 =	vld [tilespmem:s6+$0x79C0];
	[tilespmem:s6+$0x7950] =	vst v19;
	v19 =	vmul.f32 v55, v50  }
0x66: {  	v62 =	vld [tilespmem:s6+$0x79D0];
	[tilespmem:s6+$0x7960] =	vst v18;
	v18 =	vmul.f32 v56, v59  }
0x67: {  	v63 =	vld [tilespmem:s6+$0x79E0];
	[tilespmem:s6+$0x7970] =	vst v19;
	v19 =	vmul.f32 v57, v59  }
0x68: {  	v28 =	vld [tilespmem:s6+$0x79F0];
	[tilespmem:s6+$0x7980] =	vst v18;
	v18 =	vmul.f32 v58, v59  }
0x69: {  	v29 =	vld [tilespmem:s6+$0x7A00];
	[tilespmem:s6+$0x7990] =	vst v19;
	v19 =	vmul.f32 v60, v59  }
0x6a: {  	v30 =	vld [tilespmem:s6+$0x7A10];
	[tilespmem:s6+$0x79A0] =	vst v18;
	v18 =	vmul.f32 v61, v59  }
0x6b: {  	v31 =	vld [tilespmem:s6+$0x7A20];
	[tilespmem:s6+$0x79B0] =	vst v19;
	v19 =	vmul.f32 v62, v59  }
0x6c: {  	v33 =	vld [tilespmem:s6+$0x7A30];
	v32 =	vperm.xlane v17, v4;
	[tilespmem:s6+$0x79C0] =	vst v18;
	v18 =	vmul.f32 v63, v59  }
0x6d: {  	v34 =	vld [tilespmem:s6+$0x7A40];
	[tilespmem:s6+$0x79D0] =	vst v19;
	v19 =	vmul.f32 v28, v59  }
0x6e: {  	v35 =	vld [tilespmem:s6+$0x7A50];
	[tilespmem:s6+$0x79E0] =	vst v18;
	v18 =	vmul.f32 v29, v32  }
0x6f: {  	v36 =	vld [tilespmem:s6+$0x7A60];
	[tilespmem:s6+$0x79F0] =	vst v19;
	v19 =	vmul.f32 v30, v32  }
0x70: {  	v37 =	vld [tilespmem:s6+$0x7A70];
	[tilespmem:s6+$0x7A00] =	vst v18;
	v18 =	vmul.f32 v31, v32  }
0x71: {  	v38 =	vld [tilespmem:s6+$0x7A80];
	[tilespmem:s6+$0x7A10] =	vst v19;
	v19 =	vmul.f32 v33, v32  }
0x72: {  	v39 =	vld [tilespmem:s6+$0x7A90];
	[tilespmem:s6+$0x7A20] =	vst v18;
	v18 =	vmul.f32 v34, v32  }
0x73: {  	v40 =	vld [tilespmem:s6+$0x7AA0];
	[tilespmem:s6+$0x7A30] =	vst v19;
	v19 =	vmul.f32 v35, v32  }
0x74: {  	v41 =	vperm.xlane v17, v5;
	v42 =	vld [tilespmem:s6+$0x7AB0];
	[tilespmem:s6+$0x7A40] =	vst v18;
	v18 =	vmul.f32 v36, v32  }
0x75: {  	v43 =	vld [tilespmem:s6+$0x7AC0];
	[tilespmem:s6+$0x7A50] =	vst v19;
	v19 =	vmul.f32 v37, v32  }
0x76: {  	v44 =	vld [tilespmem:s6+$0x7AD0];
	[tilespmem:s6+$0x7A60] =	vst v18;
	v18 =	vmul.f32 v38, v41  }
0x77: {  	v45 =	vld [tilespmem:s6+$0x7AE0];
	[tilespmem:s6+$0x7A70] =	vst v19;
	v19 =	vmul.f32 v39, v41  }
0x78: {  	v46 =	vld [tilespmem:s6+$0x7AF0];
	[tilespmem:s6+$0x7A80] =	vst v18;
	v18 =	vmul.f32 v40, v41  }
0x79: {  	v47 =	vld [tilespmem:s6+$0x7B00];
	[tilespmem:s6+$0x7A90] =	vst v19;
	v19 =	vmul.f32 v42, v41  }
0x7a: {  	v48 =	vld [tilespmem:s6+$0x7B10];
	[tilespmem:s6+$0x7AA0] =	vst v18;
	v18 =	vmul.f32 v43, v41  }
0x7b: {  	v49 =	vld [tilespmem:s6+$0x7B20];
	[tilespmem:s6+$0x7AB0] =	vst v19;
	v19 =	vmul.f32 v44, v41  }
0x7c: {  	v51 =	vld [tilespmem:s6+$0x7B30];
	v50 =	vperm.xlane v17, v6;
	[tilespmem:s6+$0x7AC0] =	vst v18;
	v18 =	vmul.f32 v45, v41  }
0x7d: {  	v52 =	vld [tilespmem:s6+$0x7B40];
	[tilespmem:s6+$0x7AD0] =	vst v19;
	v19 =	vmul.f32 v46, v41  }
0x7e: {  	v53 =	vld [tilespmem:s6+$0x7B50];
	[tilespmem:s6+$0x7AE0] =	vst v18;
	v18 =	vmul.f32 v47, v50  }
0x7f: {  	v54 =	vld [tilespmem:s6+$0x7B60];
	[tilespmem:s6+$0x7AF0] =	vst v19;
	v19 =	vmul.f32 v48, v50  }
0x80: {  	v55 =	vld [tilespmem:s6+$0x7B70];
	[tilespmem:s6+$0x7B00] =	vst v18;
	v18 =	vmul.f32 v49, v50  }
0x81: {  	v56 =	vld [tilespmem:s6+$0x7B80];
	[tilespmem:s6+$0x7B10] =	vst v19;
	v19 =	vmul.f32 v51, v50  }
0x82: {  	v57 =	vld [tilespmem:s6+$0x7B90];
	[tilespmem:s6+$0x7B20] =	vst v18;
	v18 =	vmul.f32 v52, v50  }
0x83: {  	v58 =	vld [tilespmem:s6+$0x7BA0];
	[tilespmem:s6+$0x7B30] =	vst v19;
	v19 =	vmul.f32 v53, v50  }
0x84: {  	v60 =	vld [tilespmem:s6+$0x7BB0];
	v59 =	vperm.xlane v17, v7;
	[tilespmem:s6+$0x7B40] =	vst v18;
	v18 =	vmul.f32 v54, v50  }
0x85: {  	v61 =	vld [tilespmem:s6+$0x7BC0];
	[tilespmem:s6+$0x7B50] =	vst v19;
	v19 =	vmul.f32 v55, v50  }
0x86: {  	v62 =	vld [tilespmem:s6+$0x7BD0];
	[tilespmem:s6+$0x7B60] =	vst v18;
	v18 =	vmul.f32 v56, v59  }
0x87: {  	v63 =	vld [tilespmem:s6+$0x7BE0];
	[tilespmem:s6+$0x7B70] =	vst v19;
	v19 =	vmul.f32 v57, v59  }
0x88: {  	v28 =	vld [tilespmem:s6+$0x7BF0];
	[tilespmem:s6+$0x7B80] =	vst v18;
	v18 =	vmul.f32 v58, v59  }
0x89: {  	v29 =	vld [tilespmem:s6+$0x7C00];
	[tilespmem:s6+$0x7B90] =	vst v19;
	v19 =	vmul.f32 v60, v59  }
0x8a: {  	v30 =	vld [tilespmem:s6+$0x7C10];
	[tilespmem:s6+$0x7BA0] =	vst v18;
	v18 =	vmul.f32 v61, v59  }
0x8b: {  	v31 =	vld [tilespmem:s6+$0x7C20];
	[tilespmem:s6+$0x7BB0] =	vst v19;
	v19 =	vmul.f32 v62, v59  }
0x8c: {  	v33 =	vld [tilespmem:s6+$0x7C30];
	v32 =	vperm.xlane v17, v8;
	[tilespmem:s6+$0x7BC0] =	vst v18;
	v18 =	vmul.f32 v63, v59  }
0x8d: {  	v34 =	vld [tilespmem:s6+$0x7C40];
	[tilespmem:s6+$0x7BD0] =	vst v19;
	v19 =	vmul.f32 v28, v59  }
0x8e: {  	v35 =	vld [tilespmem:s6+$0x7C50];
	[tilespmem:s6+$0x7BE0] =	vst v18;
	v18 =	vmul.f32 v29, v32  }
0x8f: {  	v36 =	vld [tilespmem:s6+$0x7C60];
	[tilespmem:s6+$0x7BF0] =	vst v19;
	v19 =	vmul.f32 v30, v32  }
0x90: {  	v37 =	vld [tilespmem:s6+$0x7C70];
	[tilespmem:s6+$0x7C00] =	vst v18;
	v18 =	vmul.f32 v31, v32  }
0x91: {  	v38 =	vld [tilespmem:s6+$0x7C80];
	[tilespmem:s6+$0x7C10] =	vst v19;
	v19 =	vmul.f32 v33, v32  }
0x92: {  	v39 =	vld [tilespmem:s6+$0x7C90];
	[tilespmem:s6+$0x7C20] =	vst v18;
	v18 =	vmul.f32 v34, v32  }
0x93: {  	v40 =	vld [tilespmem:s6+$0x7CA0];
	[tilespmem:s6+$0x7C30] =	vst v19;
	v19 =	vmul.f32 v35, v32  }
0x94: {  	v42 =	vld [tilespmem:s6+$0x7CB0];
	v41 =	vperm.xlane v17, v9;
	[tilespmem:s6+$0x7C40] =	vst v18;
	v18 =	vmul.f32 v36, v32  }
0x95: {  	v43 =	vld [tilespmem:s6+$0x7CC0];
	[tilespmem:s6+$0x7C50] =	vst v19;
	v19 =	vmul.f32 v37, v32  }
0x96: {  	v44 =	vld [tilespmem:s6+$0x7CD0];
	[tilespmem:s6+$0x7C60] =	vst v18;
	v18 =	vmul.f32 v38, v41  }
0x97: {  	v45 =	vld [tilespmem:s6+$0x7CE0];
	[tilespmem:s6+$0x7C70] =	vst v19;
	v19 =	vmul.f32 v39, v41  }
0x98: {  	v46 =	vld [tilespmem:s6+$0x7CF0];
	[tilespmem:s6+$0x7C80] =	vst v18;
	v18 =	vmul.f32 v40, v41  }
0x99: {  	v47 =	vld [tilespmem:s6+$0x7D00];
	[tilespmem:s6+$0x7C90] =	vst v19;
	v19 =	vmul.f32 v42, v41  }
0x9a: {  	v48 =	vld [tilespmem:s6+$0x7D10];
	[tilespmem:s6+$0x7CA0] =	vst v18;
	v18 =	vmul.f32 v43, v41  }
0x9b: {  	v49 =	vld [tilespmem:s6+$0x7D20];
	[tilespmem:s6+$0x7CB0] =	vst v19;
	v19 =	vmul.f32 v44, v41  }
0x9c: {  	v51 =	vld [tilespmem:s6+$0x7D30];
	v50 =	vperm.xlane v17, v10;
	[tilespmem:s6+$0x7CC0] =	vst v18;
	v18 =	vmul.f32 v45, v41  }
0x9d: {  	v52 =	vld [tilespmem:s6+$0x7D40];
	[tilespmem:s6+$0x7CD0] =	vst v19;
	v19 =	vmul.f32 v46, v41  }
0x9e: {  	v53 =	vld [tilespmem:s6+$0x7D50];
	[tilespmem:s6+$0x7CE0] =	vst v18;
	v18 =	vmul.f32 v47, v50  }
0x9f: {  	v54 =	vld [tilespmem:s6+$0x7D60];
	[tilespmem:s6+$0x7CF0] =	vst v19;
	v19 =	vmul.f32 v48, v50  }
0xa0: {  	v55 =	vld [tilespmem:s6+$0x7D70];
	[tilespmem:s6+$0x7D00] =	vst v18;
	v18 =	vmul.f32 v49, v50  }
0xa1: {  	v56 =	vld [tilespmem:s6+$0x7D80];
	[tilespmem:s6+$0x7D10] =	vst v19;
	v19 =	vmul.f32 v51, v50  }
0xa2: {  	v57 =	vld [tilespmem:s6+$0x7D90];
	[tilespmem:s6+$0x7D20] =	vst v18;
	v18 =	vmul.f32 v52, v50  }
0xa3: {  	v58 =	vld [tilespmem:s6+$0x7DA0];
	[tilespmem:s6+$0x7D30] =	vst v19;
	v19 =	vmul.f32 v53, v50  }
0xa4: {  	v60 =	vld [tilespmem:s6+$0x7DB0];
	v59 =	vperm.xlane v17, v11;
	[tilespmem:s6+$0x7D40] =	vst v18;
	v18 =	vmul.f32 v54, v50  }
0xa5: {  	v61 =	vld [tilespmem:s6+$0x7DC0];
	[tilespmem:s6+$0x7D50] =	vst v19;
	v19 =	vmul.f32 v55, v50  }
0xa6: {  	v62 =	vld [tilespmem:s6+$0x7DD0];
	[tilespmem:s6+$0x7D60] =	vst v18;
	v18 =	vmul.f32 v56, v59  }
0xa7: {  	v63 =	vld [tilespmem:s6+$0x7DE0];
	[tilespmem:s6+$0x7D70] =	vst v19;
	v19 =	vmul.f32 v57, v59  }
0xa8: {  	v28 =	vld [tilespmem:s6+$0x7DF0];
	[tilespmem:s6+$0x7D80] =	vst v18;
	v18 =	vmul.f32 v58, v59  }
0xa9: {  	v29 =	vld [tilespmem:s6+$0x7E00];
	[tilespmem:s6+$0x7D90] =	vst v19;
	v19 =	vmul.f32 v60, v59  }
0xaa: {  	v30 =	vld [tilespmem:s6+$0x7E10];
	[tilespmem:s6+$0x7DA0] =	vst v18;
	v18 =	vmul.f32 v61, v59  }
0xab: {  	v31 =	vld [tilespmem:s6+$0x7E20];
	[tilespmem:s6+$0x7DB0] =	vst v19;
	v19 =	vmul.f32 v62, v59  }
0xac: {  	v33 =	vld [tilespmem:s6+$0x7E30];
	v32 =	vperm.xlane v17, v12;
	[tilespmem:s6+$0x7DC0] =	vst v18;
	v18 =	vmul.f32 v63, v59  }
0xad: {  	v34 =	vld [tilespmem:s6+$0x7E40];
	[tilespmem:s6+$0x7DD0] =	vst v19;
	v19 =	vmul.f32 v28, v59  }
0xae: {  	v35 =	vld [tilespmem:s6+$0x7E50];
	[tilespmem:s6+$0x7DE0] =	vst v18;
	v18 =	vmul.f32 v29, v32  }
0xaf: {  	v36 =	vld [tilespmem:s6+$0x7E60];
	[tilespmem:s6+$0x7DF0] =	vst v19;
	v19 =	vmul.f32 v30, v32  }
0xb0: {  	v37 =	vld [tilespmem:s6+$0x7E70];
	[tilespmem:s6+$0x7E00] =	vst v18;
	v18 =	vmul.f32 v31, v32  }
0xb1: {  	v38 =	vld [tilespmem:s6+$0x7E80];
	[tilespmem:s6+$0x7E10] =	vst v19;
	v19 =	vmul.f32 v33, v32  }
0xb2: {  	v39 =	vld [tilespmem:s6+$0x7E90];
	[tilespmem:s6+$0x7E20] =	vst v18;
	v18 =	vmul.f32 v34, v32  }
0xb3: {  	v40 =	vld [tilespmem:s6+$0x7EA0];
	[tilespmem:s6+$0x7E30] =	vst v19;
	v19 =	vmul.f32 v35, v32  }
0xb4: {  	v42 =	vld [tilespmem:s6+$0x7EB0];
	v41 =	vperm.xlane v17, v13;
	[tilespmem:s6+$0x7E40] =	vst v18;
	v18 =	vmul.f32 v36, v32  }
0xb5: {  	v43 =	vld [tilespmem:s6+$0x7EC0];
	[tilespmem:s6+$0x7E50] =	vst v19;
	v19 =	vmul.f32 v37, v32  }
0xb6: {  	v44 =	vld [tilespmem:s6+$0x7ED0];
	[tilespmem:s6+$0x7E60] =	vst v18;
	v18 =	vmul.f32 v38, v41  }
0xb7: {  	v45 =	vld [tilespmem:s6+$0x7EE0];
	[tilespmem:s6+$0x7E70] =	vst v19;
	v19 =	vmul.f32 v39, v41  }
0xb8: {  	v46 =	vld [tilespmem:s6+$0x7EF0];
	[tilespmem:s6+$0x7E80] =	vst v18;
	v18 =	vmul.f32 v40, v41  }
0xb9: {  	v47 =	vld [tilespmem:s6+$0x7F00];
	[tilespmem:s6+$0x7E90] =	vst v19;
	v19 =	vmul.f32 v42, v41  }
0xba: {  	v48 =	vld [tilespmem:s6+$0x7F10];
	[tilespmem:s6+$0x7EA0] =	vst v18;
	v18 =	vmul.f32 v43, v41  }
0xbb: {  	v49 =	vld [tilespmem:s6+$0x7F20];
	[tilespmem:s6+$0x7EB0] =	vst v19;
	v19 =	vmul.f32 v44, v41  }
0xbc: {  	v51 =	vld [tilespmem:s6+$0x7F30];
	v50 =	vperm.xlane v17, v14;
	[tilespmem:s6+$0x7EC0] =	vst v18;
	v18 =	vmul.f32 v45, v41  }
0xbd: {  	v52 =	vld [tilespmem:s6+$0x7F40];
	[tilespmem:s6+$0x7ED0] =	vst v19;
	v19 =	vmul.f32 v46, v41  }
0xbe: {  	v53 =	vld [tilespmem:s6+$0x7F50];
	[tilespmem:s6+$0x7EE0] =	vst v18;
	v18 =	vmul.f32 v47, v50  }
0xbf: {  	v54 =	vld [tilespmem:s6+$0x7F60];
	[tilespmem:s6+$0x7EF0] =	vst v19;
	v19 =	vmul.f32 v48, v50  }
0xc0: {  	v55 =	vld [tilespmem:s6+$0x7F70];
	[tilespmem:s6+$0x7F00] =	vst v18;
	v18 =	vmul.f32 v49, v50  }
0xc1: {  	v56 =	vld [tilespmem:s6+$0x7F80];
	[tilespmem:s6+$0x7F10] =	vst v19;
	v19 =	vmul.f32 v51, v50  }
0xc2: {  	v57 =	vld [tilespmem:s6+$0x7F90];
	[tilespmem:s6+$0x7F20] =	vst v18;
	v18 =	vmul.f32 v52, v50  }
0xc3: {  	v58 =	vld [tilespmem:s6+$0x7FA0];
	[tilespmem:s6+$0x7F30] =	vst v19;
	v19 =	vmul.f32 v53, v50  }
0xc4: {  	v17 =	vperm.xlane v17, v15;
	v59 =	vld [tilespmem:s6+$0x7FB0];
	[tilespmem:s6+$0x7F40] =	vst v18;
	v18 =	vmul.f32 v54, v50  }
0xc5: {  	v60 =	vld [tilespmem:s6+$0x7FC0];
	[tilespmem:s6+$0x7F50] =	vst v19;
	v19 =	vmul.f32 v55, v50  }
0xc6: {  	v61 =	vld [tilespmem:s6+$0x7FD0];
	[tilespmem:s6+$0x7F60] =	vst v18;
	v18 =	vmul.f32 v56, v17  }
0xc7: {  	v62 =	vld [tilespmem:s6+$0x7FE0];
	[tilespmem:s6+$0x7F70] =	vst v19;
	v19 =	vmul.f32 v57, v17  }
0xc8: {  	v63 =	vld [tilespmem:s6+$0x7FF0];
	[tilespmem:s6+$0x7F80] =	vst v18;
	v18 =	vmul.f32 v58, v17  }
0xc9: {  	[tilespmem:s6+$0x7F90] =	vst v19;
	v19 =	vmul.f32 v59, v17  }
0xca: {  	p2 =	sne.s32 s4, $0x2;
	[tilespmem:s6+$0x7FA0] =	vst v18;
	v18 =	vmul.f32 v60, v17  }
.Ltmp2:
0xcb: {  	[tilespmem:s6+$0x7FB0] =	vst v19;
	v19 =	vmul.f32 v61, v17;
	(pc) =	sbr.rel @p2 .LBB2_3-.Ltmp2, $4  }
0xcc: {  	[tilespmem:s6+$0x7FC0] =	vst v18;
	v18 =	vmul.f32 v62, v17  }
0xcd: {  	[tilespmem:s6+$0x7FD0] =	vst v19;
	v17 =	vmul.f32 v63, v17  }
0xce: {  	[tilespmem:s6+$0x7FE0] =	vst v18  }
0xcf: {  	s4 =	sadd.s32 $0x1, s4;
	[tilespmem:s6+$0x7FF0] =	vst v17  }
0xd0: {  	v16 =	vld [tilespmem:s14+$0x2780];
	_ =	sdelay $0x4  }
0xd1: {  	[tilespmem:$0x7680] =	vst v16  }
0xd2: {  	v16 =	vld [tilespmem:s14+$0x2790];
	_ =	sdelay $0x4  }
0xd3: {  	[tilespmem:$0x7690] =	vst v16  }
0xd4: {  	v16 =	vld [tilespmem:s14+$0x27A0];
	_ =	sdelay $0x3  }
0xd5: {  	p2 =	seq.s32 s2, $0x0  }
0xd6: {  	s4 =	simm.s32 @!p2 $0x6;
	[tilespmem:$0x76A0] =	vst v16  }
0xd7: {  	[spmem:s3] =	stream.indirect.scatter.add.f32 [tilespmem:s17], [sflag:$0x4], $0x80, s20, s16, $0xb8;
	[tilespmem:$0x1F880] =	vst v63  }
0xd8: {  	_ =	swait.ge @!p2 [sflag:s4], $0x1800  }
0xd9: {  	[sflag:s4] =	ssyncset.done @!p2 $0x0  }
0xda: {  	s15 =	sadd.s32 $0x60, s14;
	s7 =	sadd.s32 $0x4F30, s14;
	[sflag:s4] =	ssyncadd.s32 @!p2 $0xFFFFE800  }
0xdb: {  	[tilespmem:s21], [sflag:$0x3] =	stream.indirect.gather [hbm4b:s0+s16], $0x80, s15, s16, $0xb8;
	[tilespmem:$0x1F880] =	vst v63  }
0xdc: {  	v16 =	vmov s7;
	_ =	swait.ge [sflag:s22], $0x1800  }
0xdd: {  	[sflag:s22] =	ssyncset.done $0x0  }
0xde: {  	s6 =	simm.s32 $0x0;
	s4 =	sadd.s32 $0x30, s14;
	[sflag:s22] =	ssyncadd.s32 $0xFFFFE800  }
.LBB2_5:
0xdf: {  	s7 =	sshll.u32 s6, $0x4  }
0xe0: {  	s7 =	sand.u32 $0x3FFFFFF0, s7  }
0xe1: {  	v17 =	vld.idx.msk [tilespmem:v16+s7+$0x0 ss:$0x1], $0xffff;
	s7 =	sshll.u32 s6, $0xB  }
0xe2: {  	s7 =	sand.u32 $0x3FFFF800, s7  }
0xe3: {  	v18 =	vld [tilespmem:s7+$0x9000]  }
0xe4: {  	v19 =	vld [tilespmem:s7+$0x9010]  }
0xe5: {  	v20 =	vld [tilespmem:s7+$0x9020]  }
0xe6: {  	v22 =	vld [tilespmem:s7+$0x9030];
	v21 =	vperm.xlane v17, v0  }
0xe7: {  	v23 =	vld [tilespmem:s7+$0x9040]  }
0xe8: {  	v24 =	vld [tilespmem:s7+$0x9050];
	v18 =	vmul.f32 v18, v21  }
0xe9: {  	v25 =	vld [tilespmem:s7+$0x9060];
	v19 =	vmul.f32 v19, v21  }
0xea: {  	v38 =	vld [tilespmem:s7+$0x9070];
	[tilespmem:s7+$0x9000] =	vst v18;
	v18 =	vmul.f32 v20, v21  }
0xeb: {  	v39 =	vld [tilespmem:s7+$0x9080];
	[tilespmem:s7+$0x9010] =	vst v19;
	v19 =	vmul.f32 v22, v21  }
0xec: {  	v40 =	vld [tilespmem:s7+$0x9090];
	[tilespmem:s7+$0x9020] =	vst v18;
	v18 =	vmul.f32 v23, v21  }
0xed: {  	v41 =	vld [tilespmem:s7+$0x90A0];
	[tilespmem:s7+$0x9030] =	vst v19;
	v19 =	vmul.f32 v24, v21  }
0xee: {  	v26 =	vld [tilespmem:s7+$0x90B0];
	v42 =	vperm.xlane v17, v1;
	[tilespmem:s7+$0x9040] =	vst v18;
	v18 =	vmul.f32 v25, v21  }
0xef: {  	v43 =	vld [tilespmem:s7+$0x90C0];
	[tilespmem:s7+$0x9050] =	vst v19;
	v19 =	vmul.f32 v38, v21  }
0xf0: {  	v44 =	vld [tilespmem:s7+$0x90D0];
	[tilespmem:s7+$0x9060] =	vst v18;
	v18 =	vmul.f32 v39, v42  }
0xf1: {  	v45 =	vld [tilespmem:s7+$0x90E0];
	[tilespmem:s7+$0x9070] =	vst v19;
	v19 =	vmul.f32 v40, v42  }
0xf2: {  	v46 =	vld [tilespmem:s7+$0x90F0];
	[tilespmem:s7+$0x9080] =	vst v18;
	v18 =	vmul.f32 v41, v42  }
0xf3: {  	v47 =	vld [tilespmem:s7+$0x9100];
	[tilespmem:s7+$0x9090] =	vst v19;
	v19 =	vmul.f32 v26, v42  }
0xf4: {  	v48 =	vld [tilespmem:s7+$0x9110];
	[tilespmem:s7+$0x90A0] =	vst v18;
	v18 =	vmul.f32 v43, v42  }
0xf5: {  	v49 =	vld [tilespmem:s7+$0x9120];
	[tilespmem:s7+$0x90B0] =	vst v19;
	v19 =	vmul.f32 v44, v42  }
0xf6: {  	v51 =	vld [tilespmem:s7+$0x9130];
	v50 =	vperm.xlane v17, v2;
	[tilespmem:s7+$0x90C0] =	vst v18;
	v18 =	vmul.f32 v45, v42  }
0xf7: {  	v52 =	vld [tilespmem:s7+$0x9140];
	[tilespmem:s7+$0x90D0] =	vst v19;
	v19 =	vmul.f32 v46, v42  }
0xf8: {  	v53 =	vld [tilespmem:s7+$0x9150];
	[tilespmem:s7+$0x90E0] =	vst v18;
	v18 =	vmul.f32 v47, v50  }
0xf9: {  	v54 =	vld [tilespmem:s7+$0x9160];
	[tilespmem:s7+$0x90F0] =	vst v19;
	v19 =	vmul.f32 v48, v50  }
0xfa: {  	v55 =	vld [tilespmem:s7+$0x9170];
	[tilespmem:s7+$0x9100] =	vst v18;
	v18 =	vmul.f32 v49, v50  }
0xfb: {  	v56 =	vld [tilespmem:s7+$0x9180];
	[tilespmem:s7+$0x9110] =	vst v19;
	v19 =	vmul.f32 v51, v50  }
0xfc: {  	v57 =	vld [tilespmem:s7+$0x9190];
	[tilespmem:s7+$0x9120] =	vst v18;
	v18 =	vmul.f32 v52, v50  }
0xfd: {  	v58 =	vld [tilespmem:s7+$0x91A0];
	[tilespmem:s7+$0x9130] =	vst v19;
	v19 =	vmul.f32 v53, v50  }
0xfe: {  	v60 =	vld [tilespmem:s7+$0x91B0];
	v59 =	vperm.xlane v17, v3;
	[tilespmem:s7+$0x9140] =	vst v18;
	v18 =	vmul.f32 v54, v50  }
0xff: {  	v61 =	vld [tilespmem:s7+$0x91C0];
	[tilespmem:s7+$0x9150] =	vst v19;
	v19 =	vmul.f32 v55, v50  }
0x100: {  	v62 =	vld [tilespmem:s7+$0x91D0];
	[tilespmem:s7+$0x9160] =	vst v18;
	v18 =	vmul.f32 v56, v59  }
0x101: {  	v63 =	vld [tilespmem:s7+$0x91E0];
	[tilespmem:s7+$0x9170] =	vst v19;
	v19 =	vmul.f32 v57, v59  }
0x102: {  	v28 =	vld [tilespmem:s7+$0x91F0];
	[tilespmem:s7+$0x9180] =	vst v18;
	v18 =	vmul.f32 v58, v59  }
0x103: {  	v29 =	vld [tilespmem:s7+$0x9200];
	[tilespmem:s7+$0x9190] =	vst v19;
	v19 =	vmul.f32 v60, v59  }
0x104: {  	v30 =	vld [tilespmem:s7+$0x9210];
	[tilespmem:s7+$0x91A0] =	vst v18;
	v18 =	vmul.f32 v61, v59  }
0x105: {  	v31 =	vld [tilespmem:s7+$0x9220];
	[tilespmem:s7+$0x91B0] =	vst v19;
	v19 =	vmul.f32 v62, v59  }
0x106: {  	v33 =	vld [tilespmem:s7+$0x9230];
	v32 =	vperm.xlane v17, v4;
	[tilespmem:s7+$0x91C0] =	vst v18;
	v18 =	vmul.f32 v63, v59  }
0x107: {  	v34 =	vld [tilespmem:s7+$0x9240];
	[tilespmem:s7+$0x91D0] =	vst v19;
	v19 =	vmul.f32 v28, v59  }
0x108: {  	v35 =	vld [tilespmem:s7+$0x9250];
	[tilespmem:s7+$0x91E0] =	vst v18;
	v18 =	vmul.f32 v29, v32  }
0x109: {  	v36 =	vld [tilespmem:s7+$0x9260];
	[tilespmem:s7+$0x91F0] =	vst v19;
	v19 =	vmul.f32 v30, v32  }
0x10a: {  	v37 =	vld [tilespmem:s7+$0x9270];
	[tilespmem:s7+$0x9200] =	vst v18;
	v18 =	vmul.f32 v31, v32  }
0x10b: {  	v38 =	vld [tilespmem:s7+$0x9280];
	[tilespmem:s7+$0x9210] =	vst v19;
	v19 =	vmul.f32 v33, v32  }
0x10c: {  	v39 =	vld [tilespmem:s7+$0x9290];
	[tilespmem:s7+$0x9220] =	vst v18;
	v18 =	vmul.f32 v34, v32  }
0x10d: {  	v40 =	vld [tilespmem:s7+$0x92A0];
	[tilespmem:s7+$0x9230] =	vst v19;
	v19 =	vmul.f32 v35, v32  }
0x10e: {  	v41 =	vperm.xlane v17, v5;
	v42 =	vld [tilespmem:s7+$0x92B0];
	[tilespmem:s7+$0x9240] =	vst v18;
	v18 =	vmul.f32 v36, v32  }
0x10f: {  	v43 =	vld [tilespmem:s7+$0x92C0];
	[tilespmem:s7+$0x9250] =	vst v19;
	v19 =	vmul.f32 v37, v32  }
0x110: {  	v44 =	vld [tilespmem:s7+$0x92D0];
	[tilespmem:s7+$0x9260] =	vst v18;
	v18 =	vmul.f32 v38, v41  }
0x111: {  	v45 =	vld [tilespmem:s7+$0x92E0];
	[tilespmem:s7+$0x9270] =	vst v19;
	v19 =	vmul.f32 v39, v41  }
0x112: {  	v46 =	vld [tilespmem:s7+$0x92F0];
	[tilespmem:s7+$0x9280] =	vst v18;
	v18 =	vmul.f32 v40, v41  }
0x113: {  	v47 =	vld [tilespmem:s7+$0x9300];
	[tilespmem:s7+$0x9290] =	vst v19;
	v19 =	vmul.f32 v42, v41  }
0x114: {  	v48 =	vld [tilespmem:s7+$0x9310];
	[tilespmem:s7+$0x92A0] =	vst v18;
	v18 =	vmul.f32 v43, v41  }
0x115: {  	v49 =	vld [tilespmem:s7+$0x9320];
	[tilespmem:s7+$0x92B0] =	vst v19;
	v19 =	vmul.f32 v44, v41  }
0x116: {  	v51 =	vld [tilespmem:s7+$0x9330];
	v50 =	vperm.xlane v17, v6;
	[tilespmem:s7+$0x92C0] =	vst v18;
	v18 =	vmul.f32 v45, v41  }
0x117: {  	v52 =	vld [tilespmem:s7+$0x9340];
	[tilespmem:s7+$0x92D0] =	vst v19;
	v19 =	vmul.f32 v46, v41  }
0x118: {  	v53 =	vld [tilespmem:s7+$0x9350];
	[tilespmem:s7+$0x92E0] =	vst v18;
	v18 =	vmul.f32 v47, v50  }
0x119: {  	v54 =	vld [tilespmem:s7+$0x9360];
	[tilespmem:s7+$0x92F0] =	vst v19;
	v19 =	vmul.f32 v48, v50  }
0x11a: {  	v55 =	vld [tilespmem:s7+$0x9370];
	[tilespmem:s7+$0x9300] =	vst v18;
	v18 =	vmul.f32 v49, v50  }
0x11b: {  	v56 =	vld [tilespmem:s7+$0x9380];
	[tilespmem:s7+$0x9310] =	vst v19;
	v19 =	vmul.f32 v51, v50  }
0x11c: {  	v57 =	vld [tilespmem:s7+$0x9390];
	[tilespmem:s7+$0x9320] =	vst v18;
	v18 =	vmul.f32 v52, v50  }
0x11d: {  	v58 =	vld [tilespmem:s7+$0x93A0];
	[tilespmem:s7+$0x9330] =	vst v19;
	v19 =	vmul.f32 v53, v50  }
0x11e: {  	v60 =	vld [tilespmem:s7+$0x93B0];
	v59 =	vperm.xlane v17, v7;
	[tilespmem:s7+$0x9340] =	vst v18;
	v18 =	vmul.f32 v54, v50  }
0x11f: {  	v61 =	vld [tilespmem:s7+$0x93C0];
	[tilespmem:s7+$0x9350] =	vst v19;
	v19 =	vmul.f32 v55, v50  }
0x120: {  	v62 =	vld [tilespmem:s7+$0x93D0];
	[tilespmem:s7+$0x9360] =	vst v18;
	v18 =	vmul.f32 v56, v59  }
0x121: {  	v63 =	vld [tilespmem:s7+$0x93E0];
	[tilespmem:s7+$0x9370] =	vst v19;
	v19 =	vmul.f32 v57, v59  }
0x122: {  	v28 =	vld [tilespmem:s7+$0x93F0];
	[tilespmem:s7+$0x9380] =	vst v18;
	v18 =	vmul.f32 v58, v59  }
0x123: {  	v29 =	vld [tilespmem:s7+$0x9400];
	[tilespmem:s7+$0x9390] =	vst v19;
	v19 =	vmul.f32 v60, v59  }
0x124: {  	v30 =	vld [tilespmem:s7+$0x9410];
	[tilespmem:s7+$0x93A0] =	vst v18;
	v18 =	vmul.f32 v61, v59  }
0x125: {  	v31 =	vld [tilespmem:s7+$0x9420];
	[tilespmem:s7+$0x93B0] =	vst v19;
	v19 =	vmul.f32 v62, v59  }
0x126: {  	v33 =	vld [tilespmem:s7+$0x9430];
	v32 =	vperm.xlane v17, v8;
	[tilespmem:s7+$0x93C0] =	vst v18;
	v18 =	vmul.f32 v63, v59  }
0x127: {  	v34 =	vld [tilespmem:s7+$0x9440];
	[tilespmem:s7+$0x93D0] =	vst v19;
	v19 =	vmul.f32 v28, v59  }
0x128: {  	v35 =	vld [tilespmem:s7+$0x9450];
	[tilespmem:s7+$0x93E0] =	vst v18;
	v18 =	vmul.f32 v29, v32  }
0x129: {  	v36 =	vld [tilespmem:s7+$0x9460];
	[tilespmem:s7+$0x93F0] =	vst v19;
	v19 =	vmul.f32 v30, v32  }
0x12a: {  	v37 =	vld [tilespmem:s7+$0x9470];
	[tilespmem:s7+$0x9400] =	vst v18;
	v18 =	vmul.f32 v31, v32  }
0x12b: {  	v38 =	vld [tilespmem:s7+$0x9480];
	[tilespmem:s7+$0x9410] =	vst v19;
	v19 =	vmul.f32 v33, v32  }
0x12c: {  	v39 =	vld [tilespmem:s7+$0x9490];
	[tilespmem:s7+$0x9420] =	vst v18;
	v18 =	vmul.f32 v34, v32  }
0x12d: {  	v40 =	vld [tilespmem:s7+$0x94A0];
	[tilespmem:s7+$0x9430] =	vst v19;
	v19 =	vmul.f32 v35, v32  }
0x12e: {  	v42 =	vld [tilespmem:s7+$0x94B0];
	v41 =	vperm.xlane v17, v9;
	[tilespmem:s7+$0x9440] =	vst v18;
	v18 =	vmul.f32 v36, v32  }
0x12f: {  	v43 =	vld [tilespmem:s7+$0x94C0];
	[tilespmem:s7+$0x9450] =	vst v19;
	v19 =	vmul.f32 v37, v32  }
0x130: {  	v44 =	vld [tilespmem:s7+$0x94D0];
	[tilespmem:s7+$0x9460] =	vst v18;
	v18 =	vmul.f32 v38, v41  }
0x131: {  	v45 =	vld [tilespmem:s7+$0x94E0];
	[tilespmem:s7+$0x9470] =	vst v19;
	v19 =	vmul.f32 v39, v41  }
0x132: {  	v46 =	vld [tilespmem:s7+$0x94F0];
	[tilespmem:s7+$0x9480] =	vst v18;
	v18 =	vmul.f32 v40, v41  }
0x133: {  	v47 =	vld [tilespmem:s7+$0x9500];
	[tilespmem:s7+$0x9490] =	vst v19;
	v19 =	vmul.f32 v42, v41  }
0x134: {  	v48 =	vld [tilespmem:s7+$0x9510];
	[tilespmem:s7+$0x94A0] =	vst v18;
	v18 =	vmul.f32 v43, v41  }
0x135: {  	v49 =	vld [tilespmem:s7+$0x9520];
	[tilespmem:s7+$0x94B0] =	vst v19;
	v19 =	vmul.f32 v44, v41  }
0x136: {  	v51 =	vld [tilespmem:s7+$0x9530];
	v50 =	vperm.xlane v17, v10;
	[tilespmem:s7+$0x94C0] =	vst v18;
	v18 =	vmul.f32 v45, v41  }
0x137: {  	v52 =	vld [tilespmem:s7+$0x9540];
	[tilespmem:s7+$0x94D0] =	vst v19;
	v19 =	vmul.f32 v46, v41  }
0x138: {  	v53 =	vld [tilespmem:s7+$0x9550];
	[tilespmem:s7+$0x94E0] =	vst v18;
	v18 =	vmul.f32 v47, v50  }
0x139: {  	v54 =	vld [tilespmem:s7+$0x9560];
	[tilespmem:s7+$0x94F0] =	vst v19;
	v19 =	vmul.f32 v48, v50  }
0x13a: {  	v55 =	vld [tilespmem:s7+$0x9570];
	[tilespmem:s7+$0x9500] =	vst v18;
	v18 =	vmul.f32 v49, v50  }
0x13b: {  	v56 =	vld [tilespmem:s7+$0x9580];
	[tilespmem:s7+$0x9510] =	vst v19;
	v19 =	vmul.f32 v51, v50  }
0x13c: {  	v57 =	vld [tilespmem:s7+$0x9590];
	[tilespmem:s7+$0x9520] =	vst v18;
	v18 =	vmul.f32 v52, v50  }
0x13d: {  	v58 =	vld [tilespmem:s7+$0x95A0];
	[tilespmem:s7+$0x9530] =	vst v19;
	v19 =	vmul.f32 v53, v50  }
0x13e: {  	v60 =	vld [tilespmem:s7+$0x95B0];
	v59 =	vperm.xlane v17, v11;
	[tilespmem:s7+$0x9540] =	vst v18;
	v18 =	vmul.f32 v54, v50  }
0x13f: {  	v61 =	vld [tilespmem:s7+$0x95C0];
	[tilespmem:s7+$0x9550] =	vst v19;
	v19 =	vmul.f32 v55, v50  }
0x140: {  	v62 =	vld [tilespmem:s7+$0x95D0];
	[tilespmem:s7+$0x9560] =	vst v18;
	v18 =	vmul.f32 v56, v59  }
0x141: {  	v63 =	vld [tilespmem:s7+$0x95E0];
	[tilespmem:s7+$0x9570] =	vst v19;
	v19 =	vmul.f32 v57, v59  }
0x142: {  	v28 =	vld [tilespmem:s7+$0x95F0];
	[tilespmem:s7+$0x9580] =	vst v18;
	v18 =	vmul.f32 v58, v59  }
0x143: {  	v29 =	vld [tilespmem:s7+$0x9600];
	[tilespmem:s7+$0x9590] =	vst v19;
	v19 =	vmul.f32 v60, v59  }
0x144: {  	v30 =	vld [tilespmem:s7+$0x9610];
	[tilespmem:s7+$0x95A0] =	vst v18;
	v18 =	vmul.f32 v61, v59  }
0x145: {  	v31 =	vld [tilespmem:s7+$0x9620];
	[tilespmem:s7+$0x95B0] =	vst v19;
	v19 =	vmul.f32 v62, v59  }
0x146: {  	v33 =	vld [tilespmem:s7+$0x9630];
	v32 =	vperm.xlane v17, v12;
	[tilespmem:s7+$0x95C0] =	vst v18;
	v18 =	vmul.f32 v63, v59  }
0x147: {  	v34 =	vld [tilespmem:s7+$0x9640];
	[tilespmem:s7+$0x95D0] =	vst v19;
	v19 =	vmul.f32 v28, v59  }
0x148: {  	v35 =	vld [tilespmem:s7+$0x9650];
	[tilespmem:s7+$0x95E0] =	vst v18;
	v18 =	vmul.f32 v29, v32  }
0x149: {  	v36 =	vld [tilespmem:s7+$0x9660];
	[tilespmem:s7+$0x95F0] =	vst v19;
	v19 =	vmul.f32 v30, v32  }
0x14a: {  	v37 =	vld [tilespmem:s7+$0x9670];
	[tilespmem:s7+$0x9600] =	vst v18;
	v18 =	vmul.f32 v31, v32  }
0x14b: {  	v38 =	vld [tilespmem:s7+$0x9680];
	[tilespmem:s7+$0x9610] =	vst v19;
	v19 =	vmul.f32 v33, v32  }
0x14c: {  	v39 =	vld [tilespmem:s7+$0x9690];
	[tilespmem:s7+$0x9620] =	vst v18;
	v18 =	vmul.f32 v34, v32  }
0x14d: {  	v40 =	vld [tilespmem:s7+$0x96A0];
	[tilespmem:s7+$0x9630] =	vst v19;
	v19 =	vmul.f32 v35, v32  }
0x14e: {  	v42 =	vld [tilespmem:s7+$0x96B0];
	v41 =	vperm.xlane v17, v13;
	[tilespmem:s7+$0x9640] =	vst v18;
	v18 =	vmul.f32 v36, v32  }
0x14f: {  	v43 =	vld [tilespmem:s7+$0x96C0];
	[tilespmem:s7+$0x9650] =	vst v19;
	v19 =	vmul.f32 v37, v32  }
0x150: {  	v44 =	vld [tilespmem:s7+$0x96D0];
	[tilespmem:s7+$0x9660] =	vst v18;
	v18 =	vmul.f32 v38, v41  }
0x151: {  	v45 =	vld [tilespmem:s7+$0x96E0];
	[tilespmem:s7+$0x9670] =	vst v19;
	v19 =	vmul.f32 v39, v41  }
0x152: {  	v46 =	vld [tilespmem:s7+$0x96F0];
	[tilespmem:s7+$0x9680] =	vst v18;
	v18 =	vmul.f32 v40, v41  }
0x153: {  	v47 =	vld [tilespmem:s7+$0x9700];
	[tilespmem:s7+$0x9690] =	vst v19;
	v19 =	vmul.f32 v42, v41  }
0x154: {  	v48 =	vld [tilespmem:s7+$0x9710];
	[tilespmem:s7+$0x96A0] =	vst v18;
	v18 =	vmul.f32 v43, v41  }
0x155: {  	v49 =	vld [tilespmem:s7+$0x9720];
	[tilespmem:s7+$0x96B0] =	vst v19;
	v19 =	vmul.f32 v44, v41  }
0x156: {  	v51 =	vld [tilespmem:s7+$0x9730];
	v50 =	vperm.xlane v17, v14;
	[tilespmem:s7+$0x96C0] =	vst v18;
	v18 =	vmul.f32 v45, v41  }
0x157: {  	v52 =	vld [tilespmem:s7+$0x9740];
	[tilespmem:s7+$0x96D0] =	vst v19;
	v19 =	vmul.f32 v46, v41  }
0x158: {  	v53 =	vld [tilespmem:s7+$0x9750];
	[tilespmem:s7+$0x96E0] =	vst v18;
	v18 =	vmul.f32 v47, v50  }
0x159: {  	v54 =	vld [tilespmem:s7+$0x9760];
	[tilespmem:s7+$0x96F0] =	vst v19;
	v19 =	vmul.f32 v48, v50  }
0x15a: {  	v55 =	vld [tilespmem:s7+$0x9770];
	[tilespmem:s7+$0x9700] =	vst v18;
	v18 =	vmul.f32 v49, v50  }
0x15b: {  	v56 =	vld [tilespmem:s7+$0x9780];
	[tilespmem:s7+$0x9710] =	vst v19;
	v19 =	vmul.f32 v51, v50  }
0x15c: {  	v57 =	vld [tilespmem:s7+$0x9790];
	[tilespmem:s7+$0x9720] =	vst v18;
	v18 =	vmul.f32 v52, v50  }
0x15d: {  	v58 =	vld [tilespmem:s7+$0x97A0];
	[tilespmem:s7+$0x9730] =	vst v19;
	v19 =	vmul.f32 v53, v50  }
0x15e: {  	v17 =	vperm.xlane v17, v15;
	v59 =	vld [tilespmem:s7+$0x97B0];
	[tilespmem:s7+$0x9740] =	vst v18;
	v18 =	vmul.f32 v54, v50  }
0x15f: {  	v60 =	vld [tilespmem:s7+$0x97C0];
	[tilespmem:s7+$0x9750] =	vst v19;
	v19 =	vmul.f32 v55, v50  }
0x160: {  	v61 =	vld [tilespmem:s7+$0x97D0];
	[tilespmem:s7+$0x9760] =	vst v18;
	v18 =	vmul.f32 v56, v17  }
0x161: {  	v62 =	vld [tilespmem:s7+$0x97E0];
	[tilespmem:s7+$0x9770] =	vst v19;
	v19 =	vmul.f32 v57, v17  }
0x162: {  	v63 =	vld [tilespmem:s7+$0x97F0];
	[tilespmem:s7+$0x9780] =	vst v18;
	v18 =	vmul.f32 v58, v17  }
0x163: {  	[tilespmem:s7+$0x9790] =	vst v19;
	v19 =	vmul.f32 v59, v17  }
0x164: {  	p2 =	sne.s32 s6, $0x2;
	[tilespmem:s7+$0x97A0] =	vst v18;
	v18 =	vmul.f32 v60, v17  }
.Ltmp3:
0x165: {  	[tilespmem:s7+$0x97B0] =	vst v19;
	v19 =	vmul.f32 v61, v17;
	(pc) =	sbr.rel @p2 .LBB2_5-.Ltmp3, $4  }
0x166: {  	[tilespmem:s7+$0x97C0] =	vst v18;
	v18 =	vmul.f32 v62, v17  }
0x167: {  	[tilespmem:s7+$0x97D0] =	vst v19;
	v17 =	vmul.f32 v63, v17  }
0x168: {  	[tilespmem:s7+$0x97E0] =	vst v18  }
0x169: {  	s6 =	sadd.s32 $0x1, s6;
	[tilespmem:s7+$0x97F0] =	vst v17  }
0x16a: {  	v16 =	vld [tilespmem:s4+$0x2780];
	_ =	sdelay $0x4  }
0x16b: {  	[tilespmem:$0x7700] =	vst v16  }
0x16c: {  	v16 =	vld [tilespmem:s14+$0x27C0];
	_ =	sdelay $0x4  }
0x16d: {  	[tilespmem:$0x7710] =	vst v16  }
0x16e: {  	v16 =	vld [tilespmem:s14+$0x27D0];
	_ =	sdelay $0x3  }
0x16f: {  	p2 =	seq.s32 s2, $0x45  }
0x170: {  	s4 =	simm.s32 @!p2 $0x4;
	[tilespmem:$0x7720] =	vst v16  }
0x171: {  	[spmem:s3] =	stream.indirect.scatter.add.f32 [tilespmem:s18], [sflag:$0x5], $0x80, s23, s16, $0xb8;
	[tilespmem:$0x1F880] =	vst v63  }
0x172: {  	_ =	swait.ge @!p2 [sflag:s4], $0x1800  }
0x173: {  	s6 =	simm.s32 @!p2 $0x30;
	[sflag:s4] =	ssyncset.done @!p2 $0x0  }
0x174: {  	s7 =	simm.s32 @!p2 $0x7800;
	[sflag:s4] =	ssyncadd.s32 @!p2 $0xFFFFE800;
	s4 =	sadd.s32 @!p2 $0x90, s14  }
0x175: {  	[tilespmem:s7], [sflag:$0x1] =	stream.indirect.gather @!p2 [hbm4b:s0+s6], $0x80, s4, s6, $0xb8;
	[tilespmem:$0x1F880] =	vst v63  }
0x176: {  	s7 =	sadd.s32 $0x4F00, s15  }
0x177: {  	_ =	swait.ge [sflag:s26], $0x1800;
	v16 =	vmov s7  }
0x178: {  	[sflag:s26] =	ssyncset.done $0x0  }
0x179: {  	s4 =	simm.s32 $0x0;
	[sflag:s26] =	ssyncadd.s32 $0xFFFFE800  }
.LBB2_7:
0x17a: {  	s6 =	sshll.u32 s4, $0x4  }
0x17b: {  	s6 =	sand.u32 $0x3FFFFFF0, s6  }
0x17c: {  	s7 =	sshll.u32 s4, $0xB;
	v17 =	vld.idx.msk [tilespmem:v16+s6+$0x0 ss:$0x1], $0xffff  }
0x17d: {  	s6 =	sand.u32 $0x3FFFF800, s7  }
0x17e: {  	v18 =	vld [tilespmem:s6+$0xA800]  }
0x17f: {  	v19 =	vld [tilespmem:s6+$0xA810]  }
0x180: {  	v20 =	vld [tilespmem:s6+$0xA820]  }
0x181: {  	v22 =	vld [tilespmem:s6+$0xA830];
	v21 =	vperm.xlane v17, v0  }
0x182: {  	v23 =	vld [tilespmem:s6+$0xA840]  }
0x183: {  	v24 =	vld [tilespmem:s6+$0xA850];
	v18 =	vmul.f32 v18, v21  }
0x184: {  	v25 =	vld [tilespmem:s6+$0xA860];
	v19 =	vmul.f32 v19, v21  }
0x185: {  	v38 =	vld [tilespmem:s6+$0xA870];
	[tilespmem:s6+$0xA800] =	vst v18;
	v18 =	vmul.f32 v20, v21  }
0x186: {  	v39 =	vld [tilespmem:s6+$0xA880];
	[tilespmem:s6+$0xA810] =	vst v19;
	v19 =	vmul.f32 v22, v21  }
0x187: {  	v40 =	vld [tilespmem:s6+$0xA890];
	[tilespmem:s6+$0xA820] =	vst v18;
	v18 =	vmul.f32 v23, v21  }
0x188: {  	v41 =	vld [tilespmem:s6+$0xA8A0];
	[tilespmem:s6+$0xA830] =	vst v19;
	v19 =	vmul.f32 v24, v21  }
0x189: {  	v26 =	vld [tilespmem:s6+$0xA8B0];
	v42 =	vperm.xlane v17, v1;
	[tilespmem:s6+$0xA840] =	vst v18;
	v18 =	vmul.f32 v25, v21  }
0x18a: {  	v43 =	vld [tilespmem:s6+$0xA8C0];
	[tilespmem:s6+$0xA850] =	vst v19;
	v19 =	vmul.f32 v38, v21  }
0x18b: {  	v44 =	vld [tilespmem:s6+$0xA8D0];
	[tilespmem:s6+$0xA860] =	vst v18;
	v18 =	vmul.f32 v39, v42  }
0x18c: {  	v45 =	vld [tilespmem:s6+$0xA8E0];
	[tilespmem:s6+$0xA870] =	vst v19;
	v19 =	vmul.f32 v40, v42  }
0x18d: {  	v46 =	vld [tilespmem:s6+$0xA8F0];
	[tilespmem:s6+$0xA880] =	vst v18;
	v18 =	vmul.f32 v41, v42  }
0x18e: {  	v47 =	vld [tilespmem:s6+$0xA900];
	[tilespmem:s6+$0xA890] =	vst v19;
	v19 =	vmul.f32 v26, v42  }
0x18f: {  	v48 =	vld [tilespmem:s6+$0xA910];
	[tilespmem:s6+$0xA8A0] =	vst v18;
	v18 =	vmul.f32 v43, v42  }
0x190: {  	v49 =	vld [tilespmem:s6+$0xA920];
	[tilespmem:s6+$0xA8B0] =	vst v19;
	v19 =	vmul.f32 v44, v42  }
0x191: {  	v51 =	vld [tilespmem:s6+$0xA930];
	v50 =	vperm.xlane v17, v2;
	[tilespmem:s6+$0xA8C0] =	vst v18;
	v18 =	vmul.f32 v45, v42  }
0x192: {  	v52 =	vld [tilespmem:s6+$0xA940];
	[tilespmem:s6+$0xA8D0] =	vst v19;
	v19 =	vmul.f32 v46, v42  }
0x193: {  	v53 =	vld [tilespmem:s6+$0xA950];
	[tilespmem:s6+$0xA8E0] =	vst v18;
	v18 =	vmul.f32 v47, v50  }
0x194: {  	v54 =	vld [tilespmem:s6+$0xA960];
	[tilespmem:s6+$0xA8F0] =	vst v19;
	v19 =	vmul.f32 v48, v50  }
0x195: {  	v55 =	vld [tilespmem:s6+$0xA970];
	[tilespmem:s6+$0xA900] =	vst v18;
	v18 =	vmul.f32 v49, v50  }
0x196: {  	v56 =	vld [tilespmem:s6+$0xA980];
	[tilespmem:s6+$0xA910] =	vst v19;
	v19 =	vmul.f32 v51, v50  }
0x197: {  	v57 =	vld [tilespmem:s6+$0xA990];
	[tilespmem:s6+$0xA920] =	vst v18;
	v18 =	vmul.f32 v52, v50  }
0x198: {  	v58 =	vld [tilespmem:s6+$0xA9A0];
	[tilespmem:s6+$0xA930] =	vst v19;
	v19 =	vmul.f32 v53, v50  }
0x199: {  	v60 =	vld [tilespmem:s6+$0xA9B0];
	v59 =	vperm.xlane v17, v3;
	[tilespmem:s6+$0xA940] =	vst v18;
	v18 =	vmul.f32 v54, v50  }
0x19a: {  	v61 =	vld [tilespmem:s6+$0xA9C0];
	[tilespmem:s6+$0xA950] =	vst v19;
	v19 =	vmul.f32 v55, v50  }
0x19b: {  	v62 =	vld [tilespmem:s6+$0xA9D0];
	[tilespmem:s6+$0xA960] =	vst v18;
	v18 =	vmul.f32 v56, v59  }
0x19c: {  	v63 =	vld [tilespmem:s6+$0xA9E0];
	[tilespmem:s6+$0xA970] =	vst v19;
	v19 =	vmul.f32 v57, v59  }
0x19d: {  	v28 =	vld [tilespmem:s6+$0xA9F0];
	[tilespmem:s6+$0xA980] =	vst v18;
	v18 =	vmul.f32 v58, v59  }
0x19e: {  	v29 =	vld [tilespmem:s6+$0xAA00];
	[tilespmem:s6+$0xA990] =	vst v19;
	v19 =	vmul.f32 v60, v59  }
0x19f: {  	v30 =	vld [tilespmem:s6+$0xAA10];
	[tilespmem:s6+$0xA9A0] =	vst v18;
	v18 =	vmul.f32 v61, v59  }
0x1a0: {  	v31 =	vld [tilespmem:s6+$0xAA20];
	[tilespmem:s6+$0xA9B0] =	vst v19;
	v19 =	vmul.f32 v62, v59  }
0x1a1: {  	v33 =	vld [tilespmem:s6+$0xAA30];
	v32 =	vperm.xlane v17, v4;
	[tilespmem:s6+$0xA9C0] =	vst v18;
	v18 =	vmul.f32 v63, v59  }
0x1a2: {  	v34 =	vld [tilespmem:s6+$0xAA40];
	[tilespmem:s6+$0xA9D0] =	vst v19;
	v19 =	vmul.f32 v28, v59  }
0x1a3: {  	v35 =	vld [tilespmem:s6+$0xAA50];
	[tilespmem:s6+$0xA9E0] =	vst v18;
	v18 =	vmul.f32 v29, v32  }
0x1a4: {  	v36 =	vld [tilespmem:s6+$0xAA60];
	[tilespmem:s6+$0xA9F0] =	vst v19;
	v19 =	vmul.f32 v30, v32  }
0x1a5: {  	v37 =	vld [tilespmem:s6+$0xAA70];
	[tilespmem:s6+$0xAA00] =	vst v18;
	v18 =	vmul.f32 v31, v32  }
0x1a6: {  	v38 =	vld [tilespmem:s6+$0xAA80];
	[tilespmem:s6+$0xAA10] =	vst v19;
	v19 =	vmul.f32 v33, v32  }
0x1a7: {  	v39 =	vld [tilespmem:s6+$0xAA90];
	[tilespmem:s6+$0xAA20] =	vst v18;
	v18 =	vmul.f32 v34, v32  }
0x1a8: {  	v40 =	vld [tilespmem:s6+$0xAAA0];
	[tilespmem:s6+$0xAA30] =	vst v19;
	v19 =	vmul.f32 v35, v32  }
0x1a9: {  	v41 =	vperm.xlane v17, v5;
	v42 =	vld [tilespmem:s6+$0xAAB0];
	[tilespmem:s6+$0xAA40] =	vst v18;
	v18 =	vmul.f32 v36, v32  }
0x1aa: {  	v43 =	vld [tilespmem:s6+$0xAAC0];
	[tilespmem:s6+$0xAA50] =	vst v19;
	v19 =	vmul.f32 v37, v32  }
0x1ab: {  	v44 =	vld [tilespmem:s6+$0xAAD0];
	[tilespmem:s6+$0xAA60] =	vst v18;
	v18 =	vmul.f32 v38, v41  }
0x1ac: {  	v45 =	vld [tilespmem:s6+$0xAAE0];
	[tilespmem:s6+$0xAA70] =	vst v19;
	v19 =	vmul.f32 v39, v41  }
0x1ad: {  	v46 =	vld [tilespmem:s6+$0xAAF0];
	[tilespmem:s6+$0xAA80] =	vst v18;
	v18 =	vmul.f32 v40, v41  }
0x1ae: {  	v47 =	vld [tilespmem:s6+$0xAB00];
	[tilespmem:s6+$0xAA90] =	vst v19;
	v19 =	vmul.f32 v42, v41  }
0x1af: {  	v48 =	vld [tilespmem:s6+$0xAB10];
	[tilespmem:s6+$0xAAA0] =	vst v18;
	v18 =	vmul.f32 v43, v41  }
0x1b0: {  	v49 =	vld [tilespmem:s6+$0xAB20];
	[tilespmem:s6+$0xAAB0] =	vst v19;
	v19 =	vmul.f32 v44, v41  }
0x1b1: {  	v51 =	vld [tilespmem:s6+$0xAB30];
	v50 =	vperm.xlane v17, v6;
	[tilespmem:s6+$0xAAC0] =	vst v18;
	v18 =	vmul.f32 v45, v41  }
0x1b2: {  	v52 =	vld [tilespmem:s6+$0xAB40];
	[tilespmem:s6+$0xAAD0] =	vst v19;
	v19 =	vmul.f32 v46, v41  }
0x1b3: {  	v53 =	vld [tilespmem:s6+$0xAB50];
	[tilespmem:s6+$0xAAE0] =	vst v18;
	v18 =	vmul.f32 v47, v50  }
0x1b4: {  	v54 =	vld [tilespmem:s6+$0xAB60];
	[tilespmem:s6+$0xAAF0] =	vst v19;
	v19 =	vmul.f32 v48, v50  }
0x1b5: {  	v55 =	vld [tilespmem:s6+$0xAB70];
	[tilespmem:s6+$0xAB00] =	vst v18;
	v18 =	vmul.f32 v49, v50  }
0x1b6: {  	v56 =	vld [tilespmem:s6+$0xAB80];
	[tilespmem:s6+$0xAB10] =	vst v19;
	v19 =	vmul.f32 v51, v50  }
0x1b7: {  	v57 =	vld [tilespmem:s6+$0xAB90];
	[tilespmem:s6+$0xAB20] =	vst v18;
	v18 =	vmul.f32 v52, v50  }
0x1b8: {  	v58 =	vld [tilespmem:s6+$0xABA0];
	[tilespmem:s6+$0xAB30] =	vst v19;
	v19 =	vmul.f32 v53, v50  }
0x1b9: {  	v60 =	vld [tilespmem:s6+$0xABB0];
	v59 =	vperm.xlane v17, v7;
	[tilespmem:s6+$0xAB40] =	vst v18;
	v18 =	vmul.f32 v54, v50  }
0x1ba: {  	v61 =	vld [tilespmem:s6+$0xABC0];
	[tilespmem:s6+$0xAB50] =	vst v19;
	v19 =	vmul.f32 v55, v50  }
0x1bb: {  	v62 =	vld [tilespmem:s6+$0xABD0];
	[tilespmem:s6+$0xAB60] =	vst v18;
	v18 =	vmul.f32 v56, v59  }
0x1bc: {  	v63 =	vld [tilespmem:s6+$0xABE0];
	[tilespmem:s6+$0xAB70] =	vst v19;
	v19 =	vmul.f32 v57, v59  }
0x1bd: {  	v28 =	vld [tilespmem:s6+$0xABF0];
	[tilespmem:s6+$0xAB80] =	vst v18;
	v18 =	vmul.f32 v58, v59  }
0x1be: {  	v29 =	vld [tilespmem:s6+$0xAC00];
	[tilespmem:s6+$0xAB90] =	vst v19;
	v19 =	vmul.f32 v60, v59  }
0x1bf: {  	v30 =	vld [tilespmem:s6+$0xAC10];
	[tilespmem:s6+$0xABA0] =	vst v18;
	v18 =	vmul.f32 v61, v59  }
0x1c0: {  	v31 =	vld [tilespmem:s6+$0xAC20];
	[tilespmem:s6+$0xABB0] =	vst v19;
	v19 =	vmul.f32 v62, v59  }
0x1c1: {  	v33 =	vld [tilespmem:s6+$0xAC30];
	v32 =	vperm.xlane v17, v8;
	[tilespmem:s6+$0xABC0] =	vst v18;
	v18 =	vmul.f32 v63, v59  }
0x1c2: {  	v34 =	vld [tilespmem:s6+$0xAC40];
	[tilespmem:s6+$0xABD0] =	vst v19;
	v19 =	vmul.f32 v28, v59  }
0x1c3: {  	v35 =	vld [tilespmem:s6+$0xAC50];
	[tilespmem:s6+$0xABE0] =	vst v18;
	v18 =	vmul.f32 v29, v32  }
0x1c4: {  	v36 =	vld [tilespmem:s6+$0xAC60];
	[tilespmem:s6+$0xABF0] =	vst v19;
	v19 =	vmul.f32 v30, v32  }
0x1c5: {  	v37 =	vld [tilespmem:s6+$0xAC70];
	[tilespmem:s6+$0xAC00] =	vst v18;
	v18 =	vmul.f32 v31, v32  }
0x1c6: {  	v38 =	vld [tilespmem:s6+$0xAC80];
	[tilespmem:s6+$0xAC10] =	vst v19;
	v19 =	vmul.f32 v33, v32  }
0x1c7: {  	v39 =	vld [tilespmem:s6+$0xAC90];
	[tilespmem:s6+$0xAC20] =	vst v18;
	v18 =	vmul.f32 v34, v32  }
0x1c8: {  	v40 =	vld [tilespmem:s6+$0xACA0];
	[tilespmem:s6+$0xAC30] =	vst v19;
	v19 =	vmul.f32 v35, v32  }
0x1c9: {  	v42 =	vld [tilespmem:s6+$0xACB0];
	v41 =	vperm.xlane v17, v9;
	[tilespmem:s6+$0xAC40] =	vst v18;
	v18 =	vmul.f32 v36, v32  }
0x1ca: {  	v43 =	vld [tilespmem:s6+$0xACC0];
	[tilespmem:s6+$0xAC50] =	vst v19;
	v19 =	vmul.f32 v37, v32  }
0x1cb: {  	v44 =	vld [tilespmem:s6+$0xACD0];
	[tilespmem:s6+$0xAC60] =	vst v18;
	v18 =	vmul.f32 v38, v41  }
0x1cc: {  	v45 =	vld [tilespmem:s6+$0xACE0];
	[tilespmem:s6+$0xAC70] =	vst v19;
	v19 =	vmul.f32 v39, v41  }
0x1cd: {  	v46 =	vld [tilespmem:s6+$0xACF0];
	[tilespmem:s6+$0xAC80] =	vst v18;
	v18 =	vmul.f32 v40, v41  }
0x1ce: {  	v47 =	vld [tilespmem:s6+$0xAD00];
	[tilespmem:s6+$0xAC90] =	vst v19;
	v19 =	vmul.f32 v42, v41  }
0x1cf: {  	v48 =	vld [tilespmem:s6+$0xAD10];
	[tilespmem:s6+$0xACA0] =	vst v18;
	v18 =	vmul.f32 v43, v41  }
0x1d0: {  	v49 =	vld [tilespmem:s6+$0xAD20];
	[tilespmem:s6+$0xACB0] =	vst v19;
	v19 =	vmul.f32 v44, v41  }
0x1d1: {  	v51 =	vld [tilespmem:s6+$0xAD30];
	v50 =	vperm.xlane v17, v10;
	[tilespmem:s6+$0xACC0] =	vst v18;
	v18 =	vmul.f32 v45, v41  }
0x1d2: {  	v52 =	vld [tilespmem:s6+$0xAD40];
	[tilespmem:s6+$0xACD0] =	vst v19;
	v19 =	vmul.f32 v46, v41  }
0x1d3: {  	v53 =	vld [tilespmem:s6+$0xAD50];
	[tilespmem:s6+$0xACE0] =	vst v18;
	v18 =	vmul.f32 v47, v50  }
0x1d4: {  	v54 =	vld [tilespmem:s6+$0xAD60];
	[tilespmem:s6+$0xACF0] =	vst v19;
	v19 =	vmul.f32 v48, v50  }
0x1d5: {  	v55 =	vld [tilespmem:s6+$0xAD70];
	[tilespmem:s6+$0xAD00] =	vst v18;
	v18 =	vmul.f32 v49, v50  }
0x1d6: {  	v56 =	vld [tilespmem:s6+$0xAD80];
	[tilespmem:s6+$0xAD10] =	vst v19;
	v19 =	vmul.f32 v51, v50  }
0x1d7: {  	v57 =	vld [tilespmem:s6+$0xAD90];
	[tilespmem:s6+$0xAD20] =	vst v18;
	v18 =	vmul.f32 v52, v50  }
0x1d8: {  	v58 =	vld [tilespmem:s6+$0xADA0];
	[tilespmem:s6+$0xAD30] =	vst v19;
	v19 =	vmul.f32 v53, v50  }
0x1d9: {  	v60 =	vld [tilespmem:s6+$0xADB0];
	v59 =	vperm.xlane v17, v11;
	[tilespmem:s6+$0xAD40] =	vst v18;
	v18 =	vmul.f32 v54, v50  }
0x1da: {  	v61 =	vld [tilespmem:s6+$0xADC0];
	[tilespmem:s6+$0xAD50] =	vst v19;
	v19 =	vmul.f32 v55, v50  }
0x1db: {  	v62 =	vld [tilespmem:s6+$0xADD0];
	[tilespmem:s6+$0xAD60] =	vst v18;
	v18 =	vmul.f32 v56, v59  }
0x1dc: {  	v63 =	vld [tilespmem:s6+$0xADE0];
	[tilespmem:s6+$0xAD70] =	vst v19;
	v19 =	vmul.f32 v57, v59  }
0x1dd: {  	v28 =	vld [tilespmem:s6+$0xADF0];
	[tilespmem:s6+$0xAD80] =	vst v18;
	v18 =	vmul.f32 v58, v59  }
0x1de: {  	v29 =	vld [tilespmem:s6+$0xAE00];
	[tilespmem:s6+$0xAD90] =	vst v19;
	v19 =	vmul.f32 v60, v59  }
0x1df: {  	v30 =	vld [tilespmem:s6+$0xAE10];
	[tilespmem:s6+$0xADA0] =	vst v18;
	v18 =	vmul.f32 v61, v59  }
0x1e0: {  	v31 =	vld [tilespmem:s6+$0xAE20];
	[tilespmem:s6+$0xADB0] =	vst v19;
	v19 =	vmul.f32 v62, v59  }
0x1e1: {  	v33 =	vld [tilespmem:s6+$0xAE30];
	v32 =	vperm.xlane v17, v12;
	[tilespmem:s6+$0xADC0] =	vst v18;
	v18 =	vmul.f32 v63, v59  }
0x1e2: {  	v34 =	vld [tilespmem:s6+$0xAE40];
	[tilespmem:s6+$0xADD0] =	vst v19;
	v19 =	vmul.f32 v28, v59  }
0x1e3: {  	v35 =	vld [tilespmem:s6+$0xAE50];
	[tilespmem:s6+$0xADE0] =	vst v18;
	v18 =	vmul.f32 v29, v32  }
0x1e4: {  	v36 =	vld [tilespmem:s6+$0xAE60];
	[tilespmem:s6+$0xADF0] =	vst v19;
	v19 =	vmul.f32 v30, v32  }
0x1e5: {  	v37 =	vld [tilespmem:s6+$0xAE70];
	[tilespmem:s6+$0xAE00] =	vst v18;
	v18 =	vmul.f32 v31, v32  }
0x1e6: {  	v38 =	vld [tilespmem:s6+$0xAE80];
	[tilespmem:s6+$0xAE10] =	vst v19;
	v19 =	vmul.f32 v33, v32  }
0x1e7: {  	v39 =	vld [tilespmem:s6+$0xAE90];
	[tilespmem:s6+$0xAE20] =	vst v18;
	v18 =	vmul.f32 v34, v32  }
0x1e8: {  	v40 =	vld [tilespmem:s6+$0xAEA0];
	[tilespmem:s6+$0xAE30] =	vst v19;
	v19 =	vmul.f32 v35, v32  }
0x1e9: {  	v42 =	vld [tilespmem:s6+$0xAEB0];
	v41 =	vperm.xlane v17, v13;
	[tilespmem:s6+$0xAE40] =	vst v18;
	v18 =	vmul.f32 v36, v32  }
0x1ea: {  	v43 =	vld [tilespmem:s6+$0xAEC0];
	[tilespmem:s6+$0xAE50] =	vst v19;
	v19 =	vmul.f32 v37, v32  }
0x1eb: {  	v44 =	vld [tilespmem:s6+$0xAED0];
	[tilespmem:s6+$0xAE60] =	vst v18;
	v18 =	vmul.f32 v38, v41  }
0x1ec: {  	v45 =	vld [tilespmem:s6+$0xAEE0];
	[tilespmem:s6+$0xAE70] =	vst v19;
	v19 =	vmul.f32 v39, v41  }
0x1ed: {  	v46 =	vld [tilespmem:s6+$0xAEF0];
	[tilespmem:s6+$0xAE80] =	vst v18;
	v18 =	vmul.f32 v40, v41  }
0x1ee: {  	v47 =	vld [tilespmem:s6+$0xAF00];
	[tilespmem:s6+$0xAE90] =	vst v19;
	v19 =	vmul.f32 v42, v41  }
0x1ef: {  	v48 =	vld [tilespmem:s6+$0xAF10];
	[tilespmem:s6+$0xAEA0] =	vst v18;
	v18 =	vmul.f32 v43, v41  }
0x1f0: {  	v49 =	vld [tilespmem:s6+$0xAF20];
	[tilespmem:s6+$0xAEB0] =	vst v19;
	v19 =	vmul.f32 v44, v41  }
0x1f1: {  	v51 =	vld [tilespmem:s6+$0xAF30];
	v50 =	vperm.xlane v17, v14;
	[tilespmem:s6+$0xAEC0] =	vst v18;
	v18 =	vmul.f32 v45, v41  }
0x1f2: {  	v52 =	vld [tilespmem:s6+$0xAF40];
	[tilespmem:s6+$0xAED0] =	vst v19;
	v19 =	vmul.f32 v46, v41  }
0x1f3: {  	v53 =	vld [tilespmem:s6+$0xAF50];
	[tilespmem:s6+$0xAEE0] =	vst v18;
	v18 =	vmul.f32 v47, v50  }
0x1f4: {  	v54 =	vld [tilespmem:s6+$0xAF60];
	[tilespmem:s6+$0xAEF0] =	vst v19;
	v19 =	vmul.f32 v48, v50  }
0x1f5: {  	v55 =	vld [tilespmem:s6+$0xAF70];
	[tilespmem:s6+$0xAF00] =	vst v18;
	v18 =	vmul.f32 v49, v50  }
0x1f6: {  	v56 =	vld [tilespmem:s6+$0xAF80];
	[tilespmem:s6+$0xAF10] =	vst v19;
	v19 =	vmul.f32 v51, v50  }
0x1f7: {  	v57 =	vld [tilespmem:s6+$0xAF90];
	[tilespmem:s6+$0xAF20] =	vst v18;
	v18 =	vmul.f32 v52, v50  }
0x1f8: {  	v58 =	vld [tilespmem:s6+$0xAFA0];
	[tilespmem:s6+$0xAF30] =	vst v19;
	v19 =	vmul.f32 v53, v50  }
0x1f9: {  	v17 =	vperm.xlane v17, v15;
	v59 =	vld [tilespmem:s6+$0xAFB0];
	[tilespmem:s6+$0xAF40] =	vst v18;
	v18 =	vmul.f32 v54, v50  }
0x1fa: {  	v60 =	vld [tilespmem:s6+$0xAFC0];
	[tilespmem:s6+$0xAF50] =	vst v19;
	v19 =	vmul.f32 v55, v50  }
0x1fb: {  	v61 =	vld [tilespmem:s6+$0xAFD0];
	[tilespmem:s6+$0xAF60] =	vst v18;
	v18 =	vmul.f32 v56, v17  }
0x1fc: {  	v62 =	vld [tilespmem:s6+$0xAFE0];
	[tilespmem:s6+$0xAF70] =	vst v19;
	v19 =	vmul.f32 v57, v17  }
0x1fd: {  	v63 =	vld [tilespmem:s6+$0xAFF0];
	[tilespmem:s6+$0xAF80] =	vst v18;
	v18 =	vmul.f32 v58, v17  }
0x1fe: {  	[tilespmem:s6+$0xAF90] =	vst v19;
	v19 =	vmul.f32 v59, v17  }
0x1ff: {  	p3 =	sne.s32 s4, $0x2;
	[tilespmem:s6+$0xAFA0] =	vst v18;
	v18 =	vmul.f32 v60, v17  }
.Ltmp4:
0x200: {  	[tilespmem:s6+$0xAFB0] =	vst v19;
	v19 =	vmul.f32 v61, v17;
	(pc) =	sbr.rel @p3 .LBB2_7-.Ltmp4, $4  }
0x201: {  	[tilespmem:s6+$0xAFC0] =	vst v18;
	v18 =	vmul.f32 v62, v17  }
0x202: {  	[tilespmem:s6+$0xAFD0] =	vst v19;
	v17 =	vmul.f32 v63, v17  }
0x203: {  	[tilespmem:s6+$0xAFE0] =	vst v18  }
0x204: {  	s4 =	sadd.s32 $0x1, s4;
	[tilespmem:s6+$0xAFF0] =	vst v17  }
0x205: {  	v16 =	vld [tilespmem:s15+$0x2780];
	_ =	sdelay $0x4  }
0x206: {  	[tilespmem:$0x7780] =	vst v16  }
0x207: {  	v16 =	vld [tilespmem:s14+$0x27F0];
	_ =	sdelay $0x4  }
0x208: {  	s4 =	sand.u32 $0x7FF0, s14;
	[tilespmem:$0x7790] =	vst v16  }
0x209: {  	v16 =	vld [tilespmem:s4+$0x2800];
	_ =	sdelay $0x1  }
.Ltmp5:
0x20a: {  	_ = 	snop;
	(pc) =	sbr.rel @p2 .LBB2_10-.Ltmp5, $3  }
0x20b: {  	_ =	sdelay $0x1  }
0x20c: {  	[tilespmem:$0x77A0] =	vst v16  }
0x20d: {  	[spmem:s3] =	stream.indirect.scatter.add.f32 [tilespmem:s21], [sflag:$0x6], $0x80, s28, s16, $0xb8;
	[tilespmem:$0x1F880] =	vst v63  }
.Ltmp6:
0x20e: {  	(pc) =	sbr.rel .LBB2_2-.Ltmp6, $4  }
0x20f: {  	_ =	swait.ge [sflag:s30], $0x1800  }
0x210: {  	[sflag:s30] =	ssyncset.done $0x0  }
0x211: {  	s4 =	sadd.s32 $0xC0, s14;
	s2 =	sadd.s32 $0x1, s2;
	[sflag:s30] =	ssyncadd.s32 $0xFFFFE800  }
0x212: {  	[tilespmem:s18], [sflag:$0x2] =	stream.indirect.gather [hbm4b:s0+s16], $0x80, s4, s16, $0xb8;
	[tilespmem:$0x1F880] =	vst v63  }
.LBB2_11:
0x213: {  	_ =	sfence.sel $0x180000  }
0x214: {  	[bflag:$0x0] =	sbarrier.arrive $0xFFFF  }
0x215: {  	_ =	strace $0x90000047  }
0x216: {  	[bflag:$0x2] =	sbarrier.arrive $0xFFFF  }
0x217: {  	s0 =	rddreg [dreg:$0x4]  }
0x218: {  	s0 =	sadd.s32 @!p0 $0x100000, s0  }
0x219: {  	[sflag:s0] =	ssyncadd.tile.s32 @!p0 $0x1;
	_ =	shalt  }
.Lfunc_end2:
_tile_overlayer_lowered:
.L_overlay_start_2:
0x21a: {  	(tag) =	ssettag $0x2  }
0x21b: {  	s0 =	rddreg [dreg:$0x0];
	s2 =	stileid.u32  }
0x21c: {  	s1 =	rddreg [dreg:$0x1];
	p0 =	sne.s32 s2, $0x0  }
0x21d: {  	s3 =	rddreg [dreg:$0x2];
	[bflag:$0x3] =	sbarrier.arrive $0xFFFF;
	s2 =	simm.s32 @!p0 $0x1C07  }
0x21e: {  	[timem:s3], [sflag:s2] =	dma.local @!p0 [hbm:s0], s1  }
0x21f: {  	s0 =	simm.s32 @!p0 $0x7  }
0x220: {  	_ =	swait.ge @!p0 [sflag:s0], s1  }
0x221: {  	s1 =	ssub.s32 @!p0 $0x0, s1;
	[sflag:s0] =	ssyncset.done @!p0 $0x0  }
0x222: {  	[sflag:s0] =	ssyncadd.s32 @!p0 s1  }
0x223: {  	[bflag:$0x3] =	sbarrier.arrive $0xFFFF  }
0x224: {  	_ =	shalt  }

</sc_bundles>
